<compile_context>
chip_gen: v7x
topology: tpu7x:2x2x1
jax: 0.10.2.dev20260603
libtpu: 0.0.44.dev20260713+nightly
codegen_flags: <defaults>
</compile_context>

<pallas_src>
import functools

import numpy as np
import jax
import jax.numpy as jnp
from jax import lax
from jax.experimental import pallas as pl
from jax.experimental.pallas import tpu as pltpu
from jax.experimental.pallas import tpu_sc as plsc

_VOCAB = 1000000
_DIM = 64
_B = 4096
_L = 200
_MAX_LEN = 2048

_NC, _NS = 2, 16
_NW = _NC * _NS
_NBB = _B // 128
_UNITS = _L * _NBB
_UPW = _UNITS // _NW
_CH = 128
_GROUPS = _DIM // 16
_NBUF = 4
_NOUT = 4


def _pos_table():
    depth_h = _DIM / 2
    positions = np.arange(_MAX_LEN)[:, np.newaxis]
    depths = np.arange(depth_h)[np.newaxis, :] / depth_h
    angle_rates = 1 / 10000**depths
    angle_rads = positions * angle_rates
    pe = np.concatenate([np.sin(angle_rads), np.cos(angle_rads)], axis=-1)
    return pe[:_L].astype(np.float32)


_MESH = plsc.VectorSubcoreMesh(
    core_axis_name="c", subcore_axis_name="s", num_cores=_NC, num_subcores=_NS
)


@functools.partial(
    pl.kernel,
    out_type=jax.ShapeDtypeStruct((_L, _DIM // 8, _NBB, 8, 128), jnp.float32),
    mesh=_MESH,
    compiler_params=pltpu.CompilerParams(
        use_tc_tiling_on_sc=False, needs_layout_passes=False),
    scratch_types=[
        pltpu.VMEM((_UPW * _CH,), jnp.int32),
        pltpu.VMEM((_NBUF * _CH, _DIM), jnp.float32),
        pltpu.VMEM((_NOUT, 8, 8, 129), jnp.float32),
        pltpu.VMEM((_L, _DIM), jnp.float32),
        pltpu.SemaphoreType.DMA((_NBUF,)),
        pltpu.SemaphoreType.DMA((_NOUT,)),
    ],
)
def _emb_kernel(xt_hbm, pos_hbm, table_hbm, out_hbm,
                idx_v, rows_v, outb_v, pos_v, gsem, ssem):
    wid = lax.axis_index("s") * _NC + lax.axis_index("c")
    base_u = wid * _UPW

    pltpu.sync_copy(pos_hbm, pos_v)
    pltpu.sync_copy(xt_hbm.at[pl.ds(base_u * _CH, _UPW * _CH)], idx_v)

    def gather_start(b, c):
        pltpu.async_copy(
            table_hbm.at[idx_v.at[pl.ds(c * _CH, _CH)]],
            rows_v.at[pl.ds(b * _CH, _CH)],
            gsem.at[b],
        )

    def gather_wait(b, c):
        pltpu.make_async_copy(
            table_hbm.at[idx_v.at[pl.ds(c * _CH, _CH)]],
            rows_v.at[pl.ds(b * _CH, _CH)],
            gsem.at[b],
        ).wait()

    def scatter_start(b2, c):
        u = base_u + c
        l = lax.div(u, _NBB)
        bb = lax.rem(u, _NBB)
        pltpu.async_copy(
            outb_v.at[b2, :, :, pl.ds(0, 128)],
            out_hbm.at[l, :, bb],
            ssem.at[b2],
        )

    def scatter_wait(b2):
        pltpu.make_async_copy(
            outb_v.at[b2, :, :, pl.ds(0, 128)],
            out_hbm.at[0, :, 0],
            ssem.at[b2],
        ).wait()

    def compute(b, b2, c):
        u = base_u + c
        l = lax.div(u, _NBB)
        iv = lax.iota(jnp.int32, 16)
        pgs, fbs, svs = [], [], []
        for g in range(_GROUPS):
            f = iv + g * 16
            fbs.append(f >> 3)
            svs.append(f & 7)
            pgs.append(pos_v[l, pl.ds(g * 16, 16)])

        @plsc.parallel_loop(0, _CH, unroll=4)
        def _(r):
            src = b * _CH + r
            rv = jnp.broadcast_to(r, (16,))
            for g in range(_GROUPS):
                val = rows_v[src, pl.ds(g * 16, 16)] * 8.0 + pgs[g]
                plsc.store_scatter(outb_v.at[b2], [fbs[g], svs[g], rv], val)

    def step(b, b2, c, more):
        gather_wait(b, c)

        @pl.when(c >= _NOUT)
        def _():
            scatter_wait(b2)

        compute(b, b2, c)
        scatter_start(b2, c)
        if more:
            gather_start(b, c + _NBUF)

    for b in range(_NBUF):
        gather_start(b, b)

    @pl.loop(0, _UPW - _NBUF, step=_NBUF)
    def _(c0):
        for b in range(_NBUF):
            c = c0 + b
            step(b, c % _NOUT, c, True)

    for b in range(_NBUF):
        c = _UPW - _NBUF + b
        step(b, c % _NOUT, c, False)

    for b2 in range(_NOUT):
        scatter_wait(b2)


def kernel(x, table):
    pos = jnp.asarray(_pos_table())
    xt = (x.T.reshape(-1).astype(jnp.int32) << 1)
    t64 = jnp.pad(table, ((0, 0), (0, 128 - _DIM))).reshape(2 * _VOCAB, _DIM)
    p = _emb_kernel(xt, pos, t64)
    return p.transpose(2, 4, 0, 1, 3).reshape(_B, _L, _DIM)

# --- scband reference (transcript-rebuilt; emitter-appended) ---
"""Pipeline reference for scband-positional-embedding-3719441678883 (READ-ONLY COPY).

The authoritative reference and input builder live on the scoring server;
editing this copy changes nothing except your own understanding.
"""

import jax, jax.numpy as jnp
import numpy as np

VOCAB = 1000000
DIM = 64
B = 4096
L = 200
MAX_LEN = 2048


def positional_encoding(length, depth):
    depth_h = depth / 2
    positions = np.arange(length)[:, np.newaxis]
    depths = np.arange(depth_h)[np.newaxis, :] / depth_h
    angle_rates = 1 / 10000 ** depths
    angle_rads = positions * angle_rates
    pos_encoding = np.concatenate([np.sin(angle_rads), np.cos(angle_rads)], axis=-1)
    return jnp.asarray(pos_encoding.astype(np.float32))


def setup_inputs(seed: int = 0) -> dict:
    key = jax.random.key(seed)
    k1, k2 = jax.random.split(key)
    x = jax.random.randint(k1, (B, L), 0, VOCAB)
    table = jax.random.normal(k2, (VOCAB, DIM), dtype=jnp.float32) * 0.02
    return {"x": x, "table": table}


def reference(x, table):
    pos = positional_encoding(MAX_LEN, DIM)
    length = x.shape[1]
    out = jnp.take(table, x, axis=0)
    out = out * jnp.sqrt(jnp.asarray(DIM, dtype=jnp.float32))
    out = out + pos[jnp.newaxis, :length, :]
    return out

if __name__ == "__main__":
    import jax
    _d = setup_inputs()
    print(jax.jit(kernel)(*tuple(_d.values())))

</pallas_src>

<mosaic_0001>
#map = affine_map<(d0, d1) -> (0)>
#map1 = affine_map<(d0, d1) -> (0, 0)>
#map2 = affine_map<(d0, d1) -> (0, 0, 0, 0, 0)>
module attributes {stable_mosaic.version = 14 : i64} {
  func.func @_emb_kernel(%arg0: i32, %arg1: i32, %arg2: memref<819200xi32, #tpu.memory_space<hbm>>, %arg3: memref<200x64xf32, #tpu.memory_space<hbm>>, %arg4: memref<2000000x64xf32, #tpu.memory_space<hbm>>, %arg5: memref<200x8x32x8x128xf32, #tpu.memory_space<hbm>>, %arg6: memref<25600xi32, #tpu.memory_space<vmem>>, %arg7: memref<512x64xf32, #tpu.memory_space<vmem>>, %arg8: memref<4x8x8x129xf32, #tpu.memory_space<vmem>>, %arg9: memref<200x64xf32, #tpu.memory_space<vmem>>, %arg10: memref<4x!tpu.dma_semaphore, #tpu.memory_space<semaphore_mem>>, %arg11: memref<4x!tpu.dma_semaphore, #tpu.memory_space<semaphore_mem>>) attributes {dimension_semantics = [#tpu.dimension_semantics<core_parallel>, #tpu.dimension_semantics<subcore_parallel>], iteration_bounds = array<i64: 2, 16>, scalar_prefetch = 0 : i64, scratch_operands = 6 : i64, tpu.core_type = #tpu.core_type<sc_vector_subcore>, window_params = [{transform_indices = #map}, {transform_indices = #map1}, {transform_indices = #map1}, {transform_indices = #map2}]} {
    %mul3A = arith.constant 2 : i32
    %mul3A_0 = arith.muli %arg1, %mul3A : i32
    %add3A = arith.addi %mul3A_0, %arg0 : i32
    %mul3A_1 = arith.constant 200 : i32
    %mul3A_2 = arith.muli %add3A, %mul3A_1 : i32
    "tpu.region"() ({
      %run_scoped3A = tpu.sem_alloc : memref<!tpu.dma_semaphore, #tpu.memory_space<semaphore_mem>>
      tpu.enqueue_dma source(%arg3 : memref<200x64xf32, #tpu.memory_space<hbm>>) target(%arg9 : memref<200x64xf32, #tpu.memory_space<vmem>>) target_semaphore(%run_scoped3A : memref<!tpu.dma_semaphore, #tpu.memory_space<semaphore_mem>>)
      tpu.wait_dma2 semaphore(%run_scoped3A : memref<!tpu.dma_semaphore, #tpu.memory_space<semaphore_mem>>) src(%arg3 : memref<200x64xf32, #tpu.memory_space<hbm>>) dst(%arg9 : memref<200x64xf32, #tpu.memory_space<vmem>>)
      tpu.yield
    }) : () -> ()
    %mul3A_3 = arith.constant 128 : i32
    %mul3A_4 = arith.muli %mul3A_2, %mul3A_3 : i32
    "tpu.region"() ({
      %run_scoped3A = tpu.sem_alloc : memref<!tpu.dma_semaphore, #tpu.memory_space<semaphore_mem>>
      %dma_start3A_640 = tpu.memref_slice %arg2[%mul3A_4] : memref<819200xi32, #tpu.memory_space<hbm>> -> memref<25600xi32, #tpu.memory_space<hbm>>
      %dma_start3A_641 = tpu.memref_slice %arg2[%mul3A_4] : memref<819200xi32, #tpu.memory_space<hbm>> -> memref<25600xi32, #tpu.memory_space<hbm>>
      tpu.enqueue_dma source(%dma_start3A_641 : memref<25600xi32, #tpu.memory_space<hbm>>) target(%arg6 : memref<25600xi32, #tpu.memory_space<vmem>>) target_semaphore(%run_scoped3A : memref<!tpu.dma_semaphore, #tpu.memory_space<semaphore_mem>>)
      %dma_wait3A_642 = tpu.memref_slice %arg2[%mul3A_4] : memref<819200xi32, #tpu.memory_space<hbm>> -> memref<25600xi32, #tpu.memory_space<hbm>>
      %dma_wait3A_643 = tpu.memref_slice %arg2[%mul3A_4] : memref<819200xi32, #tpu.memory_space<hbm>> -> memref<25600xi32, #tpu.memory_space<hbm>>
      tpu.wait_dma2 semaphore(%run_scoped3A : memref<!tpu.dma_semaphore, #tpu.memory_space<semaphore_mem>>) src(%dma_wait3A_643 : memref<25600xi32, #tpu.memory_space<hbm>>) dst(%arg6 : memref<25600xi32, #tpu.memory_space<vmem>>)
      tpu.yield
    }) : () -> ()
    %dma_start3A = arith.constant 0 : i32
    %dma_start3A_5 = arith.constant 0 : i32
    %dma_start3A_6 = arith.constant 0 : i32
    %dma_start3A_7 = tpu.memref_slice %arg7[%dma_start3A_5, %dma_start3A_6] : memref<512x64xf32, #tpu.memory_space<vmem>> -> memref<128x64xf32, #tpu.memory_space<vmem>>
    %dma_start3A_8 = arith.constant 0 : i32
    %dma_start3A_9 = tpu.memref_slice %arg6[%dma_start3A_8] : memref<25600xi32, #tpu.memory_space<vmem>> -> memref<128xi32, #tpu.memory_space<vmem>>
    %dma_start3A_10 = arith.constant 0 : i32
    %dma_start3A_11 = arith.constant 0 : i32
    %dma_start3A_12 = tpu.memref_slice %arg4[%dma_start3A_10, %dma_start3A_11] : memref<2000000x64xf32, #tpu.memory_space<hbm>> -> memref<2000000x64xf32, #tpu.memory_space<hbm>>
    %dma_start3A_13 = tpu.memref_slice %arg10[%dma_start3A] : memref<4x!tpu.dma_semaphore, #tpu.memory_space<semaphore_mem>> -> memref<1x!tpu.dma_semaphore, #tpu.memory_space<semaphore_mem>>
    %dma_start3A_14 = tpu.memref_squeeze %dma_start3A_13 : memref<1x!tpu.dma_semaphore, #tpu.memory_space<semaphore_mem>> -> memref<!tpu.dma_semaphore, #tpu.memory_space<semaphore_mem>>
    tpu.enqueue_indirect_dma source(%dma_start3A_12 : memref<2000000x64xf32, #tpu.memory_space<hbm>>) target(%dma_start3A_7 : memref<128x64xf32, #tpu.memory_space<vmem>>) offsets(%dma_start3A_9 : memref<128xi32, #tpu.memory_space<vmem>>) semaphore(%dma_start3A_14 : memref<!tpu.dma_semaphore, #tpu.memory_space<semaphore_mem>>)
    %dma_start3A_15 = arith.constant 1 : i32
    %dma_start3A_16 = arith.constant 128 : i32
    %dma_start3A_17 = arith.constant 0 : i32
    %dma_start3A_18 = tpu.memref_slice %arg7[%dma_start3A_16, %dma_start3A_17] : memref<512x64xf32, #tpu.memory_space<vmem>> -> memref<128x64xf32, #tpu.memory_space<vmem>>
    %dma_start3A_19 = arith.constant 128 : i32
    %dma_start3A_20 = tpu.memref_slice %arg6[%dma_start3A_19] : memref<25600xi32, #tpu.memory_space<vmem>> -> memref<128xi32, #tpu.memory_space<vmem>>
    %dma_start3A_21 = arith.constant 0 : i32
    %dma_start3A_22 = arith.constant 0 : i32
    %dma_start3A_23 = tpu.memref_slice %arg4[%dma_start3A_21, %dma_start3A_22] : memref<2000000x64xf32, #tpu.memory_space<hbm>> -> memref<2000000x64xf32, #tpu.memory_space<hbm>>
    %dma_start3A_24 = tpu.memref_slice %arg10[%dma_start3A_15] : memref<4x!tpu.dma_semaphore, #tpu.memory_space<semaphore_mem>> -> memref<1x!tpu.dma_semaphore, #tpu.memory_space<semaphore_mem>>
    %dma_start3A_25 = tpu.memref_squeeze %dma_start3A_24 : memref<1x!tpu.dma_semaphore, #tpu.memory_space<semaphore_mem>> -> memref<!tpu.dma_semaphore, #tpu.memory_space<semaphore_mem>>
    tpu.enqueue_indirect_dma source(%dma_start3A_23 : memref<2000000x64xf32, #tpu.memory_space<hbm>>) target(%dma_start3A_18 : memref<128x64xf32, #tpu.memory_space<vmem>>) offsets(%dma_start3A_20 : memref<128xi32, #tpu.memory_space<vmem>>) semaphore(%dma_start3A_25 : memref<!tpu.dma_semaphore, #tpu.memory_space<semaphore_mem>>)
    %dma_start3A_26 = arith.constant 2 : i32
    %dma_start3A_27 = arith.constant 256 : i32
    %dma_start3A_28 = arith.constant 0 : i32
    %dma_start3A_29 = tpu.memref_slice %arg7[%dma_start3A_27, %dma_start3A_28] : memref<512x64xf32, #tpu.memory_space<vmem>> -> memref<128x64xf32, #tpu.memory_space<vmem>>
    %dma_start3A_30 = arith.constant 256 : i32
    %dma_start3A_31 = tpu.memref_slice %arg6[%dma_start3A_30] : memref<25600xi32, #tpu.memory_space<vmem>> -> memref<128xi32, #tpu.memory_space<vmem>>
    %dma_start3A_32 = arith.constant 0 : i32
    %dma_start3A_33 = arith.constant 0 : i32
    %dma_start3A_34 = tpu.memref_slice %arg4[%dma_start3A_32, %dma_start3A_33] : memref<2000000x64xf32, #tpu.memory_space<hbm>> -> memref<2000000x64xf32, #tpu.memory_space<hbm>>
    %dma_start3A_35 = tpu.memref_slice %arg10[%dma_start3A_26] : memref<4x!tpu.dma_semaphore, #tpu.memory_space<semaphore_mem>> -> memref<1x!tpu.dma_semaphore, #tpu.memory_space<semaphore_mem>>
    %dma_start3A_36 = tpu.memref_squeeze %dma_start3A_35 : memref<1x!tpu.dma_semaphore, #tpu.memory_space<semaphore_mem>> -> memref<!tpu.dma_semaphore, #tpu.memory_space<semaphore_mem>>
    tpu.enqueue_indirect_dma source(%dma_start3A_34 : memref<2000000x64xf32, #tpu.memory_space<hbm>>) target(%dma_start3A_29 : memref<128x64xf32, #tpu.memory_space<vmem>>) offsets(%dma_start3A_31 : memref<128xi32, #tpu.memory_space<vmem>>) semaphore(%dma_start3A_36 : memref<!tpu.dma_semaphore, #tpu.memory_space<semaphore_mem>>)
    %dma_start3A_37 = arith.constant 3 : i32
    %dma_start3A_38 = arith.constant 384 : i32
    %dma_start3A_39 = arith.constant 0 : i32
    %dma_start3A_40 = tpu.memref_slice %arg7[%dma_start3A_38, %dma_start3A_39] : memref<512x64xf32, #tpu.memory_space<vmem>> -> memref<128x64xf32, #tpu.memory_space<vmem>>
    %dma_start3A_41 = arith.constant 384 : i32
    %dma_start3A_42 = tpu.memref_slice %arg6[%dma_start3A_41] : memref<25600xi32, #tpu.memory_space<vmem>> -> memref<128xi32, #tpu.memory_space<vmem>>
    %dma_start3A_43 = arith.constant 0 : i32
    %dma_start3A_44 = arith.constant 0 : i32
    %dma_start3A_45 = tpu.memref_slice %arg4[%dma_start3A_43, %dma_start3A_44] : memref<2000000x64xf32, #tpu.memory_space<hbm>> -> memref<2000000x64xf32, #tpu.memory_space<hbm>>
    %dma_start3A_46 = tpu.memref_slice %arg10[%dma_start3A_37] : memref<4x!tpu.dma_semaphore, #tpu.memory_space<semaphore_mem>> -> memref<1x!tpu.dma_semaphore, #tpu.memory_space<semaphore_mem>>
    %dma_start3A_47 = tpu.memref_squeeze %dma_start3A_46 : memref<1x!tpu.dma_semaphore, #tpu.memory_space<semaphore_mem>> -> memref<!tpu.dma_semaphore, #tpu.memory_space<semaphore_mem>>
    tpu.enqueue_indirect_dma source(%dma_start3A_45 : memref<2000000x64xf32, #tpu.memory_space<hbm>>) target(%dma_start3A_40 : memref<128x64xf32, #tpu.memory_space<vmem>>) offsets(%dma_start3A_42 : memref<128xi32, #tpu.memory_space<vmem>>) semaphore(%dma_start3A_47 : memref<!tpu.dma_semaphore, #tpu.memory_space<semaphore_mem>>)
    %scan3A = arith.constant 0 : i32
    %scan3A_48 = arith.constant 49 : i32
    %scan3A_49 = arith.addi %scan3A, %scan3A_48 : i32
    %scan3A_50 = arith.constant 1 : i32
    scf.for %scan3A_640 = %scan3A to %scan3A_49 step %scan3A_50  : i32 {
      %mul3A_641 = arith.constant 4 : i32
      %mul3A_642 = arith.muli %scan3A_640, %mul3A_641 : i32
      %add3A_643 = arith.constant 0 : i32
      %add3A_644 = arith.addi %add3A_643, %mul3A_642 : i32
      %add3A_645 = arith.constant 0 : i32
      %add3A_646 = arith.addi %add3A_644, %add3A_645 : i32
      %jit3A = arith.constant 4 : i32
      %eq3A = arith.constant 0 : i32
      %eq3A_647 = arith.cmpi eq, %jit3A, %eq3A : i32
      %jit3A_648 = arith.constant 1 : i32
      %select_n3A = arith.select %eq3A_647, %jit3A_648, %jit3A : i32
      %rem3A_649 = arith.remsi %add3A_646, %select_n3A : i32
      %ne3A = arith.constant 0 : i32
      %ne3A_650 = arith.cmpi ne, %rem3A_649, %ne3A : i32
      %lt3A = arith.constant 0 : i32
      %lt3A_651 = arith.cmpi slt, %rem3A_649, %lt3A : i32
      %lt3A_652 = arith.constant 0 : i32
      %lt3A_653 = arith.cmpi slt, %select_n3A, %lt3A_652 : i32
      %ne3A_654 = arith.xori %lt3A_651, %lt3A_653 : i1
      %and3A_655 = arith.andi %ne3A_654, %ne3A_650 : i1
      %add3A_656 = arith.addi %rem3A_649, %select_n3A : i32
      %select_n3A_657 = arith.select %and3A_655, %add3A_656, %rem3A_649 : i32
      %mul3A_658 = arith.constant 128 : i32
      %mul3A_659 = arith.muli %add3A_646, %mul3A_658 : i32
      %dma_wait3A_660 = arith.constant 0 : i32
      %dma_wait3A_661 = arith.constant 0 : i32
      %dma_wait3A_662 = arith.constant 0 : i32
      %dma_wait3A_663 = tpu.memref_slice %arg7[%dma_wait3A_661, %dma_wait3A_662] : memref<512x64xf32, #tpu.memory_space<vmem>> -> memref<128x64xf32, #tpu.memory_space<vmem>>
      %dma_wait3A_664 = tpu.memref_slice %arg6[%mul3A_659] : memref<25600xi32, #tpu.memory_space<vmem>> -> memref<128xi32, #tpu.memory_space<vmem>>
      %dma_wait3A_665 = arith.constant 0 : i32
      %dma_wait3A_666 = arith.constant 0 : i32
      %dma_wait3A_667 = tpu.memref_slice %arg4[%dma_wait3A_665, %dma_wait3A_666] : memref<2000000x64xf32, #tpu.memory_space<hbm>> -> memref<2000000x64xf32, #tpu.memory_space<hbm>>
      %dma_wait3A_668 = tpu.memref_slice %arg10[%dma_wait3A_660] : memref<4x!tpu.dma_semaphore, #tpu.memory_space<semaphore_mem>> -> memref<1x!tpu.dma_semaphore, #tpu.memory_space<semaphore_mem>>
      %dma_wait3A_669 = tpu.memref_squeeze %dma_wait3A_668 : memref<1x!tpu.dma_semaphore, #tpu.memory_space<semaphore_mem>> -> memref<!tpu.dma_semaphore, #tpu.memory_space<semaphore_mem>>
      tpu.wait_indirect_dma semaphore(%dma_wait3A_669 : memref<!tpu.dma_semaphore, #tpu.memory_space<semaphore_mem>>) src(%dma_wait3A_667 : memref<2000000x64xf32, #tpu.memory_space<hbm>>) dst(%dma_wait3A_663 : memref<128x64xf32, #tpu.memory_space<vmem>>)
      %ge3A = arith.constant 4 : i32
      %ge3A_670 = arith.cmpi sge, %add3A_646, %ge3A : i32
      %convert_element_type3A = arith.extui %ge3A_670 : i1 to i32
      %cond3A = arith.constant 0 : i32
      %cond3A_671 = arith.cmpi ne, %convert_element_type3A, %cond3A : i32
      scf.if %cond3A_671 {
        %dma_wait3A_1161 = arith.constant 0 : i32
        %dma_wait3A_1162 = arith.constant 0 : i32
        %dma_wait3A_1163 = arith.constant 0 : i32
        %dma_wait3A_1164 = arith.constant 0 : i32
        %dma_wait3A_1165 = arith.constant 0 : i32
        %dma_wait3A_1166 = tpu.memref_slice %arg8[%select_n3A_657, %dma_wait3A_1163, %dma_wait3A_1164, %dma_wait3A_1165] : memref<4x8x8x129xf32, #tpu.memory_space<vmem>> -> memref<1x8x8x128xf32, #tpu.memory_space<vmem>>
        %dma_wait3A_1167 = tpu.memref_squeeze %dma_wait3A_1166 : memref<1x8x8x128xf32, #tpu.memory_space<vmem>> -> memref<8x8x128xf32, #tpu.memory_space<vmem>>
        %dma_wait3A_1168 = arith.constant 0 : i32
        %dma_wait3A_1169 = arith.constant 0 : i32
        %dma_wait3A_1170 = arith.constant 0 : i32
        %dma_wait3A_1171 = tpu.memref_slice %arg5[%dma_wait3A_1161, %dma_wait3A_1168, %dma_wait3A_1162, %dma_wait3A_1169, %dma_wait3A_1170] : memref<200x8x32x8x128xf32, #tpu.memory_space<hbm>> -> memref<1x8x1x8x128xf32, #tpu.memory_space<hbm>>
        %dma_wait3A_1172 = tpu.memref_squeeze %dma_wait3A_1171 : memref<1x8x1x8x128xf32, #tpu.memory_space<hbm>> -> memref<8x8x128xf32, #tpu.memory_space<hbm>>
        %dma_wait3A_1173 = tpu.memref_slice %arg11[%select_n3A_657] : memref<4x!tpu.dma_semaphore, #tpu.memory_space<semaphore_mem>> -> memref<1x!tpu.dma_semaphore, #tpu.memory_space<semaphore_mem>>
        %dma_wait3A_1174 = tpu.memref_squeeze %dma_wait3A_1173 : memref<1x!tpu.dma_semaphore, #tpu.memory_space<semaphore_mem>> -> memref<!tpu.dma_semaphore, #tpu.memory_space<semaphore_mem>>
        %dma_wait3A_1175 = arith.constant 0 : i32
        %dma_wait3A_1176 = arith.constant 0 : i32
        %dma_wait3A_1177 = arith.constant 0 : i32
        %dma_wait3A_1178 = tpu.memref_slice %arg5[%dma_wait3A_1161, %dma_wait3A_1175, %dma_wait3A_1162, %dma_wait3A_1176, %dma_wait3A_1177] : memref<200x8x32x8x128xf32, #tpu.memory_space<hbm>> -> memref<1x8x1x8x128xf32, #tpu.memory_space<hbm>>
        %dma_wait3A_1179 = tpu.memref_squeeze %dma_wait3A_1178 : memref<1x8x1x8x128xf32, #tpu.memory_space<hbm>> -> memref<8x8x128xf32, #tpu.memory_space<hbm>>
        %dma_wait3A_1180 = arith.constant 0 : i32
        %dma_wait3A_1181 = arith.constant 0 : i32
        %dma_wait3A_1182 = arith.constant 0 : i32
        %dma_wait3A_1183 = tpu.memref_slice %arg8[%select_n3A_657, %dma_wait3A_1180, %dma_wait3A_1181, %dma_wait3A_1182] : memref<4x8x8x129xf32, #tpu.memory_space<vmem>> -> memref<1x8x8x128xf32, #tpu.memory_space<vmem>>
        %dma_wait3A_1184 = tpu.memref_squeeze %dma_wait3A_1183 : memref<1x8x8x128xf32, #tpu.memory_space<vmem>> -> memref<8x8x128xf32, #tpu.memory_space<vmem>>
        tpu.wait_dma2 semaphore(%dma_wait3A_1174 : memref<!tpu.dma_semaphore, #tpu.memory_space<semaphore_mem>>) src(%dma_wait3A_1184 : memref<8x8x128xf32, #tpu.memory_space<vmem>>) dst(%dma_wait3A_1179 : memref<8x8x128xf32, #tpu.memory_space<hbm>>)
      } else {
      }
      %add3A_672 = arith.addi %mul3A_2, %add3A_646 : i32
      %div3A_673 = arith.constant 32 : i32
      %div3A_674 = arith.divsi %add3A_672, %div3A_673 : i32
      %iota3A_675 = tpu.iota {dimensions = array<i32: 0>} : vector<16xi32>
      %add3A_676 = arith.constant 0 : i32
      %add3A_677 = vector.broadcast %add3A_676 : i32 to vector<16xi32>
      %add3A_678 = arith.addi %iota3A_675, %add3A_677 : vector<16xi32>
      %shift_right_arithmetic3A_679 = arith.constant 3 : i32
      %shift_right_arithmetic3A_680 = vector.broadcast %shift_right_arithmetic3A_679 : i32 to vector<16xi32>
      %shift_right_arithmetic3A_681 = arith.shrsi %add3A_678, %shift_right_arithmetic3A_680 : vector<16xi32>
      %and3A_682 = arith.constant 7 : i32
      %and3A_683 = vector.broadcast %and3A_682 : i32 to vector<16xi32>
      %and3A_684 = arith.andi %add3A_678, %and3A_683 : vector<16xi32>
      %get3A_685 = arith.index_cast %div3A_674 : i32 to index
      %get3A_686 = arith.constant 0 : index
      %get3A_687 = tpu.vector_load %arg9[%get3A_685, %get3A_686] {strides = array<i32>} : memref<200x64xf32, #tpu.memory_space<vmem>>, vector<16xf32>,
      %add3A_688 = arith.constant 16 : i32
      %add3A_689 = vector.broadcast %add3A_688 : i32 to vector<16xi32>
      %add3A_690 = arith.addi %iota3A_675, %add3A_689 : vector<16xi32>
      %shift_right_arithmetic3A_691 = arith.constant 3 : i32
      %shift_right_arithmetic3A_692 = vector.broadcast %shift_right_arithmetic3A_691 : i32 to vector<16xi32>
      %shift_right_arithmetic3A_693 = arith.shrsi %add3A_690, %shift_right_arithmetic3A_692 : vector<16xi32>
      %and3A_694 = arith.constant 7 : i32
      %and3A_695 = vector.broadcast %and3A_694 : i32 to vector<16xi32>
      %and3A_696 = arith.andi %add3A_690, %and3A_695 : vector<16xi32>
      %get3A_697 = arith.index_cast %div3A_674 : i32 to index
      %get3A_698 = arith.constant 16 : index
      %get3A_699 = tpu.vector_load %arg9[%get3A_697, %get3A_698] {strides = array<i32>} : memref<200x64xf32, #tpu.memory_space<vmem>>, vector<16xf32>,
      %add3A_700 = arith.constant 32 : i32
      %add3A_701 = vector.broadcast %add3A_700 : i32 to vector<16xi32>
      %add3A_702 = arith.addi %iota3A_675, %add3A_701 : vector<16xi32>
      %shift_right_arithmetic3A_703 = arith.constant 3 : i32
      %shift_right_arithmetic3A_704 = vector.broadcast %shift_right_arithmetic3A_703 : i32 to vector<16xi32>
      %shift_right_arithmetic3A_705 = arith.shrsi %add3A_702, %shift_right_arithmetic3A_704 : vector<16xi32>
      %and3A_706 = arith.constant 7 : i32
      %and3A_707 = vector.broadcast %and3A_706 : i32 to vector<16xi32>
      %and3A_708 = arith.andi %add3A_702, %and3A_707 : vector<16xi32>
      %get3A_709 = arith.index_cast %div3A_674 : i32 to index
      %get3A_710 = arith.constant 32 : index
      %get3A_711 = tpu.vector_load %arg9[%get3A_709, %get3A_710] {strides = array<i32>} : memref<200x64xf32, #tpu.memory_space<vmem>>, vector<16xf32>,
      %add3A_712 = arith.constant 48 : i32
      %add3A_713 = vector.broadcast %add3A_712 : i32 to vector<16xi32>
      %add3A_714 = arith.addi %iota3A_675, %add3A_713 : vector<16xi32>
      %shift_right_arithmetic3A_715 = arith.constant 3 : i32
      %shift_right_arithmetic3A_716 = vector.broadcast %shift_right_arithmetic3A_715 : i32 to vector<16xi32>
      %shift_right_arithmetic3A_717 = arith.shrsi %add3A_714, %shift_right_arithmetic3A_716 : vector<16xi32>
      %and3A_718 = arith.constant 7 : i32
      %and3A_719 = vector.broadcast %and3A_718 : i32 to vector<16xi32>
      %and3A_720 = arith.andi %add3A_714, %and3A_719 : vector<16xi32>
      %get3A_721 = arith.index_cast %div3A_674 : i32 to index
      %get3A_722 = arith.constant 48 : index
      %get3A_723 = tpu.vector_load %arg9[%get3A_721, %get3A_722] {strides = array<i32>} : memref<200x64xf32, #tpu.memory_space<vmem>>, vector<16xf32>,
      %parallel_loop3A_724 = arith.constant 0 : i32
      %parallel_loop3A_725 = arith.constant 128 : i32
      %parallel_loop3A_726 = arith.constant 1 : i32
      scf.for %parallel_loop3A_1161 = %parallel_loop3A_724 to %parallel_loop3A_725 step %parallel_loop3A_726  : i32 {
        %parallel_loop3A_1162 = arith.constant 0 : i32
        %parallel_loop3A_1163 = arith.addi %parallel_loop3A_1162, %parallel_loop3A_1161 : i32
        %parallel_loop3A_1164 = vector.broadcast %parallel_loop3A_1161 : i32 to vector<16xi32>
        %parallel_loop3A_1165 = arith.index_cast %parallel_loop3A_1163 : i32 to index
        %parallel_loop3A_1166 = arith.constant 0 : index
        %parallel_loop3A_1167 = tpu.vector_load %arg7[%parallel_loop3A_1165, %parallel_loop3A_1166] {strides = array<i32>} : memref<512x64xf32, #tpu.memory_space<vmem>>, vector<16xf32>,
        %parallel_loop3A_1168 = arith.constant 8.000000e+00 : f32
        %parallel_loop3A_1169 = vector.broadcast %parallel_loop3A_1168 : f32 to vector<16xf32>
        %parallel_loop3A_1170 = arith.mulf %parallel_loop3A_1167, %parallel_loop3A_1169 : vector<16xf32>
        %parallel_loop3A_1171 = arith.addf %parallel_loop3A_1170, %get3A_687 : vector<16xf32>
        %parallel_loop3A_1172 = arith.constant 0 : i32
        %parallel_loop3A_1173 = arith.constant 0 : i32
        %parallel_loop3A_1174 = arith.constant 0 : i32
        %parallel_loop3A_1175 = tpu.memref_slice %arg8[%select_n3A_657, %parallel_loop3A_1172, %parallel_loop3A_1173, %parallel_loop3A_1174] : memref<4x8x8x129xf32, #tpu.memory_space<vmem>> -> memref<1x8x8x129xf32, #tpu.memory_space<vmem>>
        %parallel_loop3A_1176 = tpu.memref_squeeze %parallel_loop3A_1175 : memref<1x8x8x129xf32, #tpu.memory_space<vmem>> -> memref<8x8x129xf32, #tpu.memory_space<vmem>>
        tpu.vector_store_idx %parallel_loop3A_1176[%shift_right_arithmetic3A_681, %and3A_684, %parallel_loop3A_1164], %parallel_loop3A_1171 : memref<8x8x129xf32, #tpu.memory_space<vmem>>[vector<16xi32>, vector<16xi32>, vector<16xi32>], vector<16xf32>,
        %parallel_loop3A_1177 = arith.index_cast %parallel_loop3A_1163 : i32 to index
        %parallel_loop3A_1178 = arith.constant 16 : index
        %parallel_loop3A_1179 = tpu.vector_load %arg7[%parallel_loop3A_1177, %parallel_loop3A_1178] {strides = array<i32>} : memref<512x64xf32, #tpu.memory_space<vmem>>, vector<16xf32>,
        %parallel_loop3A_1180 = arith.constant 8.000000e+00 : f32
        %parallel_loop3A_1181 = vector.broadcast %parallel_loop3A_1180 : f32 to vector<16xf32>
        %parallel_loop3A_1182 = arith.mulf %parallel_loop3A_1179, %parallel_loop3A_1181 : vector<16xf32>
        %parallel_loop3A_1183 = arith.addf %parallel_loop3A_1182, %get3A_699 : vector<16xf32>
        %parallel_loop3A_1184 = arith.constant 0 : i32
        %parallel_loop3A_1185 = arith.constant 0 : i32
        %parallel_loop3A_1186 = arith.constant 0 : i32
        %parallel_loop3A_1187 = tpu.memref_slice %arg8[%select_n3A_657, %parallel_loop3A_1184, %parallel_loop3A_1185, %parallel_loop3A_1186] : memref<4x8x8x129xf32, #tpu.memory_space<vmem>> -> memref<1x8x8x129xf32, #tpu.memory_space<vmem>>
        %parallel_loop3A_1188 = tpu.memref_squeeze %parallel_loop3A_1187 : memref<1x8x8x129xf32, #tpu.memory_space<vmem>> -> memref<8x8x129xf32, #tpu.memory_space<vmem>>
        tpu.vector_store_idx %parallel_loop3A_1188[%shift_right_arithmetic3A_693, %and3A_696, %parallel_loop3A_1164], %parallel_loop3A_1183 : memref<8x8x129xf32, #tpu.memory_space<vmem>>[vector<16xi32>, vector<16xi32>, vector<16xi32>], vector<16xf32>,
        %parallel_loop3A_1189 = arith.index_cast %parallel_loop3A_1163 : i32 to index
        %parallel_loop3A_1190 = arith.constant 32 : index
        %parallel_loop3A_1191 = tpu.vector_load %arg7[%parallel_loop3A_1189, %parallel_loop3A_1190] {strides = array<i32>} : memref<512x64xf32, #tpu.memory_space<vmem>>, vector<16xf32>,
        %parallel_loop3A_1192 = arith.constant 8.000000e+00 : f32
        %parallel_loop3A_1193 = vector.broadcast %parallel_loop3A_1192 : f32 to vector<16xf32>
        %parallel_loop3A_1194 = arith.mulf %parallel_loop3A_1191, %parallel_loop3A_1193 : vector<16xf32>
        %parallel_loop3A_1195 = arith.addf %parallel_loop3A_1194, %get3A_711 : vector<16xf32>
        %parallel_loop3A_1196 = arith.constant 0 : i32
        %parallel_loop3A_1197 = arith.constant 0 : i32
        %parallel_loop3A_1198 = arith.constant 0 : i32
        %parallel_loop3A_1199 = tpu.memref_slice %arg8[%select_n3A_657, %parallel_loop3A_1196, %parallel_loop3A_1197, %parallel_loop3A_1198] : memref<4x8x8x129xf32, #tpu.memory_space<vmem>> -> memref<1x8x8x129xf32, #tpu.memory_space<vmem>>
        %parallel_loop3A_1200 = tpu.memref_squeeze %parallel_loop3A_1199 : memref<1x8x8x129xf32, #tpu.memory_space<vmem>> -> memref<8x8x129xf32, #tpu.memory_space<vmem>>
        tpu.vector_store_idx %parallel_loop3A_1200[%shift_right_arithmetic3A_705, %and3A_708, %parallel_loop3A_1164], %parallel_loop3A_1195 : memref<8x8x129xf32, #tpu.memory_space<vmem>>[vector<16xi32>, vector<16xi32>, vector<16xi32>], vector<16xf32>,
        %parallel_loop3A_1201 = arith.index_cast %parallel_loop3A_1163 : i32 to index
        %parallel_loop3A_1202 = arith.constant 48 : index
        %parallel_loop3A_1203 = tpu.vector_load %arg7[%parallel_loop3A_1201, %parallel_loop3A_1202] {strides = array<i32>} : memref<512x64xf32, #tpu.memory_space<vmem>>, vector<16xf32>,
        %parallel_loop3A_1204 = arith.constant 8.000000e+00 : f32
        %parallel_loop3A_1205 = vector.broadcast %parallel_loop3A_1204 : f32 to vector<16xf32>
        %parallel_loop3A_1206 = arith.mulf %parallel_loop3A_1203, %parallel_loop3A_1205 : vector<16xf32>
        %parallel_loop3A_1207 = arith.addf %parallel_loop3A_1206, %get3A_723 : vector<16xf32>
        %parallel_loop3A_1208 = arith.constant 0 : i32
        %parallel_loop3A_1209 = arith.constant 0 : i32
        %parallel_loop3A_1210 = arith.constant 0 : i32
        %parallel_loop3A_1211 = tpu.memref_slice %arg8[%select_n3A_657, %parallel_loop3A_1208, %parallel_loop3A_1209, %parallel_loop3A_1210] : memref<4x8x8x129xf32, #tpu.memory_space<vmem>> -> memref<1x8x8x129xf32, #tpu.memory_space<vmem>>
        %parallel_loop3A_1212 = tpu.memref_squeeze %parallel_loop3A_1211 : memref<1x8x8x129xf32, #tpu.memory_space<vmem>> -> memref<8x8x129xf32, #tpu.memory_space<vmem>>
        tpu.vector_store_idx %parallel_loop3A_1212[%shift_right_arithmetic3A_717, %and3A_720, %parallel_loop3A_1164], %parallel_loop3A_1207 : memref<8x8x129xf32, #tpu.memory_space<vmem>>[vector<16xi32>, vector<16xi32>, vector<16xi32>], vector<16xf32>,
      } {sc.loop_unroll_factor = 4 : i64, sc.parallel_access}
      %add3A_727 = arith.addi %mul3A_2, %add3A_646 : i32
      %div3A_728 = arith.constant 32 : i32
      %div3A_729 = arith.divsi %add3A_727, %div3A_728 : i32
      %rem3A_730 = arith.constant 32 : i32
      %rem3A_731 = arith.remsi %add3A_727, %rem3A_730 : i32
      %dma_start3A_732 = arith.constant 0 : i32
      %dma_start3A_733 = arith.constant 0 : i32
      %dma_start3A_734 = arith.constant 0 : i32
      %dma_start3A_735 = tpu.memref_slice %arg8[%select_n3A_657, %dma_start3A_732, %dma_start3A_733, %dma_start3A_734] : memref<4x8x8x129xf32, #tpu.memory_space<vmem>> -> memref<1x8x8x128xf32, #tpu.memory_space<vmem>>
      %dma_start3A_736 = tpu.memref_squeeze %dma_start3A_735 : memref<1x8x8x128xf32, #tpu.memory_space<vmem>> -> memref<8x8x128xf32, #tpu.memory_space<vmem>>
      %dma_start3A_737 = arith.constant 0 : i32
      %dma_start3A_738 = arith.constant 0 : i32
      %dma_start3A_739 = arith.constant 0 : i32
      %dma_start3A_740 = tpu.memref_slice %arg5[%div3A_729, %dma_start3A_737, %rem3A_731, %dma_start3A_738, %dma_start3A_739] : memref<200x8x32x8x128xf32, #tpu.memory_space<hbm>> -> memref<1x8x1x8x128xf32, #tpu.memory_space<hbm>>
      %dma_start3A_741 = tpu.memref_squeeze %dma_start3A_740 : memref<1x8x1x8x128xf32, #tpu.memory_space<hbm>> -> memref<8x8x128xf32, #tpu.memory_space<hbm>>
      %dma_start3A_742 = tpu.memref_slice %arg11[%select_n3A_657] : memref<4x!tpu.dma_semaphore, #tpu.memory_space<semaphore_mem>> -> memref<1x!tpu.dma_semaphore, #tpu.memory_space<semaphore_mem>>
      %dma_start3A_743 = tpu.memref_squeeze %dma_start3A_742 : memref<1x!tpu.dma_semaphore, #tpu.memory_space<semaphore_mem>> -> memref<!tpu.dma_semaphore, #tpu.memory_space<semaphore_mem>>
      %dma_start3A_744 = arith.constant 0 : i32
      %dma_start3A_745 = arith.constant 0 : i32
      %dma_start3A_746 = arith.constant 0 : i32
      %dma_start3A_747 = tpu.memref_slice %arg5[%div3A_729, %dma_start3A_744, %rem3A_731, %dma_start3A_745, %dma_start3A_746] : memref<200x8x32x8x128xf32, #tpu.memory_space<hbm>> -> memref<1x8x1x8x128xf32, #tpu.memory_space<hbm>>
      %dma_start3A_748 = tpu.memref_squeeze %dma_start3A_747 : memref<1x8x1x8x128xf32, #tpu.memory_space<hbm>> -> memref<8x8x128xf32, #tpu.memory_space<hbm>>
      %dma_start3A_749 = arith.constant 0 : i32
      %dma_start3A_750 = arith.constant 0 : i32
      %dma_start3A_751 = arith.constant 0 : i32
      %dma_start3A_752 = tpu.memref_slice %arg8[%select_n3A_657, %dma_start3A_749, %dma_start3A_750, %dma_start3A_751] : memref<4x8x8x129xf32, #tpu.memory_space<vmem>> -> memref<1x8x8x128xf32, #tpu.memory_space<vmem>>
      %dma_start3A_753 = tpu.memref_squeeze %dma_start3A_752 : memref<1x8x8x128xf32, #tpu.memory_space<vmem>> -> memref<8x8x128xf32, #tpu.memory_space<vmem>>
      tpu.enqueue_dma source(%dma_start3A_753 : memref<8x8x128xf32, #tpu.memory_space<vmem>>) target(%dma_start3A_748 : memref<8x8x128xf32, #tpu.memory_space<hbm>>) target_semaphore(%dma_start3A_743 : memref<!tpu.dma_semaphore, #tpu.memory_space<semaphore_mem>>)
      %add3A_754 = arith.constant 4 : i32
      %add3A_755 = arith.addi %add3A_646, %add3A_754 : i32
      %mul3A_756 = arith.constant 128 : i32
      %mul3A_757 = arith.muli %add3A_755, %mul3A_756 : i32
      %dma_start3A_758 = arith.constant 0 : i32
      %dma_start3A_759 = arith.constant 0 : i32
      %dma_start3A_760 = arith.constant 0 : i32
      %dma_start3A_761 = tpu.memref_slice %arg7[%dma_start3A_759, %dma_start3A_760] : memref<512x64xf32, #tpu.memory_space<vmem>> -> memref<128x64xf32, #tpu.memory_space<vmem>>
      %dma_start3A_762 = tpu.memref_slice %arg6[%mul3A_757] : memref<25600xi32, #tpu.memory_space<vmem>> -> memref<128xi32, #tpu.memory_space<vmem>>
      %dma_start3A_763 = arith.constant 0 : i32
      %dma_start3A_764 = arith.constant 0 : i32
      %dma_start3A_765 = tpu.memref_slice %arg4[%dma_start3A_763, %dma_start3A_764] : memref<2000000x64xf32, #tpu.memory_space<hbm>> -> memref<2000000x64xf32, #tpu.memory_space<hbm>>
      %dma_start3A_766 = tpu.memref_slice %arg10[%dma_start3A_758] : memref<4x!tpu.dma_semaphore, #tpu.memory_space<semaphore_mem>> -> memref<1x!tpu.dma_semaphore, #tpu.memory_space<semaphore_mem>>
      %dma_start3A_767 = tpu.memref_squeeze %dma_start3A_766 : memref<1x!tpu.dma_semaphore, #tpu.memory_space<semaphore_mem>> -> memref<!tpu.dma_semaphore, #tpu.memory_space<semaphore_mem>>
      tpu.enqueue_indirect_dma source(%dma_start3A_765 : memref<2000000x64xf32, #tpu.memory_space<hbm>>) target(%dma_start3A_761 : memref<128x64xf32, #tpu.memory_space<vmem>>) offsets(%dma_start3A_762 : memref<128xi32, #tpu.memory_space<vmem>>) semaphore(%dma_start3A_767 : memref<!tpu.dma_semaphore, #tpu.memory_space<semaphore_mem>>)
      %add3A_768 = arith.constant 1 : i32
      %add3A_769 = arith.addi %add3A_644, %add3A_768 : i32
      %jit3A_770 = arith.constant 4 : i32
      %eq3A_771 = arith.constant 0 : i32
      %eq3A_772 = arith.cmpi eq, %jit3A_770, %eq3A_771 : i32
      %jit3A_773 = arith.constant 1 : i32
      %select_n3A_774 = arith.select %eq3A_772, %jit3A_773, %jit3A_770 : i32
      %rem3A_775 = arith.remsi %add3A_769, %select_n3A_774 : i32
      %ne3A_776 = arith.constant 0 : i32
      %ne3A_777 = arith.cmpi ne, %rem3A_775, %ne3A_776 : i32
      %lt3A_778 = arith.constant 0 : i32
      %lt3A_779 = arith.cmpi slt, %rem3A_775, %lt3A_778 : i32
      %lt3A_780 = arith.constant 0 : i32
      %lt3A_781 = arith.cmpi slt, %select_n3A_774, %lt3A_780 : i32
      %ne3A_782 = arith.xori %lt3A_779, %lt3A_781 : i1
      %and3A_783 = arith.andi %ne3A_782, %ne3A_777 : i1
      %add3A_784 = arith.addi %rem3A_775, %select_n3A_774 : i32
      %select_n3A_785 = arith.select %and3A_783, %add3A_784, %rem3A_775 : i32
      %mul3A_786 = arith.constant 128 : i32
      %mul3A_787 = arith.muli %add3A_769, %mul3A_786 : i32
      %dma_wait3A_788 = arith.constant 1 : i32
      %dma_wait3A_789 = arith.constant 128 : i32
      %dma_wait3A_790 = arith.constant 0 : i32
      %dma_wait3A_791 = tpu.memref_slice %arg7[%dma_wait3A_789, %dma_wait3A_790] : memref<512x64xf32, #tpu.memory_space<vmem>> -> memref<128x64xf32, #tpu.memory_space<vmem>>
      %dma_wait3A_792 = tpu.memref_slice %arg6[%mul3A_787] : memref<25600xi32, #tpu.memory_space<vmem>> -> memref<128xi32, #tpu.memory_space<vmem>>
      %dma_wait3A_793 = arith.constant 0 : i32
      %dma_wait3A_794 = arith.constant 0 : i32
      %dma_wait3A_795 = tpu.memref_slice %arg4[%dma_wait3A_793, %dma_wait3A_794] : memref<2000000x64xf32, #tpu.memory_space<hbm>> -> memref<2000000x64xf32, #tpu.memory_space<hbm>>
      %dma_wait3A_796 = tpu.memref_slice %arg10[%dma_wait3A_788] : memref<4x!tpu.dma_semaphore, #tpu.memory_space<semaphore_mem>> -> memref<1x!tpu.dma_semaphore, #tpu.memory_space<semaphore_mem>>
      %dma_wait3A_797 = tpu.memref_squeeze %dma_wait3A_796 : memref<1x!tpu.dma_semaphore, #tpu.memory_space<semaphore_mem>> -> memref<!tpu.dma_semaphore, #tpu.memory_space<semaphore_mem>>
      tpu.wait_indirect_dma semaphore(%dma_wait3A_797 : memref<!tpu.dma_semaphore, #tpu.memory_space<semaphore_mem>>) src(%dma_wait3A_795 : memref<2000000x64xf32, #tpu.memory_space<hbm>>) dst(%dma_wait3A_791 : memref<128x64xf32, #tpu.memory_space<vmem>>)
      %ge3A_798 = arith.constant 4 : i32
      %ge3A_799 = arith.cmpi sge, %add3A_769, %ge3A_798 : i32
      %convert_element_type3A_800 = arith.extui %ge3A_799 : i1 to i32
      %cond3A_801 = arith.constant 0 : i32
      %cond3A_802 = arith.cmpi ne, %convert_element_type3A_800, %cond3A_801 : i32
      scf.if %cond3A_802 {
        %dma_wait3A_1161 = arith.constant 0 : i32
        %dma_wait3A_1162 = arith.constant 0 : i32
        %dma_wait3A_1163 = arith.constant 0 : i32
        %dma_wait3A_1164 = arith.constant 0 : i32
        %dma_wait3A_1165 = arith.constant 0 : i32
        %dma_wait3A_1166 = tpu.memref_slice %arg8[%select_n3A_785, %dma_wait3A_1163, %dma_wait3A_1164, %dma_wait3A_1165] : memref<4x8x8x129xf32, #tpu.memory_space<vmem>> -> memref<1x8x8x128xf32, #tpu.memory_space<vmem>>
        %dma_wait3A_1167 = tpu.memref_squeeze %dma_wait3A_1166 : memref<1x8x8x128xf32, #tpu.memory_space<vmem>> -> memref<8x8x128xf32, #tpu.memory_space<vmem>>
        %dma_wait3A_1168 = arith.constant 0 : i32
        %dma_wait3A_1169 = arith.constant 0 : i32
        %dma_wait3A_1170 = arith.constant 0 : i32
        %dma_wait3A_1171 = tpu.memref_slice %arg5[%dma_wait3A_1161, %dma_wait3A_1168, %dma_wait3A_1162, %dma_wait3A_1169, %dma_wait3A_1170] : memref<200x8x32x8x128xf32, #tpu.memory_space<hbm>> -> memref<1x8x1x8x128xf32, #tpu.memory_space<hbm>>
        %dma_wait3A_1172 = tpu.memref_squeeze %dma_wait3A_1171 : memref<1x8x1x8x128xf32, #tpu.memory_space<hbm>> -> memref<8x8x128xf32, #tpu.memory_space<hbm>>
        %dma_wait3A_1173 = tpu.memref_slice %arg11[%select_n3A_785] : memref<4x!tpu.dma_semaphore, #tpu.memory_space<semaphore_mem>> -> memref<1x!tpu.dma_semaphore, #tpu.memory_space<semaphore_mem>>
        %dma_wait3A_1174 = tpu.memref_squeeze %dma_wait3A_1173 : memref<1x!tpu.dma_semaphore, #tpu.memory_space<semaphore_mem>> -> memref<!tpu.dma_semaphore, #tpu.memory_space<semaphore_mem>>
        %dma_wait3A_1175 = arith.constant 0 : i32
        %dma_wait3A_1176 = arith.constant 0 : i32
        %dma_wait3A_1177 = arith.constant 0 : i32
        %dma_wait3A_1178 = tpu.memref_slice %arg5[%dma_wait3A_1161, %dma_wait3A_1175, %dma_wait3A_1162, %dma_wait3A_1176, %dma_wait3A_1177] : memref<200x8x32x8x128xf32, #tpu.memory_space<hbm>> -> memref<1x8x1x8x128xf32, #tpu.memory_space<hbm>>
        %dma_wait3A_1179 = tpu.memref_squeeze %dma_wait3A_1178 : memref<1x8x1x8x128xf32, #tpu.memory_space<hbm>> -> memref<8x8x128xf32, #tpu.memory_space<hbm>>
        %dma_wait3A_1180 = arith.constant 0 : i32
        %dma_wait3A_1181 = arith.constant 0 : i32
        %dma_wait3A_1182 = arith.constant 0 : i32
        %dma_wait3A_1183 = tpu.memref_slice %arg8[%select_n3A_785, %dma_wait3A_1180, %dma_wait3A_1181, %dma_wait3A_1182] : memref<4x8x8x129xf32, #tpu.memory_space<vmem>> -> memref<1x8x8x128xf32, #tpu.memory_space<vmem>>
        %dma_wait3A_1184 = tpu.memref_squeeze %dma_wait3A_1183 : memref<1x8x8x128xf32, #tpu.memory_space<vmem>> -> memref<8x8x128xf32, #tpu.memory_space<vmem>>
        tpu.wait_dma2 semaphore(%dma_wait3A_1174 : memref<!tpu.dma_semaphore, #tpu.memory_space<semaphore_mem>>) src(%dma_wait3A_1184 : memref<8x8x128xf32, #tpu.memory_space<vmem>>) dst(%dma_wait3A_1179 : memref<8x8x128xf32, #tpu.memory_space<hbm>>)
      } else {
      }
      %add3A_803 = arith.addi %mul3A_2, %add3A_769 : i32
      %div3A_804 = arith.constant 32 : i32
      %div3A_805 = arith.divsi %add3A_803, %div3A_804 : i32
      %iota3A_806 = tpu.iota {dimensions = array<i32: 0>} : vector<16xi32>
      %add3A_807 = arith.constant 0 : i32
      %add3A_808 = vector.broadcast %add3A_807 : i32 to vector<16xi32>
      %add3A_809 = arith.addi %iota3A_806, %add3A_808 : vector<16xi32>
      %shift_right_arithmetic3A_810 = arith.constant 3 : i32
      %shift_right_arithmetic3A_811 = vector.broadcast %shift_right_arithmetic3A_810 : i32 to vector<16xi32>
      %shift_right_arithmetic3A_812 = arith.shrsi %add3A_809, %shift_right_arithmetic3A_811 : vector<16xi32>
      %and3A_813 = arith.constant 7 : i32
      %and3A_814 = vector.broadcast %and3A_813 : i32 to vector<16xi32>
      %and3A_815 = arith.andi %add3A_809, %and3A_814 : vector<16xi32>
      %get3A_816 = arith.index_cast %div3A_805 : i32 to index
      %get3A_817 = arith.constant 0 : index
      %get3A_818 = tpu.vector_load %arg9[%get3A_816, %get3A_817] {strides = array<i32>} : memref<200x64xf32, #tpu.memory_space<vmem>>, vector<16xf32>,
      %add3A_819 = arith.constant 16 : i32
      %add3A_820 = vector.broadcast %add3A_819 : i32 to vector<16xi32>
      %add3A_821 = arith.addi %iota3A_806, %add3A_820 : vector<16xi32>
      %shift_right_arithmetic3A_822 = arith.constant 3 : i32
      %shift_right_arithmetic3A_823 = vector.broadcast %shift_right_arithmetic3A_822 : i32 to vector<16xi32>
      %shift_right_arithmetic3A_824 = arith.shrsi %add3A_821, %shift_right_arithmetic3A_823 : vector<16xi32>
      %and3A_825 = arith.constant 7 : i32
      %and3A_826 = vector.broadcast %and3A_825 : i32 to vector<16xi32>
      %and3A_827 = arith.andi %add3A_821, %and3A_826 : vector<16xi32>
      %get3A_828 = arith.index_cast %div3A_805 : i32 to index
      %get3A_829 = arith.constant 16 : index
      %get3A_830 = tpu.vector_load %arg9[%get3A_828, %get3A_829] {strides = array<i32>} : memref<200x64xf32, #tpu.memory_space<vmem>>, vector<16xf32>,
      %add3A_831 = arith.constant 32 : i32
      %add3A_832 = vector.broadcast %add3A_831 : i32 to vector<16xi32>
      %add3A_833 = arith.addi %iota3A_806, %add3A_832 : vector<16xi32>
      %shift_right_arithmetic3A_834 = arith.constant 3 : i32
      %shift_right_arithmetic3A_835 = vector.broadcast %shift_right_arithmetic3A_834 : i32 to vector<16xi32>
      %shift_right_arithmetic3A_836 = arith.shrsi %add3A_833, %shift_right_arithmetic3A_835 : vector<16xi32>
      %and3A_837 = arith.constant 7 : i32
      %and3A_838 = vector.broadcast %and3A_837 : i32 to vector<16xi32>
      %and3A_839 = arith.andi %add3A_833, %and3A_838 : vector<16xi32>
      %get3A_840 = arith.index_cast %div3A_805 : i32 to index
      %get3A_841 = arith.constant 32 : index
      %get3A_842 = tpu.vector_load %arg9[%get3A_840, %get3A_841] {strides = array<i32>} : memref<200x64xf32, #tpu.memory_space<vmem>>, vector<16xf32>,
      %add3A_843 = arith.constant 48 : i32
      %add3A_844 = vector.broadcast %add3A_843 : i32 to vector<16xi32>
      %add3A_845 = arith.addi %iota3A_806, %add3A_844 : vector<16xi32>
      %shift_right_arithmetic3A_846 = arith.constant 3 : i32
      %shift_right_arithmetic3A_847 = vector.broadcast %shift_right_arithmetic3A_846 : i32 to vector<16xi32>
      %shift_right_arithmetic3A_848 = arith.shrsi %add3A_845, %shift_right_arithmetic3A_847 : vector<16xi32>
      %and3A_849 = arith.constant 7 : i32
      %and3A_850 = vector.broadcast %and3A_849 : i32 to vector<16xi32>
      %and3A_851 = arith.andi %add3A_845, %and3A_850 : vector<16xi32>
      %get3A_852 = arith.index_cast %div3A_805 : i32 to index
      %get3A_853 = arith.constant 48 : index
      %get3A_854 = tpu.vector_load %arg9[%get3A_852, %get3A_853] {strides = array<i32>} : memref<200x64xf32, #tpu.memory_space<vmem>>, vector<16xf32>,
      %parallel_loop3A_855 = arith.constant 0 : i32
      %parallel_loop3A_856 = arith.constant 128 : i32
      %parallel_loop3A_857 = arith.constant 1 : i32
      scf.for %parallel_loop3A_1161 = %parallel_loop3A_855 to %parallel_loop3A_856 step %parallel_loop3A_857  : i32 {
        %parallel_loop3A_1162 = arith.constant 128 : i32
        %parallel_loop3A_1163 = arith.addi %parallel_loop3A_1162, %parallel_loop3A_1161 : i32
        %parallel_loop3A_1164 = vector.broadcast %parallel_loop3A_1161 : i32 to vector<16xi32>
        %parallel_loop3A_1165 = arith.index_cast %parallel_loop3A_1163 : i32 to index
        %parallel_loop3A_1166 = arith.constant 0 : index
        %parallel_loop3A_1167 = tpu.vector_load %arg7[%parallel_loop3A_1165, %parallel_loop3A_1166] {strides = array<i32>} : memref<512x64xf32, #tpu.memory_space<vmem>>, vector<16xf32>,
        %parallel_loop3A_1168 = arith.constant 8.000000e+00 : f32
        %parallel_loop3A_1169 = vector.broadcast %parallel_loop3A_1168 : f32 to vector<16xf32>
        %parallel_loop3A_1170 = arith.mulf %parallel_loop3A_1167, %parallel_loop3A_1169 : vector<16xf32>
        %parallel_loop3A_1171 = arith.addf %parallel_loop3A_1170, %get3A_818 : vector<16xf32>
        %parallel_loop3A_1172 = arith.constant 0 : i32
        %parallel_loop3A_1173 = arith.constant 0 : i32
        %parallel_loop3A_1174 = arith.constant 0 : i32
        %parallel_loop3A_1175 = tpu.memref_slice %arg8[%select_n3A_785, %parallel_loop3A_1172, %parallel_loop3A_1173, %parallel_loop3A_1174] : memref<4x8x8x129xf32, #tpu.memory_space<vmem>> -> memref<1x8x8x129xf32, #tpu.memory_space<vmem>>
        %parallel_loop3A_1176 = tpu.memref_squeeze %parallel_loop3A_1175 : memref<1x8x8x129xf32, #tpu.memory_space<vmem>> -> memref<8x8x129xf32, #tpu.memory_space<vmem>>
        tpu.vector_store_idx %parallel_loop3A_1176[%shift_right_arithmetic3A_812, %and3A_815, %parallel_loop3A_1164], %parallel_loop3A_1171 : memref<8x8x129xf32, #tpu.memory_space<vmem>>[vector<16xi32>, vector<16xi32>, vector<16xi32>], vector<16xf32>,
        %parallel_loop3A_1177 = arith.index_cast %parallel_loop3A_1163 : i32 to index
        %parallel_loop3A_1178 = arith.constant 16 : index
        %parallel_loop3A_1179 = tpu.vector_load %arg7[%parallel_loop3A_1177, %parallel_loop3A_1178] {strides = array<i32>} : memref<512x64xf32, #tpu.memory_space<vmem>>, vector<16xf32>,
        %parallel_loop3A_1180 = arith.constant 8.000000e+00 : f32
        %parallel_loop3A_1181 = vector.broadcast %parallel_loop3A_1180 : f32 to vector<16xf32>
        %parallel_loop3A_1182 = arith.mulf %parallel_loop3A_1179, %parallel_loop3A_1181 : vector<16xf32>
        %parallel_loop3A_1183 = arith.addf %parallel_loop3A_1182, %get3A_830 : vector<16xf32>
        %parallel_loop3A_1184 = arith.constant 0 : i32
        %parallel_loop3A_1185 = arith.constant 0 : i32
        %parallel_loop3A_1186 = arith.constant 0 : i32
        %parallel_loop3A_1187 = tpu.memref_slice %arg8[%select_n3A_785, %parallel_loop3A_1184, %parallel_loop3A_1185, %parallel_loop3A_1186] : memref<4x8x8x129xf32, #tpu.memory_space<vmem>> -> memref<1x8x8x129xf32, #tpu.memory_space<vmem>>
        %parallel_loop3A_1188 = tpu.memref_squeeze %parallel_loop3A_1187 : memref<1x8x8x129xf32, #tpu.memory_space<vmem>> -> memref<8x8x129xf32, #tpu.memory_space<vmem>>
        tpu.vector_store_idx %parallel_loop3A_1188[%shift_right_arithmetic3A_824, %and3A_827, %parallel_loop3A_1164], %parallel_loop3A_1183 : memref<8x8x129xf32, #tpu.memory_space<vmem>>[vector<16xi32>, vector<16xi32>, vector<16xi32>], vector<16xf32>,
        %parallel_loop3A_1189 = arith.index_cast %parallel_loop3A_1163 : i32 to index
        %parallel_loop3A_1190 = arith.constant 32 : index
        %parallel_loop3A_1191 = tpu.vector_load %arg7[%parallel_loop3A_1189, %parallel_loop3A_1190] {strides = array<i32>} : memref<512x64xf32, #tpu.memory_space<vmem>>, vector<16xf32>,
        %parallel_loop3A_1192 = arith.constant 8.000000e+00 : f32
        %parallel_loop3A_1193 = vector.broadcast %parallel_loop3A_1192 : f32 to vector<16xf32>
        %parallel_loop3A_1194 = arith.mulf %parallel_loop3A_1191, %parallel_loop3A_1193 : vector<16xf32>
        %parallel_loop3A_1195 = arith.addf %parallel_loop3A_1194, %get3A_842 : vector<16xf32>
        %parallel_loop3A_1196 = arith.constant 0 : i32
        %parallel_loop3A_1197 = arith.constant 0 : i32
        %parallel_loop3A_1198 = arith.constant 0 : i32
        %parallel_loop3A_1199 = tpu.memref_slice %arg8[%select_n3A_785, %parallel_loop3A_1196, %parallel_loop3A_1197, %parallel_loop3A_1198] : memref<4x8x8x129xf32, #tpu.memory_space<vmem>> -> memref<1x8x8x129xf32, #tpu.memory_space<vmem>>
        %parallel_loop3A_1200 = tpu.memref_squeeze %parallel_loop3A_1199 : memref<1x8x8x129xf32, #tpu.memory_space<vmem>> -> memref<8x8x129xf32, #tpu.memory_space<vmem>>
        tpu.vector_store_idx %parallel_loop3A_1200[%shift_right_arithmetic3A_836, %and3A_839, %parallel_loop3A_1164], %parallel_loop3A_1195 : memref<8x8x129xf32, #tpu.memory_space<vmem>>[vector<16xi32>, vector<16xi32>, vector<16xi32>], vector<16xf32>,
        %parallel_loop3A_1201 = arith.index_cast %parallel_loop3A_1163 : i32 to index
        %parallel_loop3A_1202 = arith.constant 48 : index
        %parallel_loop3A_1203 = tpu.vector_load %arg7[%parallel_loop3A_1201, %parallel_loop3A_1202] {strides = array<i32>} : memref<512x64xf32, #tpu.memory_space<vmem>>, vector<16xf32>,
        %parallel_loop3A_1204 = arith.constant 8.000000e+00 : f32
        %parallel_loop3A_1205 = vector.broadcast %parallel_loop3A_1204 : f32 to vector<16xf32>
        %parallel_loop3A_1206 = arith.mulf %parallel_loop3A_1203, %parallel_loop3A_1205 : vector<16xf32>
        %parallel_loop3A_1207 = arith.addf %parallel_loop3A_1206, %get3A_854 : vector<16xf32>
        %parallel_loop3A_1208 = arith.constant 0 : i32
        %parallel_loop3A_1209 = arith.constant 0 : i32
        %parallel_loop3A_1210 = arith.constant 0 : i32
        %parallel_loop3A_1211 = tpu.memref_slice %arg8[%select_n3A_785, %parallel_loop3A_1208, %parallel_loop3A_1209, %parallel_loop3A_1210] : memref<4x8x8x129xf32, #tpu.memory_space<vmem>> -> memref<1x8x8x129xf32, #tpu.memory_space<vmem>>
        %parallel_loop3A_1212 = tpu.memref_squeeze %parallel_loop3A_1211 : memref<1x8x8x129xf32, #tpu.memory_space<vmem>> -> memref<8x8x129xf32, #tpu.memory_space<vmem>>
        tpu.vector_store_idx %parallel_loop3A_1212[%shift_right_arithmetic3A_848, %and3A_851, %parallel_loop3A_1164], %parallel_loop3A_1207 : memref<8x8x129xf32, #tpu.memory_space<vmem>>[vector<16xi32>, vector<16xi32>, vector<16xi32>], vector<16xf32>,
      } {sc.loop_unroll_factor = 4 : i64, sc.parallel_access}
      %add3A_858 = arith.addi %mul3A_2, %add3A_769 : i32
      %div3A_859 = arith.constant 32 : i32
      %div3A_860 = arith.divsi %add3A_858, %div3A_859 : i32
      %rem3A_861 = arith.constant 32 : i32
      %rem3A_862 = arith.remsi %add3A_858, %rem3A_861 : i32
      %dma_start3A_863 = arith.constant 0 : i32
      %dma_start3A_864 = arith.constant 0 : i32
      %dma_start3A_865 = arith.constant 0 : i32
      %dma_start3A_866 = tpu.memref_slice %arg8[%select_n3A_785, %dma_start3A_863, %dma_start3A_864, %dma_start3A_865] : memref<4x8x8x129xf32, #tpu.memory_space<vmem>> -> memref<1x8x8x128xf32, #tpu.memory_space<vmem>>
      %dma_start3A_867 = tpu.memref_squeeze %dma_start3A_866 : memref<1x8x8x128xf32, #tpu.memory_space<vmem>> -> memref<8x8x128xf32, #tpu.memory_space<vmem>>
      %dma_start3A_868 = arith.constant 0 : i32
      %dma_start3A_869 = arith.constant 0 : i32
      %dma_start3A_870 = arith.constant 0 : i32
      %dma_start3A_871 = tpu.memref_slice %arg5[%div3A_860, %dma_start3A_868, %rem3A_862, %dma_start3A_869, %dma_start3A_870] : memref<200x8x32x8x128xf32, #tpu.memory_space<hbm>> -> memref<1x8x1x8x128xf32, #tpu.memory_space<hbm>>
      %dma_start3A_872 = tpu.memref_squeeze %dma_start3A_871 : memref<1x8x1x8x128xf32, #tpu.memory_space<hbm>> -> memref<8x8x128xf32, #tpu.memory_space<hbm>>
      %dma_start3A_873 = tpu.memref_slice %arg11[%select_n3A_785] : memref<4x!tpu.dma_semaphore, #tpu.memory_space<semaphore_mem>> -> memref<1x!tpu.dma_semaphore, #tpu.memory_space<semaphore_mem>>
      %dma_start3A_874 = tpu.memref_squeeze %dma_start3A_873 : memref<1x!tpu.dma_semaphore, #tpu.memory_space<semaphore_mem>> -> memref<!tpu.dma_semaphore, #tpu.memory_space<semaphore_mem>>
      %dma_start3A_875 = arith.constant 0 : i32
      %dma_start3A_876 = arith.constant 0 : i32
      %dma_start3A_877 = arith.constant 0 : i32
      %dma_start3A_878 = tpu.memref_slice %arg5[%div3A_860, %dma_start3A_875, %rem3A_862, %dma_start3A_876, %dma_start3A_877] : memref<200x8x32x8x128xf32, #tpu.memory_space<hbm>> -> memref<1x8x1x8x128xf32, #tpu.memory_space<hbm>>
      %dma_start3A_879 = tpu.memref_squeeze %dma_start3A_878 : memref<1x8x1x8x128xf32, #tpu.memory_space<hbm>> -> memref<8x8x128xf32, #tpu.memory_space<hbm>>
      %dma_start3A_880 = arith.constant 0 : i32
      %dma_start3A_881 = arith.constant 0 : i32
      %dma_start3A_882 = arith.constant 0 : i32
      %dma_start3A_883 = tpu.memref_slice %arg8[%select_n3A_785, %dma_start3A_880, %dma_start3A_881, %dma_start3A_882] : memref<4x8x8x129xf32, #tpu.memory_space<vmem>> -> memref<1x8x8x128xf32, #tpu.memory_space<vmem>>
      %dma_start3A_884 = tpu.memref_squeeze %dma_start3A_883 : memref<1x8x8x128xf32, #tpu.memory_space<vmem>> -> memref<8x8x128xf32, #tpu.memory_space<vmem>>
      tpu.enqueue_dma source(%dma_start3A_884 : memref<8x8x128xf32, #tpu.memory_space<vmem>>) target(%dma_start3A_879 : memref<8x8x128xf32, #tpu.memory_space<hbm>>) target_semaphore(%dma_start3A_874 : memref<!tpu.dma_semaphore, #tpu.memory_space<semaphore_mem>>)
      %add3A_885 = arith.constant 4 : i32
      %add3A_886 = arith.addi %add3A_769, %add3A_885 : i32
      %mul3A_887 = arith.constant 128 : i32
      %mul3A_888 = arith.muli %add3A_886, %mul3A_887 : i32
      %dma_start3A_889 = arith.constant 1 : i32
      %dma_start3A_890 = arith.constant 128 : i32
      %dma_start3A_891 = arith.constant 0 : i32
      %dma_start3A_892 = tpu.memref_slice %arg7[%dma_start3A_890, %dma_start3A_891] : memref<512x64xf32, #tpu.memory_space<vmem>> -> memref<128x64xf32, #tpu.memory_space<vmem>>
      %dma_start3A_893 = tpu.memref_slice %arg6[%mul3A_888] : memref<25600xi32, #tpu.memory_space<vmem>> -> memref<128xi32, #tpu.memory_space<vmem>>
      %dma_start3A_894 = arith.constant 0 : i32
      %dma_start3A_895 = arith.constant 0 : i32
      %dma_start3A_896 = tpu.memref_slice %arg4[%dma_start3A_894, %dma_start3A_895] : memref<2000000x64xf32, #tpu.memory_space<hbm>> -> memref<2000000x64xf32, #tpu.memory_space<hbm>>
      %dma_start3A_897 = tpu.memref_slice %arg10[%dma_start3A_889] : memref<4x!tpu.dma_semaphore, #tpu.memory_space<semaphore_mem>> -> memref<1x!tpu.dma_semaphore, #tpu.memory_space<semaphore_mem>>
      %dma_start3A_898 = tpu.memref_squeeze %dma_start3A_897 : memref<1x!tpu.dma_semaphore, #tpu.memory_space<semaphore_mem>> -> memref<!tpu.dma_semaphore, #tpu.memory_space<semaphore_mem>>
      tpu.enqueue_indirect_dma source(%dma_start3A_896 : memref<2000000x64xf32, #tpu.memory_space<hbm>>) target(%dma_start3A_892 : memref<128x64xf32, #tpu.memory_space<vmem>>) offsets(%dma_start3A_893 : memref<128xi32, #tpu.memory_space<vmem>>) semaphore(%dma_start3A_898 : memref<!tpu.dma_semaphore, #tpu.memory_space<semaphore_mem>>)
      %add3A_899 = arith.constant 2 : i32
      %add3A_900 = arith.addi %add3A_644, %add3A_899 : i32
      %jit3A_901 = arith.constant 4 : i32
      %eq3A_902 = arith.constant 0 : i32
      %eq3A_903 = arith.cmpi eq, %jit3A_901, %eq3A_902 : i32
      %jit3A_904 = arith.constant 1 : i32
      %select_n3A_905 = arith.select %eq3A_903, %jit3A_904, %jit3A_901 : i32
      %rem3A_906 = arith.remsi %add3A_900, %select_n3A_905 : i32
      %ne3A_907 = arith.constant 0 : i32
      %ne3A_908 = arith.cmpi ne, %rem3A_906, %ne3A_907 : i32
      %lt3A_909 = arith.constant 0 : i32
      %lt3A_910 = arith.cmpi slt, %rem3A_906, %lt3A_909 : i32
      %lt3A_911 = arith.constant 0 : i32
      %lt3A_912 = arith.cmpi slt, %select_n3A_905, %lt3A_911 : i32
      %ne3A_913 = arith.xori %lt3A_910, %lt3A_912 : i1
      %and3A_914 = arith.andi %ne3A_913, %ne3A_908 : i1
      %add3A_915 = arith.addi %rem3A_906, %select_n3A_905 : i32
      %select_n3A_916 = arith.select %and3A_914, %add3A_915, %rem3A_906 : i32
      %mul3A_917 = arith.constant 128 : i32
      %mul3A_918 = arith.muli %add3A_900, %mul3A_917 : i32
      %dma_wait3A_919 = arith.constant 2 : i32
      %dma_wait3A_920 = arith.constant 256 : i32
      %dma_wait3A_921 = arith.constant 0 : i32
      %dma_wait3A_922 = tpu.memref_slice %arg7[%dma_wait3A_920, %dma_wait3A_921] : memref<512x64xf32, #tpu.memory_space<vmem>> -> memref<128x64xf32, #tpu.memory_space<vmem>>
      %dma_wait3A_923 = tpu.memref_slice %arg6[%mul3A_918] : memref<25600xi32, #tpu.memory_space<vmem>> -> memref<128xi32, #tpu.memory_space<vmem>>
      %dma_wait3A_924 = arith.constant 0 : i32
      %dma_wait3A_925 = arith.constant 0 : i32
      %dma_wait3A_926 = tpu.memref_slice %arg4[%dma_wait3A_924, %dma_wait3A_925] : memref<2000000x64xf32, #tpu.memory_space<hbm>> -> memref<2000000x64xf32, #tpu.memory_space<hbm>>
      %dma_wait3A_927 = tpu.memref_slice %arg10[%dma_wait3A_919] : memref<4x!tpu.dma_semaphore, #tpu.memory_space<semaphore_mem>> -> memref<1x!tpu.dma_semaphore, #tpu.memory_space<semaphore_mem>>
      %dma_wait3A_928 = tpu.memref_squeeze %dma_wait3A_927 : memref<1x!tpu.dma_semaphore, #tpu.memory_space<semaphore_mem>> -> memref<!tpu.dma_semaphore, #tpu.memory_space<semaphore_mem>>
      tpu.wait_indirect_dma semaphore(%dma_wait3A_928 : memref<!tpu.dma_semaphore, #tpu.memory_space<semaphore_mem>>) src(%dma_wait3A_926 : memref<2000000x64xf32, #tpu.memory_space<hbm>>) dst(%dma_wait3A_922 : memref<128x64xf32, #tpu.memory_space<vmem>>)
      %ge3A_929 = arith.constant 4 : i32
      %ge3A_930 = arith.cmpi sge, %add3A_900, %ge3A_929 : i32
      %convert_element_type3A_931 = arith.extui %ge3A_930 : i1 to i32
      %cond3A_932 = arith.constant 0 : i32
      %cond3A_933 = arith.cmpi ne, %convert_element_type3A_931, %cond3A_932 : i32
      scf.if %cond3A_933 {
        %dma_wait3A_1161 = arith.constant 0 : i32
        %dma_wait3A_1162 = arith.constant 0 : i32
        %dma_wait3A_1163 = arith.constant 0 : i32
        %dma_wait3A_1164 = arith.constant 0 : i32
        %dma_wait3A_1165 = arith.constant 0 : i32
        %dma_wait3A_1166 = tpu.memref_slice %arg8[%select_n3A_916, %dma_wait3A_1163, %dma_wait3A_1164, %dma_wait3A_1165] : memref<4x8x8x129xf32, #tpu.memory_space<vmem>> -> memref<1x8x8x128xf32, #tpu.memory_space<vmem>>
        %dma_wait3A_1167 = tpu.memref_squeeze %dma_wait3A_1166 : memref<1x8x8x128xf32, #tpu.memory_space<vmem>> -> memref<8x8x128xf32, #tpu.memory_space<vmem>>
        %dma_wait3A_1168 = arith.constant 0 : i32
        %dma_wait3A_1169 = arith.constant 0 : i32
        %dma_wait3A_1170 = arith.constant 0 : i32
        %dma_wait3A_1171 = tpu.memref_slice %arg5[%dma_wait3A_1161, %dma_wait3A_1168, %dma_wait3A_1162, %dma_wait3A_1169, %dma_wait3A_1170] : memref<200x8x32x8x128xf32, #tpu.memory_space<hbm>> -> memref<1x8x1x8x128xf32, #tpu.memory_space<hbm>>
        %dma_wait3A_1172 = tpu.memref_squeeze %dma_wait3A_1171 : memref<1x8x1x8x128xf32, #tpu.memory_space<hbm>> -> memref<8x8x128xf32, #tpu.memory_space<hbm>>
        %dma_wait3A_1173 = tpu.memref_slice %arg11[%select_n3A_916] : memref<4x!tpu.dma_semaphore, #tpu.memory_space<semaphore_mem>> -> memref<1x!tpu.dma_semaphore, #tpu.memory_space<semaphore_mem>>
        %dma_wait3A_1174 = tpu.memref_squeeze %dma_wait3A_1173 : memref<1x!tpu.dma_semaphore, #tpu.memory_space<semaphore_mem>> -> memref<!tpu.dma_semaphore, #tpu.memory_space<semaphore_mem>>
        %dma_wait3A_1175 = arith.constant 0 : i32
        %dma_wait3A_1176 = arith.constant 0 : i32
        %dma_wait3A_1177 = arith.constant 0 : i32
        %dma_wait3A_1178 = tpu.memref_slice %arg5[%dma_wait3A_1161, %dma_wait3A_1175, %dma_wait3A_1162, %dma_wait3A_1176, %dma_wait3A_1177] : memref<200x8x32x8x128xf32, #tpu.memory_space<hbm>> -> memref<1x8x1x8x128xf32, #tpu.memory_space<hbm>>
        %dma_wait3A_1179 = tpu.memref_squeeze %dma_wait3A_1178 : memref<1x8x1x8x128xf32, #tpu.memory_space<hbm>> -> memref<8x8x128xf32, #tpu.memory_space<hbm>>
        %dma_wait3A_1180 = arith.constant 0 : i32
        %dma_wait3A_1181 = arith.constant 0 : i32
        %dma_wait3A_1182 = arith.constant 0 : i32
        %dma_wait3A_1183 = tpu.memref_slice %arg8[%select_n3A_916, %dma_wait3A_1180, %dma_wait3A_1181, %dma_wait3A_1182] : memref<4x8x8x129xf32, #tpu.memory_space<vmem>> -> memref<1x8x8x128xf32, #tpu.memory_space<vmem>>
        %dma_wait3A_1184 = tpu.memref_squeeze %dma_wait3A_1183 : memref<1x8x8x128xf32, #tpu.memory_space<vmem>> -> memref<8x8x128xf32, #tpu.memory_space<vmem>>
        tpu.wait_dma2 semaphore(%dma_wait3A_1174 : memref<!tpu.dma_semaphore, #tpu.memory_space<semaphore_mem>>) src(%dma_wait3A_1184 : memref<8x8x128xf32, #tpu.memory_space<vmem>>) dst(%dma_wait3A_1179 : memref<8x8x128xf32, #tpu.memory_space<hbm>>)
      } else {
      }
      %add3A_934 = arith.addi %mul3A_2, %add3A_900 : i32
      %div3A_935 = arith.constant 32 : i32
      %div3A_936 = arith.divsi %add3A_934, %div3A_935 : i32
      %iota3A_937 = tpu.iota {dimensions = array<i32: 0>} : vector<16xi32>
      %add3A_938 = arith.constant 0 : i32
      %add3A_939 = vector.broadcast %add3A_938 : i32 to vector<16xi32>
      %add3A_940 = arith.addi %iota3A_937, %add3A_939 : vector<16xi32>
      %shift_right_arithmetic3A_941 = arith.constant 3 : i32
      %shift_right_arithmetic3A_942 = vector.broadcast %shift_right_arithmetic3A_941 : i32 to vector<16xi32>
      %shift_right_arithmetic3A_943 = arith.shrsi %add3A_940, %shift_right_arithmetic3A_942 : vector<16xi32>
      %and3A_944 = arith.constant 7 : i32
      %and3A_945 = vector.broadcast %and3A_944 : i32 to vector<16xi32>
      %and3A_946 = arith.andi %add3A_940, %and3A_945 : vector<16xi32>
      %get3A_947 = arith.index_cast %div3A_936 : i32 to index
      %get3A_948 = arith.constant 0 : index
      %get3A_949 = tpu.vector_load %arg9[%get3A_947, %get3A_948] {strides = array<i32>} : memref<200x64xf32, #tpu.memory_space<vmem>>, vector<16xf32>,
      %add3A_950 = arith.constant 16 : i32
      %add3A_951 = vector.broadcast %add3A_950 : i32 to vector<16xi32>
      %add3A_952 = arith.addi %iota3A_937, %add3A_951 : vector<16xi32>
      %shift_right_arithmetic3A_953 = arith.constant 3 : i32
      %shift_right_arithmetic3A_954 = vector.broadcast %shift_right_arithmetic3A_953 : i32 to vector<16xi32>
      %shift_right_arithmetic3A_955 = arith.shrsi %add3A_952, %shift_right_arithmetic3A_954 : vector<16xi32>
      %and3A_956 = arith.constant 7 : i32
      %and3A_957 = vector.broadcast %and3A_956 : i32 to vector<16xi32>
      %and3A_958 = arith.andi %add3A_952, %and3A_957 : vector<16xi32>
      %get3A_959 = arith.index_cast %div3A_936 : i32 to index
      %get3A_960 = arith.constant 16 : index
      %get3A_961 = tpu.vector_load %arg9[%get3A_959, %get3A_960] {strides = array<i32>} : memref<200x64xf32, #tpu.memory_space<vmem>>, vector<16xf32>,
      %add3A_962 = arith.constant 32 : i32
      %add3A_963 = vector.broadcast %add3A_962 : i32 to vector<16xi32>
      %add3A_964 = arith.addi %iota3A_937, %add3A_963 : vector<16xi32>
      %shift_right_arithmetic3A_965 = arith.constant 3 : i32
      %shift_right_arithmetic3A_966 = vector.broadcast %shift_right_arithmetic3A_965 : i32 to vector<16xi32>
      %shift_right_arithmetic3A_967 = arith.shrsi %add3A_964, %shift_right_arithmetic3A_966 : vector<16xi32>
      %and3A_968 = arith.constant 7 : i32
      %and3A_969 = vector.broadcast %and3A_968 : i32 to vector<16xi32>
      %and3A_970 = arith.andi %add3A_964, %and3A_969 : vector<16xi32>
      %get3A_971 = arith.index_cast %div3A_936 : i32 to index
      %get3A_972 = arith.constant 32 : index
      %get3A_973 = tpu.vector_load %arg9[%get3A_971, %get3A_972] {strides = array<i32>} : memref<200x64xf32, #tpu.memory_space<vmem>>, vector<16xf32>,
      %add3A_974 = arith.constant 48 : i32
      %add3A_975 = vector.broadcast %add3A_974 : i32 to vector<16xi32>
      %add3A_976 = arith.addi %iota3A_937, %add3A_975 : vector<16xi32>
      %shift_right_arithmetic3A_977 = arith.constant 3 : i32
      %shift_right_arithmetic3A_978 = vector.broadcast %shift_right_arithmetic3A_977 : i32 to vector<16xi32>
      %shift_right_arithmetic3A_979 = arith.shrsi %add3A_976, %shift_right_arithmetic3A_978 : vector<16xi32>
      %and3A_980 = arith.constant 7 : i32
      %and3A_981 = vector.broadcast %and3A_980 : i32 to vector<16xi32>
      %and3A_982 = arith.andi %add3A_976, %and3A_981 : vector<16xi32>
      %get3A_983 = arith.index_cast %div3A_936 : i32 to index
      %get3A_984 = arith.constant 48 : index
      %get3A_985 = tpu.vector_load %arg9[%get3A_983, %get3A_984] {strides = array<i32>} : memref<200x64xf32, #tpu.memory_space<vmem>>, vector<16xf32>,
      %parallel_loop3A_986 = arith.constant 0 : i32
      %parallel_loop3A_987 = arith.constant 128 : i32
      %parallel_loop3A_988 = arith.constant 1 : i32
      scf.for %parallel_loop3A_1161 = %parallel_loop3A_986 to %parallel_loop3A_987 step %parallel_loop3A_988  : i32 {
        %parallel_loop3A_1162 = arith.constant 256 : i32
        %parallel_loop3A_1163 = arith.addi %parallel_loop3A_1162, %parallel_loop3A_1161 : i32
        %parallel_loop3A_1164 = vector.broadcast %parallel_loop3A_1161 : i32 to vector<16xi32>
        %parallel_loop3A_1165 = arith.index_cast %parallel_loop3A_1163 : i32 to index
        %parallel_loop3A_1166 = arith.constant 0 : index
        %parallel_loop3A_1167 = tpu.vector_load %arg7[%parallel_loop3A_1165, %parallel_loop3A_1166] {strides = array<i32>} : memref<512x64xf32, #tpu.memory_space<vmem>>, vector<16xf32>,
        %parallel_loop3A_1168 = arith.constant 8.000000e+00 : f32
        %parallel_loop3A_1169 = vector.broadcast %parallel_loop3A_1168 : f32 to vector<16xf32>
        %parallel_loop3A_1170 = arith.mulf %parallel_loop3A_1167, %parallel_loop3A_1169 : vector<16xf32>
        %parallel_loop3A_1171 = arith.addf %parallel_loop3A_1170, %get3A_949 : vector<16xf32>
        %parallel_loop3A_1172 = arith.constant 0 : i32
        %parallel_loop3A_1173 = arith.constant 0 : i32
        %parallel_loop3A_1174 = arith.constant 0 : i32
        %parallel_loop3A_1175 = tpu.memref_slice %arg8[%select_n3A_916, %parallel_loop3A_1172, %parallel_loop3A_1173, %parallel_loop3A_1174] : memref<4x8x8x129xf32, #tpu.memory_space<vmem>> -> memref<1x8x8x129xf32, #tpu.memory_space<vmem>>
        %parallel_loop3A_1176 = tpu.memref_squeeze %parallel_loop3A_1175 : memref<1x8x8x129xf32, #tpu.memory_space<vmem>> -> memref<8x8x129xf32, #tpu.memory_space<vmem>>
        tpu.vector_store_idx %parallel_loop3A_1176[%shift_right_arithmetic3A_943, %and3A_946, %parallel_loop3A_1164], %parallel_loop3A_1171 : memref<8x8x129xf32, #tpu.memory_space<vmem>>[vector<16xi32>, vector<16xi32>, vector<16xi32>], vector<16xf32>,
        %parallel_loop3A_1177 = arith.index_cast %parallel_loop3A_1163 : i32 to index
        %parallel_loop3A_1178 = arith.constant 16 : index
        %parallel_loop3A_1179 = tpu.vector_load %arg7[%parallel_loop3A_1177, %parallel_loop3A_1178] {strides = array<i32>} : memref<512x64xf32, #tpu.memory_space<vmem>>, vector<16xf32>,
        %parallel_loop3A_1180 = arith.constant 8.000000e+00 : f32
        %parallel_loop3A_1181 = vector.broadcast %parallel_loop3A_1180 : f32 to vector<16xf32>
        %parallel_loop3A_1182 = arith.mulf %parallel_loop3A_1179, %parallel_loop3A_1181 : vector<16xf32>
        %parallel_loop3A_1183 = arith.addf %parallel_loop3A_1182, %get3A_961 : vector<16xf32>
        %parallel_loop3A_1184 = arith.constant 0 : i32
        %parallel_loop3A_1185 = arith.constant 0 : i32
        %parallel_loop3A_1186 = arith.constant 0 : i32
        %parallel_loop3A_1187 = tpu.memref_slice %arg8[%select_n3A_916, %parallel_loop3A_1184, %parallel_loop3A_1185, %parallel_loop3A_1186] : memref<4x8x8x129xf32, #tpu.memory_space<vmem>> -> memref<1x8x8x129xf32, #tpu.memory_space<vmem>>
        %parallel_loop3A_1188 = tpu.memref_squeeze %parallel_loop3A_1187 : memref<1x8x8x129xf32, #tpu.memory_space<vmem>> -> memref<8x8x129xf32, #tpu.memory_space<vmem>>
        tpu.vector_store_idx %parallel_loop3A_1188[%shift_right_arithmetic3A_955, %and3A_958, %parallel_loop3A_1164], %parallel_loop3A_1183 : memref<8x8x129xf32, #tpu.memory_space<vmem>>[vector<16xi32>, vector<16xi32>, vector<16xi32>], vector<16xf32>,
        %parallel_loop3A_1189 = arith.index_cast %parallel_loop3A_1163 : i32 to index
        %parallel_loop3A_1190 = arith.constant 32 : index
        %parallel_loop3A_1191 = tpu.vector_load %arg7[%parallel_loop3A_1189, %parallel_loop3A_1190] {strides = array<i32>} : memref<512x64xf32, #tpu.memory_space<vmem>>, vector<16xf32>,
        %parallel_loop3A_1192 = arith.constant 8.000000e+00 : f32
        %parallel_loop3A_1193 = vector.broadcast %parallel_loop3A_1192 : f32 to vector<16xf32>
        %parallel_loop3A_1194 = arith.mulf %parallel_loop3A_1191, %parallel_loop3A_1193 : vector<16xf32>
        %parallel_loop3A_1195 = arith.addf %parallel_loop3A_1194, %get3A_973 : vector<16xf32>
        %parallel_loop3A_1196 = arith.constant 0 : i32
        %parallel_loop3A_1197 = arith.constant 0 : i32
        %parallel_loop3A_1198 = arith.constant 0 : i32
        %parallel_loop3A_1199 = tpu.memref_slice %arg8[%select_n3A_916, %parallel_loop3A_1196, %parallel_loop3A_1197, %parallel_loop3A_1198] : memref<4x8x8x129xf32, #tpu.memory_space<vmem>> -> memref<1x8x8x129xf32, #tpu.memory_space<vmem>>
        %parallel_loop3A_1200 = tpu.memref_squeeze %parallel_loop3A_1199 : memref<1x8x8x129xf32, #tpu.memory_space<vmem>> -> memref<8x8x129xf32, #tpu.memory_space<vmem>>
        tpu.vector_store_idx %parallel_loop3A_1200[%shift_right_arithmetic3A_967, %and3A_970, %parallel_loop3A_1164], %parallel_loop3A_1195 : memref<8x8x129xf32, #tpu.memory_space<vmem>>[vector<16xi32>, vector<16xi32>, vector<16xi32>], vector<16xf32>,
        %parallel_loop3A_1201 = arith.index_cast %parallel_loop3A_1163 : i32 to index
        %parallel_loop3A_1202 = arith.constant 48 : index
        %parallel_loop3A_1203 = tpu.vector_load %arg7[%parallel_loop3A_1201, %parallel_loop3A_1202] {strides = array<i32>} : memref<512x64xf32, #tpu.memory_space<vmem>>, vector<16xf32>,
        %parallel_loop3A_1204 = arith.constant 8.000000e+00 : f32
        %parallel_loop3A_1205 = vector.broadcast %parallel_loop3A_1204 : f32 to vector<16xf32>
        %parallel_loop3A_1206 = arith.mulf %parallel_loop3A_1203, %parallel_loop3A_1205 : vector<16xf32>
        %parallel_loop3A_1207 = arith.addf %parallel_loop3A_1206, %get3A_985 : vector<16xf32>
        %parallel_loop3A_1208 = arith.constant 0 : i32
        %parallel_loop3A_1209 = arith.constant 0 : i32
        %parallel_loop3A_1210 = arith.constant 0 : i32
        %parallel_loop3A_1211 = tpu.memref_slice %arg8[%select_n3A_916, %parallel_loop3A_1208, %parallel_loop3A_1209, %parallel_loop3A_1210] : memref<4x8x8x129xf32, #tpu.memory_space<vmem>> -> memref<1x8x8x129xf32, #tpu.memory_space<vmem>>
        %parallel_loop3A_1212 = tpu.memref_squeeze %parallel_loop3A_1211 : memref<1x8x8x129xf32, #tpu.memory_space<vmem>> -> memref<8x8x129xf32, #tpu.memory_space<vmem>>
        tpu.vector_store_idx %parallel_loop3A_1212[%shift_right_arithmetic3A_979, %and3A_982, %parallel_loop3A_1164], %parallel_loop3A_1207 : memref<8x8x129xf32, #tpu.memory_space<vmem>>[vector<16xi32>, vector<16xi32>, vector<16xi32>], vector<16xf32>,
      } {sc.loop_unroll_factor = 4 : i64, sc.parallel_access}
      %add3A_989 = arith.addi %mul3A_2, %add3A_900 : i32
      %div3A_990 = arith.constant 32 : i32
      %div3A_991 = arith.divsi %add3A_989, %div3A_990 : i32
      %rem3A_992 = arith.constant 32 : i32
      %rem3A_993 = arith.remsi %add3A_989, %rem3A_992 : i32
      %dma_start3A_994 = arith.constant 0 : i32
      %dma_start3A_995 = arith.constant 0 : i32
      %dma_start3A_996 = arith.constant 0 : i32
      %dma_start3A_997 = tpu.memref_slice %arg8[%select_n3A_916, %dma_start3A_994, %dma_start3A_995, %dma_start3A_996] : memref<4x8x8x129xf32, #tpu.memory_space<vmem>> -> memref<1x8x8x128xf32, #tpu.memory_space<vmem>>
      %dma_start3A_998 = tpu.memref_squeeze %dma_start3A_997 : memref<1x8x8x128xf32, #tpu.memory_space<vmem>> -> memref<8x8x128xf32, #tpu.memory_space<vmem>>
      %dma_start3A_999 = arith.constant 0 : i32
      %dma_start3A_1000 = arith.constant 0 : i32
      %dma_start3A_1001 = arith.constant 0 : i32
      %dma_start3A_1002 = tpu.memref_slice %arg5[%div3A_991, %dma_start3A_999, %rem3A_993, %dma_start3A_1000, %dma_start3A_1001] : memref<200x8x32x8x128xf32, #tpu.memory_space<hbm>> -> memref<1x8x1x8x128xf32, #tpu.memory_space<hbm>>
      %dma_start3A_1003 = tpu.memref_squeeze %dma_start3A_1002 : memref<1x8x1x8x128xf32, #tpu.memory_space<hbm>> -> memref<8x8x128xf32, #tpu.memory_space<hbm>>
      %dma_start3A_1004 = tpu.memref_slice %arg11[%select_n3A_916] : memref<4x!tpu.dma_semaphore, #tpu.memory_space<semaphore_mem>> -> memref<1x!tpu.dma_semaphore, #tpu.memory_space<semaphore_mem>>
      %dma_start3A_1005 = tpu.memref_squeeze %dma_start3A_1004 : memref<1x!tpu.dma_semaphore, #tpu.memory_space<semaphore_mem>> -> memref<!tpu.dma_semaphore, #tpu.memory_space<semaphore_mem>>
      %dma_start3A_1006 = arith.constant 0 : i32
      %dma_start3A_1007 = arith.constant 0 : i32
      %dma_start3A_1008 = arith.constant 0 : i32
      %dma_start3A_1009 = tpu.memref_slice %arg5[%div3A_991, %dma_start3A_1006, %rem3A_993, %dma_start3A_1007, %dma_start3A_1008] : memref<200x8x32x8x128xf32, #tpu.memory_space<hbm>> -> memref<1x8x1x8x128xf32, #tpu.memory_space<hbm>>
      %dma_start3A_1010 = tpu.memref_squeeze %dma_start3A_1009 : memref<1x8x1x8x128xf32, #tpu.memory_space<hbm>> -> memref<8x8x128xf32, #tpu.memory_space<hbm>>
      %dma_start3A_1011 = arith.constant 0 : i32
      %dma_start3A_1012 = arith.constant 0 : i32
      %dma_start3A_1013 = arith.constant 0 : i32
      %dma_start3A_1014 = tpu.memref_slice %arg8[%select_n3A_916, %dma_start3A_1011, %dma_start3A_1012, %dma_start3A_1013] : memref<4x8x8x129xf32, #tpu.memory_space<vmem>> -> memref<1x8x8x128xf32, #tpu.memory_space<vmem>>
      %dma_start3A_1015 = tpu.memref_squeeze %dma_start3A_1014 : memref<1x8x8x128xf32, #tpu.memory_space<vmem>> -> memref<8x8x128xf32, #tpu.memory_space<vmem>>
      tpu.enqueue_dma source(%dma_start3A_1015 : memref<8x8x128xf32, #tpu.memory_space<vmem>>) target(%dma_start3A_1010 : memref<8x8x128xf32, #tpu.memory_space<hbm>>) target_semaphore(%dma_start3A_1005 : memref<!tpu.dma_semaphore, #tpu.memory_space<semaphore_mem>>)
      %add3A_1016 = arith.constant 4 : i32
      %add3A_1017 = arith.addi %add3A_900, %add3A_1016 : i32
      %mul3A_1018 = arith.constant 128 : i32
      %mul3A_1019 = arith.muli %add3A_1017, %mul3A_1018 : i32
      %dma_start3A_1020 = arith.constant 2 : i32
      %dma_start3A_1021 = arith.constant 256 : i32
      %dma_start3A_1022 = arith.constant 0 : i32
      %dma_start3A_1023 = tpu.memref_slice %arg7[%dma_start3A_1021, %dma_start3A_1022] : memref<512x64xf32, #tpu.memory_space<vmem>> -> memref<128x64xf32, #tpu.memory_space<vmem>>
      %dma_start3A_1024 = tpu.memref_slice %arg6[%mul3A_1019] : memref<25600xi32, #tpu.memory_space<vmem>> -> memref<128xi32, #tpu.memory_space<vmem>>
      %dma_start3A_1025 = arith.constant 0 : i32
      %dma_start3A_1026 = arith.constant 0 : i32
      %dma_start3A_1027 = tpu.memref_slice %arg4[%dma_start3A_1025, %dma_start3A_1026] : memref<2000000x64xf32, #tpu.memory_space<hbm>> -> memref<2000000x64xf32, #tpu.memory_space<hbm>>
      %dma_start3A_1028 = tpu.memref_slice %arg10[%dma_start3A_1020] : memref<4x!tpu.dma_semaphore, #tpu.memory_space<semaphore_mem>> -> memref<1x!tpu.dma_semaphore, #tpu.memory_space<semaphore_mem>>
      %dma_start3A_1029 = tpu.memref_squeeze %dma_start3A_1028 : memref<1x!tpu.dma_semaphore, #tpu.memory_space<semaphore_mem>> -> memref<!tpu.dma_semaphore, #tpu.memory_space<semaphore_mem>>
      tpu.enqueue_indirect_dma source(%dma_start3A_1027 : memref<2000000x64xf32, #tpu.memory_space<hbm>>) target(%dma_start3A_1023 : memref<128x64xf32, #tpu.memory_space<vmem>>) offsets(%dma_start3A_1024 : memref<128xi32, #tpu.memory_space<vmem>>) semaphore(%dma_start3A_1029 : memref<!tpu.dma_semaphore, #tpu.memory_space<semaphore_mem>>)
      %add3A_1030 = arith.constant 3 : i32
      %add3A_1031 = arith.addi %add3A_644, %add3A_1030 : i32
      %jit3A_1032 = arith.constant 4 : i32
      %eq3A_1033 = arith.constant 0 : i32
      %eq3A_1034 = arith.cmpi eq, %jit3A_1032, %eq3A_1033 : i32
      %jit3A_1035 = arith.constant 1 : i32
      %select_n3A_1036 = arith.select %eq3A_1034, %jit3A_1035, %jit3A_1032 : i32
      %rem3A_1037 = arith.remsi %add3A_1031, %select_n3A_1036 : i32
      %ne3A_1038 = arith.constant 0 : i32
      %ne3A_1039 = arith.cmpi ne, %rem3A_1037, %ne3A_1038 : i32
      %lt3A_1040 = arith.constant 0 : i32
      %lt3A_1041 = arith.cmpi slt, %rem3A_1037, %lt3A_1040 : i32
      %lt3A_1042 = arith.constant 0 : i32
      %lt3A_1043 = arith.cmpi slt, %select_n3A_1036, %lt3A_1042 : i32
      %ne3A_1044 = arith.xori %lt3A_1041, %lt3A_1043 : i1
      %and3A_1045 = arith.andi %ne3A_1044, %ne3A_1039 : i1
      %add3A_1046 = arith.addi %rem3A_1037, %select_n3A_1036 : i32
      %select_n3A_1047 = arith.select %and3A_1045, %add3A_1046, %rem3A_1037 : i32
      %mul3A_1048 = arith.constant 128 : i32
      %mul3A_1049 = arith.muli %add3A_1031, %mul3A_1048 : i32
      %dma_wait3A_1050 = arith.constant 3 : i32
      %dma_wait3A_1051 = arith.constant 384 : i32
      %dma_wait3A_1052 = arith.constant 0 : i32
      %dma_wait3A_1053 = tpu.memref_slice %arg7[%dma_wait3A_1051, %dma_wait3A_1052] : memref<512x64xf32, #tpu.memory_space<vmem>> -> memref<128x64xf32, #tpu.memory_space<vmem>>
      %dma_wait3A_1054 = tpu.memref_slice %arg6[%mul3A_1049] : memref<25600xi32, #tpu.memory_space<vmem>> -> memref<128xi32, #tpu.memory_space<vmem>>
      %dma_wait3A_1055 = arith.constant 0 : i32
      %dma_wait3A_1056 = arith.constant 0 : i32
      %dma_wait3A_1057 = tpu.memref_slice %arg4[%dma_wait3A_1055, %dma_wait3A_1056] : memref<2000000x64xf32, #tpu.memory_space<hbm>> -> memref<2000000x64xf32, #tpu.memory_space<hbm>>
      %dma_wait3A_1058 = tpu.memref_slice %arg10[%dma_wait3A_1050] : memref<4x!tpu.dma_semaphore, #tpu.memory_space<semaphore_mem>> -> memref<1x!tpu.dma_semaphore, #tpu.memory_space<semaphore_mem>>
      %dma_wait3A_1059 = tpu.memref_squeeze %dma_wait3A_1058 : memref<1x!tpu.dma_semaphore, #tpu.memory_space<semaphore_mem>> -> memref<!tpu.dma_semaphore, #tpu.memory_space<semaphore_mem>>
      tpu.wait_indirect_dma semaphore(%dma_wait3A_1059 : memref<!tpu.dma_semaphore, #tpu.memory_space<semaphore_mem>>) src(%dma_wait3A_1057 : memref<2000000x64xf32, #tpu.memory_space<hbm>>) dst(%dma_wait3A_1053 : memref<128x64xf32, #tpu.memory_space<vmem>>)
      %ge3A_1060 = arith.constant 4 : i32
      %ge3A_1061 = arith.cmpi sge, %add3A_1031, %ge3A_1060 : i32
      %convert_element_type3A_1062 = arith.extui %ge3A_1061 : i1 to i32
      %cond3A_1063 = arith.constant 0 : i32
      %cond3A_1064 = arith.cmpi ne, %convert_element_type3A_1062, %cond3A_1063 : i32
      scf.if %cond3A_1064 {
        %dma_wait3A_1161 = arith.constant 0 : i32
        %dma_wait3A_1162 = arith.constant 0 : i32
        %dma_wait3A_1163 = arith.constant 0 : i32
        %dma_wait3A_1164 = arith.constant 0 : i32
        %dma_wait3A_1165 = arith.constant 0 : i32
        %dma_wait3A_1166 = tpu.memref_slice %arg8[%select_n3A_1047, %dma_wait3A_1163, %dma_wait3A_1164, %dma_wait3A_1165] : memref<4x8x8x129xf32, #tpu.memory_space<vmem>> -> memref<1x8x8x128xf32, #tpu.memory_space<vmem>>
        %dma_wait3A_1167 = tpu.memref_squeeze %dma_wait3A_1166 : memref<1x8x8x128xf32, #tpu.memory_space<vmem>> -> memref<8x8x128xf32, #tpu.memory_space<vmem>>
        %dma_wait3A_1168 = arith.constant 0 : i32
        %dma_wait3A_1169 = arith.constant 0 : i32
        %dma_wait3A_1170 = arith.constant 0 : i32
        %dma_wait3A_1171 = tpu.memref_slice %arg5[%dma_wait3A_1161, %dma_wait3A_1168, %dma_wait3A_1162, %dma_wait3A_1169, %dma_wait3A_1170] : memref<200x8x32x8x128xf32, #tpu.memory_space<hbm>> -> memref<1x8x1x8x128xf32, #tpu.memory_space<hbm>>
        %dma_wait3A_1172 = tpu.memref_squeeze %dma_wait3A_1171 : memref<1x8x1x8x128xf32, #tpu.memory_space<hbm>> -> memref<8x8x128xf32, #tpu.memory_space<hbm>>
        %dma_wait3A_1173 = tpu.memref_slice %arg11[%select_n3A_1047] : memref<4x!tpu.dma_semaphore, #tpu.memory_space<semaphore_mem>> -> memref<1x!tpu.dma_semaphore, #tpu.memory_space<semaphore_mem>>
        %dma_wait3A_1174 = tpu.memref_squeeze %dma_wait3A_1173 : memref<1x!tpu.dma_semaphore, #tpu.memory_space<semaphore_mem>> -> memref<!tpu.dma_semaphore, #tpu.memory_space<semaphore_mem>>
        %dma_wait3A_1175 = arith.constant 0 : i32
        %dma_wait3A_1176 = arith.constant 0 : i32
        %dma_wait3A_1177 = arith.constant 0 : i32
        %dma_wait3A_1178 = tpu.memref_slice %arg5[%dma_wait3A_1161, %dma_wait3A_1175, %dma_wait3A_1162, %dma_wait3A_1176, %dma_wait3A_1177] : memref<200x8x32x8x128xf32, #tpu.memory_space<hbm>> -> memref<1x8x1x8x128xf32, #tpu.memory_space<hbm>>
        %dma_wait3A_1179 = tpu.memref_squeeze %dma_wait3A_1178 : memref<1x8x1x8x128xf32, #tpu.memory_space<hbm>> -> memref<8x8x128xf32, #tpu.memory_space<hbm>>
        %dma_wait3A_1180 = arith.constant 0 : i32
        %dma_wait3A_1181 = arith.constant 0 : i32
        %dma_wait3A_1182 = arith.constant 0 : i32
        %dma_wait3A_1183 = tpu.memref_slice %arg8[%select_n3A_1047, %dma_wait3A_1180, %dma_wait3A_1181, %dma_wait3A_1182] : memref<4x8x8x129xf32, #tpu.memory_space<vmem>> -> memref<1x8x8x128xf32, #tpu.memory_space<vmem>>
        %dma_wait3A_1184 = tpu.memref_squeeze %dma_wait3A_1183 : memref<1x8x8x128xf32, #tpu.memory_space<vmem>> -> memref<8x8x128xf32, #tpu.memory_space<vmem>>
        tpu.wait_dma2 semaphore(%dma_wait3A_1174 : memref<!tpu.dma_semaphore, #tpu.memory_space<semaphore_mem>>) src(%dma_wait3A_1184 : memref<8x8x128xf32, #tpu.memory_space<vmem>>) dst(%dma_wait3A_1179 : memref<8x8x128xf32, #tpu.memory_space<hbm>>)
      } else {
      }
      %add3A_1065 = arith.addi %mul3A_2, %add3A_1031 : i32
      %div3A_1066 = arith.constant 32 : i32
      %div3A_1067 = arith.divsi %add3A_1065, %div3A_1066 : i32
      %iota3A_1068 = tpu.iota {dimensions = array<i32: 0>} : vector<16xi32>
      %add3A_1069 = arith.constant 0 : i32
      %add3A_1070 = vector.broadcast %add3A_1069 : i32 to vector<16xi32>
      %add3A_1071 = arith.addi %iota3A_1068, %add3A_1070 : vector<16xi32>
      %shift_right_arithmetic3A_1072 = arith.constant 3 : i32
      %shift_right_arithmetic3A_1073 = vector.broadcast %shift_right_arithmetic3A_1072 : i32 to vector<16xi32>
      %shift_right_arithmetic3A_1074 = arith.shrsi %add3A_1071, %shift_right_arithmetic3A_1073 : vector<16xi32>
      %and3A_1075 = arith.constant 7 : i32
      %and3A_1076 = vector.broadcast %and3A_1075 : i32 to vector<16xi32>
      %and3A_1077 = arith.andi %add3A_1071, %and3A_1076 : vector<16xi32>
      %get3A_1078 = arith.index_cast %div3A_1067 : i32 to index
      %get3A_1079 = arith.constant 0 : index
      %get3A_1080 = tpu.vector_load %arg9[%get3A_1078, %get3A_1079] {strides = array<i32>} : memref<200x64xf32, #tpu.memory_space<vmem>>, vector<16xf32>,
      %add3A_1081 = arith.constant 16 : i32
      %add3A_1082 = vector.broadcast %add3A_1081 : i32 to vector<16xi32>
      %add3A_1083 = arith.addi %iota3A_1068, %add3A_1082 : vector<16xi32>
      %shift_right_arithmetic3A_1084 = arith.constant 3 : i32
      %shift_right_arithmetic3A_1085 = vector.broadcast %shift_right_arithmetic3A_1084 : i32 to vector<16xi32>
      %shift_right_arithmetic3A_1086 = arith.shrsi %add3A_1083, %shift_right_arithmetic3A_1085 : vector<16xi32>
      %and3A_1087 = arith.constant 7 : i32
      %and3A_1088 = vector.broadcast %and3A_1087 : i32 to vector<16xi32>
      %and3A_1089 = arith.andi %add3A_1083, %and3A_1088 : vector<16xi32>
      %get3A_1090 = arith.index_cast %div3A_1067 : i32 to index
      %get3A_1091 = arith.constant 16 : index
      %get3A_1092 = tpu.vector_load %arg9[%get3A_1090, %get3A_1091] {strides = array<i32>} : memref<200x64xf32, #tpu.memory_space<vmem>>, vector<16xf32>,
      %add3A_1093 = arith.constant 32 : i32
      %add3A_1094 = vector.broadcast %add3A_1093 : i32 to vector<16xi32>
      %add3A_1095 = arith.addi %iota3A_1068, %add3A_1094 : vector<16xi32>
      %shift_right_arithmetic3A_1096 = arith.constant 3 : i32
      %shift_right_arithmetic3A_1097 = vector.broadcast %shift_right_arithmetic3A_1096 : i32 to vector<16xi32>
      %shift_right_arithmetic3A_1098 = arith.shrsi %add3A_1095, %shift_right_arithmetic3A_1097 : vector<16xi32>
      %and3A_1099 = arith.constant 7 : i32
      %and3A_1100 = vector.broadcast %and3A_1099 : i32 to vector<16xi32>
      %and3A_1101 = arith.andi %add3A_1095, %and3A_1100 : vector<16xi32>
      %get3A_1102 = arith.index_cast %div3A_1067 : i32 to index
      %get3A_1103 = arith.constant 32 : index
      %get3A_1104 = tpu.vector_load %arg9[%get3A_1102, %get3A_1103] {strides = array<i32>} : memref<200x64xf32, #tpu.memory_space<vmem>>, vector<16xf32>,
      %add3A_1105 = arith.constant 48 : i32
      %add3A_1106 = vector.broadcast %add3A_1105 : i32 to vector<16xi32>
      %add3A_1107 = arith.addi %iota3A_1068, %add3A_1106 : vector<16xi32>
      %shift_right_arithmetic3A_1108 = arith.constant 3 : i32
      %shift_right_arithmetic3A_1109 = vector.broadcast %shift_right_arithmetic3A_1108 : i32 to vector<16xi32>
      %shift_right_arithmetic3A_1110 = arith.shrsi %add3A_1107, %shift_right_arithmetic3A_1109 : vector<16xi32>
      %and3A_1111 = arith.constant 7 : i32
      %and3A_1112 = vector.broadcast %and3A_1111 : i32 to vector<16xi32>
      %and3A_1113 = arith.andi %add3A_1107, %and3A_1112 : vector<16xi32>
      %get3A_1114 = arith.index_cast %div3A_1067 : i32 to index
      %get3A_1115 = arith.constant 48 : index
      %get3A_1116 = tpu.vector_load %arg9[%get3A_1114, %get3A_1115] {strides = array<i32>} : memref<200x64xf32, #tpu.memory_space<vmem>>, vector<16xf32>,
      %parallel_loop3A_1117 = arith.constant 0 : i32
      %parallel_loop3A_1118 = arith.constant 128 : i32
      %parallel_loop3A_1119 = arith.constant 1 : i32
      scf.for %parallel_loop3A_1161 = %parallel_loop3A_1117 to %parallel_loop3A_1118 step %parallel_loop3A_1119  : i32 {
        %parallel_loop3A_1162 = arith.constant 384 : i32
        %parallel_loop3A_1163 = arith.addi %parallel_loop3A_1162, %parallel_loop3A_1161 : i32
        %parallel_loop3A_1164 = vector.broadcast %parallel_loop3A_1161 : i32 to vector<16xi32>
        %parallel_loop3A_1165 = arith.index_cast %parallel_loop3A_1163 : i32 to index
        %parallel_loop3A_1166 = arith.constant 0 : index
        %parallel_loop3A_1167 = tpu.vector_load %arg7[%parallel_loop3A_1165, %parallel_loop3A_1166] {strides = array<i32>} : memref<512x64xf32, #tpu.memory_space<vmem>>, vector<16xf32>,
        %parallel_loop3A_1168 = arith.constant 8.000000e+00 : f32
        %parallel_loop3A_1169 = vector.broadcast %parallel_loop3A_1168 : f32 to vector<16xf32>
        %parallel_loop3A_1170 = arith.mulf %parallel_loop3A_1167, %parallel_loop3A_1169 : vector<16xf32>
        %parallel_loop3A_1171 = arith.addf %parallel_loop3A_1170, %get3A_1080 : vector<16xf32>
        %parallel_loop3A_1172 = arith.constant 0 : i32
        %parallel_loop3A_1173 = arith.constant 0 : i32
        %parallel_loop3A_1174 = arith.constant 0 : i32
        %parallel_loop3A_1175 = tpu.memref_slice %arg8[%select_n3A_1047, %parallel_loop3A_1172, %parallel_loop3A_1173, %parallel_loop3A_1174] : memref<4x8x8x129xf32, #tpu.memory_space<vmem>> -> memref<1x8x8x129xf32, #tpu.memory_space<vmem>>
        %parallel_loop3A_1176 = tpu.memref_squeeze %parallel_loop3A_1175 : memref<1x8x8x129xf32, #tpu.memory_space<vmem>> -> memref<8x8x129xf32, #tpu.memory_space<vmem>>
        tpu.vector_store_idx %parallel_loop3A_1176[%shift_right_arithmetic3A_1074, %and3A_1077, %parallel_loop3A_1164], %parallel_loop3A_1171 : memref<8x8x129xf32, #tpu.memory_space<vmem>>[vector<16xi32>, vector<16xi32>, vector<16xi32>], vector<16xf32>,
        %parallel_loop3A_1177 = arith.index_cast %parallel_loop3A_1163 : i32 to index
        %parallel_loop3A_1178 = arith.constant 16 : index
        %parallel_loop3A_1179 = tpu.vector_load %arg7[%parallel_loop3A_1177, %parallel_loop3A_1178] {strides = array<i32>} : memref<512x64xf32, #tpu.memory_space<vmem>>, vector<16xf32>,
        %parallel_loop3A_1180 = arith.constant 8.000000e+00 : f32
        %parallel_loop3A_1181 = vector.broadcast %parallel_loop3A_1180 : f32 to vector<16xf32>
        %parallel_loop3A_1182 = arith.mulf %parallel_loop3A_1179, %parallel_loop3A_1181 : vector<16xf32>
        %parallel_loop3A_1183 = arith.addf %parallel_loop3A_1182, %get3A_1092 : vector<16xf32>
        %parallel_loop3A_1184 = arith.constant 0 : i32
        %parallel_loop3A_1185 = arith.constant 0 : i32
        %parallel_loop3A_1186 = arith.constant 0 : i32
        %parallel_loop3A_1187 = tpu.memref_slice %arg8[%select_n3A_1047, %parallel_loop3A_1184, %parallel_loop3A_1185, %parallel_loop3A_1186] : memref<4x8x8x129xf32, #tpu.memory_space<vmem>> -> memref<1x8x8x129xf32, #tpu.memory_space<vmem>>
        %parallel_loop3A_1188 = tpu.memref_squeeze %parallel_loop3A_1187 : memref<1x8x8x129xf32, #tpu.memory_space<vmem>> -> memref<8x8x129xf32, #tpu.memory_space<vmem>>
        tpu.vector_store_idx %parallel_loop3A_1188[%shift_right_arithmetic3A_1086, %and3A_1089, %parallel_loop3A_1164], %parallel_loop3A_1183 : memref<8x8x129xf32, #tpu.memory_space<vmem>>[vector<16xi32>, vector<16xi32>, vector<16xi32>], vector<16xf32>,
        %parallel_loop3A_1189 = arith.index_cast %parallel_loop3A_1163 : i32 to index
        %parallel_loop3A_1190 = arith.constant 32 : index
        %parallel_loop3A_1191 = tpu.vector_load %arg7[%parallel_loop3A_1189, %parallel_loop3A_1190] {strides = array<i32>} : memref<512x64xf32, #tpu.memory_space<vmem>>, vector<16xf32>,
        %parallel_loop3A_1192 = arith.constant 8.000000e+00 : f32
        %parallel_loop3A_1193 = vector.broadcast %parallel_loop3A_1192 : f32 to vector<16xf32>
        %parallel_loop3A_1194 = arith.mulf %parallel_loop3A_1191, %parallel_loop3A_1193 : vector<16xf32>
        %parallel_loop3A_1195 = arith.addf %parallel_loop3A_1194, %get3A_1104 : vector<16xf32>
        %parallel_loop3A_1196 = arith.constant 0 : i32
        %parallel_loop3A_1197 = arith.constant 0 : i32
        %parallel_loop3A_1198 = arith.constant 0 : i32
        %parallel_loop3A_1199 = tpu.memref_slice %arg8[%select_n3A_1047, %parallel_loop3A_1196, %parallel_loop3A_1197, %parallel_loop3A_1198] : memref<4x8x8x129xf32, #tpu.memory_space<vmem>> -> memref<1x8x8x129xf32, #tpu.memory_space<vmem>>
        %parallel_loop3A_1200 = tpu.memref_squeeze %parallel_loop3A_1199 : memref<1x8x8x129xf32, #tpu.memory_space<vmem>> -> memref<8x8x129xf32, #tpu.memory_space<vmem>>
        tpu.vector_store_idx %parallel_loop3A_1200[%shift_right_arithmetic3A_1098, %and3A_1101, %parallel_loop3A_1164], %parallel_loop3A_1195 : memref<8x8x129xf32, #tpu.memory_space<vmem>>[vector<16xi32>, vector<16xi32>, vector<16xi32>], vector<16xf32>,
        %parallel_loop3A_1201 = arith.index_cast %parallel_loop3A_1163 : i32 to index
        %parallel_loop3A_1202 = arith.constant 48 : index
        %parallel_loop3A_1203 = tpu.vector_load %arg7[%parallel_loop3A_1201, %parallel_loop3A_1202] {strides = array<i32>} : memref<512x64xf32, #tpu.memory_space<vmem>>, vector<16xf32>,
        %parallel_loop3A_1204 = arith.constant 8.000000e+00 : f32
        %parallel_loop3A_1205 = vector.broadcast %parallel_loop3A_1204 : f32 to vector<16xf32>
        %parallel_loop3A_1206 = arith.mulf %parallel_loop3A_1203, %parallel_loop3A_1205 : vector<16xf32>
        %parallel_loop3A_1207 = arith.addf %parallel_loop3A_1206, %get3A_1116 : vector<16xf32>
        %parallel_loop3A_1208 = arith.constant 0 : i32
        %parallel_loop3A_1209 = arith.constant 0 : i32
        %parallel_loop3A_1210 = arith.constant 0 : i32
        %parallel_loop3A_1211 = tpu.memref_slice %arg8[%select_n3A_1047, %parallel_loop3A_1208, %parallel_loop3A_1209, %parallel_loop3A_1210] : memref<4x8x8x129xf32, #tpu.memory_space<vmem>> -> memref<1x8x8x129xf32, #tpu.memory_space<vmem>>
        %parallel_loop3A_1212 = tpu.memref_squeeze %parallel_loop3A_1211 : memref<1x8x8x129xf32, #tpu.memory_space<vmem>> -> memref<8x8x129xf32, #tpu.memory_space<vmem>>
        tpu.vector_store_idx %parallel_loop3A_1212[%shift_right_arithmetic3A_1110, %and3A_1113, %parallel_loop3A_1164], %parallel_loop3A_1207 : memref<8x8x129xf32, #tpu.memory_space<vmem>>[vector<16xi32>, vector<16xi32>, vector<16xi32>], vector<16xf32>,
      } {sc.loop_unroll_factor = 4 : i64, sc.parallel_access}
      %add3A_1120 = arith.addi %mul3A_2, %add3A_1031 : i32
      %div3A_1121 = arith.constant 32 : i32
      %div3A_1122 = arith.divsi %add3A_1120, %div3A_1121 : i32
      %rem3A_1123 = arith.constant 32 : i32
      %rem3A_1124 = arith.remsi %add3A_1120, %rem3A_1123 : i32
      %dma_start3A_1125 = arith.constant 0 : i32
      %dma_start3A_1126 = arith.constant 0 : i32
      %dma_start3A_1127 = arith.constant 0 : i32
      %dma_start3A_1128 = tpu.memref_slice %arg8[%select_n3A_1047, %dma_start3A_1125, %dma_start3A_1126, %dma_start3A_1127] : memref<4x8x8x129xf32, #tpu.memory_space<vmem>> -> memref<1x8x8x128xf32, #tpu.memory_space<vmem>>
      %dma_start3A_1129 = tpu.memref_squeeze %dma_start3A_1128 : memref<1x8x8x128xf32, #tpu.memory_space<vmem>> -> memref<8x8x128xf32, #tpu.memory_space<vmem>>
      %dma_start3A_1130 = arith.constant 0 : i32
      %dma_start3A_1131 = arith.constant 0 : i32
      %dma_start3A_1132 = arith.constant 0 : i32
      %dma_start3A_1133 = tpu.memref_slice %arg5[%div3A_1122, %dma_start3A_1130, %rem3A_1124, %dma_start3A_1131, %dma_start3A_1132] : memref<200x8x32x8x128xf32, #tpu.memory_space<hbm>> -> memref<1x8x1x8x128xf32, #tpu.memory_space<hbm>>
      %dma_start3A_1134 = tpu.memref_squeeze %dma_start3A_1133 : memref<1x8x1x8x128xf32, #tpu.memory_space<hbm>> -> memref<8x8x128xf32, #tpu.memory_space<hbm>>
      %dma_start3A_1135 = tpu.memref_slice %arg11[%select_n3A_1047] : memref<4x!tpu.dma_semaphore, #tpu.memory_space<semaphore_mem>> -> memref<1x!tpu.dma_semaphore, #tpu.memory_space<semaphore_mem>>
      %dma_start3A_1136 = tpu.memref_squeeze %dma_start3A_1135 : memref<1x!tpu.dma_semaphore, #tpu.memory_space<semaphore_mem>> -> memref<!tpu.dma_semaphore, #tpu.memory_space<semaphore_mem>>
      %dma_start3A_1137 = arith.constant 0 : i32
      %dma_start3A_1138 = arith.constant 0 : i32
      %dma_start3A_1139 = arith.constant 0 : i32
      %dma_start3A_1140 = tpu.memref_slice %arg5[%div3A_1122, %dma_start3A_1137, %rem3A_1124, %dma_start3A_1138, %dma_start3A_1139] : memref<200x8x32x8x128xf32, #tpu.memory_space<hbm>> -> memref<1x8x1x8x128xf32, #tpu.memory_space<hbm>>
      %dma_start3A_1141 = tpu.memref_squeeze %dma_start3A_1140 : memref<1x8x1x8x128xf32, #tpu.memory_space<hbm>> -> memref<8x8x128xf32, #tpu.memory_space<hbm>>
      %dma_start3A_1142 = arith.constant 0 : i32
      %dma_start3A_1143 = arith.constant 0 : i32
      %dma_start3A_1144 = arith.constant 0 : i32
      %dma_start3A_1145 = tpu.memref_slice %arg8[%select_n3A_1047, %dma_start3A_1142, %dma_start3A_1143, %dma_start3A_1144] : memref<4x8x8x129xf32, #tpu.memory_space<vmem>> -> memref<1x8x8x128xf32, #tpu.memory_space<vmem>>
      %dma_start3A_1146 = tpu.memref_squeeze %dma_start3A_1145 : memref<1x8x8x128xf32, #tpu.memory_space<vmem>> -> memref<8x8x128xf32, #tpu.memory_space<vmem>>
      tpu.enqueue_dma source(%dma_start3A_1146 : memref<8x8x128xf32, #tpu.memory_space<vmem>>) target(%dma_start3A_1141 : memref<8x8x128xf32, #tpu.memory_space<hbm>>) target_semaphore(%dma_start3A_1136 : memref<!tpu.dma_semaphore, #tpu.memory_space<semaphore_mem>>)
      %add3A_1147 = arith.constant 4 : i32
      %add3A_1148 = arith.addi %add3A_1031, %add3A_1147 : i32
      %mul3A_1149 = arith.constant 128 : i32
      %mul3A_1150 = arith.muli %add3A_1148, %mul3A_1149 : i32
      %dma_start3A_1151 = arith.constant 3 : i32
      %dma_start3A_1152 = arith.constant 384 : i32
      %dma_start3A_1153 = arith.constant 0 : i32
      %dma_start3A_1154 = tpu.memref_slice %arg7[%dma_start3A_1152, %dma_start3A_1153] : memref<512x64xf32, #tpu.memory_space<vmem>> -> memref<128x64xf32, #tpu.memory_space<vmem>>
      %dma_start3A_1155 = tpu.memref_slice %arg6[%mul3A_1150] : memref<25600xi32, #tpu.memory_space<vmem>> -> memref<128xi32, #tpu.memory_space<vmem>>
      %dma_start3A_1156 = arith.constant 0 : i32
      %dma_start3A_1157 = arith.constant 0 : i32
      %dma_start3A_1158 = tpu.memref_slice %arg4[%dma_start3A_1156, %dma_start3A_1157] : memref<2000000x64xf32, #tpu.memory_space<hbm>> -> memref<2000000x64xf32, #tpu.memory_space<hbm>>
      %dma_start3A_1159 = tpu.memref_slice %arg10[%dma_start3A_1151] : memref<4x!tpu.dma_semaphore, #tpu.memory_space<semaphore_mem>> -> memref<1x!tpu.dma_semaphore, #tpu.memory_space<semaphore_mem>>
      %dma_start3A_1160 = tpu.memref_squeeze %dma_start3A_1159 : memref<1x!tpu.dma_semaphore, #tpu.memory_space<semaphore_mem>> -> memref<!tpu.dma_semaphore, #tpu.memory_space<semaphore_mem>>
      tpu.enqueue_indirect_dma source(%dma_start3A_1158 : memref<2000000x64xf32, #tpu.memory_space<hbm>>) target(%dma_start3A_1154 : memref<128x64xf32, #tpu.memory_space<vmem>>) offsets(%dma_start3A_1155 : memref<128xi32, #tpu.memory_space<vmem>>) semaphore(%dma_start3A_1160 : memref<!tpu.dma_semaphore, #tpu.memory_space<semaphore_mem>>)
    }
    %scan3A_51 = arith.constant 49 : i32
    %dma_wait3A = arith.constant 0 : i32
    %dma_wait3A_52 = arith.constant 0 : i32
    %dma_wait3A_53 = arith.constant 0 : i32
    %dma_wait3A_54 = tpu.memref_slice %arg7[%dma_wait3A_52, %dma_wait3A_53] : memref<512x64xf32, #tpu.memory_space<vmem>> -> memref<128x64xf32, #tpu.memory_space<vmem>>
    %dma_wait3A_55 = arith.constant 25088 : i32
    %dma_wait3A_56 = tpu.memref_slice %arg6[%dma_wait3A_55] : memref<25600xi32, #tpu.memory_space<vmem>> -> memref<128xi32, #tpu.memory_space<vmem>>
    %dma_wait3A_57 = arith.constant 0 : i32
    %dma_wait3A_58 = arith.constant 0 : i32
    %dma_wait3A_59 = tpu.memref_slice %arg4[%dma_wait3A_57, %dma_wait3A_58] : memref<2000000x64xf32, #tpu.memory_space<hbm>> -> memref<2000000x64xf32, #tpu.memory_space<hbm>>
    %dma_wait3A_60 = tpu.memref_slice %arg10[%dma_wait3A] : memref<4x!tpu.dma_semaphore, #tpu.memory_space<semaphore_mem>> -> memref<1x!tpu.dma_semaphore, #tpu.memory_space<semaphore_mem>>
    %dma_wait3A_61 = tpu.memref_squeeze %dma_wait3A_60 : memref<1x!tpu.dma_semaphore, #tpu.memory_space<semaphore_mem>> -> memref<!tpu.dma_semaphore, #tpu.memory_space<semaphore_mem>>
    tpu.wait_indirect_dma semaphore(%dma_wait3A_61 : memref<!tpu.dma_semaphore, #tpu.memory_space<semaphore_mem>>) src(%dma_wait3A_59 : memref<2000000x64xf32, #tpu.memory_space<hbm>>) dst(%dma_wait3A_54 : memref<128x64xf32, #tpu.memory_space<vmem>>)
    %dma_wait3A_62 = arith.constant 0 : i32
    %dma_wait3A_63 = arith.constant 0 : i32
    %dma_wait3A_64 = arith.constant 0 : i32
    %dma_wait3A_65 = arith.constant 0 : i32
    %dma_wait3A_66 = arith.constant 0 : i32
    %dma_wait3A_67 = arith.constant 0 : i32
    %dma_wait3A_68 = arith.constant 0 : i32
    %dma_wait3A_69 = tpu.memref_slice %arg8[%dma_wait3A_62, %dma_wait3A_66, %dma_wait3A_67, %dma_wait3A_68] : memref<4x8x8x129xf32, #tpu.memory_space<vmem>> -> memref<1x8x8x128xf32, #tpu.memory_space<vmem>>
    %dma_wait3A_70 = tpu.memref_squeeze %dma_wait3A_69 : memref<1x8x8x128xf32, #tpu.memory_space<vmem>> -> memref<8x8x128xf32, #tpu.memory_space<vmem>>
    %dma_wait3A_71 = arith.constant 0 : i32
    %dma_wait3A_72 = arith.constant 0 : i32
    %dma_wait3A_73 = arith.constant 0 : i32
    %dma_wait3A_74 = tpu.memref_slice %arg5[%dma_wait3A_63, %dma_wait3A_71, %dma_wait3A_64, %dma_wait3A_72, %dma_wait3A_73] : memref<200x8x32x8x128xf32, #tpu.memory_space<hbm>> -> memref<1x8x1x8x128xf32, #tpu.memory_space<hbm>>
    %dma_wait3A_75 = tpu.memref_squeeze %dma_wait3A_74 : memref<1x8x1x8x128xf32, #tpu.memory_space<hbm>> -> memref<8x8x128xf32, #tpu.memory_space<hbm>>
    %dma_wait3A_76 = tpu.memref_slice %arg11[%dma_wait3A_65] : memref<4x!tpu.dma_semaphore, #tpu.memory_space<semaphore_mem>> -> memref<1x!tpu.dma_semaphore, #tpu.memory_space<semaphore_mem>>
    %dma_wait3A_77 = tpu.memref_squeeze %dma_wait3A_76 : memref<1x!tpu.dma_semaphore, #tpu.memory_space<semaphore_mem>> -> memref<!tpu.dma_semaphore, #tpu.memory_space<semaphore_mem>>
    %dma_wait3A_78 = arith.constant 0 : i32
    %dma_wait3A_79 = arith.constant 0 : i32
    %dma_wait3A_80 = arith.constant 0 : i32
    %dma_wait3A_81 = tpu.memref_slice %arg5[%dma_wait3A_63, %dma_wait3A_78, %dma_wait3A_64, %dma_wait3A_79, %dma_wait3A_80] : memref<200x8x32x8x128xf32, #tpu.memory_space<hbm>> -> memref<1x8x1x8x128xf32, #tpu.memory_space<hbm>>
    %dma_wait3A_82 = tpu.memref_squeeze %dma_wait3A_81 : memref<1x8x1x8x128xf32, #tpu.memory_space<hbm>> -> memref<8x8x128xf32, #tpu.memory_space<hbm>>
    %dma_wait3A_83 = arith.constant 0 : i32
    %dma_wait3A_84 = arith.constant 0 : i32
    %dma_wait3A_85 = arith.constant 0 : i32
    %dma_wait3A_86 = tpu.memref_slice %arg8[%dma_wait3A_62, %dma_wait3A_83, %dma_wait3A_84, %dma_wait3A_85] : memref<4x8x8x129xf32, #tpu.memory_space<vmem>> -> memref<1x8x8x128xf32, #tpu.memory_space<vmem>>
    %dma_wait3A_87 = tpu.memref_squeeze %dma_wait3A_86 : memref<1x8x8x128xf32, #tpu.memory_space<vmem>> -> memref<8x8x128xf32, #tpu.memory_space<vmem>>
    tpu.wait_dma2 semaphore(%dma_wait3A_77 : memref<!tpu.dma_semaphore, #tpu.memory_space<semaphore_mem>>) src(%dma_wait3A_87 : memref<8x8x128xf32, #tpu.memory_space<vmem>>) dst(%dma_wait3A_82 : memref<8x8x128xf32, #tpu.memory_space<hbm>>)
    %add3A_88 = arith.constant 196 : i32
    %add3A_89 = arith.addi %mul3A_2, %add3A_88 : i32
    %div3A = arith.constant 32 : i32
    %div3A_90 = arith.divsi %add3A_89, %div3A : i32
    %iota3A = tpu.iota {dimensions = array<i32: 0>} : vector<16xi32>
    %add3A_91 = arith.constant 0 : i32
    %add3A_92 = vector.broadcast %add3A_91 : i32 to vector<16xi32>
    %add3A_93 = arith.addi %iota3A, %add3A_92 : vector<16xi32>
    %shift_right_arithmetic3A = arith.constant 3 : i32
    %shift_right_arithmetic3A_94 = vector.broadcast %shift_right_arithmetic3A : i32 to vector<16xi32>
    %shift_right_arithmetic3A_95 = arith.shrsi %add3A_93, %shift_right_arithmetic3A_94 : vector<16xi32>
    %and3A = arith.constant 7 : i32
    %and3A_96 = vector.broadcast %and3A : i32 to vector<16xi32>
    %and3A_97 = arith.andi %add3A_93, %and3A_96 : vector<16xi32>
    %get3A = arith.index_cast %div3A_90 : i32 to index
    %get3A_98 = arith.constant 0 : index
    %get3A_99 = tpu.vector_load %arg9[%get3A, %get3A_98] {strides = array<i32>} : memref<200x64xf32, #tpu.memory_space<vmem>>, vector<16xf32>,
    %add3A_100 = arith.constant 16 : i32
    %add3A_101 = vector.broadcast %add3A_100 : i32 to vector<16xi32>
    %add3A_102 = arith.addi %iota3A, %add3A_101 : vector<16xi32>
    %shift_right_arithmetic3A_103 = arith.constant 3 : i32
    %shift_right_arithmetic3A_104 = vector.broadcast %shift_right_arithmetic3A_103 : i32 to vector<16xi32>
    %shift_right_arithmetic3A_105 = arith.shrsi %add3A_102, %shift_right_arithmetic3A_104 : vector<16xi32>
    %and3A_106 = arith.constant 7 : i32
    %and3A_107 = vector.broadcast %and3A_106 : i32 to vector<16xi32>
    %and3A_108 = arith.andi %add3A_102, %and3A_107 : vector<16xi32>
    %get3A_109 = arith.index_cast %div3A_90 : i32 to index
    %get3A_110 = arith.constant 16 : index
    %get3A_111 = tpu.vector_load %arg9[%get3A_109, %get3A_110] {strides = array<i32>} : memref<200x64xf32, #tpu.memory_space<vmem>>, vector<16xf32>,
    %add3A_112 = arith.constant 32 : i32
    %add3A_113 = vector.broadcast %add3A_112 : i32 to vector<16xi32>
    %add3A_114 = arith.addi %iota3A, %add3A_113 : vector<16xi32>
    %shift_right_arithmetic3A_115 = arith.constant 3 : i32
    %shift_right_arithmetic3A_116 = vector.broadcast %shift_right_arithmetic3A_115 : i32 to vector<16xi32>
    %shift_right_arithmetic3A_117 = arith.shrsi %add3A_114, %shift_right_arithmetic3A_116 : vector<16xi32>
    %and3A_118 = arith.constant 7 : i32
    %and3A_119 = vector.broadcast %and3A_118 : i32 to vector<16xi32>
    %and3A_120 = arith.andi %add3A_114, %and3A_119 : vector<16xi32>
    %get3A_121 = arith.index_cast %div3A_90 : i32 to index
    %get3A_122 = arith.constant 32 : index
    %get3A_123 = tpu.vector_load %arg9[%get3A_121, %get3A_122] {strides = array<i32>} : memref<200x64xf32, #tpu.memory_space<vmem>>, vector<16xf32>,
    %add3A_124 = arith.constant 48 : i32
    %add3A_125 = vector.broadcast %add3A_124 : i32 to vector<16xi32>
    %add3A_126 = arith.addi %iota3A, %add3A_125 : vector<16xi32>
    %shift_right_arithmetic3A_127 = arith.constant 3 : i32
    %shift_right_arithmetic3A_128 = vector.broadcast %shift_right_arithmetic3A_127 : i32 to vector<16xi32>
    %shift_right_arithmetic3A_129 = arith.shrsi %add3A_126, %shift_right_arithmetic3A_128 : vector<16xi32>
    %and3A_130 = arith.constant 7 : i32
    %and3A_131 = vector.broadcast %and3A_130 : i32 to vector<16xi32>
    %and3A_132 = arith.andi %add3A_126, %and3A_131 : vector<16xi32>
    %get3A_133 = arith.index_cast %div3A_90 : i32 to index
    %get3A_134 = arith.constant 48 : index
    %get3A_135 = tpu.vector_load %arg9[%get3A_133, %get3A_134] {strides = array<i32>} : memref<200x64xf32, #tpu.memory_space<vmem>>, vector<16xf32>,
    %parallel_loop3A = arith.constant 0 : i32
    %parallel_loop3A_136 = arith.constant 128 : i32
    %parallel_loop3A_137 = arith.constant 1 : i32
    scf.for %parallel_loop3A_640 = %parallel_loop3A to %parallel_loop3A_136 step %parallel_loop3A_137  : i32 {
      %parallel_loop3A_641 = arith.constant 0 : i32
      %parallel_loop3A_642 = arith.addi %parallel_loop3A_641, %parallel_loop3A_640 : i32
      %parallel_loop3A_643 = vector.broadcast %parallel_loop3A_640 : i32 to vector<16xi32>
      %parallel_loop3A_644 = arith.index_cast %parallel_loop3A_642 : i32 to index
      %parallel_loop3A_645 = arith.constant 0 : index
      %parallel_loop3A_646 = tpu.vector_load %arg7[%parallel_loop3A_644, %parallel_loop3A_645] {strides = array<i32>} : memref<512x64xf32, #tpu.memory_space<vmem>>, vector<16xf32>,
      %parallel_loop3A_647 = arith.constant 8.000000e+00 : f32
      %parallel_loop3A_648 = vector.broadcast %parallel_loop3A_647 : f32 to vector<16xf32>
      %parallel_loop3A_649 = arith.mulf %parallel_loop3A_646, %parallel_loop3A_648 : vector<16xf32>
      %parallel_loop3A_650 = arith.addf %parallel_loop3A_649, %get3A_99 : vector<16xf32>
      %parallel_loop3A_651 = arith.constant 0 : i32
      %parallel_loop3A_652 = arith.constant 0 : i32
      %parallel_loop3A_653 = arith.constant 0 : i32
      %parallel_loop3A_654 = arith.constant 0 : i32
      %parallel_loop3A_655 = tpu.memref_slice %arg8[%parallel_loop3A_651, %parallel_loop3A_652, %parallel_loop3A_653, %parallel_loop3A_654] : memref<4x8x8x129xf32, #tpu.memory_space<vmem>> -> memref<1x8x8x129xf32, #tpu.memory_space<vmem>>
      %parallel_loop3A_656 = tpu.memref_squeeze %parallel_loop3A_655 : memref<1x8x8x129xf32, #tpu.memory_space<vmem>> -> memref<8x8x129xf32, #tpu.memory_space<vmem>>
      tpu.vector_store_idx %parallel_loop3A_656[%shift_right_arithmetic3A_95, %and3A_97, %parallel_loop3A_643], %parallel_loop3A_650 : memref<8x8x129xf32, #tpu.memory_space<vmem>>[vector<16xi32>, vector<16xi32>, vector<16xi32>], vector<16xf32>,
      %parallel_loop3A_657 = arith.index_cast %parallel_loop3A_642 : i32 to index
      %parallel_loop3A_658 = arith.constant 16 : index
      %parallel_loop3A_659 = tpu.vector_load %arg7[%parallel_loop3A_657, %parallel_loop3A_658] {strides = array<i32>} : memref<512x64xf32, #tpu.memory_space<vmem>>, vector<16xf32>,
      %parallel_loop3A_660 = arith.constant 8.000000e+00 : f32
      %parallel_loop3A_661 = vector.broadcast %parallel_loop3A_660 : f32 to vector<16xf32>
      %parallel_loop3A_662 = arith.mulf %parallel_loop3A_659, %parallel_loop3A_661 : vector<16xf32>
      %parallel_loop3A_663 = arith.addf %parallel_loop3A_662, %get3A_111 : vector<16xf32>
      %parallel_loop3A_664 = arith.constant 0 : i32
      %parallel_loop3A_665 = arith.constant 0 : i32
      %parallel_loop3A_666 = arith.constant 0 : i32
      %parallel_loop3A_667 = arith.constant 0 : i32
      %parallel_loop3A_668 = tpu.memref_slice %arg8[%parallel_loop3A_664, %parallel_loop3A_665, %parallel_loop3A_666, %parallel_loop3A_667] : memref<4x8x8x129xf32, #tpu.memory_space<vmem>> -> memref<1x8x8x129xf32, #tpu.memory_space<vmem>>
      %parallel_loop3A_669 = tpu.memref_squeeze %parallel_loop3A_668 : memref<1x8x8x129xf32, #tpu.memory_space<vmem>> -> memref<8x8x129xf32, #tpu.memory_space<vmem>>
      tpu.vector_store_idx %parallel_loop3A_669[%shift_right_arithmetic3A_105, %and3A_108, %parallel_loop3A_643], %parallel_loop3A_663 : memref<8x8x129xf32, #tpu.memory_space<vmem>>[vector<16xi32>, vector<16xi32>, vector<16xi32>], vector<16xf32>,
      %parallel_loop3A_670 = arith.index_cast %parallel_loop3A_642 : i32 to index
      %parallel_loop3A_671 = arith.constant 32 : index
      %parallel_loop3A_672 = tpu.vector_load %arg7[%parallel_loop3A_670, %parallel_loop3A_671] {strides = array<i32>} : memref<512x64xf32, #tpu.memory_space<vmem>>, vector<16xf32>,
      %parallel_loop3A_673 = arith.constant 8.000000e+00 : f32
      %parallel_loop3A_674 = vector.broadcast %parallel_loop3A_673 : f32 to vector<16xf32>
      %parallel_loop3A_675 = arith.mulf %parallel_loop3A_672, %parallel_loop3A_674 : vector<16xf32>
      %parallel_loop3A_676 = arith.addf %parallel_loop3A_675, %get3A_123 : vector<16xf32>
      %parallel_loop3A_677 = arith.constant 0 : i32
      %parallel_loop3A_678 = arith.constant 0 : i32
      %parallel_loop3A_679 = arith.constant 0 : i32
      %parallel_loop3A_680 = arith.constant 0 : i32
      %parallel_loop3A_681 = tpu.memref_slice %arg8[%parallel_loop3A_677, %parallel_loop3A_678, %parallel_loop3A_679, %parallel_loop3A_680] : memref<4x8x8x129xf32, #tpu.memory_space<vmem>> -> memref<1x8x8x129xf32, #tpu.memory_space<vmem>>
      %parallel_loop3A_682 = tpu.memref_squeeze %parallel_loop3A_681 : memref<1x8x8x129xf32, #tpu.memory_space<vmem>> -> memref<8x8x129xf32, #tpu.memory_space<vmem>>
      tpu.vector_store_idx %parallel_loop3A_682[%shift_right_arithmetic3A_117, %and3A_120, %parallel_loop3A_643], %parallel_loop3A_676 : memref<8x8x129xf32, #tpu.memory_space<vmem>>[vector<16xi32>, vector<16xi32>, vector<16xi32>], vector<16xf32>,
      %parallel_loop3A_683 = arith.index_cast %parallel_loop3A_642 : i32 to index
      %parallel_loop3A_684 = arith.constant 48 : index
      %parallel_loop3A_685 = tpu.vector_load %arg7[%parallel_loop3A_683, %parallel_loop3A_684] {strides = array<i32>} : memref<512x64xf32, #tpu.memory_space<vmem>>, vector<16xf32>,
      %parallel_loop3A_686 = arith.constant 8.000000e+00 : f32
      %parallel_loop3A_687 = vector.broadcast %parallel_loop3A_686 : f32 to vector<16xf32>
      %parallel_loop3A_688 = arith.mulf %parallel_loop3A_685, %parallel_loop3A_687 : vector<16xf32>
      %parallel_loop3A_689 = arith.addf %parallel_loop3A_688, %get3A_135 : vector<16xf32>
      %parallel_loop3A_690 = arith.constant 0 : i32
      %parallel_loop3A_691 = arith.constant 0 : i32
      %parallel_loop3A_692 = arith.constant 0 : i32
      %parallel_loop3A_693 = arith.constant 0 : i32
      %parallel_loop3A_694 = tpu.memref_slice %arg8[%parallel_loop3A_690, %parallel_loop3A_691, %parallel_loop3A_692, %parallel_loop3A_693] : memref<4x8x8x129xf32, #tpu.memory_space<vmem>> -> memref<1x8x8x129xf32, #tpu.memory_space<vmem>>
      %parallel_loop3A_695 = tpu.memref_squeeze %parallel_loop3A_694 : memref<1x8x8x129xf32, #tpu.memory_space<vmem>> -> memref<8x8x129xf32, #tpu.memory_space<vmem>>
      tpu.vector_store_idx %parallel_loop3A_695[%shift_right_arithmetic3A_129, %and3A_132, %parallel_loop3A_643], %parallel_loop3A_689 : memref<8x8x129xf32, #tpu.memory_space<vmem>>[vector<16xi32>, vector<16xi32>, vector<16xi32>], vector<16xf32>,
    } {sc.loop_unroll_factor = 4 : i64, sc.parallel_access}
    %add3A_138 = arith.constant 196 : i32
    %add3A_139 = arith.addi %mul3A_2, %add3A_138 : i32
    %div3A_140 = arith.constant 32 : i32
    %div3A_141 = arith.divsi %add3A_139, %div3A_140 : i32
    %rem3A = arith.constant 32 : i32
    %rem3A_142 = arith.remsi %add3A_139, %rem3A : i32
    %dma_start3A_143 = arith.constant 0 : i32
    %dma_start3A_144 = arith.constant 0 : i32
    %dma_start3A_145 = arith.constant 0 : i32
    %dma_start3A_146 = arith.constant 0 : i32
    %dma_start3A_147 = arith.constant 0 : i32
    %dma_start3A_148 = tpu.memref_slice %arg8[%dma_start3A_143, %dma_start3A_145, %dma_start3A_146, %dma_start3A_147] : memref<4x8x8x129xf32, #tpu.memory_space<vmem>> -> memref<1x8x8x128xf32, #tpu.memory_space<vmem>>
    %dma_start3A_149 = tpu.memref_squeeze %dma_start3A_148 : memref<1x8x8x128xf32, #tpu.memory_space<vmem>> -> memref<8x8x128xf32, #tpu.memory_space<vmem>>
    %dma_start3A_150 = arith.constant 0 : i32
    %dma_start3A_151 = arith.constant 0 : i32
    %dma_start3A_152 = arith.constant 0 : i32
    %dma_start3A_153 = tpu.memref_slice %arg5[%div3A_141, %dma_start3A_150, %rem3A_142, %dma_start3A_151, %dma_start3A_152] : memref<200x8x32x8x128xf32, #tpu.memory_space<hbm>> -> memref<1x8x1x8x128xf32, #tpu.memory_space<hbm>>
    %dma_start3A_154 = tpu.memref_squeeze %dma_start3A_153 : memref<1x8x1x8x128xf32, #tpu.memory_space<hbm>> -> memref<8x8x128xf32, #tpu.memory_space<hbm>>
    %dma_start3A_155 = tpu.memref_slice %arg11[%dma_start3A_144] : memref<4x!tpu.dma_semaphore, #tpu.memory_space<semaphore_mem>> -> memref<1x!tpu.dma_semaphore, #tpu.memory_space<semaphore_mem>>
    %dma_start3A_156 = tpu.memref_squeeze %dma_start3A_155 : memref<1x!tpu.dma_semaphore, #tpu.memory_space<semaphore_mem>> -> memref<!tpu.dma_semaphore, #tpu.memory_space<semaphore_mem>>
    %dma_start3A_157 = arith.constant 0 : i32
    %dma_start3A_158 = arith.constant 0 : i32
    %dma_start3A_159 = arith.constant 0 : i32
    %dma_start3A_160 = tpu.memref_slice %arg5[%div3A_141, %dma_start3A_157, %rem3A_142, %dma_start3A_158, %dma_start3A_159] : memref<200x8x32x8x128xf32, #tpu.memory_space<hbm>> -> memref<1x8x1x8x128xf32, #tpu.memory_space<hbm>>
    %dma_start3A_161 = tpu.memref_squeeze %dma_start3A_160 : memref<1x8x1x8x128xf32, #tpu.memory_space<hbm>> -> memref<8x8x128xf32, #tpu.memory_space<hbm>>
    %dma_start3A_162 = arith.constant 0 : i32
    %dma_start3A_163 = arith.constant 0 : i32
    %dma_start3A_164 = arith.constant 0 : i32
    %dma_start3A_165 = tpu.memref_slice %arg8[%dma_start3A_143, %dma_start3A_162, %dma_start3A_163, %dma_start3A_164] : memref<4x8x8x129xf32, #tpu.memory_space<vmem>> -> memref<1x8x8x128xf32, #tpu.memory_space<vmem>>
    %dma_start3A_166 = tpu.memref_squeeze %dma_start3A_165 : memref<1x8x8x128xf32, #tpu.memory_space<vmem>> -> memref<8x8x128xf32, #tpu.memory_space<vmem>>
    tpu.enqueue_dma source(%dma_start3A_166 : memref<8x8x128xf32, #tpu.memory_space<vmem>>) target(%dma_start3A_161 : memref<8x8x128xf32, #tpu.memory_space<hbm>>) target_semaphore(%dma_start3A_156 : memref<!tpu.dma_semaphore, #tpu.memory_space<semaphore_mem>>)
    %dma_wait3A_167 = arith.constant 1 : i32
    %dma_wait3A_168 = arith.constant 128 : i32
    %dma_wait3A_169 = arith.constant 0 : i32
    %dma_wait3A_170 = tpu.memref_slice %arg7[%dma_wait3A_168, %dma_wait3A_169] : memref<512x64xf32, #tpu.memory_space<vmem>> -> memref<128x64xf32, #tpu.memory_space<vmem>>
    %dma_wait3A_171 = arith.constant 25216 : i32
    %dma_wait3A_172 = tpu.memref_slice %arg6[%dma_wait3A_171] : memref<25600xi32, #tpu.memory_space<vmem>> -> memref<128xi32, #tpu.memory_space<vmem>>
    %dma_wait3A_173 = arith.constant 0 : i32
    %dma_wait3A_174 = arith.constant 0 : i32
    %dma_wait3A_175 = tpu.memref_slice %arg4[%dma_wait3A_173, %dma_wait3A_174] : memref<2000000x64xf32, #tpu.memory_space<hbm>> -> memref<2000000x64xf32, #tpu.memory_space<hbm>>
    %dma_wait3A_176 = tpu.memref_slice %arg10[%dma_wait3A_167] : memref<4x!tpu.dma_semaphore, #tpu.memory_space<semaphore_mem>> -> memref<1x!tpu.dma_semaphore, #tpu.memory_space<semaphore_mem>>
    %dma_wait3A_177 = tpu.memref_squeeze %dma_wait3A_176 : memref<1x!tpu.dma_semaphore, #tpu.memory_space<semaphore_mem>> -> memref<!tpu.dma_semaphore, #tpu.memory_space<semaphore_mem>>
    tpu.wait_indirect_dma semaphore(%dma_wait3A_177 : memref<!tpu.dma_semaphore, #tpu.memory_space<semaphore_mem>>) src(%dma_wait3A_175 : memref<2000000x64xf32, #tpu.memory_space<hbm>>) dst(%dma_wait3A_170 : memref<128x64xf32, #tpu.memory_space<vmem>>)
    %dma_wait3A_178 = arith.constant 1 : i32
    %dma_wait3A_179 = arith.constant 0 : i32
    %dma_wait3A_180 = arith.constant 0 : i32
    %dma_wait3A_181 = arith.constant 1 : i32
    %dma_wait3A_182 = arith.constant 0 : i32
    %dma_wait3A_183 = arith.constant 0 : i32
    %dma_wait3A_184 = arith.constant 0 : i32
    %dma_wait3A_185 = tpu.memref_slice %arg8[%dma_wait3A_178, %dma_wait3A_182, %dma_wait3A_183, %dma_wait3A_184] : memref<4x8x8x129xf32, #tpu.memory_space<vmem>> -> memref<1x8x8x128xf32, #tpu.memory_space<vmem>>
    %dma_wait3A_186 = tpu.memref_squeeze %dma_wait3A_185 : memref<1x8x8x128xf32, #tpu.memory_space<vmem>> -> memref<8x8x128xf32, #tpu.memory_space<vmem>>
    %dma_wait3A_187 = arith.constant 0 : i32
    %dma_wait3A_188 = arith.constant 0 : i32
    %dma_wait3A_189 = arith.constant 0 : i32
    %dma_wait3A_190 = tpu.memref_slice %arg5[%dma_wait3A_179, %dma_wait3A_187, %dma_wait3A_180, %dma_wait3A_188, %dma_wait3A_189] : memref<200x8x32x8x128xf32, #tpu.memory_space<hbm>> -> memref<1x8x1x8x128xf32, #tpu.memory_space<hbm>>
    %dma_wait3A_191 = tpu.memref_squeeze %dma_wait3A_190 : memref<1x8x1x8x128xf32, #tpu.memory_space<hbm>> -> memref<8x8x128xf32, #tpu.memory_space<hbm>>
    %dma_wait3A_192 = tpu.memref_slice %arg11[%dma_wait3A_181] : memref<4x!tpu.dma_semaphore, #tpu.memory_space<semaphore_mem>> -> memref<1x!tpu.dma_semaphore, #tpu.memory_space<semaphore_mem>>
    %dma_wait3A_193 = tpu.memref_squeeze %dma_wait3A_192 : memref<1x!tpu.dma_semaphore, #tpu.memory_space<semaphore_mem>> -> memref<!tpu.dma_semaphore, #tpu.memory_space<semaphore_mem>>
    %dma_wait3A_194 = arith.constant 0 : i32
    %dma_wait3A_195 = arith.constant 0 : i32
    %dma_wait3A_196 = arith.constant 0 : i32
    %dma_wait3A_197 = tpu.memref_slice %arg5[%dma_wait3A_179, %dma_wait3A_194, %dma_wait3A_180, %dma_wait3A_195, %dma_wait3A_196] : memref<200x8x32x8x128xf32, #tpu.memory_space<hbm>> -> memref<1x8x1x8x128xf32, #tpu.memory_space<hbm>>
    %dma_wait3A_198 = tpu.memref_squeeze %dma_wait3A_197 : memref<1x8x1x8x128xf32, #tpu.memory_space<hbm>> -> memref<8x8x128xf32, #tpu.memory_space<hbm>>
    %dma_wait3A_199 = arith.constant 0 : i32
    %dma_wait3A_200 = arith.constant 0 : i32
    %dma_wait3A_201 = arith.constant 0 : i32
    %dma_wait3A_202 = tpu.memref_slice %arg8[%dma_wait3A_178, %dma_wait3A_199, %dma_wait3A_200, %dma_wait3A_201] : memref<4x8x8x129xf32, #tpu.memory_space<vmem>> -> memref<1x8x8x128xf32, #tpu.memory_space<vmem>>
    %dma_wait3A_203 = tpu.memref_squeeze %dma_wait3A_202 : memref<1x8x8x128xf32, #tpu.memory_space<vmem>> -> memref<8x8x128xf32, #tpu.memory_space<vmem>>
    tpu.wait_dma2 semaphore(%dma_wait3A_193 : memref<!tpu.dma_semaphore, #tpu.memory_space<semaphore_mem>>) src(%dma_wait3A_203 : memref<8x8x128xf32, #tpu.memory_space<vmem>>) dst(%dma_wait3A_198 : memref<8x8x128xf32, #tpu.memory_space<hbm>>)
    %add3A_204 = arith.constant 197 : i32
    %add3A_205 = arith.addi %mul3A_2, %add3A_204 : i32
    %div3A_206 = arith.constant 32 : i32
    %div3A_207 = arith.divsi %add3A_205, %div3A_206 : i32
    %iota3A_208 = tpu.iota {dimensions = array<i32: 0>} : vector<16xi32>
    %add3A_209 = arith.constant 0 : i32
    %add3A_210 = vector.broadcast %add3A_209 : i32 to vector<16xi32>
    %add3A_211 = arith.addi %iota3A_208, %add3A_210 : vector<16xi32>
    %shift_right_arithmetic3A_212 = arith.constant 3 : i32
    %shift_right_arithmetic3A_213 = vector.broadcast %shift_right_arithmetic3A_212 : i32 to vector<16xi32>
    %shift_right_arithmetic3A_214 = arith.shrsi %add3A_211, %shift_right_arithmetic3A_213 : vector<16xi32>
    %and3A_215 = arith.constant 7 : i32
    %and3A_216 = vector.broadcast %and3A_215 : i32 to vector<16xi32>
    %and3A_217 = arith.andi %add3A_211, %and3A_216 : vector<16xi32>
    %get3A_218 = arith.index_cast %div3A_207 : i32 to index
    %get3A_219 = arith.constant 0 : index
    %get3A_220 = tpu.vector_load %arg9[%get3A_218, %get3A_219] {strides = array<i32>} : memref<200x64xf32, #tpu.memory_space<vmem>>, vector<16xf32>,
    %add3A_221 = arith.constant 16 : i32
    %add3A_222 = vector.broadcast %add3A_221 : i32 to vector<16xi32>
    %add3A_223 = arith.addi %iota3A_208, %add3A_222 : vector<16xi32>
    %shift_right_arithmetic3A_224 = arith.constant 3 : i32
    %shift_right_arithmetic3A_225 = vector.broadcast %shift_right_arithmetic3A_224 : i32 to vector<16xi32>
    %shift_right_arithmetic3A_226 = arith.shrsi %add3A_223, %shift_right_arithmetic3A_225 : vector<16xi32>
    %and3A_227 = arith.constant 7 : i32
    %and3A_228 = vector.broadcast %and3A_227 : i32 to vector<16xi32>
    %and3A_229 = arith.andi %add3A_223, %and3A_228 : vector<16xi32>
    %get3A_230 = arith.index_cast %div3A_207 : i32 to index
    %get3A_231 = arith.constant 16 : index
    %get3A_232 = tpu.vector_load %arg9[%get3A_230, %get3A_231] {strides = array<i32>} : memref<200x64xf32, #tpu.memory_space<vmem>>, vector<16xf32>,
    %add3A_233 = arith.constant 32 : i32
    %add3A_234 = vector.broadcast %add3A_233 : i32 to vector<16xi32>
    %add3A_235 = arith.addi %iota3A_208, %add3A_234 : vector<16xi32>
    %shift_right_arithmetic3A_236 = arith.constant 3 : i32
    %shift_right_arithmetic3A_237 = vector.broadcast %shift_right_arithmetic3A_236 : i32 to vector<16xi32>
    %shift_right_arithmetic3A_238 = arith.shrsi %add3A_235, %shift_right_arithmetic3A_237 : vector<16xi32>
    %and3A_239 = arith.constant 7 : i32
    %and3A_240 = vector.broadcast %and3A_239 : i32 to vector<16xi32>
    %and3A_241 = arith.andi %add3A_235, %and3A_240 : vector<16xi32>
    %get3A_242 = arith.index_cast %div3A_207 : i32 to index
    %get3A_243 = arith.constant 32 : index
    %get3A_244 = tpu.vector_load %arg9[%get3A_242, %get3A_243] {strides = array<i32>} : memref<200x64xf32, #tpu.memory_space<vmem>>, vector<16xf32>,
    %add3A_245 = arith.constant 48 : i32
    %add3A_246 = vector.broadcast %add3A_245 : i32 to vector<16xi32>
    %add3A_247 = arith.addi %iota3A_208, %add3A_246 : vector<16xi32>
    %shift_right_arithmetic3A_248 = arith.constant 3 : i32
    %shift_right_arithmetic3A_249 = vector.broadcast %shift_right_arithmetic3A_248 : i32 to vector<16xi32>
    %shift_right_arithmetic3A_250 = arith.shrsi %add3A_247, %shift_right_arithmetic3A_249 : vector<16xi32>
    %and3A_251 = arith.constant 7 : i32
    %and3A_252 = vector.broadcast %and3A_251 : i32 to vector<16xi32>
    %and3A_253 = arith.andi %add3A_247, %and3A_252 : vector<16xi32>
    %get3A_254 = arith.index_cast %div3A_207 : i32 to index
    %get3A_255 = arith.constant 48 : index
    %get3A_256 = tpu.vector_load %arg9[%get3A_254, %get3A_255] {strides = array<i32>} : memref<200x64xf32, #tpu.memory_space<vmem>>, vector<16xf32>,
    %parallel_loop3A_257 = arith.constant 0 : i32
    %parallel_loop3A_258 = arith.constant 128 : i32
    %parallel_loop3A_259 = arith.constant 1 : i32
    scf.for %parallel_loop3A_640 = %parallel_loop3A_257 to %parallel_loop3A_258 step %parallel_loop3A_259  : i32 {
      %parallel_loop3A_641 = arith.constant 128 : i32
      %parallel_loop3A_642 = arith.addi %parallel_loop3A_641, %parallel_loop3A_640 : i32
      %parallel_loop3A_643 = vector.broadcast %parallel_loop3A_640 : i32 to vector<16xi32>
      %parallel_loop3A_644 = arith.index_cast %parallel_loop3A_642 : i32 to index
      %parallel_loop3A_645 = arith.constant 0 : index
      %parallel_loop3A_646 = tpu.vector_load %arg7[%parallel_loop3A_644, %parallel_loop3A_645] {strides = array<i32>} : memref<512x64xf32, #tpu.memory_space<vmem>>, vector<16xf32>,
      %parallel_loop3A_647 = arith.constant 8.000000e+00 : f32
      %parallel_loop3A_648 = vector.broadcast %parallel_loop3A_647 : f32 to vector<16xf32>
      %parallel_loop3A_649 = arith.mulf %parallel_loop3A_646, %parallel_loop3A_648 : vector<16xf32>
      %parallel_loop3A_650 = arith.addf %parallel_loop3A_649, %get3A_220 : vector<16xf32>
      %parallel_loop3A_651 = arith.constant 1 : i32
      %parallel_loop3A_652 = arith.constant 0 : i32
      %parallel_loop3A_653 = arith.constant 0 : i32
      %parallel_loop3A_654 = arith.constant 0 : i32
      %parallel_loop3A_655 = tpu.memref_slice %arg8[%parallel_loop3A_651, %parallel_loop3A_652, %parallel_loop3A_653, %parallel_loop3A_654] : memref<4x8x8x129xf32, #tpu.memory_space<vmem>> -> memref<1x8x8x129xf32, #tpu.memory_space<vmem>>
      %parallel_loop3A_656 = tpu.memref_squeeze %parallel_loop3A_655 : memref<1x8x8x129xf32, #tpu.memory_space<vmem>> -> memref<8x8x129xf32, #tpu.memory_space<vmem>>
      tpu.vector_store_idx %parallel_loop3A_656[%shift_right_arithmetic3A_214, %and3A_217, %parallel_loop3A_643], %parallel_loop3A_650 : memref<8x8x129xf32, #tpu.memory_space<vmem>>[vector<16xi32>, vector<16xi32>, vector<16xi32>], vector<16xf32>,
      %parallel_loop3A_657 = arith.index_cast %parallel_loop3A_642 : i32 to index
      %parallel_loop3A_658 = arith.constant 16 : index
      %parallel_loop3A_659 = tpu.vector_load %arg7[%parallel_loop3A_657, %parallel_loop3A_658] {strides = array<i32>} : memref<512x64xf32, #tpu.memory_space<vmem>>, vector<16xf32>,
      %parallel_loop3A_660 = arith.constant 8.000000e+00 : f32
      %parallel_loop3A_661 = vector.broadcast %parallel_loop3A_660 : f32 to vector<16xf32>
      %parallel_loop3A_662 = arith.mulf %parallel_loop3A_659, %parallel_loop3A_661 : vector<16xf32>
      %parallel_loop3A_663 = arith.addf %parallel_loop3A_662, %get3A_232 : vector<16xf32>
      %parallel_loop3A_664 = arith.constant 1 : i32
      %parallel_loop3A_665 = arith.constant 0 : i32
      %parallel_loop3A_666 = arith.constant 0 : i32
      %parallel_loop3A_667 = arith.constant 0 : i32
      %parallel_loop3A_668 = tpu.memref_slice %arg8[%parallel_loop3A_664, %parallel_loop3A_665, %parallel_loop3A_666, %parallel_loop3A_667] : memref<4x8x8x129xf32, #tpu.memory_space<vmem>> -> memref<1x8x8x129xf32, #tpu.memory_space<vmem>>
      %parallel_loop3A_669 = tpu.memref_squeeze %parallel_loop3A_668 : memref<1x8x8x129xf32, #tpu.memory_space<vmem>> -> memref<8x8x129xf32, #tpu.memory_space<vmem>>
      tpu.vector_store_idx %parallel_loop3A_669[%shift_right_arithmetic3A_226, %and3A_229, %parallel_loop3A_643], %parallel_loop3A_663 : memref<8x8x129xf32, #tpu.memory_space<vmem>>[vector<16xi32>, vector<16xi32>, vector<16xi32>], vector<16xf32>,
      %parallel_loop3A_670 = arith.index_cast %parallel_loop3A_642 : i32 to index
      %parallel_loop3A_671 = arith.constant 32 : index
      %parallel_loop3A_672 = tpu.vector_load %arg7[%parallel_loop3A_670, %parallel_loop3A_671] {strides = array<i32>} : memref<512x64xf32, #tpu.memory_space<vmem>>, vector<16xf32>,
      %parallel_loop3A_673 = arith.constant 8.000000e+00 : f32
      %parallel_loop3A_674 = vector.broadcast %parallel_loop3A_673 : f32 to vector<16xf32>
      %parallel_loop3A_675 = arith.mulf %parallel_loop3A_672, %parallel_loop3A_674 : vector<16xf32>
      %parallel_loop3A_676 = arith.addf %parallel_loop3A_675, %get3A_244 : vector<16xf32>
      %parallel_loop3A_677 = arith.constant 1 : i32
      %parallel_loop3A_678 = arith.constant 0 : i32
      %parallel_loop3A_679 = arith.constant 0 : i32
      %parallel_loop3A_680 = arith.constant 0 : i32
      %parallel_loop3A_681 = tpu.memref_slice %arg8[%parallel_loop3A_677, %parallel_loop3A_678, %parallel_loop3A_679, %parallel_loop3A_680] : memref<4x8x8x129xf32, #tpu.memory_space<vmem>> -> memref<1x8x8x129xf32, #tpu.memory_space<vmem>>
      %parallel_loop3A_682 = tpu.memref_squeeze %parallel_loop3A_681 : memref<1x8x8x129xf32, #tpu.memory_space<vmem>> -> memref<8x8x129xf32, #tpu.memory_space<vmem>>
      tpu.vector_store_idx %parallel_loop3A_682[%shift_right_arithmetic3A_238, %and3A_241, %parallel_loop3A_643], %parallel_loop3A_676 : memref<8x8x129xf32, #tpu.memory_space<vmem>>[vector<16xi32>, vector<16xi32>, vector<16xi32>], vector<16xf32>,
      %parallel_loop3A_683 = arith.index_cast %parallel_loop3A_642 : i32 to index
      %parallel_loop3A_684 = arith.constant 48 : index
      %parallel_loop3A_685 = tpu.vector_load %arg7[%parallel_loop3A_683, %parallel_loop3A_684] {strides = array<i32>} : memref<512x64xf32, #tpu.memory_space<vmem>>, vector<16xf32>,
      %parallel_loop3A_686 = arith.constant 8.000000e+00 : f32
      %parallel_loop3A_687 = vector.broadcast %parallel_loop3A_686 : f32 to vector<16xf32>
      %parallel_loop3A_688 = arith.mulf %parallel_loop3A_685, %parallel_loop3A_687 : vector<16xf32>
      %parallel_loop3A_689 = arith.addf %parallel_loop3A_688, %get3A_256 : vector<16xf32>
      %parallel_loop3A_690 = arith.constant 1 : i32
      %parallel_loop3A_691 = arith.constant 0 : i32
      %parallel_loop3A_692 = arith.constant 0 : i32
      %parallel_loop3A_693 = arith.constant 0 : i32
      %parallel_loop3A_694 = tpu.memref_slice %arg8[%parallel_loop3A_690, %parallel_loop3A_691, %parallel_loop3A_692, %parallel_loop3A_693] : memref<4x8x8x129xf32, #tpu.memory_space<vmem>> -> memref<1x8x8x129xf32, #tpu.memory_space<vmem>>
      %parallel_loop3A_695 = tpu.memref_squeeze %parallel_loop3A_694 : memref<1x8x8x129xf32, #tpu.memory_space<vmem>> -> memref<8x8x129xf32, #tpu.memory_space<vmem>>
      tpu.vector_store_idx %parallel_loop3A_695[%shift_right_arithmetic3A_250, %and3A_253, %parallel_loop3A_643], %parallel_loop3A_689 : memref<8x8x129xf32, #tpu.memory_space<vmem>>[vector<16xi32>, vector<16xi32>, vector<16xi32>], vector<16xf32>,
    } {sc.loop_unroll_factor = 4 : i64, sc.parallel_access}
    %add3A_260 = arith.constant 197 : i32
    %add3A_261 = arith.addi %mul3A_2, %add3A_260 : i32
    %div3A_262 = arith.constant 32 : i32
    %div3A_263 = arith.divsi %add3A_261, %div3A_262 : i32
    %rem3A_264 = arith.constant 32 : i32
    %rem3A_265 = arith.remsi %add3A_261, %rem3A_264 : i32
    %dma_start3A_266 = arith.constant 1 : i32
    %dma_start3A_267 = arith.constant 1 : i32
    %dma_start3A_268 = arith.constant 0 : i32
    %dma_start3A_269 = arith.constant 0 : i32
    %dma_start3A_270 = arith.constant 0 : i32
    %dma_start3A_271 = tpu.memref_slice %arg8[%dma_start3A_266, %dma_start3A_268, %dma_start3A_269, %dma_start3A_270] : memref<4x8x8x129xf32, #tpu.memory_space<vmem>> -> memref<1x8x8x128xf32, #tpu.memory_space<vmem>>
    %dma_start3A_272 = tpu.memref_squeeze %dma_start3A_271 : memref<1x8x8x128xf32, #tpu.memory_space<vmem>> -> memref<8x8x128xf32, #tpu.memory_space<vmem>>
    %dma_start3A_273 = arith.constant 0 : i32
    %dma_start3A_274 = arith.constant 0 : i32
    %dma_start3A_275 = arith.constant 0 : i32
    %dma_start3A_276 = tpu.memref_slice %arg5[%div3A_263, %dma_start3A_273, %rem3A_265, %dma_start3A_274, %dma_start3A_275] : memref<200x8x32x8x128xf32, #tpu.memory_space<hbm>> -> memref<1x8x1x8x128xf32, #tpu.memory_space<hbm>>
    %dma_start3A_277 = tpu.memref_squeeze %dma_start3A_276 : memref<1x8x1x8x128xf32, #tpu.memory_space<hbm>> -> memref<8x8x128xf32, #tpu.memory_space<hbm>>
    %dma_start3A_278 = tpu.memref_slice %arg11[%dma_start3A_267] : memref<4x!tpu.dma_semaphore, #tpu.memory_space<semaphore_mem>> -> memref<1x!tpu.dma_semaphore, #tpu.memory_space<semaphore_mem>>
    %dma_start3A_279 = tpu.memref_squeeze %dma_start3A_278 : memref<1x!tpu.dma_semaphore, #tpu.memory_space<semaphore_mem>> -> memref<!tpu.dma_semaphore, #tpu.memory_space<semaphore_mem>>
    %dma_start3A_280 = arith.constant 0 : i32
    %dma_start3A_281 = arith.constant 0 : i32
    %dma_start3A_282 = arith.constant 0 : i32
    %dma_start3A_283 = tpu.memref_slice %arg5[%div3A_263, %dma_start3A_280, %rem3A_265, %dma_start3A_281, %dma_start3A_282] : memref<200x8x32x8x128xf32, #tpu.memory_space<hbm>> -> memref<1x8x1x8x128xf32, #tpu.memory_space<hbm>>
    %dma_start3A_284 = tpu.memref_squeeze %dma_start3A_283 : memref<1x8x1x8x128xf32, #tpu.memory_space<hbm>> -> memref<8x8x128xf32, #tpu.memory_space<hbm>>
    %dma_start3A_285 = arith.constant 0 : i32
    %dma_start3A_286 = arith.constant 0 : i32
    %dma_start3A_287 = arith.constant 0 : i32
    %dma_start3A_288 = tpu.memref_slice %arg8[%dma_start3A_266, %dma_start3A_285, %dma_start3A_286, %dma_start3A_287] : memref<4x8x8x129xf32, #tpu.memory_space<vmem>> -> memref<1x8x8x128xf32, #tpu.memory_space<vmem>>
    %dma_start3A_289 = tpu.memref_squeeze %dma_start3A_288 : memref<1x8x8x128xf32, #tpu.memory_space<vmem>> -> memref<8x8x128xf32, #tpu.memory_space<vmem>>
    tpu.enqueue_dma source(%dma_start3A_289 : memref<8x8x128xf32, #tpu.memory_space<vmem>>) target(%dma_start3A_284 : memref<8x8x128xf32, #tpu.memory_space<hbm>>) target_semaphore(%dma_start3A_279 : memref<!tpu.dma_semaphore, #tpu.memory_space<semaphore_mem>>)
    %dma_wait3A_290 = arith.constant 2 : i32
    %dma_wait3A_291 = arith.constant 256 : i32
    %dma_wait3A_292 = arith.constant 0 : i32
    %dma_wait3A_293 = tpu.memref_slice %arg7[%dma_wait3A_291, %dma_wait3A_292] : memref<512x64xf32, #tpu.memory_space<vmem>> -> memref<128x64xf32, #tpu.memory_space<vmem>>
    %dma_wait3A_294 = arith.constant 25344 : i32
    %dma_wait3A_295 = tpu.memref_slice %arg6[%dma_wait3A_294] : memref<25600xi32, #tpu.memory_space<vmem>> -> memref<128xi32, #tpu.memory_space<vmem>>
    %dma_wait3A_296 = arith.constant 0 : i32
    %dma_wait3A_297 = arith.constant 0 : i32
    %dma_wait3A_298 = tpu.memref_slice %arg4[%dma_wait3A_296, %dma_wait3A_297] : memref<2000000x64xf32, #tpu.memory_space<hbm>> -> memref<2000000x64xf32, #tpu.memory_space<hbm>>
    %dma_wait3A_299 = tpu.memref_slice %arg10[%dma_wait3A_290] : memref<4x!tpu.dma_semaphore, #tpu.memory_space<semaphore_mem>> -> memref<1x!tpu.dma_semaphore, #tpu.memory_space<semaphore_mem>>
    %dma_wait3A_300 = tpu.memref_squeeze %dma_wait3A_299 : memref<1x!tpu.dma_semaphore, #tpu.memory_space<semaphore_mem>> -> memref<!tpu.dma_semaphore, #tpu.memory_space<semaphore_mem>>
    tpu.wait_indirect_dma semaphore(%dma_wait3A_300 : memref<!tpu.dma_semaphore, #tpu.memory_space<semaphore_mem>>) src(%dma_wait3A_298 : memref<2000000x64xf32, #tpu.memory_space<hbm>>) dst(%dma_wait3A_293 : memref<128x64xf32, #tpu.memory_space<vmem>>)
    %dma_wait3A_301 = arith.constant 2 : i32
    %dma_wait3A_302 = arith.constant 0 : i32
    %dma_wait3A_303 = arith.constant 0 : i32
    %dma_wait3A_304 = arith.constant 2 : i32
    %dma_wait3A_305 = arith.constant 0 : i32
    %dma_wait3A_306 = arith.constant 0 : i32
    %dma_wait3A_307 = arith.constant 0 : i32
    %dma_wait3A_308 = tpu.memref_slice %arg8[%dma_wait3A_301, %dma_wait3A_305, %dma_wait3A_306, %dma_wait3A_307] : memref<4x8x8x129xf32, #tpu.memory_space<vmem>> -> memref<1x8x8x128xf32, #tpu.memory_space<vmem>>
    %dma_wait3A_309 = tpu.memref_squeeze %dma_wait3A_308 : memref<1x8x8x128xf32, #tpu.memory_space<vmem>> -> memref<8x8x128xf32, #tpu.memory_space<vmem>>
    %dma_wait3A_310 = arith.constant 0 : i32
    %dma_wait3A_311 = arith.constant 0 : i32
    %dma_wait3A_312 = arith.constant 0 : i32
    %dma_wait3A_313 = tpu.memref_slice %arg5[%dma_wait3A_302, %dma_wait3A_310, %dma_wait3A_303, %dma_wait3A_311, %dma_wait3A_312] : memref<200x8x32x8x128xf32, #tpu.memory_space<hbm>> -> memref<1x8x1x8x128xf32, #tpu.memory_space<hbm>>
    %dma_wait3A_314 = tpu.memref_squeeze %dma_wait3A_313 : memref<1x8x1x8x128xf32, #tpu.memory_space<hbm>> -> memref<8x8x128xf32, #tpu.memory_space<hbm>>
    %dma_wait3A_315 = tpu.memref_slice %arg11[%dma_wait3A_304] : memref<4x!tpu.dma_semaphore, #tpu.memory_space<semaphore_mem>> -> memref<1x!tpu.dma_semaphore, #tpu.memory_space<semaphore_mem>>
    %dma_wait3A_316 = tpu.memref_squeeze %dma_wait3A_315 : memref<1x!tpu.dma_semaphore, #tpu.memory_space<semaphore_mem>> -> memref<!tpu.dma_semaphore, #tpu.memory_space<semaphore_mem>>
    %dma_wait3A_317 = arith.constant 0 : i32
    %dma_wait3A_318 = arith.constant 0 : i32
    %dma_wait3A_319 = arith.constant 0 : i32
    %dma_wait3A_320 = tpu.memref_slice %arg5[%dma_wait3A_302, %dma_wait3A_317, %dma_wait3A_303, %dma_wait3A_318, %dma_wait3A_319] : memref<200x8x32x8x128xf32, #tpu.memory_space<hbm>> -> memref<1x8x1x8x128xf32, #tpu.memory_space<hbm>>
    %dma_wait3A_321 = tpu.memref_squeeze %dma_wait3A_320 : memref<1x8x1x8x128xf32, #tpu.memory_space<hbm>> -> memref<8x8x128xf32, #tpu.memory_space<hbm>>
    %dma_wait3A_322 = arith.constant 0 : i32
    %dma_wait3A_323 = arith.constant 0 : i32
    %dma_wait3A_324 = arith.constant 0 : i32
    %dma_wait3A_325 = tpu.memref_slice %arg8[%dma_wait3A_301, %dma_wait3A_322, %dma_wait3A_323, %dma_wait3A_324] : memref<4x8x8x129xf32, #tpu.memory_space<vmem>> -> memref<1x8x8x128xf32, #tpu.memory_space<vmem>>
    %dma_wait3A_326 = tpu.memref_squeeze %dma_wait3A_325 : memref<1x8x8x128xf32, #tpu.memory_space<vmem>> -> memref<8x8x128xf32, #tpu.memory_space<vmem>>
    tpu.wait_dma2 semaphore(%dma_wait3A_316 : memref<!tpu.dma_semaphore, #tpu.memory_space<semaphore_mem>>) src(%dma_wait3A_326 : memref<8x8x128xf32, #tpu.memory_space<vmem>>) dst(%dma_wait3A_321 : memref<8x8x128xf32, #tpu.memory_space<hbm>>)
    %add3A_327 = arith.constant 198 : i32
    %add3A_328 = arith.addi %mul3A_2, %add3A_327 : i32
    %div3A_329 = arith.constant 32 : i32
    %div3A_330 = arith.divsi %add3A_328, %div3A_329 : i32
    %iota3A_331 = tpu.iota {dimensions = array<i32: 0>} : vector<16xi32>
    %add3A_332 = arith.constant 0 : i32
    %add3A_333 = vector.broadcast %add3A_332 : i32 to vector<16xi32>
    %add3A_334 = arith.addi %iota3A_331, %add3A_333 : vector<16xi32>
    %shift_right_arithmetic3A_335 = arith.constant 3 : i32
    %shift_right_arithmetic3A_336 = vector.broadcast %shift_right_arithmetic3A_335 : i32 to vector<16xi32>
    %shift_right_arithmetic3A_337 = arith.shrsi %add3A_334, %shift_right_arithmetic3A_336 : vector<16xi32>
    %and3A_338 = arith.constant 7 : i32
    %and3A_339 = vector.broadcast %and3A_338 : i32 to vector<16xi32>
    %and3A_340 = arith.andi %add3A_334, %and3A_339 : vector<16xi32>
    %get3A_341 = arith.index_cast %div3A_330 : i32 to index
    %get3A_342 = arith.constant 0 : index
    %get3A_343 = tpu.vector_load %arg9[%get3A_341, %get3A_342] {strides = array<i32>} : memref<200x64xf32, #tpu.memory_space<vmem>>, vector<16xf32>,
    %add3A_344 = arith.constant 16 : i32
    %add3A_345 = vector.broadcast %add3A_344 : i32 to vector<16xi32>
    %add3A_346 = arith.addi %iota3A_331, %add3A_345 : vector<16xi32>
    %shift_right_arithmetic3A_347 = arith.constant 3 : i32
    %shift_right_arithmetic3A_348 = vector.broadcast %shift_right_arithmetic3A_347 : i32 to vector<16xi32>
    %shift_right_arithmetic3A_349 = arith.shrsi %add3A_346, %shift_right_arithmetic3A_348 : vector<16xi32>
    %and3A_350 = arith.constant 7 : i32
    %and3A_351 = vector.broadcast %and3A_350 : i32 to vector<16xi32>
    %and3A_352 = arith.andi %add3A_346, %and3A_351 : vector<16xi32>
    %get3A_353 = arith.index_cast %div3A_330 : i32 to index
    %get3A_354 = arith.constant 16 : index
    %get3A_355 = tpu.vector_load %arg9[%get3A_353, %get3A_354] {strides = array<i32>} : memref<200x64xf32, #tpu.memory_space<vmem>>, vector<16xf32>,
    %add3A_356 = arith.constant 32 : i32
    %add3A_357 = vector.broadcast %add3A_356 : i32 to vector<16xi32>
    %add3A_358 = arith.addi %iota3A_331, %add3A_357 : vector<16xi32>
    %shift_right_arithmetic3A_359 = arith.constant 3 : i32
    %shift_right_arithmetic3A_360 = vector.broadcast %shift_right_arithmetic3A_359 : i32 to vector<16xi32>
    %shift_right_arithmetic3A_361 = arith.shrsi %add3A_358, %shift_right_arithmetic3A_360 : vector<16xi32>
    %and3A_362 = arith.constant 7 : i32
    %and3A_363 = vector.broadcast %and3A_362 : i32 to vector<16xi32>
    %and3A_364 = arith.andi %add3A_358, %and3A_363 : vector<16xi32>
    %get3A_365 = arith.index_cast %div3A_330 : i32 to index
    %get3A_366 = arith.constant 32 : index
    %get3A_367 = tpu.vector_load %arg9[%get3A_365, %get3A_366] {strides = array<i32>} : memref<200x64xf32, #tpu.memory_space<vmem>>, vector<16xf32>,
    %add3A_368 = arith.constant 48 : i32
    %add3A_369 = vector.broadcast %add3A_368 : i32 to vector<16xi32>
    %add3A_370 = arith.addi %iota3A_331, %add3A_369 : vector<16xi32>
    %shift_right_arithmetic3A_371 = arith.constant 3 : i32
    %shift_right_arithmetic3A_372 = vector.broadcast %shift_right_arithmetic3A_371 : i32 to vector<16xi32>
    %shift_right_arithmetic3A_373 = arith.shrsi %add3A_370, %shift_right_arithmetic3A_372 : vector<16xi32>
    %and3A_374 = arith.constant 7 : i32
    %and3A_375 = vector.broadcast %and3A_374 : i32 to vector<16xi32>
    %and3A_376 = arith.andi %add3A_370, %and3A_375 : vector<16xi32>
    %get3A_377 = arith.index_cast %div3A_330 : i32 to index
    %get3A_378 = arith.constant 48 : index
    %get3A_379 = tpu.vector_load %arg9[%get3A_377, %get3A_378] {strides = array<i32>} : memref<200x64xf32, #tpu.memory_space<vmem>>, vector<16xf32>,
    %parallel_loop3A_380 = arith.constant 0 : i32
    %parallel_loop3A_381 = arith.constant 128 : i32
    %parallel_loop3A_382 = arith.constant 1 : i32
    scf.for %parallel_loop3A_640 = %parallel_loop3A_380 to %parallel_loop3A_381 step %parallel_loop3A_382  : i32 {
      %parallel_loop3A_641 = arith.constant 256 : i32
      %parallel_loop3A_642 = arith.addi %parallel_loop3A_641, %parallel_loop3A_640 : i32
      %parallel_loop3A_643 = vector.broadcast %parallel_loop3A_640 : i32 to vector<16xi32>
      %parallel_loop3A_644 = arith.index_cast %parallel_loop3A_642 : i32 to index
      %parallel_loop3A_645 = arith.constant 0 : index
      %parallel_loop3A_646 = tpu.vector_load %arg7[%parallel_loop3A_644, %parallel_loop3A_645] {strides = array<i32>} : memref<512x64xf32, #tpu.memory_space<vmem>>, vector<16xf32>,
      %parallel_loop3A_647 = arith.constant 8.000000e+00 : f32
      %parallel_loop3A_648 = vector.broadcast %parallel_loop3A_647 : f32 to vector<16xf32>
      %parallel_loop3A_649 = arith.mulf %parallel_loop3A_646, %parallel_loop3A_648 : vector<16xf32>
      %parallel_loop3A_650 = arith.addf %parallel_loop3A_649, %get3A_343 : vector<16xf32>
      %parallel_loop3A_651 = arith.constant 2 : i32
      %parallel_loop3A_652 = arith.constant 0 : i32
      %parallel_loop3A_653 = arith.constant 0 : i32
      %parallel_loop3A_654 = arith.constant 0 : i32
      %parallel_loop3A_655 = tpu.memref_slice %arg8[%parallel_loop3A_651, %parallel_loop3A_652, %parallel_loop3A_653, %parallel_loop3A_654] : memref<4x8x8x129xf32, #tpu.memory_space<vmem>> -> memref<1x8x8x129xf32, #tpu.memory_space<vmem>>
      %parallel_loop3A_656 = tpu.memref_squeeze %parallel_loop3A_655 : memref<1x8x8x129xf32, #tpu.memory_space<vmem>> -> memref<8x8x129xf32, #tpu.memory_space<vmem>>
      tpu.vector_store_idx %parallel_loop3A_656[%shift_right_arithmetic3A_337, %and3A_340, %parallel_loop3A_643], %parallel_loop3A_650 : memref<8x8x129xf32, #tpu.memory_space<vmem>>[vector<16xi32>, vector<16xi32>, vector<16xi32>], vector<16xf32>,
      %parallel_loop3A_657 = arith.index_cast %parallel_loop3A_642 : i32 to index
      %parallel_loop3A_658 = arith.constant 16 : index
      %parallel_loop3A_659 = tpu.vector_load %arg7[%parallel_loop3A_657, %parallel_loop3A_658] {strides = array<i32>} : memref<512x64xf32, #tpu.memory_space<vmem>>, vector<16xf32>,
      %parallel_loop3A_660 = arith.constant 8.000000e+00 : f32
      %parallel_loop3A_661 = vector.broadcast %parallel_loop3A_660 : f32 to vector<16xf32>
      %parallel_loop3A_662 = arith.mulf %parallel_loop3A_659, %parallel_loop3A_661 : vector<16xf32>
      %parallel_loop3A_663 = arith.addf %parallel_loop3A_662, %get3A_355 : vector<16xf32>
      %parallel_loop3A_664 = arith.constant 2 : i32
      %parallel_loop3A_665 = arith.constant 0 : i32
      %parallel_loop3A_666 = arith.constant 0 : i32
      %parallel_loop3A_667 = arith.constant 0 : i32
      %parallel_loop3A_668 = tpu.memref_slice %arg8[%parallel_loop3A_664, %parallel_loop3A_665, %parallel_loop3A_666, %parallel_loop3A_667] : memref<4x8x8x129xf32, #tpu.memory_space<vmem>> -> memref<1x8x8x129xf32, #tpu.memory_space<vmem>>
      %parallel_loop3A_669 = tpu.memref_squeeze %parallel_loop3A_668 : memref<1x8x8x129xf32, #tpu.memory_space<vmem>> -> memref<8x8x129xf32, #tpu.memory_space<vmem>>
      tpu.vector_store_idx %parallel_loop3A_669[%shift_right_arithmetic3A_349, %and3A_352, %parallel_loop3A_643], %parallel_loop3A_663 : memref<8x8x129xf32, #tpu.memory_space<vmem>>[vector<16xi32>, vector<16xi32>, vector<16xi32>], vector<16xf32>,
      %parallel_loop3A_670 = arith.index_cast %parallel_loop3A_642 : i32 to index
      %parallel_loop3A_671 = arith.constant 32 : index
      %parallel_loop3A_672 = tpu.vector_load %arg7[%parallel_loop3A_670, %parallel_loop3A_671] {strides = array<i32>} : memref<512x64xf32, #tpu.memory_space<vmem>>, vector<16xf32>,
      %parallel_loop3A_673 = arith.constant 8.000000e+00 : f32
      %parallel_loop3A_674 = vector.broadcast %parallel_loop3A_673 : f32 to vector<16xf32>
      %parallel_loop3A_675 = arith.mulf %parallel_loop3A_672, %parallel_loop3A_674 : vector<16xf32>
      %parallel_loop3A_676 = arith.addf %parallel_loop3A_675, %get3A_367 : vector<16xf32>
      %parallel_loop3A_677 = arith.constant 2 : i32
      %parallel_loop3A_678 = arith.constant 0 : i32
      %parallel_loop3A_679 = arith.constant 0 : i32
      %parallel_loop3A_680 = arith.constant 0 : i32
      %parallel_loop3A_681 = tpu.memref_slice %arg8[%parallel_loop3A_677, %parallel_loop3A_678, %parallel_loop3A_679, %parallel_loop3A_680] : memref<4x8x8x129xf32, #tpu.memory_space<vmem>> -> memref<1x8x8x129xf32, #tpu.memory_space<vmem>>
      %parallel_loop3A_682 = tpu.memref_squeeze %parallel_loop3A_681 : memref<1x8x8x129xf32, #tpu.memory_space<vmem>> -> memref<8x8x129xf32, #tpu.memory_space<vmem>>
      tpu.vector_store_idx %parallel_loop3A_682[%shift_right_arithmetic3A_361, %and3A_364, %parallel_loop3A_643], %parallel_loop3A_676 : memref<8x8x129xf32, #tpu.memory_space<vmem>>[vector<16xi32>, vector<16xi32>, vector<16xi32>], vector<16xf32>,
      %parallel_loop3A_683 = arith.index_cast %parallel_loop3A_642 : i32 to index
      %parallel_loop3A_684 = arith.constant 48 : index
      %parallel_loop3A_685 = tpu.vector_load %arg7[%parallel_loop3A_683, %parallel_loop3A_684] {strides = array<i32>} : memref<512x64xf32, #tpu.memory_space<vmem>>, vector<16xf32>,
      %parallel_loop3A_686 = arith.constant 8.000000e+00 : f32
      %parallel_loop3A_687 = vector.broadcast %parallel_loop3A_686 : f32 to vector<16xf32>
      %parallel_loop3A_688 = arith.mulf %parallel_loop3A_685, %parallel_loop3A_687 : vector<16xf32>
      %parallel_loop3A_689 = arith.addf %parallel_loop3A_688, %get3A_379 : vector<16xf32>
      %parallel_loop3A_690 = arith.constant 2 : i32
      %parallel_loop3A_691 = arith.constant 0 : i32
      %parallel_loop3A_692 = arith.constant 0 : i32
      %parallel_loop3A_693 = arith.constant 0 : i32
      %parallel_loop3A_694 = tpu.memref_slice %arg8[%parallel_loop3A_690, %parallel_loop3A_691, %parallel_loop3A_692, %parallel_loop3A_693] : memref<4x8x8x129xf32, #tpu.memory_space<vmem>> -> memref<1x8x8x129xf32, #tpu.memory_space<vmem>>
      %parallel_loop3A_695 = tpu.memref_squeeze %parallel_loop3A_694 : memref<1x8x8x129xf32, #tpu.memory_space<vmem>> -> memref<8x8x129xf32, #tpu.memory_space<vmem>>
      tpu.vector_store_idx %parallel_loop3A_695[%shift_right_arithmetic3A_373, %and3A_376, %parallel_loop3A_643], %parallel_loop3A_689 : memref<8x8x129xf32, #tpu.memory_space<vmem>>[vector<16xi32>, vector<16xi32>, vector<16xi32>], vector<16xf32>,
    } {sc.loop_unroll_factor = 4 : i64, sc.parallel_access}
    %add3A_383 = arith.constant 198 : i32
    %add3A_384 = arith.addi %mul3A_2, %add3A_383 : i32
    %div3A_385 = arith.constant 32 : i32
    %div3A_386 = arith.divsi %add3A_384, %div3A_385 : i32
    %rem3A_387 = arith.constant 32 : i32
    %rem3A_388 = arith.remsi %add3A_384, %rem3A_387 : i32
    %dma_start3A_389 = arith.constant 2 : i32
    %dma_start3A_390 = arith.constant 2 : i32
    %dma_start3A_391 = arith.constant 0 : i32
    %dma_start3A_392 = arith.constant 0 : i32
    %dma_start3A_393 = arith.constant 0 : i32
    %dma_start3A_394 = tpu.memref_slice %arg8[%dma_start3A_389, %dma_start3A_391, %dma_start3A_392, %dma_start3A_393] : memref<4x8x8x129xf32, #tpu.memory_space<vmem>> -> memref<1x8x8x128xf32, #tpu.memory_space<vmem>>
    %dma_start3A_395 = tpu.memref_squeeze %dma_start3A_394 : memref<1x8x8x128xf32, #tpu.memory_space<vmem>> -> memref<8x8x128xf32, #tpu.memory_space<vmem>>
    %dma_start3A_396 = arith.constant 0 : i32
    %dma_start3A_397 = arith.constant 0 : i32
    %dma_start3A_398 = arith.constant 0 : i32
    %dma_start3A_399 = tpu.memref_slice %arg5[%div3A_386, %dma_start3A_396, %rem3A_388, %dma_start3A_397, %dma_start3A_398] : memref<200x8x32x8x128xf32, #tpu.memory_space<hbm>> -> memref<1x8x1x8x128xf32, #tpu.memory_space<hbm>>
    %dma_start3A_400 = tpu.memref_squeeze %dma_start3A_399 : memref<1x8x1x8x128xf32, #tpu.memory_space<hbm>> -> memref<8x8x128xf32, #tpu.memory_space<hbm>>
    %dma_start3A_401 = tpu.memref_slice %arg11[%dma_start3A_390] : memref<4x!tpu.dma_semaphore, #tpu.memory_space<semaphore_mem>> -> memref<1x!tpu.dma_semaphore, #tpu.memory_space<semaphore_mem>>
    %dma_start3A_402 = tpu.memref_squeeze %dma_start3A_401 : memref<1x!tpu.dma_semaphore, #tpu.memory_space<semaphore_mem>> -> memref<!tpu.dma_semaphore, #tpu.memory_space<semaphore_mem>>
    %dma_start3A_403 = arith.constant 0 : i32
    %dma_start3A_404 = arith.constant 0 : i32
    %dma_start3A_405 = arith.constant 0 : i32
    %dma_start3A_406 = tpu.memref_slice %arg5[%div3A_386, %dma_start3A_403, %rem3A_388, %dma_start3A_404, %dma_start3A_405] : memref<200x8x32x8x128xf32, #tpu.memory_space<hbm>> -> memref<1x8x1x8x128xf32, #tpu.memory_space<hbm>>
    %dma_start3A_407 = tpu.memref_squeeze %dma_start3A_406 : memref<1x8x1x8x128xf32, #tpu.memory_space<hbm>> -> memref<8x8x128xf32, #tpu.memory_space<hbm>>
    %dma_start3A_408 = arith.constant 0 : i32
    %dma_start3A_409 = arith.constant 0 : i32
    %dma_start3A_410 = arith.constant 0 : i32
    %dma_start3A_411 = tpu.memref_slice %arg8[%dma_start3A_389, %dma_start3A_408, %dma_start3A_409, %dma_start3A_410] : memref<4x8x8x129xf32, #tpu.memory_space<vmem>> -> memref<1x8x8x128xf32, #tpu.memory_space<vmem>>
    %dma_start3A_412 = tpu.memref_squeeze %dma_start3A_411 : memref<1x8x8x128xf32, #tpu.memory_space<vmem>> -> memref<8x8x128xf32, #tpu.memory_space<vmem>>
    tpu.enqueue_dma source(%dma_start3A_412 : memref<8x8x128xf32, #tpu.memory_space<vmem>>) target(%dma_start3A_407 : memref<8x8x128xf32, #tpu.memory_space<hbm>>) target_semaphore(%dma_start3A_402 : memref<!tpu.dma_semaphore, #tpu.memory_space<semaphore_mem>>)
    %dma_wait3A_413 = arith.constant 3 : i32
    %dma_wait3A_414 = arith.constant 384 : i32
    %dma_wait3A_415 = arith.constant 0 : i32
    %dma_wait3A_416 = tpu.memref_slice %arg7[%dma_wait3A_414, %dma_wait3A_415] : memref<512x64xf32, #tpu.memory_space<vmem>> -> memref<128x64xf32, #tpu.memory_space<vmem>>
    %dma_wait3A_417 = arith.constant 25472 : i32
    %dma_wait3A_418 = tpu.memref_slice %arg6[%dma_wait3A_417] : memref<25600xi32, #tpu.memory_space<vmem>> -> memref<128xi32, #tpu.memory_space<vmem>>
    %dma_wait3A_419 = arith.constant 0 : i32
    %dma_wait3A_420 = arith.constant 0 : i32
    %dma_wait3A_421 = tpu.memref_slice %arg4[%dma_wait3A_419, %dma_wait3A_420] : memref<2000000x64xf32, #tpu.memory_space<hbm>> -> memref<2000000x64xf32, #tpu.memory_space<hbm>>
    %dma_wait3A_422 = tpu.memref_slice %arg10[%dma_wait3A_413] : memref<4x!tpu.dma_semaphore, #tpu.memory_space<semaphore_mem>> -> memref<1x!tpu.dma_semaphore, #tpu.memory_space<semaphore_mem>>
    %dma_wait3A_423 = tpu.memref_squeeze %dma_wait3A_422 : memref<1x!tpu.dma_semaphore, #tpu.memory_space<semaphore_mem>> -> memref<!tpu.dma_semaphore, #tpu.memory_space<semaphore_mem>>
    tpu.wait_indirect_dma semaphore(%dma_wait3A_423 : memref<!tpu.dma_semaphore, #tpu.memory_space<semaphore_mem>>) src(%dma_wait3A_421 : memref<2000000x64xf32, #tpu.memory_space<hbm>>) dst(%dma_wait3A_416 : memref<128x64xf32, #tpu.memory_space<vmem>>)
    %dma_wait3A_424 = arith.constant 3 : i32
    %dma_wait3A_425 = arith.constant 0 : i32
    %dma_wait3A_426 = arith.constant 0 : i32
    %dma_wait3A_427 = arith.constant 3 : i32
    %dma_wait3A_428 = arith.constant 0 : i32
    %dma_wait3A_429 = arith.constant 0 : i32
    %dma_wait3A_430 = arith.constant 0 : i32
    %dma_wait3A_431 = tpu.memref_slice %arg8[%dma_wait3A_424, %dma_wait3A_428, %dma_wait3A_429, %dma_wait3A_430] : memref<4x8x8x129xf32, #tpu.memory_space<vmem>> -> memref<1x8x8x128xf32, #tpu.memory_space<vmem>>
    %dma_wait3A_432 = tpu.memref_squeeze %dma_wait3A_431 : memref<1x8x8x128xf32, #tpu.memory_space<vmem>> -> memref<8x8x128xf32, #tpu.memory_space<vmem>>
    %dma_wait3A_433 = arith.constant 0 : i32
    %dma_wait3A_434 = arith.constant 0 : i32
    %dma_wait3A_435 = arith.constant 0 : i32
    %dma_wait3A_436 = tpu.memref_slice %arg5[%dma_wait3A_425, %dma_wait3A_433, %dma_wait3A_426, %dma_wait3A_434, %dma_wait3A_435] : memref<200x8x32x8x128xf32, #tpu.memory_space<hbm>> -> memref<1x8x1x8x128xf32, #tpu.memory_space<hbm>>
    %dma_wait3A_437 = tpu.memref_squeeze %dma_wait3A_436 : memref<1x8x1x8x128xf32, #tpu.memory_space<hbm>> -> memref<8x8x128xf32, #tpu.memory_space<hbm>>
    %dma_wait3A_438 = tpu.memref_slice %arg11[%dma_wait3A_427] : memref<4x!tpu.dma_semaphore, #tpu.memory_space<semaphore_mem>> -> memref<1x!tpu.dma_semaphore, #tpu.memory_space<semaphore_mem>>
    %dma_wait3A_439 = tpu.memref_squeeze %dma_wait3A_438 : memref<1x!tpu.dma_semaphore, #tpu.memory_space<semaphore_mem>> -> memref<!tpu.dma_semaphore, #tpu.memory_space<semaphore_mem>>
    %dma_wait3A_440 = arith.constant 0 : i32
    %dma_wait3A_441 = arith.constant 0 : i32
    %dma_wait3A_442 = arith.constant 0 : i32
    %dma_wait3A_443 = tpu.memref_slice %arg5[%dma_wait3A_425, %dma_wait3A_440, %dma_wait3A_426, %dma_wait3A_441, %dma_wait3A_442] : memref<200x8x32x8x128xf32, #tpu.memory_space<hbm>> -> memref<1x8x1x8x128xf32, #tpu.memory_space<hbm>>
    %dma_wait3A_444 = tpu.memref_squeeze %dma_wait3A_443 : memref<1x8x1x8x128xf32, #tpu.memory_space<hbm>> -> memref<8x8x128xf32, #tpu.memory_space<hbm>>
    %dma_wait3A_445 = arith.constant 0 : i32
    %dma_wait3A_446 = arith.constant 0 : i32
    %dma_wait3A_447 = arith.constant 0 : i32
    %dma_wait3A_448 = tpu.memref_slice %arg8[%dma_wait3A_424, %dma_wait3A_445, %dma_wait3A_446, %dma_wait3A_447] : memref<4x8x8x129xf32, #tpu.memory_space<vmem>> -> memref<1x8x8x128xf32, #tpu.memory_space<vmem>>
    %dma_wait3A_449 = tpu.memref_squeeze %dma_wait3A_448 : memref<1x8x8x128xf32, #tpu.memory_space<vmem>> -> memref<8x8x128xf32, #tpu.memory_space<vmem>>
    tpu.wait_dma2 semaphore(%dma_wait3A_439 : memref<!tpu.dma_semaphore, #tpu.memory_space<semaphore_mem>>) src(%dma_wait3A_449 : memref<8x8x128xf32, #tpu.memory_space<vmem>>) dst(%dma_wait3A_444 : memref<8x8x128xf32, #tpu.memory_space<hbm>>)
    %add3A_450 = arith.constant 199 : i32
    %add3A_451 = arith.addi %mul3A_2, %add3A_450 : i32
    %div3A_452 = arith.constant 32 : i32
    %div3A_453 = arith.divsi %add3A_451, %div3A_452 : i32
    %iota3A_454 = tpu.iota {dimensions = array<i32: 0>} : vector<16xi32>
    %add3A_455 = arith.constant 0 : i32
    %add3A_456 = vector.broadcast %add3A_455 : i32 to vector<16xi32>
    %add3A_457 = arith.addi %iota3A_454, %add3A_456 : vector<16xi32>
    %shift_right_arithmetic3A_458 = arith.constant 3 : i32
    %shift_right_arithmetic3A_459 = vector.broadcast %shift_right_arithmetic3A_458 : i32 to vector<16xi32>
    %shift_right_arithmetic3A_460 = arith.shrsi %add3A_457, %shift_right_arithmetic3A_459 : vector<16xi32>
    %and3A_461 = arith.constant 7 : i32
    %and3A_462 = vector.broadcast %and3A_461 : i32 to vector<16xi32>
    %and3A_463 = arith.andi %add3A_457, %and3A_462 : vector<16xi32>
    %get3A_464 = arith.index_cast %div3A_453 : i32 to index
    %get3A_465 = arith.constant 0 : index
    %get3A_466 = tpu.vector_load %arg9[%get3A_464, %get3A_465] {strides = array<i32>} : memref<200x64xf32, #tpu.memory_space<vmem>>, vector<16xf32>,
    %add3A_467 = arith.constant 16 : i32
    %add3A_468 = vector.broadcast %add3A_467 : i32 to vector<16xi32>
    %add3A_469 = arith.addi %iota3A_454, %add3A_468 : vector<16xi32>
    %shift_right_arithmetic3A_470 = arith.constant 3 : i32
    %shift_right_arithmetic3A_471 = vector.broadcast %shift_right_arithmetic3A_470 : i32 to vector<16xi32>
    %shift_right_arithmetic3A_472 = arith.shrsi %add3A_469, %shift_right_arithmetic3A_471 : vector<16xi32>
    %and3A_473 = arith.constant 7 : i32
    %and3A_474 = vector.broadcast %and3A_473 : i32 to vector<16xi32>
    %and3A_475 = arith.andi %add3A_469, %and3A_474 : vector<16xi32>
    %get3A_476 = arith.index_cast %div3A_453 : i32 to index
    %get3A_477 = arith.constant 16 : index
    %get3A_478 = tpu.vector_load %arg9[%get3A_476, %get3A_477] {strides = array<i32>} : memref<200x64xf32, #tpu.memory_space<vmem>>, vector<16xf32>,
    %add3A_479 = arith.constant 32 : i32
    %add3A_480 = vector.broadcast %add3A_479 : i32 to vector<16xi32>
    %add3A_481 = arith.addi %iota3A_454, %add3A_480 : vector<16xi32>
    %shift_right_arithmetic3A_482 = arith.constant 3 : i32
    %shift_right_arithmetic3A_483 = vector.broadcast %shift_right_arithmetic3A_482 : i32 to vector<16xi32>
    %shift_right_arithmetic3A_484 = arith.shrsi %add3A_481, %shift_right_arithmetic3A_483 : vector<16xi32>
    %and3A_485 = arith.constant 7 : i32
    %and3A_486 = vector.broadcast %and3A_485 : i32 to vector<16xi32>
    %and3A_487 = arith.andi %add3A_481, %and3A_486 : vector<16xi32>
    %get3A_488 = arith.index_cast %div3A_453 : i32 to index
    %get3A_489 = arith.constant 32 : index
    %get3A_490 = tpu.vector_load %arg9[%get3A_488, %get3A_489] {strides = array<i32>} : memref<200x64xf32, #tpu.memory_space<vmem>>, vector<16xf32>,
    %add3A_491 = arith.constant 48 : i32
    %add3A_492 = vector.broadcast %add3A_491 : i32 to vector<16xi32>
    %add3A_493 = arith.addi %iota3A_454, %add3A_492 : vector<16xi32>
    %shift_right_arithmetic3A_494 = arith.constant 3 : i32
    %shift_right_arithmetic3A_495 = vector.broadcast %shift_right_arithmetic3A_494 : i32 to vector<16xi32>
    %shift_right_arithmetic3A_496 = arith.shrsi %add3A_493, %shift_right_arithmetic3A_495 : vector<16xi32>
    %and3A_497 = arith.constant 7 : i32
    %and3A_498 = vector.broadcast %and3A_497 : i32 to vector<16xi32>
    %and3A_499 = arith.andi %add3A_493, %and3A_498 : vector<16xi32>
    %get3A_500 = arith.index_cast %div3A_453 : i32 to index
    %get3A_501 = arith.constant 48 : index
    %get3A_502 = tpu.vector_load %arg9[%get3A_500, %get3A_501] {strides = array<i32>} : memref<200x64xf32, #tpu.memory_space<vmem>>, vector<16xf32>,
    %parallel_loop3A_503 = arith.constant 0 : i32
    %parallel_loop3A_504 = arith.constant 128 : i32
    %parallel_loop3A_505 = arith.constant 1 : i32
    scf.for %parallel_loop3A_640 = %parallel_loop3A_503 to %parallel_loop3A_504 step %parallel_loop3A_505  : i32 {
      %parallel_loop3A_641 = arith.constant 384 : i32
      %parallel_loop3A_642 = arith.addi %parallel_loop3A_641, %parallel_loop3A_640 : i32
      %parallel_loop3A_643 = vector.broadcast %parallel_loop3A_640 : i32 to vector<16xi32>
      %parallel_loop3A_644 = arith.index_cast %parallel_loop3A_642 : i32 to index
      %parallel_loop3A_645 = arith.constant 0 : index
      %parallel_loop3A_646 = tpu.vector_load %arg7[%parallel_loop3A_644, %parallel_loop3A_645] {strides = array<i32>} : memref<512x64xf32, #tpu.memory_space<vmem>>, vector<16xf32>,
      %parallel_loop3A_647 = arith.constant 8.000000e+00 : f32
      %parallel_loop3A_648 = vector.broadcast %parallel_loop3A_647 : f32 to vector<16xf32>
      %parallel_loop3A_649 = arith.mulf %parallel_loop3A_646, %parallel_loop3A_648 : vector<16xf32>
      %parallel_loop3A_650 = arith.addf %parallel_loop3A_649, %get3A_466 : vector<16xf32>
      %parallel_loop3A_651 = arith.constant 3 : i32
      %parallel_loop3A_652 = arith.constant 0 : i32
      %parallel_loop3A_653 = arith.constant 0 : i32
      %parallel_loop3A_654 = arith.constant 0 : i32
      %parallel_loop3A_655 = tpu.memref_slice %arg8[%parallel_loop3A_651, %parallel_loop3A_652, %parallel_loop3A_653, %parallel_loop3A_654] : memref<4x8x8x129xf32, #tpu.memory_space<vmem>> -> memref<1x8x8x129xf32, #tpu.memory_space<vmem>>
      %parallel_loop3A_656 = tpu.memref_squeeze %parallel_loop3A_655 : memref<1x8x8x129xf32, #tpu.memory_space<vmem>> -> memref<8x8x129xf32, #tpu.memory_space<vmem>>
      tpu.vector_store_idx %parallel_loop3A_656[%shift_right_arithmetic3A_460, %and3A_463, %parallel_loop3A_643], %parallel_loop3A_650 : memref<8x8x129xf32, #tpu.memory_space<vmem>>[vector<16xi32>, vector<16xi32>, vector<16xi32>], vector<16xf32>,
      %parallel_loop3A_657 = arith.index_cast %parallel_loop3A_642 : i32 to index
      %parallel_loop3A_658 = arith.constant 16 : index
      %parallel_loop3A_659 = tpu.vector_load %arg7[%parallel_loop3A_657, %parallel_loop3A_658] {strides = array<i32>} : memref<512x64xf32, #tpu.memory_space<vmem>>, vector<16xf32>,
      %parallel_loop3A_660 = arith.constant 8.000000e+00 : f32
      %parallel_loop3A_661 = vector.broadcast %parallel_loop3A_660 : f32 to vector<16xf32>
      %parallel_loop3A_662 = arith.mulf %parallel_loop3A_659, %parallel_loop3A_661 : vector<16xf32>
      %parallel_loop3A_663 = arith.addf %parallel_loop3A_662, %get3A_478 : vector<16xf32>
      %parallel_loop3A_664 = arith.constant 3 : i32
      %parallel_loop3A_665 = arith.constant 0 : i32
      %parallel_loop3A_666 = arith.constant 0 : i32
      %parallel_loop3A_667 = arith.constant 0 : i32
      %parallel_loop3A_668 = tpu.memref_slice %arg8[%parallel_loop3A_664, %parallel_loop3A_665, %parallel_loop3A_666, %parallel_loop3A_667] : memref<4x8x8x129xf32, #tpu.memory_space<vmem>> -> memref<1x8x8x129xf32, #tpu.memory_space<vmem>>
      %parallel_loop3A_669 = tpu.memref_squeeze %parallel_loop3A_668 : memref<1x8x8x129xf32, #tpu.memory_space<vmem>> -> memref<8x8x129xf32, #tpu.memory_space<vmem>>
      tpu.vector_store_idx %parallel_loop3A_669[%shift_right_arithmetic3A_472, %and3A_475, %parallel_loop3A_643], %parallel_loop3A_663 : memref<8x8x129xf32, #tpu.memory_space<vmem>>[vector<16xi32>, vector<16xi32>, vector<16xi32>], vector<16xf32>,
      %parallel_loop3A_670 = arith.index_cast %parallel_loop3A_642 : i32 to index
      %parallel_loop3A_671 = arith.constant 32 : index
      %parallel_loop3A_672 = tpu.vector_load %arg7[%parallel_loop3A_670, %parallel_loop3A_671] {strides = array<i32>} : memref<512x64xf32, #tpu.memory_space<vmem>>, vector<16xf32>,
      %parallel_loop3A_673 = arith.constant 8.000000e+00 : f32
      %parallel_loop3A_674 = vector.broadcast %parallel_loop3A_673 : f32 to vector<16xf32>
      %parallel_loop3A_675 = arith.mulf %parallel_loop3A_672, %parallel_loop3A_674 : vector<16xf32>
      %parallel_loop3A_676 = arith.addf %parallel_loop3A_675, %get3A_490 : vector<16xf32>
      %parallel_loop3A_677 = arith.constant 3 : i32
      %parallel_loop3A_678 = arith.constant 0 : i32
      %parallel_loop3A_679 = arith.constant 0 : i32
      %parallel_loop3A_680 = arith.constant 0 : i32
      %parallel_loop3A_681 = tpu.memref_slice %arg8[%parallel_loop3A_677, %parallel_loop3A_678, %parallel_loop3A_679, %parallel_loop3A_680] : memref<4x8x8x129xf32, #tpu.memory_space<vmem>> -> memref<1x8x8x129xf32, #tpu.memory_space<vmem>>
      %parallel_loop3A_682 = tpu.memref_squeeze %parallel_loop3A_681 : memref<1x8x8x129xf32, #tpu.memory_space<vmem>> -> memref<8x8x129xf32, #tpu.memory_space<vmem>>
      tpu.vector_store_idx %parallel_loop3A_682[%shift_right_arithmetic3A_484, %and3A_487, %parallel_loop3A_643], %parallel_loop3A_676 : memref<8x8x129xf32, #tpu.memory_space<vmem>>[vector<16xi32>, vector<16xi32>, vector<16xi32>], vector<16xf32>,
      %parallel_loop3A_683 = arith.index_cast %parallel_loop3A_642 : i32 to index
      %parallel_loop3A_684 = arith.constant 48 : index
      %parallel_loop3A_685 = tpu.vector_load %arg7[%parallel_loop3A_683, %parallel_loop3A_684] {strides = array<i32>} : memref<512x64xf32, #tpu.memory_space<vmem>>, vector<16xf32>,
      %parallel_loop3A_686 = arith.constant 8.000000e+00 : f32
      %parallel_loop3A_687 = vector.broadcast %parallel_loop3A_686 : f32 to vector<16xf32>
      %parallel_loop3A_688 = arith.mulf %parallel_loop3A_685, %parallel_loop3A_687 : vector<16xf32>
      %parallel_loop3A_689 = arith.addf %parallel_loop3A_688, %get3A_502 : vector<16xf32>
      %parallel_loop3A_690 = arith.constant 3 : i32
      %parallel_loop3A_691 = arith.constant 0 : i32
      %parallel_loop3A_692 = arith.constant 0 : i32
      %parallel_loop3A_693 = arith.constant 0 : i32
      %parallel_loop3A_694 = tpu.memref_slice %arg8[%parallel_loop3A_690, %parallel_loop3A_691, %parallel_loop3A_692, %parallel_loop3A_693] : memref<4x8x8x129xf32, #tpu.memory_space<vmem>> -> memref<1x8x8x129xf32, #tpu.memory_space<vmem>>
      %parallel_loop3A_695 = tpu.memref_squeeze %parallel_loop3A_694 : memref<1x8x8x129xf32, #tpu.memory_space<vmem>> -> memref<8x8x129xf32, #tpu.memory_space<vmem>>
      tpu.vector_store_idx %parallel_loop3A_695[%shift_right_arithmetic3A_496, %and3A_499, %parallel_loop3A_643], %parallel_loop3A_689 : memref<8x8x129xf32, #tpu.memory_space<vmem>>[vector<16xi32>, vector<16xi32>, vector<16xi32>], vector<16xf32>,
    } {sc.loop_unroll_factor = 4 : i64, sc.parallel_access}
    %add3A_506 = arith.constant 199 : i32
    %add3A_507 = arith.addi %mul3A_2, %add3A_506 : i32
    %div3A_508 = arith.constant 32 : i32
    %div3A_509 = arith.divsi %add3A_507, %div3A_508 : i32
    %rem3A_510 = arith.constant 32 : i32
    %rem3A_511 = arith.remsi %add3A_507, %rem3A_510 : i32
    %dma_start3A_512 = arith.constant 3 : i32
    %dma_start3A_513 = arith.constant 3 : i32
    %dma_start3A_514 = arith.constant 0 : i32
    %dma_start3A_515 = arith.constant 0 : i32
    %dma_start3A_516 = arith.constant 0 : i32
    %dma_start3A_517 = tpu.memref_slice %arg8[%dma_start3A_512, %dma_start3A_514, %dma_start3A_515, %dma_start3A_516] : memref<4x8x8x129xf32, #tpu.memory_space<vmem>> -> memref<1x8x8x128xf32, #tpu.memory_space<vmem>>
    %dma_start3A_518 = tpu.memref_squeeze %dma_start3A_517 : memref<1x8x8x128xf32, #tpu.memory_space<vmem>> -> memref<8x8x128xf32, #tpu.memory_space<vmem>>
    %dma_start3A_519 = arith.constant 0 : i32
    %dma_start3A_520 = arith.constant 0 : i32
    %dma_start3A_521 = arith.constant 0 : i32
    %dma_start3A_522 = tpu.memref_slice %arg5[%div3A_509, %dma_start3A_519, %rem3A_511, %dma_start3A_520, %dma_start3A_521] : memref<200x8x32x8x128xf32, #tpu.memory_space<hbm>> -> memref<1x8x1x8x128xf32, #tpu.memory_space<hbm>>
    %dma_start3A_523 = tpu.memref_squeeze %dma_start3A_522 : memref<1x8x1x8x128xf32, #tpu.memory_space<hbm>> -> memref<8x8x128xf32, #tpu.memory_space<hbm>>
    %dma_start3A_524 = tpu.memref_slice %arg11[%dma_start3A_513] : memref<4x!tpu.dma_semaphore, #tpu.memory_space<semaphore_mem>> -> memref<1x!tpu.dma_semaphore, #tpu.memory_space<semaphore_mem>>
    %dma_start3A_525 = tpu.memref_squeeze %dma_start3A_524 : memref<1x!tpu.dma_semaphore, #tpu.memory_space<semaphore_mem>> -> memref<!tpu.dma_semaphore, #tpu.memory_space<semaphore_mem>>
    %dma_start3A_526 = arith.constant 0 : i32
    %dma_start3A_527 = arith.constant 0 : i32
    %dma_start3A_528 = arith.constant 0 : i32
    %dma_start3A_529 = tpu.memref_slice %arg5[%div3A_509, %dma_start3A_526, %rem3A_511, %dma_start3A_527, %dma_start3A_528] : memref<200x8x32x8x128xf32, #tpu.memory_space<hbm>> -> memref<1x8x1x8x128xf32, #tpu.memory_space<hbm>>
    %dma_start3A_530 = tpu.memref_squeeze %dma_start3A_529 : memref<1x8x1x8x128xf32, #tpu.memory_space<hbm>> -> memref<8x8x128xf32, #tpu.memory_space<hbm>>
    %dma_start3A_531 = arith.constant 0 : i32
    %dma_start3A_532 = arith.constant 0 : i32
    %dma_start3A_533 = arith.constant 0 : i32
    %dma_start3A_534 = tpu.memref_slice %arg8[%dma_start3A_512, %dma_start3A_531, %dma_start3A_532, %dma_start3A_533] : memref<4x8x8x129xf32, #tpu.memory_space<vmem>> -> memref<1x8x8x128xf32, #tpu.memory_space<vmem>>
    %dma_start3A_535 = tpu.memref_squeeze %dma_start3A_534 : memref<1x8x8x128xf32, #tpu.memory_space<vmem>> -> memref<8x8x128xf32, #tpu.memory_space<vmem>>
    tpu.enqueue_dma source(%dma_start3A_535 : memref<8x8x128xf32, #tpu.memory_space<vmem>>) target(%dma_start3A_530 : memref<8x8x128xf32, #tpu.memory_space<hbm>>) target_semaphore(%dma_start3A_525 : memref<!tpu.dma_semaphore, #tpu.memory_space<semaphore_mem>>)
    %dma_wait3A_536 = arith.constant 0 : i32
    %dma_wait3A_537 = arith.constant 0 : i32
    %dma_wait3A_538 = arith.constant 0 : i32
    %dma_wait3A_539 = arith.constant 0 : i32
    %dma_wait3A_540 = arith.constant 0 : i32
    %dma_wait3A_541 = arith.constant 0 : i32
    %dma_wait3A_542 = arith.constant 0 : i32
    %dma_wait3A_543 = tpu.memref_slice %arg8[%dma_wait3A_536, %dma_wait3A_540, %dma_wait3A_541, %dma_wait3A_542] : memref<4x8x8x129xf32, #tpu.memory_space<vmem>> -> memref<1x8x8x128xf32, #tpu.memory_space<vmem>>
    %dma_wait3A_544 = tpu.memref_squeeze %dma_wait3A_543 : memref<1x8x8x128xf32, #tpu.memory_space<vmem>> -> memref<8x8x128xf32, #tpu.memory_space<vmem>>
    %dma_wait3A_545 = arith.constant 0 : i32
    %dma_wait3A_546 = arith.constant 0 : i32
    %dma_wait3A_547 = arith.constant 0 : i32
    %dma_wait3A_548 = tpu.memref_slice %arg5[%dma_wait3A_537, %dma_wait3A_545, %dma_wait3A_538, %dma_wait3A_546, %dma_wait3A_547] : memref<200x8x32x8x128xf32, #tpu.memory_space<hbm>> -> memref<1x8x1x8x128xf32, #tpu.memory_space<hbm>>
    %dma_wait3A_549 = tpu.memref_squeeze %dma_wait3A_548 : memref<1x8x1x8x128xf32, #tpu.memory_space<hbm>> -> memref<8x8x128xf32, #tpu.memory_space<hbm>>
    %dma_wait3A_550 = tpu.memref_slice %arg11[%dma_wait3A_539] : memref<4x!tpu.dma_semaphore, #tpu.memory_space<semaphore_mem>> -> memref<1x!tpu.dma_semaphore, #tpu.memory_space<semaphore_mem>>
    %dma_wait3A_551 = tpu.memref_squeeze %dma_wait3A_550 : memref<1x!tpu.dma_semaphore, #tpu.memory_space<semaphore_mem>> -> memref<!tpu.dma_semaphore, #tpu.memory_space<semaphore_mem>>
    %dma_wait3A_552 = arith.constant 0 : i32
    %dma_wait3A_553 = arith.constant 0 : i32
    %dma_wait3A_554 = arith.constant 0 : i32
    %dma_wait3A_555 = tpu.memref_slice %arg5[%dma_wait3A_537, %dma_wait3A_552, %dma_wait3A_538, %dma_wait3A_553, %dma_wait3A_554] : memref<200x8x32x8x128xf32, #tpu.memory_space<hbm>> -> memref<1x8x1x8x128xf32, #tpu.memory_space<hbm>>
    %dma_wait3A_556 = tpu.memref_squeeze %dma_wait3A_555 : memref<1x8x1x8x128xf32, #tpu.memory_space<hbm>> -> memref<8x8x128xf32, #tpu.memory_space<hbm>>
    %dma_wait3A_557 = arith.constant 0 : i32
    %dma_wait3A_558 = arith.constant 0 : i32
    %dma_wait3A_559 = arith.constant 0 : i32
    %dma_wait3A_560 = tpu.memref_slice %arg8[%dma_wait3A_536, %dma_wait3A_557, %dma_wait3A_558, %dma_wait3A_559] : memref<4x8x8x129xf32, #tpu.memory_space<vmem>> -> memref<1x8x8x128xf32, #tpu.memory_space<vmem>>
    %dma_wait3A_561 = tpu.memref_squeeze %dma_wait3A_560 : memref<1x8x8x128xf32, #tpu.memory_space<vmem>> -> memref<8x8x128xf32, #tpu.memory_space<vmem>>
    tpu.wait_dma2 semaphore(%dma_wait3A_551 : memref<!tpu.dma_semaphore, #tpu.memory_space<semaphore_mem>>) src(%dma_wait3A_561 : memref<8x8x128xf32, #tpu.memory_space<vmem>>) dst(%dma_wait3A_556 : memref<8x8x128xf32, #tpu.memory_space<hbm>>)
    %dma_wait3A_562 = arith.constant 1 : i32
    %dma_wait3A_563 = arith.constant 0 : i32
    %dma_wait3A_564 = arith.constant 0 : i32
    %dma_wait3A_565 = arith.constant 1 : i32
    %dma_wait3A_566 = arith.constant 0 : i32
    %dma_wait3A_567 = arith.constant 0 : i32
    %dma_wait3A_568 = arith.constant 0 : i32
    %dma_wait3A_569 = tpu.memref_slice %arg8[%dma_wait3A_562, %dma_wait3A_566, %dma_wait3A_567, %dma_wait3A_568] : memref<4x8x8x129xf32, #tpu.memory_space<vmem>> -> memref<1x8x8x128xf32, #tpu.memory_space<vmem>>
    %dma_wait3A_570 = tpu.memref_squeeze %dma_wait3A_569 : memref<1x8x8x128xf32, #tpu.memory_space<vmem>> -> memref<8x8x128xf32, #tpu.memory_space<vmem>>
    %dma_wait3A_571 = arith.constant 0 : i32
    %dma_wait3A_572 = arith.constant 0 : i32
    %dma_wait3A_573 = arith.constant 0 : i32
    %dma_wait3A_574 = tpu.memref_slice %arg5[%dma_wait3A_563, %dma_wait3A_571, %dma_wait3A_564, %dma_wait3A_572, %dma_wait3A_573] : memref<200x8x32x8x128xf32, #tpu.memory_space<hbm>> -> memref<1x8x1x8x128xf32, #tpu.memory_space<hbm>>
    %dma_wait3A_575 = tpu.memref_squeeze %dma_wait3A_574 : memref<1x8x1x8x128xf32, #tpu.memory_space<hbm>> -> memref<8x8x128xf32, #tpu.memory_space<hbm>>
    %dma_wait3A_576 = tpu.memref_slice %arg11[%dma_wait3A_565] : memref<4x!tpu.dma_semaphore, #tpu.memory_space<semaphore_mem>> -> memref<1x!tpu.dma_semaphore, #tpu.memory_space<semaphore_mem>>
    %dma_wait3A_577 = tpu.memref_squeeze %dma_wait3A_576 : memref<1x!tpu.dma_semaphore, #tpu.memory_space<semaphore_mem>> -> memref<!tpu.dma_semaphore, #tpu.memory_space<semaphore_mem>>
    %dma_wait3A_578 = arith.constant 0 : i32
    %dma_wait3A_579 = arith.constant 0 : i32
    %dma_wait3A_580 = arith.constant 0 : i32
    %dma_wait3A_581 = tpu.memref_slice %arg5[%dma_wait3A_563, %dma_wait3A_578, %dma_wait3A_564, %dma_wait3A_579, %dma_wait3A_580] : memref<200x8x32x8x128xf32, #tpu.memory_space<hbm>> -> memref<1x8x1x8x128xf32, #tpu.memory_space<hbm>>
    %dma_wait3A_582 = tpu.memref_squeeze %dma_wait3A_581 : memref<1x8x1x8x128xf32, #tpu.memory_space<hbm>> -> memref<8x8x128xf32, #tpu.memory_space<hbm>>
    %dma_wait3A_583 = arith.constant 0 : i32
    %dma_wait3A_584 = arith.constant 0 : i32
    %dma_wait3A_585 = arith.constant 0 : i32
    %dma_wait3A_586 = tpu.memref_slice %arg8[%dma_wait3A_562, %dma_wait3A_583, %dma_wait3A_584, %dma_wait3A_585] : memref<4x8x8x129xf32, #tpu.memory_space<vmem>> -> memref<1x8x8x128xf32, #tpu.memory_space<vmem>>
    %dma_wait3A_587 = tpu.memref_squeeze %dma_wait3A_586 : memref<1x8x8x128xf32, #tpu.memory_space<vmem>> -> memref<8x8x128xf32, #tpu.memory_space<vmem>>
    tpu.wait_dma2 semaphore(%dma_wait3A_577 : memref<!tpu.dma_semaphore, #tpu.memory_space<semaphore_mem>>) src(%dma_wait3A_587 : memref<8x8x128xf32, #tpu.memory_space<vmem>>) dst(%dma_wait3A_582 : memref<8x8x128xf32, #tpu.memory_space<hbm>>)
    %dma_wait3A_588 = arith.constant 2 : i32
    %dma_wait3A_589 = arith.constant 0 : i32
    %dma_wait3A_590 = arith.constant 0 : i32
    %dma_wait3A_591 = arith.constant 2 : i32
    %dma_wait3A_592 = arith.constant 0 : i32
    %dma_wait3A_593 = arith.constant 0 : i32
    %dma_wait3A_594 = arith.constant 0 : i32
    %dma_wait3A_595 = tpu.memref_slice %arg8[%dma_wait3A_588, %dma_wait3A_592, %dma_wait3A_593, %dma_wait3A_594] : memref<4x8x8x129xf32, #tpu.memory_space<vmem>> -> memref<1x8x8x128xf32, #tpu.memory_space<vmem>>
    %dma_wait3A_596 = tpu.memref_squeeze %dma_wait3A_595 : memref<1x8x8x128xf32, #tpu.memory_space<vmem>> -> memref<8x8x128xf32, #tpu.memory_space<vmem>>
    %dma_wait3A_597 = arith.constant 0 : i32
    %dma_wait3A_598 = arith.constant 0 : i32
    %dma_wait3A_599 = arith.constant 0 : i32
    %dma_wait3A_600 = tpu.memref_slice %arg5[%dma_wait3A_589, %dma_wait3A_597, %dma_wait3A_590, %dma_wait3A_598, %dma_wait3A_599] : memref<200x8x32x8x128xf32, #tpu.memory_space<hbm>> -> memref<1x8x1x8x128xf32, #tpu.memory_space<hbm>>
    %dma_wait3A_601 = tpu.memref_squeeze %dma_wait3A_600 : memref<1x8x1x8x128xf32, #tpu.memory_space<hbm>> -> memref<8x8x128xf32, #tpu.memory_space<hbm>>
    %dma_wait3A_602 = tpu.memref_slice %arg11[%dma_wait3A_591] : memref<4x!tpu.dma_semaphore, #tpu.memory_space<semaphore_mem>> -> memref<1x!tpu.dma_semaphore, #tpu.memory_space<semaphore_mem>>
    %dma_wait3A_603 = tpu.memref_squeeze %dma_wait3A_602 : memref<1x!tpu.dma_semaphore, #tpu.memory_space<semaphore_mem>> -> memref<!tpu.dma_semaphore, #tpu.memory_space<semaphore_mem>>
    %dma_wait3A_604 = arith.constant 0 : i32
    %dma_wait3A_605 = arith.constant 0 : i32
    %dma_wait3A_606 = arith.constant 0 : i32
    %dma_wait3A_607 = tpu.memref_slice %arg5[%dma_wait3A_589, %dma_wait3A_604, %dma_wait3A_590, %dma_wait3A_605, %dma_wait3A_606] : memref<200x8x32x8x128xf32, #tpu.memory_space<hbm>> -> memref<1x8x1x8x128xf32, #tpu.memory_space<hbm>>
    %dma_wait3A_608 = tpu.memref_squeeze %dma_wait3A_607 : memref<1x8x1x8x128xf32, #tpu.memory_space<hbm>> -> memref<8x8x128xf32, #tpu.memory_space<hbm>>
    %dma_wait3A_609 = arith.constant 0 : i32
    %dma_wait3A_610 = arith.constant 0 : i32
    %dma_wait3A_611 = arith.constant 0 : i32
    %dma_wait3A_612 = tpu.memref_slice %arg8[%dma_wait3A_588, %dma_wait3A_609, %dma_wait3A_610, %dma_wait3A_611] : memref<4x8x8x129xf32, #tpu.memory_space<vmem>> -> memref<1x8x8x128xf32, #tpu.memory_space<vmem>>
    %dma_wait3A_613 = tpu.memref_squeeze %dma_wait3A_612 : memref<1x8x8x128xf32, #tpu.memory_space<vmem>> -> memref<8x8x128xf32, #tpu.memory_space<vmem>>
    tpu.wait_dma2 semaphore(%dma_wait3A_603 : memref<!tpu.dma_semaphore, #tpu.memory_space<semaphore_mem>>) src(%dma_wait3A_613 : memref<8x8x128xf32, #tpu.memory_space<vmem>>) dst(%dma_wait3A_608 : memref<8x8x128xf32, #tpu.memory_space<hbm>>)
    %dma_wait3A_614 = arith.constant 3 : i32
    %dma_wait3A_615 = arith.constant 0 : i32
    %dma_wait3A_616 = arith.constant 0 : i32
    %dma_wait3A_617 = arith.constant 3 : i32
    %dma_wait3A_618 = arith.constant 0 : i32
    %dma_wait3A_619 = arith.constant 0 : i32
    %dma_wait3A_620 = arith.constant 0 : i32
    %dma_wait3A_621 = tpu.memref_slice %arg8[%dma_wait3A_614, %dma_wait3A_618, %dma_wait3A_619, %dma_wait3A_620] : memref<4x8x8x129xf32, #tpu.memory_space<vmem>> -> memref<1x8x8x128xf32, #tpu.memory_space<vmem>>
    %dma_wait3A_622 = tpu.memref_squeeze %dma_wait3A_621 : memref<1x8x8x128xf32, #tpu.memory_space<vmem>> -> memref<8x8x128xf32, #tpu.memory_space<vmem>>
    %dma_wait3A_623 = arith.constant 0 : i32
    %dma_wait3A_624 = arith.constant 0 : i32
    %dma_wait3A_625 = arith.constant 0 : i32
    %dma_wait3A_626 = tpu.memref_slice %arg5[%dma_wait3A_615, %dma_wait3A_623, %dma_wait3A_616, %dma_wait3A_624, %dma_wait3A_625] : memref<200x8x32x8x128xf32, #tpu.memory_space<hbm>> -> memref<1x8x1x8x128xf32, #tpu.memory_space<hbm>>
    %dma_wait3A_627 = tpu.memref_squeeze %dma_wait3A_626 : memref<1x8x1x8x128xf32, #tpu.memory_space<hbm>> -> memref<8x8x128xf32, #tpu.memory_space<hbm>>
    %dma_wait3A_628 = tpu.memref_slice %arg11[%dma_wait3A_617] : memref<4x!tpu.dma_semaphore, #tpu.memory_space<semaphore_mem>> -> memref<1x!tpu.dma_semaphore, #tpu.memory_space<semaphore_mem>>
    %dma_wait3A_629 = tpu.memref_squeeze %dma_wait3A_628 : memref<1x!tpu.dma_semaphore, #tpu.memory_space<semaphore_mem>> -> memref<!tpu.dma_semaphore, #tpu.memory_space<semaphore_mem>>
    %dma_wait3A_630 = arith.constant 0 : i32
    %dma_wait3A_631 = arith.constant 0 : i32
    %dma_wait3A_632 = arith.constant 0 : i32
    %dma_wait3A_633 = tpu.memref_slice %arg5[%dma_wait3A_615, %dma_wait3A_630, %dma_wait3A_616, %dma_wait3A_631, %dma_wait3A_632] : memref<200x8x32x8x128xf32, #tpu.memory_space<hbm>> -> memref<1x8x1x8x128xf32, #tpu.memory_space<hbm>>
    %dma_wait3A_634 = tpu.memref_squeeze %dma_wait3A_633 : memref<1x8x1x8x128xf32, #tpu.memory_space<hbm>> -> memref<8x8x128xf32, #tpu.memory_space<hbm>>
    %dma_wait3A_635 = arith.constant 0 : i32
    %dma_wait3A_636 = arith.constant 0 : i32
    %dma_wait3A_637 = arith.constant 0 : i32
    %dma_wait3A_638 = tpu.memref_slice %arg8[%dma_wait3A_614, %dma_wait3A_635, %dma_wait3A_636, %dma_wait3A_637] : memref<4x8x8x129xf32, #tpu.memory_space<vmem>> -> memref<1x8x8x128xf32, #tpu.memory_space<vmem>>
    %dma_wait3A_639 = tpu.memref_squeeze %dma_wait3A_638 : memref<1x8x8x128xf32, #tpu.memory_space<vmem>> -> memref<8x8x128xf32, #tpu.memory_space<vmem>>
    tpu.wait_dma2 semaphore(%dma_wait3A_629 : memref<!tpu.dma_semaphore, #tpu.memory_space<semaphore_mem>>) src(%dma_wait3A_639 : memref<8x8x128xf32, #tpu.memory_space<vmem>>) dst(%dma_wait3A_634 : memref<8x8x128xf32, #tpu.memory_space<hbm>>)
    return
  }
}

</mosaic_0001>

<sc_bundles>
// kernel: kernel.3.cloned.1.call-start
scs
__scs_entry_jumppad:
0x0: {  	(pc) =	sbr.rel $0x88, $3  }
0x1: {  	(tag) =	ssettag $0x0;
	lr =	simm.s32 $0x1  }
0x2: {  	[smem:$0x3F9F] =	sst lr;
	_ =	strace $0xD0000000  }
0x3: {  	_ = 	snop  }
0x4: {  	_ = 	snop  }
0x5: {  	_ = 	snop  }
0x6: {  	_ = 	snop  }
0x7: {  	_ = 	snop  }
__scs_overlays_trampoline_lowered:
0x8: {  	[smem:$0x3FAE] =	sst s0  }
0x9: {  	[smem:$0x3FAF] =	sst s1  }
0xa: {  	[smem:$0x3FB0] =	sst s2  }
0xb: {  	[smem:$0x3FB1] =	sst s3  }
0xc: {  	[smem:$0x3FB2] =	sst s4  }
0xd: {  	[smem:$0x3FB3] =	sst s5  }
0xe: {  	[smem:$0x3FB4] =	sst s6  }
0xf: {  	[smem:$0x3FB5] =	sst s7  }
0x10: {  	[smem:$0x3FB6] =	sst s8  }
0x11: {  	[smem:$0x3FB7] =	sst s9;
	s0 =	simm.s32 @!p0 $0x0  }
0x12: {  	s1 =	sld [smem:$0x3F9D];
	s0 =	simm.s32 @p0 $0x1  }
0x13: {  	[smem:$0x3FB8] =	sst s0;
	s0 =	simm.s32 @!p1 $0x0  }
0x14: {  	s2 =	sld [smem:$0x3F9C];
	s0 =	simm.s32 @p1 $0x1  }
0x15: {  	[smem:$0x3FB9] =	sst s0;
	s0 =	simm.s32 @!p2 $0x0  }
0x16: {  	s3 =	sld [smem:$0x3FDB];
	s0 =	simm.s32 @p2 $0x1  }
0x17: {  	s4 =	simm.s32 $0x1BF5;
	[smem:$0x3FBB] =	sst s0  }
0x18: {  	s0 =	sld [smem:$0x3F9E];
	_ =	swait.ge [sflag:s4], $0x0  }
0x19: {  	s7 =	sld [smem:$0x3F9F]  }
0x1a: {  	s8 =	sadd.s32 $0xFFFFE003, lr  }
0x1b: {  	s9 =	sadd.s32 $0xFFFFFEF7, lr;
	s5 =	simm.s32 $0xFFFFFFFF;
	p2 =	slt.u32 s8, $0xFFFFF086  }
0x1c: {  	p1 =	slt.u32 s9, $0xF7A;
	s5 =	simm.s32 @!p2 $0x0  }
0x1d: {  	s5 =	simm.s32 @p1 $0x1;
	p0 =	seq.s32 s7, s2  }
0x1e: {  	s7 =	smul.u32 @!p0 $0xF7A, s2;
	p2 =	seq.s32 @!p0 s5, $0x0  }
0x1f: {  	s9 =	smul.u32 $0xF7A, s1;
	s8 =	simm.s32 @!p0 $0x1BF5;
	p2 =	por !p2, p0  }
0x20: {  	[sflag:s8] =	ssyncset.s32 @!p0 $0xFFFFF086;
	s6 =	sadd.s32 @!p0 s3, s7;
	s7 =	simm.s32 @!p0 $0x108  }
0x21: {  	s3 =	sadd.s32 s3, s9;
	s6 =	sadd.s32 @!p0 $0x88, s6;
	s7 =	simm.s32 @p2 $0x1082  }
0x22: {  	[simem:s7], [sflag:s8] =	dma.local @!p0 [hbm:s6], $0xF7A  }
0x23: {  	s9 =	sor.u32 $0xD0000000, s2;
	s6 =	simm.s32 $0x108;
	_ =	swait.ge @!p0 [sflag:s8], $0x0  }
0x24: {  	s3 =	sadd.s32 $0x88, s3;
	s6 =	simm.s32 @!p1 $0x1082;
	[sflag:s4] =	ssyncset.s32 $0xFFFFF086  }
0x25: {  	[simem:s6], [sflag:s4] =	dma.local [hbm:s3], $0xF7A  }
0x26: {  	[smem:$0x3F9F] =	sst s1;
	(tag) =	ssettag s2;
	_ =	strace s9  }
0x27: {  	s1 =	sld [smem:$0x3FAF]  }
0x28: {  	s2 =	sld [smem:$0x3FB0]  }
0x29: {  	s4 =	sld [smem:$0x3FB2]  }
0x2a: {  	p0 =	seq.s32 s5, $0x0;
	s5 =	sld [smem:$0x3FB3]  }
0x2b: {  	s6 =	sld [smem:$0x3FB4]  }
0x2c: {  	s7 =	sld [smem:$0x3FB5]  }
0x2d: {  	s3 =	simm.s32 $0x108;
	s8 =	sld [smem:$0x3FB6]  }
0x2e: {  	s3 =	simm.s32 @!p0 $0x1082;
	s9 =	sld [smem:$0x3FB7]  }
0x2f: {  	lr =	sadd.s32 s0, s3;
	s0 =	sld [smem:$0x3FAE]  }
0x30: {  	s3 =	sld [smem:$0x3FB1]  }
0x31: {  	[smem:$0x3FBA] =	sst s10  }
0x32: {  	s10 =	sld [smem:$0x3FB8];
	_ =	sdelay $0x3  }
0x33: {  	p0 =	seq.s32 s10, $0x1;
	s10 =	sld [smem:$0x3FBA];
	_ =	sdelay $0x3  }
0x34: {  	[smem:$0x3FBA] =	sst s10  }
0x35: {  	s10 =	sld [smem:$0x3FB9];
	_ =	sdelay $0x3  }
0x36: {  	p1 =	seq.s32 s10, $0x1;
	s10 =	sld [smem:$0x3FBA];
	_ =	sdelay $0x3  }
0x37: {  	[smem:$0x3FBA] =	sst s10  }
0x38: {  	s10 =	sld [smem:$0x3FBB]  }
0x39: {  	_ = 	snop;
	(pc) =	sbr.ind lr, $3  }
0x3a: {  	_ = 	snop  }
0x3b: {  	_ = 	snop  }
0x3c: {  	p2 =	seq.s32 s10, $0x1;
	s10 =	sld [smem:$0x3FBA]  }
0x3d: {  	_ =	shalt  }
0x3e: {  	_ =	shalt  }
0x3f: {  	_ =	shalt  }
0x40: {  	_ =	shalt  }
0x41: {  	_ =	shalt  }
0x42: {  	_ =	shalt  }
0x43: {  	_ =	shalt  }
0x44: {  	_ =	shalt  }
0x45: {  	_ =	shalt  }
0x46: {  	_ =	shalt  }
0x47: {  	_ =	shalt  }
0x48: {  	_ =	shalt  }
0x49: {  	_ =	shalt  }
0x4a: {  	_ =	shalt  }
0x4b: {  	_ =	shalt  }
0x4c: {  	_ =	shalt  }
0x4d: {  	_ =	shalt  }
0x4e: {  	_ =	shalt  }
0x4f: {  	_ =	shalt  }
0x50: {  	_ =	shalt  }
0x51: {  	_ =	shalt  }
0x52: {  	_ =	shalt  }
0x53: {  	_ =	shalt  }
0x54: {  	_ =	shalt  }
0x55: {  	_ =	shalt  }
0x56: {  	_ =	shalt  }
0x57: {  	_ =	shalt  }
0x58: {  	_ =	shalt  }
0x59: {  	_ =	shalt  }
0x5a: {  	_ =	shalt  }
0x5b: {  	_ =	shalt  }
0x5c: {  	_ =	shalt  }
0x5d: {  	_ =	shalt  }
0x5e: {  	_ =	shalt  }
0x5f: {  	_ =	shalt  }
0x60: {  	_ =	shalt  }
0x61: {  	_ =	shalt  }
0x62: {  	_ =	shalt  }
0x63: {  	_ =	shalt  }
0x64: {  	_ =	shalt  }
0x65: {  	_ =	shalt  }
0x66: {  	_ =	shalt  }
0x67: {  	_ =	shalt  }
0x68: {  	_ =	shalt  }
0x69: {  	_ =	shalt  }
0x6a: {  	_ =	shalt  }
0x6b: {  	_ =	shalt  }
0x6c: {  	_ =	shalt  }
0x6d: {  	_ =	shalt  }
0x6e: {  	_ =	shalt  }
0x6f: {  	_ =	shalt  }
0x70: {  	_ =	shalt  }
0x71: {  	_ =	shalt  }
0x72: {  	_ =	shalt  }
0x73: {  	_ =	shalt  }
0x74: {  	_ =	shalt  }
0x75: {  	_ =	shalt  }
0x76: {  	_ =	shalt  }
0x77: {  	_ =	shalt  }
0x78: {  	_ =	shalt  }
0x79: {  	_ =	shalt  }
0x7a: {  	_ =	shalt  }
0x7b: {  	_ =	shalt  }
0x7c: {  	_ =	shalt  }
0x7d: {  	_ =	shalt  }
0x7e: {  	_ =	shalt  }
0x7f: {  	_ =	shalt  }
0x80: {  	_ =	shalt  }
0x81: {  	_ =	shalt  }
0x82: {  	_ =	shalt  }
0x83: {  	_ =	shalt  }
0x84: {  	_ =	shalt  }
0x85: {  	_ =	shalt  }
0x86: {  	_ =	shalt  }
0x87: {  	_ =	shalt  }
.Lfunc_end0:
.L_simem_size_0:
called_computation.1_lowered:
.L_overlay_start_0:
0x88: {  	s2 =	sld [smem:$0x3FD9]  }
0x89: {  	s3 =	sld [smem:$0x3FFE];
	_ =	sdelay $0x1  }
0x8a: {  	s1 =	srdreg.scid  }
0x8b: {  	s0 =	sand.u32 $0x1, s1  }
0x8c: {  	s17 =	sshll.u32 s0, $0xA;
	s2 =	sadd.s32 s3, s2  }
0x8d: {  	s2 =	sadd.s32 s2, s17  }
0x8e: {  	[smem:$0x3FC6] =	sst s2  }
0x8f: {  	_ = 	snop  }
0x90: {  	s2 =	sld [smem:$0x3FD0];
	(tm) =	ssettm $0x1  }
0x91: {  	s18 =	sld [smem:$0x3FFB];
	_ =	sdelay $0x3  }
0x92: {  	_ =	strace s18  }
0x93: {  	s3 =	sld [smem:$0x3FFC];
	_ =	sdelay $0x3  }
0x94: {  	_ =	strace s3  }
0x95: {  	s3 =	sld [smem:$0x3FFD];
	_ =	sdelay $0x3  }
0x96: {  	_ =	strace s3  }
0x97: {  	_ =	strace $0x8FFFFFFF  }
0x98: {  	s19 =	sld [smem:$0x3FDB];
	_ =	sdelay $0x1  }
0x99: {  	s4 =	simm.s32 $_scs_section_size  }
0x9a: {  	s5 =	simm.s32 $_size__tile_overlayer_lowered;
	s6 =	simm.s32 $_tile_overlayer_lowered  }
0x9b: {  	s22 =	simm.s32 $0x1BFF;
	s21 =	sshll.u32 s6, $0x1;
	s3 =	sadd.s32 s4, s19  }
0x9c: {  	s7 =	simm.s32 $0x0;
	s20 =	sshll.u32 s5, $0x1;
	s5 =	sadd.s32 s21, s3  }
0x9d: {  	[timem:s7], [sflag:s22] =	dma.local [hbm:s5], s20  }
0x9e: {  	_ =	swait.ge [sflag:s22], s20  }
0x9f: {  	s4 =	ssub.s32 $0x0, s20;
	[sflag:s22] =	ssyncset.done $0x0  }
0xa0: {  	[sflag:s22] =	ssyncadd.s32 s4;
	_ =	sdelay $0x1  }
0xa1: {  	s23 =	simm.s32 $0x1B8B  }
0xa2: {  	_ =	swait.ge [sflag:s23], $0x1  }
0xa3: {  	[sflag:s23] =	ssyncset.done $0x0  }
0xa4: {  	s25 =	simm.s32 $0x1B8E;
	s24 =	sld [smem:$0x3FFE];
	[sflag:s23] =	ssyncadd.s32 $0xFFFFFFFF  }
0xa5: {  	s26 =	simm.s32 $execute0_lowered;
	[smem:$0x3FD2] =	sst s25  }
0xa6: {  	s5 =	sshll.u32 s26, $0x1;
	_ =	strace $0x80000049;
	[dreg:$0x1] =	wrdreg $0xFFFFFFFF  }
0xa7: {  	s28 =	simm.s32 $_size_execute0_lowered;
	s3 =	sadd.s32 s3, s5;
	[dreg:$0x0] =	wrdreg $0x0  }
0xa8: {  	s5 =	sshll.u32 s28, $0x1;
	[dreg:$0x2] =	wrdreg s3  }
0xa9: {  	[dreg:$0x3] =	wrdreg s5  }
0xaa: {  	[dreg:$0x4] =	wrdreg $0xC0  }
0xab: {  	_ =	task [dreg:s7], $0x5FFFF  }
0xac: {  	[dreg:$0x1] =	wrdreg $0xFFFFFFFF  }
0xad: {  	[dreg:$0x0] =	wrdreg $0x60  }
0xae: {  	[dreg:$0x2] =	wrdreg s24  }
0xaf: {  	[dreg:$0x3] =	wrdreg s2  }
0xb0: {  	[dreg:$0x4] =	wrdreg $0x9  }
0xb1: {  	_ =	task.clear_ibuf [dreg:s7], $0x5FFFF;
	_ =	strace $0x90000049  }
0xb2: {  	s29 =	simm.s32 $0x9;
	_ =	strace $0x8000004B  }
0xb3: {  	_ =	swait.ge [sflag:s29], $0x1  }
0xb4: {  	[sflag:s29] =	ssyncadd.s32 $0xFFFFFFFF  }
0xb5: {  	_ =	strace $0x9000004B  }
0xb6: {  	_ =	sfence  }
0xb7: {  	s30 =	sld [smem:$0x0];
	_ =	sdelay $0x2  }
0xb8: {  	s31 =	sshll.u32 s1, $0xD;
	s1 =	sshrl.u32 s1, $0x2  }
0xb9: {  	s3 =	sand.u32 $0x4000, s31;
	s1 =	sadd.s32 s1, s30  }
0xba: {  	s0 =	sor.u32 s3, s0;
	s1 =	sshll.u32 s1, $0x11  }
0xbb: {  	s0 =	sor.u32 s1, s0  }
0xbc: {  	s0 =	sadd.s32 $0x8F2B, s0  }
0xbd: {  	[sflag:s0] =	ssyncadd.remote.s32 $0x1  }
0xbe: {  	_ =	sfence.sel $0xFFFF  }
0xbf: {  	[dreg:$0x0] =	wrdreg $0xFFFFFFFF;
	(pc) =	sbr.abs _section_cstart, $3  }
0xc0: {  	[dreg:$0x1] =	wrdreg $0xFFFFFFFF  }
0xc1: {  	_ =	task.clear_ibuf [dreg:s7], $0x2FFFF;
	_ =	strace $0x9FFFFFFF  }
0xc2: {  	(tm) =	ssettm $0x7FFFFFFF  }
0xc3: {  	_ =	shalt  }
tec
execute0_lowered:
.L_overlay_start_1:
0x0: {  	(tag) =	ssettag $0x1  }
0x1: {  	s0 =	rddreg [dreg:$0x0];
	s1 =	srdreg.scid  }
0x2: {  	s3 =	stileid.u32;
	s2 =	rddreg [dreg:$0x1];
	s28 =	simm.s32 $0xE400  }
0x3: {  	s29 =	simm.s32 $0x2;
	s1 =	sand.u32 $0x1, s1;
	s4 =	sshll.u32 s3, $0x1  }
0x4: {  	s30 =	simm.s32 $0x10600;
	s31 =	simm.s32 $0x3;
	s4 =	sor.u32 s1, s4  }
0x5: {  	s3 =	simm.s32 $0x0;
	s6 =	sadd.s32 $0xF5C000, s0;
	s5 =	smul.u32 $0xC80, s4  }
0x6: {  	[smem:$0x7FF] =	sst s3;
	s1 =	ssub.s32 $0x2, s1;
	s4 =	smul.u32 $0xC8, s4  }
0x7: {  	_ =	strace $0x8000004A;
	[dreg:$0x3] =	wrdreg s6;
	s6 =	sadd.s32 $0xF5C800, s0  }
0x8: {  	s11 =	sshrl.u32 s1, $0x1;
	s5 =	sadd.s32 s5, s0;
	s7 =	sadd.s32 $0xC4, s4  }
0x9: {  	s0 =	ssub.s32 s1, s11;
	s8 =	sadd.s32 $0xC5, s4;
	s18 =	sadd.s32 $0xC6, s4  }
0xa: {  	s22 =	sadd.s32 $0xC7, s4;
	s12 =	sadd.s32 $0xF43000, s5;
	s13 =	sshll.u32 s7, $0x7  }
0xb: {  	s14 =	sshll.u32 s7, $0x1;
	s7 =	sshll.u32 s7, $0xA;
	s15 =	sshll.u32 s8, $0x7  }
0xc: {  	s16 =	sshll.u32 s8, $0x1;
	s17 =	sshll.u32 s8, $0xA;
	s19 =	sshll.u32 s18, $0x7  }
0xd: {  	s20 =	sshll.u32 s18, $0x1;
	s21 =	sshll.u32 s18, $0xA;
	s23 =	sshll.u32 s22, $0x7  }
0xe: {  	s24 =	sshll.u32 s22, $0x1;
	s25 =	sshll.u32 s22, $0xA;
	s0 =	smax.u32 s0, $0x1  }
0xf: {  	[dreg:$0x4] =	wrdreg s12;
	s1 =	sand.u32 $0xE00, s13;
	s7 =	sand.u32 $0xFF8000, s7  }
0x10: {  	s5 =	sand.u32 $0x7FC0, s14;
	s26 =	sand.u32 $0xFF8000, s25;
	[dreg:$0x9] =	wrdreg s0  }
0x11: {  	s25 =	simm.s32 $0xC400;
	s0 =	simm.s32 $0x4;
	s1 =	sadd.s32 s2, s1  }
0x12: {  	[dreg:$0x5] =	wrdreg s5;
	s5 =	sand.u32 $0x7FC0, s16;
	s9 =	sadd.s32 s7, s1  }
0x13: {  	s1 =	sand.u32 $0xE80, s15;
	s7 =	sand.u32 $0xFF8000, s17;
	[dreg:$0x6] =	wrdreg s5  }
0x14: {  	s5 =	sand.u32 $0x7FC0, s20;
	s20 =	simm.s32 $0x6400;
	s17 =	simm.s32 $0x14A00  }
0x15: {  	s1 =	sadd.s32 s2, s1;
	[dreg:$0x7] =	wrdreg s5;
	s5 =	sand.u32 $0x7FC0, s24  }
0x16: {  	s11 =	sadd.s32 s7, s1;
	s1 =	sand.u32 $0xF00, s19;
	s7 =	sand.u32 $0xFF8000, s21  }
0x17: {  	v0 =	vlaneseq.u32;
	[dreg:$0x8] =	wrdreg s5;
	s19 =	simm.s32 $0x80;
	s1 =	sadd.s32 s2, s1  }
0x18: {  	v0 =	vmul.u32 $0x88, v0;
	s21 =	simm.s32 $0x8400;
	s13 =	sadd.s32 s7, s1;
	s1 =	sand.u32 $0xF80, s23  }
0x19: {  	s23 =	simm.s32 $0xA400;
	s7 =	simm.s32 $0x0;
	s1 =	sadd.s32 s2, s1  }
0x1a: {  	v1 =	vadd.s32 $0x880, v0;
	v2 =	vadd.s32 $0x1100, v0;
	v3 =	vadd.s32 $0x1980, v0;
	s15 =	sadd.s32 s26, s1;
	s26 =	simm.s32 $0x1;
	s1 =	simm.s32 $0x12800  }
.LBB2_1:
0x1b: {  	[dreg:$0xa] =	wrdreg s7  }
0x1c: {  	s5 =	rddreg [dreg:$0x3];
	s14 =	simm.s32 $0x16C00;
	s16 =	simm.s32 $0x9  }
0x1d: {  	[tilespmem:s14], [sflag:$0x9] =	stream.linear.gather [hbm4b:s5+s3], $0x3200, $0x38;
	[tilespmem:$0x19E00] =	vst v63  }
0x1e: {  	_ =	swait.ge [sflag:s16], $0x3200  }
0x1f: {  	[sflag:s16] =	ssyncset.done $0x0  }
0x20: {  	s18 =	rddreg [dreg:$0x4];
	[sflag:s16] =	ssyncadd.s32 $0xFFFFCE00  }
0x21: {  	[tilespmem:s3], [sflag:$0x9] =	stream.linear.gather [hbm4b:s18+s3], $0x6400, $0x38;
	[tilespmem:$0x19E00] =	vst v63  }
0x22: {  	_ =	swait.ge [sflag:s16], $0x6400  }
0x23: {  	[sflag:s16] =	ssyncset.done $0x0  }
0x24: {  	[sflag:s16] =	ssyncadd.s32 $0xFFFF9C00  }
0x25: {  	[tilespmem:s20], [sflag:$0x1] =	stream.indirect.gather [hbm4b:s6+s19], $0x40, s3, s19, $0xb8;
	[tilespmem:$0x19E00] =	vst v63  }
0x26: {  	_ = 	snop  }
0x27: {  	[tilespmem:s21], [sflag:$0x2] =	stream.indirect.gather [hbm4b:s6+s19], $0x40, s19, s19, $0xb8;
	[tilespmem:$0x19E00] =	vst v63  }
0x28: {  	s22 =	simm.s32 $0x100  }
0x29: {  	[tilespmem:s23], [sflag:$0x3] =	stream.indirect.gather [hbm4b:s6+s19], $0x40, s22, s19, $0xb8;
	[tilespmem:$0x19E00] =	vst v63  }
0x2a: {  	s24 =	simm.s32 $0x180;
	s18 =	simm.s32 $0x0  }
0x2b: {  	[tilespmem:s25], [sflag:$0x4] =	stream.indirect.gather [hbm4b:s6+s19], $0x40, s24, s19, $0xb8;
	[tilespmem:$0x19E00] =	vst v63  }
.LBB2_2:
0x2c: {  	_ =	swait.ge [sflag:s26], $0x2000  }
0x2d: {  	p0 =	seq.s32 s18, $0x0;
	[sflag:s26] =	ssyncset.done $0x0  }
0x2e: {  	s5 =	simm.s32 @!p0 $0x5;
	[sflag:s26] =	ssyncadd.s32 $0xFFFFE000  }
0x2f: {  	_ =	swait.ge @!p0 [sflag:s5], $0x2000  }
0x30: {  	s22 =	sshll.u32 s18, $0x2;
	[sflag:s5] =	ssyncset.done @!p0 $0x0  }
0x31: {  	s7 =	simm.s32 $0x6480;
	s24 =	sadd.s32 s4, s22;
	[sflag:s5] =	ssyncadd.s32 @!p0 $0xFFFFE000  }
0x32: {  	s8 =	sshll.u32 s24, $0x1;
	v4 =	vld [tilespmem:s7+$0x40]  }
0x33: {  	s5 =	sand.u32 $0x3FFFFFC0, s8;
	s8 =	simm.s32 $0x3  }
0x34: {  	v10 =	vld [tilespmem:s5+$0x16C00];
	v5 =	vmov s8  }
0x35: {  	v15 =	vand.u32 $0x7F, v5  }
0x36: {  	v8 =	vld [tilespmem:s7+$0xFFFFFF80];
	v9 =	vadd.s32 v0, v15  }
0x37: {  	s10 =	simm.s32 $0x0;
	v11 =	vld [tilespmem:s7+$0xFFFFFFC0];
	v4 =	vmul.f32 $8.000000000e+00, v4  }
0x38: {  	s12 =	simm.s32 $0x1;
	v6 =	vmov s10;
	v12 =	vld [tilespmem:s7+$0x0]  }
0x39: {  	s14 =	simm.s32 $0x2;
	v14 =	vand.u32 $0x7C, v6;
	v6 =	vmov s12;
	v7 =	vld [tilespmem:s5+$0x16C10];
	v13 =	vadd.f32 v4, v10  }
0x3a: {  	v17 =	vmov s14;
	v16 =	vadd.s32 v0, v14;
	v30 =	vand.u32 $0x7D, v6;
	v5 =	vld [tilespmem:s5+$0x16C20]  }
0x3b: {  	v6 =	vand.u32 $0x7E, v17;
	v17 =	vadd.s32 v0, v30;
	v8 =	vmul.f32 $8.000000000e+00, v8;
	v4 =	vld [tilespmem:s5+$0x16C30];
	[tilespmem:v9+s28+$0x0] =	vst.idx.msk $0xffff, v13  }
0x3c: {  	v9 =	vmul.f32 $8.000000000e+00, v11;
	v11 =	vadd.s32 v0, v6;
	v13 =	vld [tilespmem:s7+$0x50]  }
0x3d: {  	v12 =	vmul.f32 $8.000000000e+00, v12;
	v8 =	vadd.f32 v8, v10  }
0x3e: {  	v9 =	vadd.f32 v9, v10  }
0x3f: {  	[tilespmem:v16+s28+$0x0] =	vst.idx.msk $0xffff, v8;
	v8 =	vadd.f32 v12, v10  }
0x40: {  	v12 =	vld [tilespmem:s7+$0xFFFFFF90];
	[tilespmem:v17+s28+$0x0] =	vst.idx.msk $0xffff, v9;
	v9 =	vadd.s32 v1, v15  }
0x41: {  	v16 =	vld [tilespmem:s7+$0xFFFFFFD0];
	[tilespmem:v11+s28+$0x0] =	vst.idx.msk $0xffff, v8;
	v8 =	vmul.f32 $8.000000000e+00, v13  }
0x42: {  	s5 =	simm.s32 $0x6580;
	v11 =	vld [tilespmem:s7+$0x10]  }
0x43: {  	s10 =	simm.s32 $0x7;
	v19 =	vld [tilespmem:s5+$0x40];
	v8 =	vadd.f32 v8, v7  }
0x44: {  	s16 =	simm.s32 $0x4;
	v21 =	vmov s10;
	v13 =	vadd.s32 v1, v14  }
0x45: {  	v18 =	vadd.s32 v1, v30;
	v17 =	vmov s16;
	v12 =	vmul.f32 $8.000000000e+00, v12;
	[tilespmem:v9+s28+$0x0] =	vst.idx.msk $0xffff, v8  }
0x46: {  	v8 =	vand.u32 $0x7C, v17;
	v9 =	vmul.f32 $8.000000000e+00, v16;
	v16 =	vadd.s32 v1, v6;
	v17 =	vld [tilespmem:s7+$0x60]  }
0x47: {  	v26 =	vadd.s32 v2, v15;
	v20 =	vld [tilespmem:s5+$0xFFFFFF80];
	v12 =	vadd.f32 v12, v7;
	v11 =	vmul.f32 $8.000000000e+00, v11  }
0x48: {  	v24 =	vld [tilespmem:s5+$0xFFFFFFC0];
	v19 =	vmul.f32 $8.000000000e+00, v19;
	v23 =	vadd.f32 v9, v7;
	v9 =	vand.u32 $0x7F, v21  }
0x49: {  	s12 =	simm.s32 $0x5;
	[tilespmem:v13+s28+$0x0] =	vst.idx.msk $0xffff, v12;
	v12 =	vld [tilespmem:s5+$0x0];
	v11 =	vadd.f32 v11, v7;
	v25 =	vadd.s32 v0, v9  }
0x4a: {  	s14 =	simm.s32 $0x6;
	v19 =	vadd.f32 v19, v10;
	v22 =	vadd.s32 v0, v8;
	v21 =	vmov s12;
	[tilespmem:v18+s28+$0x0] =	vst.idx.msk $0xffff, v23;
	v23 =	vld [tilespmem:s7+$0xFFFFFFA0]  }
0x4b: {  	v13 =	vand.u32 $0x7D, v21;
	v18 =	vmov s14;
	[tilespmem:v16+s28+$0x0] =	vst.idx.msk $0xffff, v11;
	v16 =	vld [tilespmem:s7+$0xFFFFFFE0];
	v17 =	vmul.f32 $8.000000000e+00, v17  }
0x4c: {  	v11 =	vand.u32 $0x7E, v18;
	v18 =	vmul.f32 $8.000000000e+00, v20;
	v20 =	vadd.s32 v0, v13;
	v21 =	vld [tilespmem:s7+$0x20]  }
0x4d: {  	v24 =	vmul.f32 $8.000000000e+00, v24;
	v27 =	vadd.s32 v0, v11;
	v17 =	vadd.f32 v17, v5  }
0x4e: {  	v12 =	vmul.f32 $8.000000000e+00, v12;
	v18 =	vadd.f32 v18, v10;
	[tilespmem:v25+s28+$0x0] =	vst.idx.msk $0xffff, v19;
	v19 =	vadd.s32 v2, v14  }
0x4f: {  	v24 =	vadd.f32 v24, v10;
	v25 =	vld [tilespmem:s5+$0x50];
	v23 =	vmul.f32 $8.000000000e+00, v23;
	[tilespmem:v26+s28+$0x0] =	vst.idx.msk $0xffff, v17;
	v17 =	vadd.s32 v2, v30  }
0x50: {  	[tilespmem:v22+s28+$0x0] =	vst.idx.msk $0xffff, v18;
	v18 =	vadd.f32 v12, v10;
	v16 =	vmul.f32 $8.000000000e+00, v16;
	v26 =	vadd.s32 v2, v6;
	v22 =	vld [tilespmem:s7+$0x70]  }
0x51: {  	s10 =	simm.s32 $0x8;
	v28 =	vld [tilespmem:s5+$0xFFFFFF90];
	[tilespmem:v20+s28+$0x0] =	vst.idx.msk $0xffff, v24;
	v21 =	vmul.f32 $8.000000000e+00, v21;
	v23 =	vadd.f32 v23, v5  }
0x52: {  	v31 =	vadd.s32 v1, v9;
	v12 =	vmov s10;
	v24 =	vld [tilespmem:s5+$0xFFFFFFD0];
	[tilespmem:v27+s28+$0x0] =	vst.idx.msk $0xffff, v18;
	v16 =	vadd.f32 v16, v5  }
0x53: {  	s16 =	simm.s32 $0x9;
	v14 =	vadd.s32 v3, v14;
	v12 =	vand.u32 $0x7C, v12;
	v27 =	vld [tilespmem:s5+$0x10];
	v29 =	vadd.f32 v21, v5;
	[tilespmem:v19+s28+$0x0] =	vst.idx.msk $0xffff, v23  }
0x54: {  	v20 =	vmov s16;
	v19 =	vadd.s32 v3, v15;
	v32 =	vmul.f32 $8.000000000e+00, v25;
	v21 =	vld [tilespmem:s7+$0xFFFFFFB0];
	[tilespmem:v17+s28+$0x0] =	vst.idx.msk $0xffff, v16  }
0x55: {  	v18 =	vadd.s32 v0, v12;
	v25 =	vadd.s32 v1, v8;
	[tilespmem:v26+s28+$0x0] =	vst.idx.msk $0xffff, v29;
	v15 =	vmul.f32 $8.000000000e+00, v22;
	v17 =	vld [tilespmem:s7+$0xFFFFFFF0]  }
0x56: {  	v23 =	vadd.s32 v1, v13;
	v28 =	vmul.f32 $8.000000000e+00, v28;
	v32 =	vadd.f32 v32, v7;
	v16 =	vld [tilespmem:s7+$0x30]  }
0x57: {  	s8 =	simm.s32 $0x6680;
	v26 =	vmul.f32 $8.000000000e+00, v24;
	v22 =	vadd.s32 v1, v11;
	v24 =	vadd.f32 v15, v4  }
0x58: {  	s12 =	simm.s32 $0xC;
	v29 =	vld [tilespmem:s8+$0x40];
	s7 =	sshrl.u32 s24, $0x5;
	v28 =	vadd.f32 v28, v7;
	v27 =	vmul.f32 $8.000000000e+00, v27;
	[tilespmem:v31+s28+$0x0] =	vst.idx.msk $0xffff, v32;
	v15 =	vadd.s32 v3, v30  }
.LBB2_3:
0x59: {  	p1 =	slt.u32 s12, $0x7C;
	s14 =	sadd.s32 $0x3, s10;
	v26 =	vadd.f32 v26, v7;
	v30 =	vld [tilespmem:s5+$0x60];
	v21 =	vmul.f32 $8.000000000e+00, v21;
	v31 =	vadd.s32 v3, v6;
	[tilespmem:v19+s28+$0x0] =	vst.idx.msk $0xffff, v24  }
0x5a: {  	v32 =	vmovc v13;
	v6 =	vmovc v11;
	v19 =	vld [tilespmem:s8+$0xFFFFFF80];
	v24 =	vmov s14;
	[tilespmem:v25+s28+$0x0] =	vst.idx.msk $0xffff, v28;
	v25 =	vadd.f32 v27, v7;
	v17 =	vmul.f32 $8.000000000e+00, v17  }
0x5b: {  	s14 =	sadd.s32 $0x2, s10;
	s10 =	smov.u32 s12;
	v27 =	vld [tilespmem:s8+$0xFFFFFFC0];
	v24 =	vand.u32 $0x7F, v24;
	[tilespmem:v23+s28+$0x0] =	vst.idx.msk $0xffff, v26;
	v11 =	vadd.f32 v21, v4;
	v13 =	vmul.f32 $8.000000000e+00, v16  }
0x5c: {  	v16 =	vmov s14;
	v21 =	vld [tilespmem:s8+$0x0];
	v23 =	vadd.s32 v0, v24;
	[tilespmem:v22+s28+$0x0] =	vst.idx.msk $0xffff, v25;
	v17 =	vadd.f32 v17, v4  }
0x5d: {  	v26 =	vadd.s32 v2, v9;
	v22 =	vmul.f32 $8.000000000e+00, v29;
	v25 =	vld [tilespmem:s5+$0xFFFFFFA0];
	[tilespmem:v14+s28+$0x0] =	vst.idx.msk $0xffff, v11;
	v14 =	vadd.f32 v13, v4  }
0x5e: {  	v13 =	vand.u32 $0x7D, v20;
	v11 =	vand.u32 $0x7E, v16;
	v16 =	vld [tilespmem:s5+$0xFFFFFFE0];
	v20 =	vmul.f32 $8.000000000e+00, v30;
	[tilespmem:v15+s28+$0x0] =	vst.idx.msk $0xffff, v17  }
0x5f: {  	v17 =	vadd.s32 v0, v13;
	v15 =	vmul.f32 $8.000000000e+00, v19;
	v19 =	vadd.f32 v22, v10;
	v22 =	vld [tilespmem:s5+$0x20];
	[tilespmem:v31+s28+$0x0] =	vst.idx.msk $0xffff, v14  }
0x60: {  	v14 =	vmul.f32 $8.000000000e+00, v27;
	v27 =	vadd.s32 v0, v11;
	v20 =	vadd.f32 v20, v5  }
0x61: {  	v15 =	vadd.f32 v15, v10;
	v21 =	vmul.f32 $8.000000000e+00, v21;
	[tilespmem:v23+s28+$0x0] =	vst.idx.msk $0xffff, v19;
	v19 =	vadd.s32 v2, v8  }
0x62: {  	v28 =	vadd.s32 v2, v32;
	v14 =	vadd.f32 v14, v10;
	v23 =	vld [tilespmem:s8+$0x50];
	v25 =	vmul.f32 $8.000000000e+00, v25;
	[tilespmem:v26+s28+$0x0] =	vst.idx.msk $0xffff, v20  }
0x63: {  	v26 =	vadd.s32 v2, v6;
	[tilespmem:v18+s28+$0x0] =	vst.idx.msk $0xffff, v15;
	v15 =	vadd.f32 v21, v10;
	v16 =	vmul.f32 $8.000000000e+00, v16;
	v29 =	vld [tilespmem:s5+$0x70]  }
0x64: {  	v18 =	vmov s12;
	v30 =	vld [tilespmem:s8+$0xFFFFFF90];
	[tilespmem:v17+s28+$0x0] =	vst.idx.msk $0xffff, v14;
	v14 =	vadd.f32 v25, v5;
	v17 =	vmul.f32 $8.000000000e+00, v22  }
0x65: {  	s14 =	sadd.s32 $0x1, s12;
	v31 =	vand.u32 $0x7C, v18;
	v22 =	vld [tilespmem:s8+$0xFFFFFFD0];
	[tilespmem:v27+s28+$0x0] =	vst.idx.msk $0xffff, v15;
	v15 =	vadd.f32 v16, v5  }
0x66: {  	v33 =	vadd.s32 v1, v24;
	v20 =	vmov s14;
	v27 =	vld [tilespmem:s8+$0x10];
	[tilespmem:v19+s28+$0x0] =	vst.idx.msk $0xffff, v14;
	v16 =	vadd.f32 v17, v5  }
.Ltmp0:
0x67: {  	v14 =	vadd.s32 v3, v8;
	v19 =	vadd.s32 v3, v9;
	v34 =	vmul.f32 $8.000000000e+00, v23;
	v21 =	vld [tilespmem:s5+$0xFFFFFFB0];
	[tilespmem:v28+s28+$0x0] =	vst.idx.msk $0xffff, v15;
	(pc) =	sbr.rel @p1 .LBB2_3-.Ltmp0, $4  }
0x68: {  	v25 =	vadd.s32 v1, v12;
	v18 =	vadd.s32 v0, v31;
	v17 =	vld [tilespmem:s5+$0xFFFFFFF0];
	[tilespmem:v26+s28+$0x0] =	vst.idx.msk $0xffff, v16;
	v15 =	vmul.f32 $8.000000000e+00, v29  }
0x69: {  	v9 =	vmovc v24;
	v8 =	vmovc v12;
	v23 =	vadd.s32 v1, v13;
	v28 =	vmul.f32 $8.000000000e+00, v30;
	v30 =	vadd.f32 v34, v7;
	v16 =	vld [tilespmem:s5+$0x30];
	s5 =	smov.u32 s8  }
0x6a: {  	v12 =	vmovc v31;
	s8 =	sadd.s32 $0x100, s8;
	v26 =	vmul.f32 $8.000000000e+00, v22;
	v22 =	vadd.s32 v1, v11;
	v24 =	vadd.f32 v15, v4  }
0x6b: {  	s12 =	sadd.s32 $0x4, s12;
	v15 =	vadd.s32 v3, v32;
	v29 =	vld [tilespmem:s8+$0x40];
	v28 =	vadd.f32 v28, v7;
	v27 =	vmul.f32 $8.000000000e+00, v27;
	[tilespmem:v33+s28+$0x0] =	vst.idx.msk $0xffff, v30  }
0x6c: {  	s12 =	sadd.s32 $0x3, s10;
	v30 =	vld [tilespmem:s8+$0xFFFFFF80]  }
0x6d: {  	v32 =	vld [tilespmem:s8+$0xFFFFFFC0];
	v31 =	vmov s12  }
0x6e: {  	v33 =	vld [tilespmem:s8+$0x0];
	v31 =	vand.u32 $0x7F, v31  }
0x6f: {  	s14 =	sadd.s32 $0x2, s10;
	v34 =	vadd.s32 v0, v31  }
0x70: {  	v20 =	vand.u32 $0x7D, v20;
	v35 =	vmov s14;
	v29 =	vmul.f32 $8.000000000e+00, v29  }
0x71: {  	v36 =	vadd.s32 v0, v20;
	v35 =	vand.u32 $0x7E, v35;
	v30 =	vmul.f32 $8.000000000e+00, v30  }
0x72: {  	v37 =	vadd.s32 v0, v35;
	v32 =	vmul.f32 $8.000000000e+00, v32;
	v29 =	vadd.f32 v29, v10  }
0x73: {  	v33 =	vmul.f32 $8.000000000e+00, v33;
	v30 =	vadd.f32 v30, v10  }
0x74: {  	v58 =	vadd.f32 v32, v10;
	[tilespmem:v34+s28+$0x0] =	vst.idx.msk $0xffff, v29  }
0x75: {  	v60 =	vadd.f32 v33, v10;
	[tilespmem:v18+s28+$0x0] =	vst.idx.msk $0xffff, v30;
	v59 =	vld [tilespmem:s8+$0x50]  }
0x76: {  	[tilespmem:v36+s28+$0x0] =	vst.idx.msk $0xffff, v58;
	v30 =	vld [tilespmem:s8+$0xFFFFFF90]  }
0x77: {  	[tilespmem:v37+s28+$0x0] =	vst.idx.msk $0xffff, v60;
	v29 =	vld [tilespmem:s8+$0xFFFFFFD0]  }
0x78: {  	v10 =	vld [tilespmem:s8+$0x10]  }
0x79: {  	v61 =	vadd.s32 v1, v31  }
0x7a: {  	v26 =	vadd.f32 v26, v7;
	v62 =	vadd.s32 v1, v12;
	v18 =	vmul.f32 $8.000000000e+00, v59  }
0x7b: {  	v63 =	vld [tilespmem:s5+$0x60];
	[tilespmem:v25+s28+$0x0] =	vst.idx.msk $0xffff, v28;
	v27 =	vadd.f32 v27, v7;
	v36 =	vadd.s32 v1, v20;
	v34 =	vmul.f32 $8.000000000e+00, v30  }
0x7c: {  	[tilespmem:v23+s28+$0x0] =	vst.idx.msk $0xffff, v26;
	v39 =	vadd.s32 v1, v35;
	v37 =	vld [tilespmem:s5+$0xFFFFFFA0];
	v38 =	vmul.f32 $8.000000000e+00, v29;
	v18 =	vadd.f32 v18, v7  }
0x7d: {  	[tilespmem:v22+s28+$0x0] =	vst.idx.msk $0xffff, v27;
	v40 =	vld [tilespmem:s5+$0xFFFFFFE0];
	v10 =	vmul.f32 $8.000000000e+00, v10;
	v41 =	vadd.f32 v34, v7  }
0x7e: {  	v42 =	vld [tilespmem:s5+$0x20];
	v26 =	vadd.f32 v38, v7;
	[tilespmem:v61+s28+$0x0] =	vst.idx.msk $0xffff, v18  }
0x7f: {  	v21 =	vmul.f32 $8.000000000e+00, v21;
	v43 =	vadd.s32 v2, v9;
	v44 =	vadd.f32 v10, v7;
	[tilespmem:v62+s28+$0x0] =	vst.idx.msk $0xffff, v41;
	v45 =	vld [tilespmem:s8+$0x60]  }
0x80: {  	v46 =	vadd.s32 v2, v8;
	v25 =	vmul.f32 $8.000000000e+00, v63;
	[tilespmem:v36+s28+$0x0] =	vst.idx.msk $0xffff, v26;
	v47 =	vld [tilespmem:s8+$0xFFFFFFA0]  }
0x81: {  	v48 =	vadd.s32 v2, v13;
	v21 =	vadd.f32 v21, v4;
	v23 =	vmul.f32 $8.000000000e+00, v37;
	[tilespmem:v39+s28+$0x0] =	vst.idx.msk $0xffff, v44;
	v49 =	vld [tilespmem:s8+$0xFFFFFFE0]  }
0x82: {  	[tilespmem:v19+s28+$0x0] =	vst.idx.msk $0xffff, v24;
	v51 =	vadd.s32 v2, v11;
	v50 =	vadd.f32 v25, v5;
	v22 =	vmul.f32 $8.000000000e+00, v40;
	v52 =	vld [tilespmem:s8+$0x20]  }
0x83: {  	v54 =	vadd.s32 v2, v31;
	[tilespmem:v14+s28+$0x0] =	vst.idx.msk $0xffff, v21;
	v53 =	vadd.f32 v23, v5;
	v18 =	vmul.f32 $8.000000000e+00, v42  }
0x84: {  	v56 =	vadd.s32 v2, v12;
	[tilespmem:v43+s28+$0x0] =	vst.idx.msk $0xffff, v50;
	v55 =	vadd.f32 v22, v5;
	v10 =	vmul.f32 $8.000000000e+00, v45  }
0x85: {  	v60 =	vadd.s32 v2, v20;
	v57 =	vld [tilespmem:s5+$0x70];
	[tilespmem:v46+s28+$0x0] =	vst.idx.msk $0xffff, v53;
	v58 =	vadd.f32 v18, v5;
	v59 =	vmul.f32 $8.000000000e+00, v47  }
0x86: {  	v32 =	vadd.s32 v2, v35;
	[tilespmem:v48+s28+$0x0] =	vst.idx.msk $0xffff, v55;
	v61 =	vld [tilespmem:s5+$0xFFFFFFB0];
	v63 =	vmul.f32 $8.000000000e+00, v49;
	v62 =	vadd.f32 v10, v5  }
0x87: {  	v33 =	vld [tilespmem:s5+$0xFFFFFFF0];
	[tilespmem:v51+s28+$0x0] =	vst.idx.msk $0xffff, v58;
	v36 =	vmul.f32 $8.000000000e+00, v52;
	v34 =	vadd.f32 v59, v5  }
0x88: {  	v6 =	vadd.s32 v3, v6;
	v17 =	vmul.f32 $8.000000000e+00, v17;
	v24 =	vld [tilespmem:s5+$0x30];
	v37 =	vadd.f32 v63, v5;
	[tilespmem:v54+s28+$0x0] =	vst.idx.msk $0xffff, v62  }
0x89: {  	v38 =	vmul.f32 $8.000000000e+00, v16;
	v39 =	vadd.s32 v3, v9;
	v5 =	vadd.f32 v36, v5;
	v40 =	vld [tilespmem:s8+$0x70];
	[tilespmem:v56+s28+$0x0] =	vst.idx.msk $0xffff, v34  }
0x8a: {  	v43 =	vmul.f32 $8.000000000e+00, v57;
	v42 =	vadd.s32 v3, v8;
	v41 =	vadd.f32 v17, v4;
	[tilespmem:v60+s28+$0x0] =	vst.idx.msk $0xffff, v37;
	v44 =	vld [tilespmem:s8+$0xFFFFFFB0]  }
0x8b: {  	v46 =	vadd.s32 v3, v13;
	v45 =	vadd.f32 v38, v4;
	v47 =	vmul.f32 $8.000000000e+00, v61;
	[tilespmem:v32+s28+$0x0] =	vst.idx.msk $0xffff, v5;
	v48 =	vld [tilespmem:s8+$0xFFFFFFF0]  }
0x8c: {  	v50 =	vmul.f32 $8.000000000e+00, v33;
	[tilespmem:v15+s28+$0x0] =	vst.idx.msk $0xffff, v41;
	v49 =	vadd.s32 v3, v11;
	v5 =	vadd.f32 v43, v4;
	v51 =	vld [tilespmem:s8+$0x30]  }
0x8d: {  	[tilespmem:v6+s28+$0x0] =	vst.idx.msk $0xffff, v45;
	v52 =	vadd.f32 v47, v4;
	v53 =	vmul.f32 $8.000000000e+00, v24;
	v54 =	vadd.s32 v3, v31  }
0x8e: {  	v55 =	vadd.s32 v3, v12;
	[tilespmem:v39+s28+$0x0] =	vst.idx.msk $0xffff, v5;
	v5 =	vadd.f32 v50, v4;
	v56 =	vmul.f32 $8.000000000e+00, v40  }
0x8f: {  	v58 =	vadd.s32 v3, v20;
	[tilespmem:v42+s28+$0x0] =	vst.idx.msk $0xffff, v52;
	v57 =	vadd.f32 v53, v4;
	v59 =	vmul.f32 $8.000000000e+00, v44  }
0x90: {  	v60 =	vadd.s32 v3, v35;
	[tilespmem:v46+s28+$0x0] =	vst.idx.msk $0xffff, v5;
	v61 =	vmul.f32 $8.000000000e+00, v48;
	v5 =	vadd.f32 v56, v4  }
0x91: {  	[tilespmem:v49+s28+$0x0] =	vst.idx.msk $0xffff, v57;
	v63 =	vmul.f32 $8.000000000e+00, v51;
	v62 =	vadd.f32 v59, v4  }
0x92: {  	s16 =	sshll.u32 s24, $0x7;
	[tilespmem:v54+s28+$0x0] =	vst.idx.msk $0xffff, v5;
	v5 =	vadd.f32 v61, v4  }
0x93: {  	s5 =	sand.u32 $0xE00, s16;
	v4 =	vadd.f32 v63, v4;
	[tilespmem:v55+s28+$0x0] =	vst.idx.msk $0xffff, v62  }
0x94: {  	s7 =	sshll.u32 s7, $0xF;
	s5 =	sadd.s32 s2, s5;
	[tilespmem:v58+s28+$0x0] =	vst.idx.msk $0xffff, v5  }
0x95: {  	s24 =	simm.s32 $0xE400;
	s7 =	sadd.s32 s7, s5;
	[tilespmem:v60+s28+$0x0] =	vst.idx.msk $0xffff, v4  }
0x96: {  	[hbm4b:s7+s3] =	stream.linear.scatter [tilespmem:s24], [sflag:$0x5], $0x80, $0x38;
	[tilespmem:$0x19E00] =	vst v63  }
0x97: {  	s10 =	sadd.s32 $0x10, s7;
	s8 =	simm.s32 $0xE488  }
0x98: {  	[hbm4b:s10+s3] =	stream.linear.scatter [tilespmem:s8], [sflag:$0x5], $0x80, $0x38;
	[tilespmem:$0x19E00] =	vst v63  }
0x99: {  	s12 =	simm.s32 $0xE510;
	s16 =	simm.s32 $0xE598;
	s14 =	sadd.s32 $0x20, s7  }
0x9a: {  	[hbm4b:s14+s3] =	stream.linear.scatter [tilespmem:s12], [sflag:$0x5], $0x80, $0x38;
	[tilespmem:$0x19E00] =	vst v63  }
0x9b: {  	s5 =	simm.s32 $0x440;
	s24 =	sadd.s32 $0x30, s7;
	s8 =	simm.s32 $0xE620  }
0x9c: {  	[hbm4b:s24+s3] =	stream.linear.scatter [tilespmem:s16], [sflag:$0x5], $0x80, $0x38;
	[tilespmem:$0x19E00] =	vst v63  }
0x9d: {  	s10 =	sadd.s32 $0x40, s7;
	s12 =	simm.s32 $0xE6A8;
	s14 =	sadd.s32 $0x50, s7  }
0x9e: {  	[hbm4b:s10+s3] =	stream.linear.scatter [tilespmem:s8], [sflag:$0x5], $0x80, $0x38;
	[tilespmem:$0x19E00] =	vst v63  }
0x9f: {  	s16 =	simm.s32 $0xE730;
	s24 =	sadd.s32 $0x60, s7;
	s8 =	simm.s32 $0x2200  }
0xa0: {  	[hbm4b:s14+s3] =	stream.linear.scatter [tilespmem:s12], [sflag:$0x5], $0x80, $0x38;
	[tilespmem:$0x19E00] =	vst v63  }
0xa1: {  	s10 =	simm.s32 $0xE7B8;
	s12 =	sadd.s32 $0x70, s7;
	s7 =	sadd.s32 $0x1000, s7  }
0xa2: {  	[hbm4b:s24+s3] =	stream.linear.scatter [tilespmem:s16], [sflag:$0x5], $0x80, $0x38;
	[tilespmem:$0x19E00] =	vst v63  }
.LBB2_5:
0xa3: {  	[hbm4b:s12+s3] =	stream.linear.scatter [tilespmem:s10], [sflag:$0x5], $0x80, $0x38;
	[tilespmem:$0x19E00] =	vst v63  }
0xa4: {  	s10 =	smov.u32 s5;
	s5 =	smov.u32 s8  }
0xa5: {  	s14 =	sadd.s32 $0x1100, s8;
	s5 =	sshra.s32 s5, $0x2;
	s12 =	sadd.s32 $0xE400, s10  }
0xa6: {  	[hbm4b:s7+s3] =	stream.linear.scatter [tilespmem:s12], [sflag:$0x5], $0x80, $0x38;
	[tilespmem:$0x19E00] =	vst v63  }
0xa7: {  	p1 =	sne.s32 s8, $0x7700;
	s8 =	sadd.s32 $0xE488, s10;
	s12 =	sadd.s32 $0x10, s7  }
0xa8: {  	[hbm4b:s12+s3] =	stream.linear.scatter [tilespmem:s8], [sflag:$0x5], $0x80, $0x38;
	[tilespmem:$0x19E00] =	vst v63  }
0xa9: {  	s8 =	sadd.s32 $0xE510, s10;
	s12 =	sadd.s32 $0x20, s7  }
0xaa: {  	[hbm4b:s12+s3] =	stream.linear.scatter [tilespmem:s8], [sflag:$0x5], $0x80, $0x38;
	[tilespmem:$0x19E00] =	vst v63  }
0xab: {  	s8 =	sadd.s32 $0xE598, s10;
	s12 =	sadd.s32 $0x30, s7  }
0xac: {  	[hbm4b:s12+s3] =	stream.linear.scatter [tilespmem:s8], [sflag:$0x5], $0x80, $0x38;
	[tilespmem:$0x19E00] =	vst v63  }
0xad: {  	s8 =	sadd.s32 $0xE620, s10;
	s12 =	sadd.s32 $0x40, s7  }
0xae: {  	[hbm4b:s12+s3] =	stream.linear.scatter [tilespmem:s8], [sflag:$0x5], $0x80, $0x38;
	[tilespmem:$0x19E00] =	vst v63  }
.Ltmp1:
0xaf: {  	s8 =	sadd.s32 $0xE6A8, s10;
	s12 =	sadd.s32 $0x50, s7;
	(pc) =	sbr.rel @p1 .LBB2_5-.Ltmp1, $4  }
0xb0: {  	[hbm4b:s12+s3] =	stream.linear.scatter [tilespmem:s8], [sflag:$0x5], $0x80, $0x38;
	[tilespmem:$0x19E00] =	vst v63  }
0xb1: {  	s8 =	sadd.s32 $0xE730, s10;
	s12 =	sadd.s32 $0x60, s7;
	s10 =	sadd.s32 $0xE7B8, s10  }
0xb2: {  	[hbm4b:s12+s3] =	stream.linear.scatter [tilespmem:s8], [sflag:$0x5], $0x80, $0x38;
	[tilespmem:$0x19E00] =	vst v63  }
0xb3: {  	s12 =	sadd.s32 $0x70, s7;
	s7 =	sadd.s32 $0x1000, s7;
	s8 =	smov.u32 s14  }
0xb4: {  	[hbm4b:s12+s3] =	stream.linear.scatter [tilespmem:s10], [sflag:$0x5], $0x80, $0x38;
	[tilespmem:$0x19E00] =	vst v63  }
0xb5: {  	s8 =	sadd.s32 $0xE400, s5  }
0xb6: {  	[hbm4b:s7+s3] =	stream.linear.scatter [tilespmem:s8], [sflag:$0x5], $0x80, $0x38;
	[tilespmem:$0x19E00] =	vst v63  }
0xb7: {  	s16 =	sadd.s32 $0xE488, s5;
	s24 =	sadd.s32 $0x10, s7  }
0xb8: {  	[hbm4b:s24+s3] =	stream.linear.scatter [tilespmem:s16], [sflag:$0x5], $0x80, $0x38;
	[tilespmem:$0x19E00] =	vst v63  }
0xb9: {  	s12 =	sadd.s32 $0xE510, s5;
	s14 =	sadd.s32 $0x20, s7  }
0xba: {  	[hbm4b:s14+s3] =	stream.linear.scatter [tilespmem:s12], [sflag:$0x5], $0x80, $0x38;
	[tilespmem:$0x19E00] =	vst v63  }
0xbb: {  	s16 =	sadd.s32 $0xE598, s5;
	s24 =	sadd.s32 $0x30, s7  }
0xbc: {  	[hbm4b:s24+s3] =	stream.linear.scatter [tilespmem:s16], [sflag:$0x5], $0x80, $0x38;
	[tilespmem:$0x19E00] =	vst v63  }
0xbd: {  	s12 =	sadd.s32 $0xE620, s5;
	s14 =	sadd.s32 $0x40, s7  }
0xbe: {  	[hbm4b:s14+s3] =	stream.linear.scatter [tilespmem:s12], [sflag:$0x5], $0x80, $0x38;
	[tilespmem:$0x19E00] =	vst v63  }
0xbf: {  	s16 =	sadd.s32 $0xE6A8, s5;
	s24 =	sadd.s32 $0x50, s7  }
0xc0: {  	[hbm4b:s24+s3] =	stream.linear.scatter [tilespmem:s16], [sflag:$0x5], $0x80, $0x38;
	[tilespmem:$0x19E00] =	vst v63  }
0xc1: {  	s12 =	sadd.s32 $0xE730, s5;
	s14 =	sadd.s32 $0x60, s7  }
0xc2: {  	[hbm4b:s14+s3] =	stream.linear.scatter [tilespmem:s12], [sflag:$0x5], $0x80, $0x38;
	[tilespmem:$0x19E00] =	vst v63  }
0xc3: {  	s8 =	sshll.u32 s18, $0x9;
	s16 =	sadd.s32 $0xE7B8, s5;
	s24 =	sadd.s32 $0x70, s7  }
0xc4: {  	[hbm4b:s24+s3] =	stream.linear.scatter [tilespmem:s16], [sflag:$0x5], $0x80, $0x38;
	[tilespmem:$0x19E00] =	vst v63  }
0xc5: {  	s24 =	sand.u32 $0x3FFFFE00, s8  }
0xc6: {  	s5 =	sadd.s32 $0x200, s24  }
0xc7: {  	[tilespmem:s20], [sflag:$0x1] =	stream.indirect.gather [hbm4b:s6+s19], $0x40, s5, s19, $0xb8;
	[tilespmem:$0x19E00] =	vst v63  }
0xc8: {  	_ =	swait.ge [sflag:s29], $0x2000  }
0xc9: {  	[sflag:s29] =	ssyncset.done $0x0  }
0xca: {  	s5 =	simm.s32 @!p0 $0x6;
	[sflag:s29] =	ssyncadd.s32 $0xFFFFE000  }
0xcb: {  	_ =	swait.ge @!p0 [sflag:s5], $0x2000  }
0xcc: {  	s10 =	sor.u32 $0x1, s22;
	[sflag:s5] =	ssyncset.done @!p0 $0x0  }
0xcd: {  	s8 =	simm.s32 $0x84F0;
	[sflag:s5] =	ssyncadd.s32 @!p0 $0xFFFFE000;
	s5 =	sadd.s32 s4, s10  }
0xce: {  	s7 =	sshll.u32 s5, $0x1;
	v4 =	vld [tilespmem:s8+$0xFFFFFFD0]  }
0xcf: {  	s12 =	simm.s32 $0x3;
	s7 =	sand.u32 $0x3FFFFFC0, s7  }
0xd0: {  	v5 =	vmov s12;
	v10 =	vld [tilespmem:s7+$0x16C00]  }
0xd1: {  	v15 =	vand.u32 $0x7F, v5  }
0xd2: {  	v9 =	vadd.s32 v0, v15;
	v8 =	vld [tilespmem:s8+$0xFFFFFF10]  }
0xd3: {  	s14 =	simm.s32 $0x0;
	v11 =	vld [tilespmem:s8+$0xFFFFFF50];
	v4 =	vmul.f32 $8.000000000e+00, v4  }
0xd4: {  	v6 =	vmov s14;
	s16 =	simm.s32 $0x1;
	v12 =	vld [tilespmem:s8+$0xFFFFFF90]  }
0xd5: {  	s12 =	simm.s32 $0x2;
	v14 =	vand.u32 $0x7C, v6;
	v6 =	vmov s16;
	v7 =	vld [tilespmem:s7+$0x16C10];
	v13 =	vadd.f32 v4, v10  }
0xd6: {  	v17 =	vmov s12;
	v16 =	vadd.s32 v0, v14;
	v30 =	vand.u32 $0x7D, v6;
	v5 =	vld [tilespmem:s7+$0x16C20]  }
0xd7: {  	v6 =	vand.u32 $0x7E, v17;
	v17 =	vadd.s32 v0, v30;
	v8 =	vmul.f32 $8.000000000e+00, v8;
	v4 =	vld [tilespmem:s7+$0x16C30];
	[tilespmem:v9+s30+$0x0] =	vst.idx.msk $0xffff, v13  }
0xd8: {  	v9 =	vmul.f32 $8.000000000e+00, v11;
	v11 =	vadd.s32 v0, v6;
	v13 =	vld [tilespmem:s8+$0xFFFFFFE0]  }
0xd9: {  	v12 =	vmul.f32 $8.000000000e+00, v12;
	v8 =	vadd.f32 v8, v10  }
0xda: {  	v9 =	vadd.f32 v9, v10  }
0xdb: {  	[tilespmem:v16+s30+$0x0] =	vst.idx.msk $0xffff, v8;
	v8 =	vadd.f32 v12, v10  }
0xdc: {  	v12 =	vld [tilespmem:s8+$0xFFFFFF20];
	[tilespmem:v17+s30+$0x0] =	vst.idx.msk $0xffff, v9;
	v9 =	vadd.s32 v1, v15  }
0xdd: {  	v16 =	vld [tilespmem:s8+$0xFFFFFF60];
	[tilespmem:v11+s30+$0x0] =	vst.idx.msk $0xffff, v8;
	v8 =	vmul.f32 $8.000000000e+00, v13  }
0xde: {  	s7 =	simm.s32 $0x85F0;
	v11 =	vld [tilespmem:s8+$0xFFFFFFA0]  }
0xdf: {  	v19 =	vld [tilespmem:s7+$0xFFFFFFD0];
	v8 =	vadd.f32 v8, v7  }
0xe0: {  	s14 =	simm.s32 $0x4;
	v26 =	vadd.s32 v2, v15;
	v13 =	vadd.s32 v1, v14  }
0xe1: {  	v18 =	vadd.s32 v1, v30;
	v17 =	vmov s14;
	v12 =	vmul.f32 $8.000000000e+00, v12;
	[tilespmem:v9+s30+$0x0] =	vst.idx.msk $0xffff, v8  }
0xe2: {  	s16 =	simm.s32 $0x7;
	v8 =	vand.u32 $0x7C, v17;
	v9 =	vmul.f32 $8.000000000e+00, v16;
	v16 =	vadd.s32 v1, v6;
	v17 =	vld [tilespmem:s8+$0xFFFFFFF0]  }
0xe3: {  	v21 =	vmov s16;
	v20 =	vld [tilespmem:s7+$0xFFFFFF10];
	v12 =	vadd.f32 v12, v7;
	v11 =	vmul.f32 $8.000000000e+00, v11  }
0xe4: {  	v24 =	vld [tilespmem:s7+$0xFFFFFF50];
	v19 =	vmul.f32 $8.000000000e+00, v19;
	v23 =	vadd.f32 v9, v7;
	v9 =	vand.u32 $0x7F, v21  }
0xe5: {  	s12 =	simm.s32 $0x5;
	[tilespmem:v13+s30+$0x0] =	vst.idx.msk $0xffff, v12;
	v12 =	vld [tilespmem:s7+$0xFFFFFF90];
	v11 =	vadd.f32 v11, v7;
	v25 =	vadd.s32 v0, v9  }
0xe6: {  	s14 =	simm.s32 $0x6;
	v19 =	vadd.f32 v19, v10;
	v22 =	vadd.s32 v0, v8;
	v21 =	vmov s12;
	[tilespmem:v18+s30+$0x0] =	vst.idx.msk $0xffff, v23;
	v23 =	vld [tilespmem:s8+$0xFFFFFF30]  }
0xe7: {  	v13 =	vand.u32 $0x7D, v21;
	v18 =	vmov s14;
	[tilespmem:v16+s30+$0x0] =	vst.idx.msk $0xffff, v11;
	v16 =	vld [tilespmem:s8+$0xFFFFFF70];
	v17 =	vmul.f32 $8.000000000e+00, v17  }
0xe8: {  	v11 =	vand.u32 $0x7E, v18;
	v18 =	vmul.f32 $8.000000000e+00, v20;
	v20 =	vadd.s32 v0, v13;
	v21 =	vld [tilespmem:s8+$0xFFFFFFB0]  }
0xe9: {  	v24 =	vmul.f32 $8.000000000e+00, v24;
	v27 =	vadd.s32 v0, v11;
	v17 =	vadd.f32 v17, v5  }
0xea: {  	v12 =	vmul.f32 $8.000000000e+00, v12;
	v18 =	vadd.f32 v18, v10;
	[tilespmem:v25+s30+$0x0] =	vst.idx.msk $0xffff, v19;
	v19 =	vadd.s32 v2, v14  }
0xeb: {  	v24 =	vadd.f32 v24, v10;
	v25 =	vld [tilespmem:s7+$0xFFFFFFE0];
	v23 =	vmul.f32 $8.000000000e+00, v23;
	[tilespmem:v26+s30+$0x0] =	vst.idx.msk $0xffff, v17;
	v17 =	vadd.s32 v2, v30  }
0xec: {  	[tilespmem:v22+s30+$0x0] =	vst.idx.msk $0xffff, v18;
	v18 =	vadd.f32 v12, v10;
	v16 =	vmul.f32 $8.000000000e+00, v16;
	v26 =	vadd.s32 v2, v6;
	v22 =	vld [tilespmem:s8+$0x0]  }
0xed: {  	s12 =	simm.s32 $0x8;
	v28 =	vld [tilespmem:s7+$0xFFFFFF20];
	[tilespmem:v20+s30+$0x0] =	vst.idx.msk $0xffff, v24;
	v21 =	vmul.f32 $8.000000000e+00, v21;
	v23 =	vadd.f32 v23, v5  }
0xee: {  	v31 =	vadd.s32 v1, v9;
	v12 =	vmov s12;
	v24 =	vld [tilespmem:s7+$0xFFFFFF60];
	[tilespmem:v27+s30+$0x0] =	vst.idx.msk $0xffff, v18;
	v16 =	vadd.f32 v16, v5  }
0xef: {  	s16 =	simm.s32 $0x9;
	v14 =	vadd.s32 v3, v14;
	v12 =	vand.u32 $0x7C, v12;
	v27 =	vld [tilespmem:s7+$0xFFFFFFA0];
	v29 =	vadd.f32 v21, v5;
	[tilespmem:v19+s30+$0x0] =	vst.idx.msk $0xffff, v23  }
0xf0: {  	v20 =	vmov s16;
	v19 =	vadd.s32 v3, v15;
	v32 =	vmul.f32 $8.000000000e+00, v25;
	v21 =	vld [tilespmem:s8+$0xFFFFFF40];
	[tilespmem:v17+s30+$0x0] =	vst.idx.msk $0xffff, v16  }
0xf1: {  	v18 =	vadd.s32 v0, v12;
	v25 =	vadd.s32 v1, v8;
	[tilespmem:v26+s30+$0x0] =	vst.idx.msk $0xffff, v29;
	v15 =	vmul.f32 $8.000000000e+00, v22;
	v17 =	vld [tilespmem:s8+$0xFFFFFF80]  }
0xf2: {  	v23 =	vadd.s32 v1, v13;
	v28 =	vmul.f32 $8.000000000e+00, v28;
	v32 =	vadd.f32 v32, v7;
	v16 =	vld [tilespmem:s8+$0xFFFFFFC0]  }
0xf3: {  	s10 =	simm.s32 $0x86F0;
	v26 =	vmul.f32 $8.000000000e+00, v24;
	v22 =	vadd.s32 v1, v11;
	v24 =	vadd.f32 v15, v4  }
0xf4: {  	s14 =	simm.s32 $0xC;
	v29 =	vld [tilespmem:s10+$0xFFFFFFD0];
	s8 =	sshrl.u32 s5, $0x5;
	v28 =	vadd.f32 v28, v7;
	v27 =	vmul.f32 $8.000000000e+00, v27;
	[tilespmem:v31+s30+$0x0] =	vst.idx.msk $0xffff, v32;
	v15 =	vadd.s32 v3, v30  }
.LBB2_7:
0xf5: {  	p1 =	slt.u32 s14, $0x7C;
	s16 =	sadd.s32 $0x3, s12;
	v26 =	vadd.f32 v26, v7;
	v30 =	vld [tilespmem:s7+$0xFFFFFFF0];
	v21 =	vmul.f32 $8.000000000e+00, v21;
	v31 =	vadd.s32 v3, v6;
	[tilespmem:v19+s30+$0x0] =	vst.idx.msk $0xffff, v24  }
0xf6: {  	v32 =	vmovc v13;
	v6 =	vmovc v11;
	v19 =	vld [tilespmem:s10+$0xFFFFFF10];
	v24 =	vmov s16;
	[tilespmem:v25+s30+$0x0] =	vst.idx.msk $0xffff, v28;
	v25 =	vadd.f32 v27, v7;
	v17 =	vmul.f32 $8.000000000e+00, v17  }
0xf7: {  	s16 =	sadd.s32 $0x2, s12;
	s12 =	smov.u32 s14;
	v27 =	vld [tilespmem:s10+$0xFFFFFF50];
	v24 =	vand.u32 $0x7F, v24;
	[tilespmem:v23+s30+$0x0] =	vst.idx.msk $0xffff, v26;
	v11 =	vadd.f32 v21, v4;
	v13 =	vmul.f32 $8.000000000e+00, v16  }
0xf8: {  	v16 =	vmov s16;
	v21 =	vld [tilespmem:s10+$0xFFFFFF90];
	v23 =	vadd.s32 v0, v24;
	[tilespmem:v22+s30+$0x0] =	vst.idx.msk $0xffff, v25;
	v17 =	vadd.f32 v17, v4  }
0xf9: {  	v26 =	vadd.s32 v2, v9;
	v22 =	vmul.f32 $8.000000000e+00, v29;
	v25 =	vld [tilespmem:s7+$0xFFFFFF30];
	[tilespmem:v14+s30+$0x0] =	vst.idx.msk $0xffff, v11;
	v14 =	vadd.f32 v13, v4  }
0xfa: {  	v13 =	vand.u32 $0x7D, v20;
	v11 =	vand.u32 $0x7E, v16;
	v16 =	vld [tilespmem:s7+$0xFFFFFF70];
	v20 =	vmul.f32 $8.000000000e+00, v30;
	[tilespmem:v15+s30+$0x0] =	vst.idx.msk $0xffff, v17  }
0xfb: {  	v17 =	vadd.s32 v0, v13;
	v15 =	vmul.f32 $8.000000000e+00, v19;
	v19 =	vadd.f32 v22, v10;
	v22 =	vld [tilespmem:s7+$0xFFFFFFB0];
	[tilespmem:v31+s30+$0x0] =	vst.idx.msk $0xffff, v14  }
0xfc: {  	v14 =	vmul.f32 $8.000000000e+00, v27;
	v27 =	vadd.s32 v0, v11;
	v20 =	vadd.f32 v20, v5  }
0xfd: {  	v15 =	vadd.f32 v15, v10;
	v21 =	vmul.f32 $8.000000000e+00, v21;
	[tilespmem:v23+s30+$0x0] =	vst.idx.msk $0xffff, v19;
	v19 =	vadd.s32 v2, v8  }
0xfe: {  	v28 =	vadd.s32 v2, v32;
	v14 =	vadd.f32 v14, v10;
	v23 =	vld [tilespmem:s10+$0xFFFFFFE0];
	v25 =	vmul.f32 $8.000000000e+00, v25;
	[tilespmem:v26+s30+$0x0] =	vst.idx.msk $0xffff, v20  }
0xff: {  	v26 =	vadd.s32 v2, v6;
	[tilespmem:v18+s30+$0x0] =	vst.idx.msk $0xffff, v15;
	v15 =	vadd.f32 v21, v10;
	v16 =	vmul.f32 $8.000000000e+00, v16;
	v29 =	vld [tilespmem:s7+$0x0]  }
0x100: {  	v18 =	vmov s14;
	v30 =	vld [tilespmem:s10+$0xFFFFFF20];
	[tilespmem:v17+s30+$0x0] =	vst.idx.msk $0xffff, v14;
	v14 =	vadd.f32 v25, v5;
	v17 =	vmul.f32 $8.000000000e+00, v22  }
0x101: {  	s16 =	sadd.s32 $0x1, s14;
	v31 =	vand.u32 $0x7C, v18;
	v22 =	vld [tilespmem:s10+$0xFFFFFF60];
	[tilespmem:v27+s30+$0x0] =	vst.idx.msk $0xffff, v15;
	v15 =	vadd.f32 v16, v5  }
0x102: {  	v33 =	vadd.s32 v1, v24;
	v20 =	vmov s16;
	v27 =	vld [tilespmem:s10+$0xFFFFFFA0];
	[tilespmem:v19+s30+$0x0] =	vst.idx.msk $0xffff, v14;
	v16 =	vadd.f32 v17, v5  }
.Ltmp2:
0x103: {  	v14 =	vadd.s32 v3, v8;
	v19 =	vadd.s32 v3, v9;
	v34 =	vmul.f32 $8.000000000e+00, v23;
	v21 =	vld [tilespmem:s7+$0xFFFFFF40];
	[tilespmem:v28+s30+$0x0] =	vst.idx.msk $0xffff, v15;
	(pc) =	sbr.rel @p1 .LBB2_7-.Ltmp2, $4  }
0x104: {  	v25 =	vadd.s32 v1, v12;
	v18 =	vadd.s32 v0, v31;
	v17 =	vld [tilespmem:s7+$0xFFFFFF80];
	[tilespmem:v26+s30+$0x0] =	vst.idx.msk $0xffff, v16;
	v15 =	vmul.f32 $8.000000000e+00, v29  }
0x105: {  	v9 =	vmovc v24;
	v8 =	vmovc v12;
	v23 =	vadd.s32 v1, v13;
	v28 =	vmul.f32 $8.000000000e+00, v30;
	v30 =	vadd.f32 v34, v7;
	v16 =	vld [tilespmem:s7+$0xFFFFFFC0];
	s7 =	smov.u32 s10  }
0x106: {  	v12 =	vmovc v31;
	s10 =	sadd.s32 $0x100, s10;
	v26 =	vmul.f32 $8.000000000e+00, v22;
	v22 =	vadd.s32 v1, v11;
	v24 =	vadd.f32 v15, v4  }
0x107: {  	s14 =	sadd.s32 $0x4, s14;
	v15 =	vadd.s32 v3, v32;
	v29 =	vld [tilespmem:s10+$0xFFFFFFD0];
	v28 =	vadd.f32 v28, v7;
	v27 =	vmul.f32 $8.000000000e+00, v27;
	[tilespmem:v33+s30+$0x0] =	vst.idx.msk $0xffff, v30  }
0x108: {  	s14 =	sadd.s32 $0x3, s12;
	v30 =	vld [tilespmem:s10+$0xFFFFFF10]  }
0x109: {  	v32 =	vld [tilespmem:s10+$0xFFFFFF50];
	v31 =	vmov s14  }
0x10a: {  	v33 =	vld [tilespmem:s10+$0xFFFFFF90];
	v31 =	vand.u32 $0x7F, v31  }
0x10b: {  	s14 =	sadd.s32 $0x2, s12;
	v34 =	vadd.s32 v0, v31  }
0x10c: {  	v20 =	vand.u32 $0x7D, v20;
	v35 =	vmov s14;
	v29 =	vmul.f32 $8.000000000e+00, v29  }
0x10d: {  	v36 =	vadd.s32 v0, v20;
	v35 =	vand.u32 $0x7E, v35;
	v30 =	vmul.f32 $8.000000000e+00, v30  }
0x10e: {  	v37 =	vadd.s32 v0, v35;
	v32 =	vmul.f32 $8.000000000e+00, v32;
	v29 =	vadd.f32 v29, v10  }
0x10f: {  	v33 =	vmul.f32 $8.000000000e+00, v33;
	v30 =	vadd.f32 v30, v10  }
0x110: {  	v58 =	vadd.f32 v32, v10;
	[tilespmem:v34+s30+$0x0] =	vst.idx.msk $0xffff, v29  }
0x111: {  	v60 =	vadd.f32 v33, v10;
	[tilespmem:v18+s30+$0x0] =	vst.idx.msk $0xffff, v30;
	v59 =	vld [tilespmem:s10+$0xFFFFFFE0]  }
0x112: {  	[tilespmem:v36+s30+$0x0] =	vst.idx.msk $0xffff, v58;
	v30 =	vld [tilespmem:s10+$0xFFFFFF20]  }
0x113: {  	[tilespmem:v37+s30+$0x0] =	vst.idx.msk $0xffff, v60;
	v29 =	vld [tilespmem:s10+$0xFFFFFF60]  }
0x114: {  	v10 =	vld [tilespmem:s10+$0xFFFFFFA0]  }
0x115: {  	v61 =	vadd.s32 v1, v31  }
0x116: {  	v26 =	vadd.f32 v26, v7;
	v62 =	vadd.s32 v1, v12;
	v18 =	vmul.f32 $8.000000000e+00, v59  }
0x117: {  	v63 =	vld [tilespmem:s7+$0xFFFFFFF0];
	[tilespmem:v25+s30+$0x0] =	vst.idx.msk $0xffff, v28;
	v27 =	vadd.f32 v27, v7;
	v36 =	vadd.s32 v1, v20;
	v34 =	vmul.f32 $8.000000000e+00, v30  }
0x118: {  	[tilespmem:v23+s30+$0x0] =	vst.idx.msk $0xffff, v26;
	v39 =	vadd.s32 v1, v35;
	v37 =	vld [tilespmem:s7+$0xFFFFFF30];
	v38 =	vmul.f32 $8.000000000e+00, v29;
	v18 =	vadd.f32 v18, v7  }
0x119: {  	[tilespmem:v22+s30+$0x0] =	vst.idx.msk $0xffff, v27;
	v40 =	vld [tilespmem:s7+$0xFFFFFF70];
	v10 =	vmul.f32 $8.000000000e+00, v10;
	v41 =	vadd.f32 v34, v7  }
0x11a: {  	v42 =	vld [tilespmem:s7+$0xFFFFFFB0];
	v26 =	vadd.f32 v38, v7;
	[tilespmem:v61+s30+$0x0] =	vst.idx.msk $0xffff, v18  }
0x11b: {  	v21 =	vmul.f32 $8.000000000e+00, v21;
	v43 =	vadd.s32 v2, v9;
	v44 =	vadd.f32 v10, v7;
	[tilespmem:v62+s30+$0x0] =	vst.idx.msk $0xffff, v41;
	v45 =	vld [tilespmem:s10+$0xFFFFFFF0]  }
0x11c: {  	v46 =	vadd.s32 v2, v8;
	v25 =	vmul.f32 $8.000000000e+00, v63;
	[tilespmem:v36+s30+$0x0] =	vst.idx.msk $0xffff, v26;
	v47 =	vld [tilespmem:s10+$0xFFFFFF30]  }
0x11d: {  	v48 =	vadd.s32 v2, v13;
	v21 =	vadd.f32 v21, v4;
	v23 =	vmul.f32 $8.000000000e+00, v37;
	[tilespmem:v39+s30+$0x0] =	vst.idx.msk $0xffff, v44;
	v49 =	vld [tilespmem:s10+$0xFFFFFF70]  }
0x11e: {  	[tilespmem:v19+s30+$0x0] =	vst.idx.msk $0xffff, v24;
	v51 =	vadd.s32 v2, v11;
	v50 =	vadd.f32 v25, v5;
	v22 =	vmul.f32 $8.000000000e+00, v40;
	v52 =	vld [tilespmem:s10+$0xFFFFFFB0]  }
0x11f: {  	v54 =	vadd.s32 v2, v31;
	[tilespmem:v14+s30+$0x0] =	vst.idx.msk $0xffff, v21;
	v53 =	vadd.f32 v23, v5;
	v18 =	vmul.f32 $8.000000000e+00, v42  }
0x120: {  	v56 =	vadd.s32 v2, v12;
	[tilespmem:v43+s30+$0x0] =	vst.idx.msk $0xffff, v50;
	v55 =	vadd.f32 v22, v5;
	v10 =	vmul.f32 $8.000000000e+00, v45  }
0x121: {  	v60 =	vadd.s32 v2, v20;
	v57 =	vld [tilespmem:s7+$0x0];
	[tilespmem:v46+s30+$0x0] =	vst.idx.msk $0xffff, v53;
	v58 =	vadd.f32 v18, v5;
	v59 =	vmul.f32 $8.000000000e+00, v47  }
0x122: {  	v32 =	vadd.s32 v2, v35;
	[tilespmem:v48+s30+$0x0] =	vst.idx.msk $0xffff, v55;
	v61 =	vld [tilespmem:s7+$0xFFFFFF40];
	v63 =	vmul.f32 $8.000000000e+00, v49;
	v62 =	vadd.f32 v10, v5  }
0x123: {  	v33 =	vld [tilespmem:s7+$0xFFFFFF80];
	[tilespmem:v51+s30+$0x0] =	vst.idx.msk $0xffff, v58;
	v36 =	vmul.f32 $8.000000000e+00, v52;
	v34 =	vadd.f32 v59, v5  }
0x124: {  	v6 =	vadd.s32 v3, v6;
	v17 =	vmul.f32 $8.000000000e+00, v17;
	v24 =	vld [tilespmem:s7+$0xFFFFFFC0];
	v37 =	vadd.f32 v63, v5;
	[tilespmem:v54+s30+$0x0] =	vst.idx.msk $0xffff, v62  }
0x125: {  	v38 =	vmul.f32 $8.000000000e+00, v16;
	v39 =	vadd.s32 v3, v9;
	v5 =	vadd.f32 v36, v5;
	v40 =	vld [tilespmem:s10+$0x0];
	[tilespmem:v56+s30+$0x0] =	vst.idx.msk $0xffff, v34  }
0x126: {  	v43 =	vmul.f32 $8.000000000e+00, v57;
	v42 =	vadd.s32 v3, v8;
	v41 =	vadd.f32 v17, v4;
	[tilespmem:v60+s30+$0x0] =	vst.idx.msk $0xffff, v37;
	v44 =	vld [tilespmem:s10+$0xFFFFFF40]  }
0x127: {  	v46 =	vadd.s32 v3, v13;
	v45 =	vadd.f32 v38, v4;
	v47 =	vmul.f32 $8.000000000e+00, v61;
	[tilespmem:v32+s30+$0x0] =	vst.idx.msk $0xffff, v5;
	v48 =	vld [tilespmem:s10+$0xFFFFFF80]  }
0x128: {  	v50 =	vmul.f32 $8.000000000e+00, v33;
	[tilespmem:v15+s30+$0x0] =	vst.idx.msk $0xffff, v41;
	v49 =	vadd.s32 v3, v11;
	v5 =	vadd.f32 v43, v4;
	v51 =	vld [tilespmem:s10+$0xFFFFFFC0]  }
0x129: {  	[tilespmem:v6+s30+$0x0] =	vst.idx.msk $0xffff, v45;
	v52 =	vadd.f32 v47, v4;
	v53 =	vmul.f32 $8.000000000e+00, v24;
	v54 =	vadd.s32 v3, v31  }
0x12a: {  	v55 =	vadd.s32 v3, v12;
	[tilespmem:v39+s30+$0x0] =	vst.idx.msk $0xffff, v5;
	v5 =	vadd.f32 v50, v4;
	v56 =	vmul.f32 $8.000000000e+00, v40  }
0x12b: {  	v58 =	vadd.s32 v3, v20;
	[tilespmem:v42+s30+$0x0] =	vst.idx.msk $0xffff, v52;
	v57 =	vadd.f32 v53, v4;
	v59 =	vmul.f32 $8.000000000e+00, v44  }
0x12c: {  	v60 =	vadd.s32 v3, v35;
	[tilespmem:v46+s30+$0x0] =	vst.idx.msk $0xffff, v5;
	v61 =	vmul.f32 $8.000000000e+00, v48;
	v5 =	vadd.f32 v56, v4  }
0x12d: {  	[tilespmem:v49+s30+$0x0] =	vst.idx.msk $0xffff, v57;
	v63 =	vmul.f32 $8.000000000e+00, v51;
	v62 =	vadd.f32 v59, v4  }
0x12e: {  	s5 =	sshll.u32 s5, $0x7;
	[tilespmem:v54+s30+$0x0] =	vst.idx.msk $0xffff, v5;
	v5 =	vadd.f32 v61, v4  }
0x12f: {  	s5 =	sand.u32 $0xE80, s5;
	v4 =	vadd.f32 v63, v4;
	[tilespmem:v55+s30+$0x0] =	vst.idx.msk $0xffff, v62  }
0x130: {  	s16 =	sshll.u32 s8, $0xF;
	s5 =	sadd.s32 s2, s5;
	[tilespmem:v58+s30+$0x0] =	vst.idx.msk $0xffff, v5  }
0x131: {  	s8 =	simm.s32 $0x10600;
	s7 =	sadd.s32 s16, s5;
	[tilespmem:v60+s30+$0x0] =	vst.idx.msk $0xffff, v4  }
0x132: {  	[hbm4b:s7+s3] =	stream.linear.scatter [tilespmem:s8], [sflag:$0x6], $0x80, $0x38;
	[tilespmem:$0x19E00] =	vst v63  }
0x133: {  	s12 =	sadd.s32 $0x10, s7;
	s10 =	simm.s32 $0x10688  }
0x134: {  	[hbm4b:s12+s3] =	stream.linear.scatter [tilespmem:s10], [sflag:$0x6], $0x80, $0x38;
	[tilespmem:$0x19E00] =	vst v63  }
0x135: {  	s14 =	simm.s32 $0x10710;
	s5 =	simm.s32 $0x440;
	s16 =	sadd.s32 $0x20, s7  }
0x136: {  	[hbm4b:s16+s3] =	stream.linear.scatter [tilespmem:s14], [sflag:$0x6], $0x80, $0x38;
	[tilespmem:$0x19E00] =	vst v63  }
0x137: {  	s8 =	simm.s32 $0x2200;
	s10 =	simm.s32 $0x10798;
	s12 =	sadd.s32 $0x30, s7  }
0x138: {  	[hbm4b:s12+s3] =	stream.linear.scatter [tilespmem:s10], [sflag:$0x6], $0x80, $0x38;
	[tilespmem:$0x19E00] =	vst v63  }
0x139: {  	s14 =	simm.s32 $0x10820;
	s16 =	sadd.s32 $0x40, s7;
	s10 =	simm.s32 $0x108A8  }
0x13a: {  	[hbm4b:s16+s3] =	stream.linear.scatter [tilespmem:s14], [sflag:$0x6], $0x80, $0x38;
	[tilespmem:$0x19E00] =	vst v63  }
0x13b: {  	s12 =	sadd.s32 $0x50, s7;
	s14 =	simm.s32 $0x10930;
	s16 =	sadd.s32 $0x60, s7  }
0x13c: {  	[hbm4b:s12+s3] =	stream.linear.scatter [tilespmem:s10], [sflag:$0x6], $0x80, $0x38;
	[tilespmem:$0x19E00] =	vst v63  }
0x13d: {  	s10 =	simm.s32 $0x109B8;
	s12 =	sadd.s32 $0x70, s7;
	s7 =	sadd.s32 $0x1000, s7  }
0x13e: {  	[hbm4b:s16+s3] =	stream.linear.scatter [tilespmem:s14], [sflag:$0x6], $0x80, $0x38;
	[tilespmem:$0x19E00] =	vst v63  }
.LBB2_9:
0x13f: {  	[hbm4b:s12+s3] =	stream.linear.scatter [tilespmem:s10], [sflag:$0x6], $0x80, $0x38;
	[tilespmem:$0x19E00] =	vst v63  }
0x140: {  	s10 =	smov.u32 s5;
	s5 =	smov.u32 s8  }
0x141: {  	s14 =	sadd.s32 $0x1100, s8;
	s5 =	sshra.s32 s5, $0x2;
	s12 =	sadd.s32 $0x10600, s10  }
0x142: {  	[hbm4b:s7+s3] =	stream.linear.scatter [tilespmem:s12], [sflag:$0x6], $0x80, $0x38;
	[tilespmem:$0x19E00] =	vst v63  }
0x143: {  	p1 =	sne.s32 s8, $0x7700;
	s8 =	sadd.s32 $0x10688, s10;
	s12 =	sadd.s32 $0x10, s7  }
0x144: {  	[hbm4b:s12+s3] =	stream.linear.scatter [tilespmem:s8], [sflag:$0x6], $0x80, $0x38;
	[tilespmem:$0x19E00] =	vst v63  }
0x145: {  	s8 =	sadd.s32 $0x10710, s10;
	s12 =	sadd.s32 $0x20, s7  }
0x146: {  	[hbm4b:s12+s3] =	stream.linear.scatter [tilespmem:s8], [sflag:$0x6], $0x80, $0x38;
	[tilespmem:$0x19E00] =	vst v63  }
0x147: {  	s8 =	sadd.s32 $0x10798, s10;
	s12 =	sadd.s32 $0x30, s7  }
0x148: {  	[hbm4b:s12+s3] =	stream.linear.scatter [tilespmem:s8], [sflag:$0x6], $0x80, $0x38;
	[tilespmem:$0x19E00] =	vst v63  }
0x149: {  	s8 =	sadd.s32 $0x10820, s10;
	s12 =	sadd.s32 $0x40, s7  }
0x14a: {  	[hbm4b:s12+s3] =	stream.linear.scatter [tilespmem:s8], [sflag:$0x6], $0x80, $0x38;
	[tilespmem:$0x19E00] =	vst v63  }
.Ltmp3:
0x14b: {  	s8 =	sadd.s32 $0x108A8, s10;
	s12 =	sadd.s32 $0x50, s7;
	(pc) =	sbr.rel @p1 .LBB2_9-.Ltmp3, $4  }
0x14c: {  	[hbm4b:s12+s3] =	stream.linear.scatter [tilespmem:s8], [sflag:$0x6], $0x80, $0x38;
	[tilespmem:$0x19E00] =	vst v63  }
0x14d: {  	s8 =	sadd.s32 $0x10930, s10;
	s12 =	sadd.s32 $0x60, s7;
	s10 =	sadd.s32 $0x109B8, s10  }
0x14e: {  	[hbm4b:s12+s3] =	stream.linear.scatter [tilespmem:s8], [sflag:$0x6], $0x80, $0x38;
	[tilespmem:$0x19E00] =	vst v63  }
0x14f: {  	s12 =	sadd.s32 $0x70, s7;
	s7 =	sadd.s32 $0x1000, s7;
	s8 =	smov.u32 s14  }
0x150: {  	[hbm4b:s12+s3] =	stream.linear.scatter [tilespmem:s10], [sflag:$0x6], $0x80, $0x38;
	[tilespmem:$0x19E00] =	vst v63  }
0x151: {  	s8 =	sadd.s32 $0x10600, s5  }
0x152: {  	[hbm4b:s7+s3] =	stream.linear.scatter [tilespmem:s8], [sflag:$0x6], $0x80, $0x38;
	[tilespmem:$0x19E00] =	vst v63  }
0x153: {  	s14 =	sadd.s32 $0x10688, s5;
	s16 =	sadd.s32 $0x10, s7  }
0x154: {  	[hbm4b:s16+s3] =	stream.linear.scatter [tilespmem:s14], [sflag:$0x6], $0x80, $0x38;
	[tilespmem:$0x19E00] =	vst v63  }
0x155: {  	s10 =	sadd.s32 $0x10710, s5;
	s12 =	sadd.s32 $0x20, s7  }
0x156: {  	[hbm4b:s12+s3] =	stream.linear.scatter [tilespmem:s10], [sflag:$0x6], $0x80, $0x38;
	[tilespmem:$0x19E00] =	vst v63  }
0x157: {  	s14 =	sadd.s32 $0x10798, s5;
	s16 =	sadd.s32 $0x30, s7  }
0x158: {  	[hbm4b:s16+s3] =	stream.linear.scatter [tilespmem:s14], [sflag:$0x6], $0x80, $0x38;
	[tilespmem:$0x19E00] =	vst v63  }
0x159: {  	s10 =	sadd.s32 $0x10820, s5;
	s12 =	sadd.s32 $0x40, s7  }
0x15a: {  	[hbm4b:s12+s3] =	stream.linear.scatter [tilespmem:s10], [sflag:$0x6], $0x80, $0x38;
	[tilespmem:$0x19E00] =	vst v63  }
0x15b: {  	s14 =	sadd.s32 $0x108A8, s5;
	s16 =	sadd.s32 $0x50, s7  }
0x15c: {  	[hbm4b:s16+s3] =	stream.linear.scatter [tilespmem:s14], [sflag:$0x6], $0x80, $0x38;
	[tilespmem:$0x19E00] =	vst v63  }
0x15d: {  	s10 =	sadd.s32 $0x10930, s5;
	s12 =	sadd.s32 $0x60, s7  }
0x15e: {  	[hbm4b:s12+s3] =	stream.linear.scatter [tilespmem:s10], [sflag:$0x6], $0x80, $0x38;
	[tilespmem:$0x19E00] =	vst v63  }
0x15f: {  	s14 =	sadd.s32 $0x109B8, s5;
	s16 =	sadd.s32 $0x70, s7  }
0x160: {  	[hbm4b:s16+s3] =	stream.linear.scatter [tilespmem:s14], [sflag:$0x6], $0x80, $0x38;
	[tilespmem:$0x19E00] =	vst v63  }
0x161: {  	s8 =	sadd.s32 $0x280, s24  }
0x162: {  	[tilespmem:s21], [sflag:$0x2] =	stream.indirect.gather [hbm4b:s6+s19], $0x40, s8, s19, $0xb8;
	[tilespmem:$0x19E00] =	vst v63  }
0x163: {  	_ =	swait.ge [sflag:s31], $0x2000  }
0x164: {  	[sflag:s31] =	ssyncset.done $0x0  }
0x165: {  	s5 =	simm.s32 @!p0 $0x7;
	[sflag:s31] =	ssyncadd.s32 $0xFFFFE000  }
0x166: {  	_ =	swait.ge @!p0 [sflag:s5], $0x2000  }
0x167: {  	s10 =	sor.u32 $0x2, s22;
	[sflag:s5] =	ssyncset.done @!p0 $0x0  }
0x168: {  	s8 =	simm.s32 $0xA400;
	[sflag:s5] =	ssyncadd.s32 @!p0 $0xFFFFE000;
	s5 =	sadd.s32 s4, s10  }
0x169: {  	s7 =	sshll.u32 s5, $0x1;
	v4 =	vld [tilespmem:s8+$0xC0]  }
0x16a: {  	s12 =	simm.s32 $0x3;
	s7 =	sand.u32 $0x3FFFFFC0, s7  }
0x16b: {  	v5 =	vmov s12;
	v10 =	vld [tilespmem:s7+$0x16C00]  }
0x16c: {  	v15 =	vand.u32 $0x7F, v5  }
0x16d: {  	v9 =	vadd.s32 v0, v15;
	v8 =	vld [tilespmem:s8+$0x0]  }
0x16e: {  	s14 =	simm.s32 $0x0;
	v11 =	vld [tilespmem:s8+$0x40];
	v4 =	vmul.f32 $8.000000000e+00, v4  }
0x16f: {  	s16 =	simm.s32 $0x1;
	v6 =	vmov s14;
	v12 =	vld [tilespmem:s8+$0x80]  }
0x170: {  	s12 =	simm.s32 $0x2;
	v14 =	vand.u32 $0x7C, v6;
	v6 =	vmov s16;
	v7 =	vld [tilespmem:s7+$0x16C10];
	v13 =	vadd.f32 v4, v10  }
0x171: {  	v17 =	vmov s12;
	v16 =	vadd.s32 v0, v14;
	v30 =	vand.u32 $0x7D, v6;
	v5 =	vld [tilespmem:s7+$0x16C20]  }
0x172: {  	v6 =	vand.u32 $0x7E, v17;
	v17 =	vadd.s32 v0, v30;
	v8 =	vmul.f32 $8.000000000e+00, v8;
	v4 =	vld [tilespmem:s7+$0x16C30];
	[tilespmem:v9+s1+$0x0] =	vst.idx.msk $0xffff, v13  }
0x173: {  	v9 =	vmul.f32 $8.000000000e+00, v11;
	v11 =	vadd.s32 v0, v6;
	v13 =	vld [tilespmem:s8+$0xD0]  }
0x174: {  	v12 =	vmul.f32 $8.000000000e+00, v12;
	v8 =	vadd.f32 v8, v10  }
0x175: {  	v9 =	vadd.f32 v9, v10  }
0x176: {  	[tilespmem:v16+s1+$0x0] =	vst.idx.msk $0xffff, v8;
	v8 =	vadd.f32 v12, v10  }
0x177: {  	v12 =	vld [tilespmem:s8+$0x10];
	[tilespmem:v17+s1+$0x0] =	vst.idx.msk $0xffff, v9;
	v9 =	vadd.s32 v1, v15  }
0x178: {  	v16 =	vld [tilespmem:s8+$0x50];
	[tilespmem:v11+s1+$0x0] =	vst.idx.msk $0xffff, v8;
	v8 =	vmul.f32 $8.000000000e+00, v13  }
0x179: {  	s7 =	simm.s32 $0xA500;
	v11 =	vld [tilespmem:s8+$0x90]  }
0x17a: {  	v19 =	vld [tilespmem:s7+$0xC0];
	v8 =	vadd.f32 v8, v7  }
0x17b: {  	s14 =	simm.s32 $0x4;
	v26 =	vadd.s32 v2, v15;
	v13 =	vadd.s32 v1, v14  }
0x17c: {  	v18 =	vadd.s32 v1, v30;
	v17 =	vmov s14;
	v12 =	vmul.f32 $8.000000000e+00, v12;
	[tilespmem:v9+s1+$0x0] =	vst.idx.msk $0xffff, v8  }
0x17d: {  	s16 =	simm.s32 $0x7;
	v8 =	vand.u32 $0x7C, v17;
	v9 =	vmul.f32 $8.000000000e+00, v16;
	v16 =	vadd.s32 v1, v6;
	v17 =	vld [tilespmem:s8+$0xE0]  }
0x17e: {  	v21 =	vmov s16;
	v20 =	vld [tilespmem:s7+$0x0];
	v12 =	vadd.f32 v12, v7;
	v11 =	vmul.f32 $8.000000000e+00, v11  }
0x17f: {  	v24 =	vld [tilespmem:s7+$0x40];
	v19 =	vmul.f32 $8.000000000e+00, v19;
	v23 =	vadd.f32 v9, v7;
	v9 =	vand.u32 $0x7F, v21  }
0x180: {  	s12 =	simm.s32 $0x5;
	[tilespmem:v13+s1+$0x0] =	vst.idx.msk $0xffff, v12;
	v12 =	vld [tilespmem:s7+$0x80];
	v11 =	vadd.f32 v11, v7;
	v25 =	vadd.s32 v0, v9  }
0x181: {  	s14 =	simm.s32 $0x6;
	v19 =	vadd.f32 v19, v10;
	v22 =	vadd.s32 v0, v8;
	v21 =	vmov s12;
	[tilespmem:v18+s1+$0x0] =	vst.idx.msk $0xffff, v23;
	v23 =	vld [tilespmem:s8+$0x20]  }
0x182: {  	v13 =	vand.u32 $0x7D, v21;
	v18 =	vmov s14;
	[tilespmem:v16+s1+$0x0] =	vst.idx.msk $0xffff, v11;
	v16 =	vld [tilespmem:s8+$0x60];
	v17 =	vmul.f32 $8.000000000e+00, v17  }
0x183: {  	v11 =	vand.u32 $0x7E, v18;
	v18 =	vmul.f32 $8.000000000e+00, v20;
	v20 =	vadd.s32 v0, v13;
	v21 =	vld [tilespmem:s8+$0xA0]  }
0x184: {  	v24 =	vmul.f32 $8.000000000e+00, v24;
	v27 =	vadd.s32 v0, v11;
	v17 =	vadd.f32 v17, v5  }
0x185: {  	v12 =	vmul.f32 $8.000000000e+00, v12;
	v18 =	vadd.f32 v18, v10;
	[tilespmem:v25+s1+$0x0] =	vst.idx.msk $0xffff, v19;
	v19 =	vadd.s32 v2, v14  }
0x186: {  	v24 =	vadd.f32 v24, v10;
	v25 =	vld [tilespmem:s7+$0xD0];
	v23 =	vmul.f32 $8.000000000e+00, v23;
	[tilespmem:v26+s1+$0x0] =	vst.idx.msk $0xffff, v17;
	v17 =	vadd.s32 v2, v30  }
0x187: {  	[tilespmem:v22+s1+$0x0] =	vst.idx.msk $0xffff, v18;
	v18 =	vadd.f32 v12, v10;
	v16 =	vmul.f32 $8.000000000e+00, v16;
	v26 =	vadd.s32 v2, v6;
	v22 =	vld [tilespmem:s8+$0xF0]  }
0x188: {  	s12 =	simm.s32 $0x8;
	v28 =	vld [tilespmem:s7+$0x10];
	[tilespmem:v20+s1+$0x0] =	vst.idx.msk $0xffff, v24;
	v21 =	vmul.f32 $8.000000000e+00, v21;
	v23 =	vadd.f32 v23, v5  }
0x189: {  	v31 =	vadd.s32 v1, v9;
	v12 =	vmov s12;
	v24 =	vld [tilespmem:s7+$0x50];
	[tilespmem:v27+s1+$0x0] =	vst.idx.msk $0xffff, v18;
	v16 =	vadd.f32 v16, v5  }
0x18a: {  	s16 =	simm.s32 $0x9;
	v14 =	vadd.s32 v3, v14;
	v12 =	vand.u32 $0x7C, v12;
	v27 =	vld [tilespmem:s7+$0x90];
	v29 =	vadd.f32 v21, v5;
	[tilespmem:v19+s1+$0x0] =	vst.idx.msk $0xffff, v23  }
0x18b: {  	v20 =	vmov s16;
	v19 =	vadd.s32 v3, v15;
	v32 =	vmul.f32 $8.000000000e+00, v25;
	v21 =	vld [tilespmem:s8+$0x30];
	[tilespmem:v17+s1+$0x0] =	vst.idx.msk $0xffff, v16  }
0x18c: {  	v18 =	vadd.s32 v0, v12;
	v25 =	vadd.s32 v1, v8;
	[tilespmem:v26+s1+$0x0] =	vst.idx.msk $0xffff, v29;
	v15 =	vmul.f32 $8.000000000e+00, v22;
	v17 =	vld [tilespmem:s8+$0x70]  }
0x18d: {  	v23 =	vadd.s32 v1, v13;
	v28 =	vmul.f32 $8.000000000e+00, v28;
	v32 =	vadd.f32 v32, v7;
	v16 =	vld [tilespmem:s8+$0xB0]  }
0x18e: {  	s10 =	simm.s32 $0xA600;
	v26 =	vmul.f32 $8.000000000e+00, v24;
	v22 =	vadd.s32 v1, v11;
	v24 =	vadd.f32 v15, v4  }
0x18f: {  	s14 =	simm.s32 $0xC;
	v29 =	vld [tilespmem:s10+$0xC0];
	s8 =	sshrl.u32 s5, $0x5;
	v28 =	vadd.f32 v28, v7;
	v27 =	vmul.f32 $8.000000000e+00, v27;
	[tilespmem:v31+s1+$0x0] =	vst.idx.msk $0xffff, v32;
	v15 =	vadd.s32 v3, v30  }
.LBB2_11:
0x190: {  	p1 =	slt.u32 s14, $0x7C;
	s16 =	sadd.s32 $0x3, s12;
	v26 =	vadd.f32 v26, v7;
	v30 =	vld [tilespmem:s7+$0xE0];
	v21 =	vmul.f32 $8.000000000e+00, v21;
	v31 =	vadd.s32 v3, v6;
	[tilespmem:v19+s1+$0x0] =	vst.idx.msk $0xffff, v24  }
0x191: {  	v32 =	vmovc v13;
	v6 =	vmovc v11;
	v19 =	vld [tilespmem:s10+$0x0];
	v24 =	vmov s16;
	[tilespmem:v25+s1+$0x0] =	vst.idx.msk $0xffff, v28;
	v25 =	vadd.f32 v27, v7;
	v17 =	vmul.f32 $8.000000000e+00, v17  }
0x192: {  	s16 =	sadd.s32 $0x2, s12;
	s12 =	smov.u32 s14;
	v27 =	vld [tilespmem:s10+$0x40];
	v24 =	vand.u32 $0x7F, v24;
	[tilespmem:v23+s1+$0x0] =	vst.idx.msk $0xffff, v26;
	v11 =	vadd.f32 v21, v4;
	v13 =	vmul.f32 $8.000000000e+00, v16  }
0x193: {  	v16 =	vmov s16;
	v21 =	vld [tilespmem:s10+$0x80];
	v23 =	vadd.s32 v0, v24;
	[tilespmem:v22+s1+$0x0] =	vst.idx.msk $0xffff, v25;
	v17 =	vadd.f32 v17, v4  }
0x194: {  	v26 =	vadd.s32 v2, v9;
	v22 =	vmul.f32 $8.000000000e+00, v29;
	v25 =	vld [tilespmem:s7+$0x20];
	[tilespmem:v14+s1+$0x0] =	vst.idx.msk $0xffff, v11;
	v14 =	vadd.f32 v13, v4  }
0x195: {  	v13 =	vand.u32 $0x7D, v20;
	v11 =	vand.u32 $0x7E, v16;
	v16 =	vld [tilespmem:s7+$0x60];
	v20 =	vmul.f32 $8.000000000e+00, v30;
	[tilespmem:v15+s1+$0x0] =	vst.idx.msk $0xffff, v17  }
0x196: {  	v17 =	vadd.s32 v0, v13;
	v15 =	vmul.f32 $8.000000000e+00, v19;
	v19 =	vadd.f32 v22, v10;
	v22 =	vld [tilespmem:s7+$0xA0];
	[tilespmem:v31+s1+$0x0] =	vst.idx.msk $0xffff, v14  }
0x197: {  	v14 =	vmul.f32 $8.000000000e+00, v27;
	v27 =	vadd.s32 v0, v11;
	v20 =	vadd.f32 v20, v5  }
0x198: {  	v15 =	vadd.f32 v15, v10;
	v21 =	vmul.f32 $8.000000000e+00, v21;
	[tilespmem:v23+s1+$0x0] =	vst.idx.msk $0xffff, v19;
	v19 =	vadd.s32 v2, v8  }
0x199: {  	v28 =	vadd.s32 v2, v32;
	v14 =	vadd.f32 v14, v10;
	v23 =	vld [tilespmem:s10+$0xD0];
	v25 =	vmul.f32 $8.000000000e+00, v25;
	[tilespmem:v26+s1+$0x0] =	vst.idx.msk $0xffff, v20  }
0x19a: {  	v26 =	vadd.s32 v2, v6;
	[tilespmem:v18+s1+$0x0] =	vst.idx.msk $0xffff, v15;
	v15 =	vadd.f32 v21, v10;
	v16 =	vmul.f32 $8.000000000e+00, v16;
	v29 =	vld [tilespmem:s7+$0xF0]  }
0x19b: {  	v18 =	vmov s14;
	v30 =	vld [tilespmem:s10+$0x10];
	[tilespmem:v17+s1+$0x0] =	vst.idx.msk $0xffff, v14;
	v14 =	vadd.f32 v25, v5;
	v17 =	vmul.f32 $8.000000000e+00, v22  }
0x19c: {  	s16 =	sadd.s32 $0x1, s14;
	v31 =	vand.u32 $0x7C, v18;
	v22 =	vld [tilespmem:s10+$0x50];
	[tilespmem:v27+s1+$0x0] =	vst.idx.msk $0xffff, v15;
	v15 =	vadd.f32 v16, v5  }
0x19d: {  	v33 =	vadd.s32 v1, v24;
	v20 =	vmov s16;
	v27 =	vld [tilespmem:s10+$0x90];
	[tilespmem:v19+s1+$0x0] =	vst.idx.msk $0xffff, v14;
	v16 =	vadd.f32 v17, v5  }
.Ltmp4:
0x19e: {  	v14 =	vadd.s32 v3, v8;
	v19 =	vadd.s32 v3, v9;
	v34 =	vmul.f32 $8.000000000e+00, v23;
	v21 =	vld [tilespmem:s7+$0x30];
	[tilespmem:v28+s1+$0x0] =	vst.idx.msk $0xffff, v15;
	(pc) =	sbr.rel @p1 .LBB2_11-.Ltmp4, $4  }
0x19f: {  	v25 =	vadd.s32 v1, v12;
	v18 =	vadd.s32 v0, v31;
	v17 =	vld [tilespmem:s7+$0x70];
	[tilespmem:v26+s1+$0x0] =	vst.idx.msk $0xffff, v16;
	v15 =	vmul.f32 $8.000000000e+00, v29  }
0x1a0: {  	v9 =	vmovc v24;
	v8 =	vmovc v12;
	v23 =	vadd.s32 v1, v13;
	v28 =	vmul.f32 $8.000000000e+00, v30;
	v30 =	vadd.f32 v34, v7;
	v16 =	vld [tilespmem:s7+$0xB0];
	s7 =	smov.u32 s10  }
0x1a1: {  	v12 =	vmovc v31;
	s10 =	sadd.s32 $0x100, s10;
	v26 =	vmul.f32 $8.000000000e+00, v22;
	v22 =	vadd.s32 v1, v11;
	v24 =	vadd.f32 v15, v4  }
0x1a2: {  	s14 =	sadd.s32 $0x4, s14;
	v15 =	vadd.s32 v3, v32;
	v29 =	vld [tilespmem:s10+$0xC0];
	v28 =	vadd.f32 v28, v7;
	v27 =	vmul.f32 $8.000000000e+00, v27;
	[tilespmem:v33+s1+$0x0] =	vst.idx.msk $0xffff, v30  }
0x1a3: {  	s14 =	sadd.s32 $0x3, s12;
	v30 =	vld [tilespmem:s10+$0x0]  }
0x1a4: {  	v32 =	vld [tilespmem:s10+$0x40];
	v31 =	vmov s14  }
0x1a5: {  	v33 =	vld [tilespmem:s10+$0x80];
	v31 =	vand.u32 $0x7F, v31  }
0x1a6: {  	s14 =	sadd.s32 $0x2, s12;
	v34 =	vadd.s32 v0, v31  }
0x1a7: {  	v20 =	vand.u32 $0x7D, v20;
	v35 =	vmov s14;
	v29 =	vmul.f32 $8.000000000e+00, v29  }
0x1a8: {  	v36 =	vadd.s32 v0, v20;
	v35 =	vand.u32 $0x7E, v35;
	v30 =	vmul.f32 $8.000000000e+00, v30  }
0x1a9: {  	v37 =	vadd.s32 v0, v35;
	v32 =	vmul.f32 $8.000000000e+00, v32;
	v29 =	vadd.f32 v29, v10  }
0x1aa: {  	v33 =	vmul.f32 $8.000000000e+00, v33;
	v30 =	vadd.f32 v30, v10  }
0x1ab: {  	v58 =	vadd.f32 v32, v10;
	[tilespmem:v34+s1+$0x0] =	vst.idx.msk $0xffff, v29  }
0x1ac: {  	v60 =	vadd.f32 v33, v10;
	[tilespmem:v18+s1+$0x0] =	vst.idx.msk $0xffff, v30;
	v59 =	vld [tilespmem:s10+$0xD0]  }
0x1ad: {  	[tilespmem:v36+s1+$0x0] =	vst.idx.msk $0xffff, v58;
	v30 =	vld [tilespmem:s10+$0x10]  }
0x1ae: {  	[tilespmem:v37+s1+$0x0] =	vst.idx.msk $0xffff, v60;
	v29 =	vld [tilespmem:s10+$0x50]  }
0x1af: {  	v10 =	vld [tilespmem:s10+$0x90]  }
0x1b0: {  	v61 =	vadd.s32 v1, v31  }
0x1b1: {  	v26 =	vadd.f32 v26, v7;
	v62 =	vadd.s32 v1, v12;
	v18 =	vmul.f32 $8.000000000e+00, v59  }
0x1b2: {  	v63 =	vld [tilespmem:s7+$0xE0];
	[tilespmem:v25+s1+$0x0] =	vst.idx.msk $0xffff, v28;
	v27 =	vadd.f32 v27, v7;
	v36 =	vadd.s32 v1, v20;
	v34 =	vmul.f32 $8.000000000e+00, v30  }
0x1b3: {  	[tilespmem:v23+s1+$0x0] =	vst.idx.msk $0xffff, v26;
	v39 =	vadd.s32 v1, v35;
	v37 =	vld [tilespmem:s7+$0x20];
	v38 =	vmul.f32 $8.000000000e+00, v29;
	v18 =	vadd.f32 v18, v7  }
0x1b4: {  	[tilespmem:v22+s1+$0x0] =	vst.idx.msk $0xffff, v27;
	v40 =	vld [tilespmem:s7+$0x60];
	v10 =	vmul.f32 $8.000000000e+00, v10;
	v41 =	vadd.f32 v34, v7  }
0x1b5: {  	v42 =	vld [tilespmem:s7+$0xA0];
	v26 =	vadd.f32 v38, v7;
	[tilespmem:v61+s1+$0x0] =	vst.idx.msk $0xffff, v18  }
0x1b6: {  	v21 =	vmul.f32 $8.000000000e+00, v21;
	v43 =	vadd.s32 v2, v9;
	v44 =	vadd.f32 v10, v7;
	[tilespmem:v62+s1+$0x0] =	vst.idx.msk $0xffff, v41;
	v45 =	vld [tilespmem:s10+$0xE0]  }
0x1b7: {  	v46 =	vadd.s32 v2, v8;
	v25 =	vmul.f32 $8.000000000e+00, v63;
	[tilespmem:v36+s1+$0x0] =	vst.idx.msk $0xffff, v26;
	v47 =	vld [tilespmem:s10+$0x20]  }
0x1b8: {  	v48 =	vadd.s32 v2, v13;
	v21 =	vadd.f32 v21, v4;
	v23 =	vmul.f32 $8.000000000e+00, v37;
	[tilespmem:v39+s1+$0x0] =	vst.idx.msk $0xffff, v44;
	v49 =	vld [tilespmem:s10+$0x60]  }
0x1b9: {  	[tilespmem:v19+s1+$0x0] =	vst.idx.msk $0xffff, v24;
	v51 =	vadd.s32 v2, v11;
	v50 =	vadd.f32 v25, v5;
	v22 =	vmul.f32 $8.000000000e+00, v40;
	v52 =	vld [tilespmem:s10+$0xA0]  }
0x1ba: {  	v54 =	vadd.s32 v2, v31;
	[tilespmem:v14+s1+$0x0] =	vst.idx.msk $0xffff, v21;
	v53 =	vadd.f32 v23, v5;
	v18 =	vmul.f32 $8.000000000e+00, v42  }
0x1bb: {  	v56 =	vadd.s32 v2, v12;
	[tilespmem:v43+s1+$0x0] =	vst.idx.msk $0xffff, v50;
	v55 =	vadd.f32 v22, v5;
	v10 =	vmul.f32 $8.000000000e+00, v45  }
0x1bc: {  	v60 =	vadd.s32 v2, v20;
	v57 =	vld [tilespmem:s7+$0xF0];
	[tilespmem:v46+s1+$0x0] =	vst.idx.msk $0xffff, v53;
	v58 =	vadd.f32 v18, v5;
	v59 =	vmul.f32 $8.000000000e+00, v47  }
0x1bd: {  	v32 =	vadd.s32 v2, v35;
	[tilespmem:v48+s1+$0x0] =	vst.idx.msk $0xffff, v55;
	v61 =	vld [tilespmem:s7+$0x30];
	v63 =	vmul.f32 $8.000000000e+00, v49;
	v62 =	vadd.f32 v10, v5  }
0x1be: {  	v33 =	vld [tilespmem:s7+$0x70];
	[tilespmem:v51+s1+$0x0] =	vst.idx.msk $0xffff, v58;
	v36 =	vmul.f32 $8.000000000e+00, v52;
	v34 =	vadd.f32 v59, v5  }
0x1bf: {  	v6 =	vadd.s32 v3, v6;
	v17 =	vmul.f32 $8.000000000e+00, v17;
	v24 =	vld [tilespmem:s7+$0xB0];
	v37 =	vadd.f32 v63, v5;
	[tilespmem:v54+s1+$0x0] =	vst.idx.msk $0xffff, v62  }
0x1c0: {  	v38 =	vmul.f32 $8.000000000e+00, v16;
	v39 =	vadd.s32 v3, v9;
	v5 =	vadd.f32 v36, v5;
	v40 =	vld [tilespmem:s10+$0xF0];
	[tilespmem:v56+s1+$0x0] =	vst.idx.msk $0xffff, v34  }
0x1c1: {  	v43 =	vmul.f32 $8.000000000e+00, v57;
	v42 =	vadd.s32 v3, v8;
	v41 =	vadd.f32 v17, v4;
	[tilespmem:v60+s1+$0x0] =	vst.idx.msk $0xffff, v37;
	v44 =	vld [tilespmem:s10+$0x30]  }
0x1c2: {  	v46 =	vadd.s32 v3, v13;
	v45 =	vadd.f32 v38, v4;
	v47 =	vmul.f32 $8.000000000e+00, v61;
	[tilespmem:v32+s1+$0x0] =	vst.idx.msk $0xffff, v5;
	v48 =	vld [tilespmem:s10+$0x70]  }
0x1c3: {  	v50 =	vmul.f32 $8.000000000e+00, v33;
	[tilespmem:v15+s1+$0x0] =	vst.idx.msk $0xffff, v41;
	v49 =	vadd.s32 v3, v11;
	v5 =	vadd.f32 v43, v4;
	v51 =	vld [tilespmem:s10+$0xB0]  }
0x1c4: {  	[tilespmem:v6+s1+$0x0] =	vst.idx.msk $0xffff, v45;
	v52 =	vadd.f32 v47, v4;
	v53 =	vmul.f32 $8.000000000e+00, v24;
	v54 =	vadd.s32 v3, v31  }
0x1c5: {  	v55 =	vadd.s32 v3, v12;
	[tilespmem:v39+s1+$0x0] =	vst.idx.msk $0xffff, v5;
	v5 =	vadd.f32 v50, v4;
	v56 =	vmul.f32 $8.000000000e+00, v40  }
0x1c6: {  	v58 =	vadd.s32 v3, v20;
	[tilespmem:v42+s1+$0x0] =	vst.idx.msk $0xffff, v52;
	v57 =	vadd.f32 v53, v4;
	v59 =	vmul.f32 $8.000000000e+00, v44  }
0x1c7: {  	v60 =	vadd.s32 v3, v35;
	[tilespmem:v46+s1+$0x0] =	vst.idx.msk $0xffff, v5;
	v61 =	vmul.f32 $8.000000000e+00, v48;
	v5 =	vadd.f32 v56, v4  }
0x1c8: {  	[tilespmem:v49+s1+$0x0] =	vst.idx.msk $0xffff, v57;
	v63 =	vmul.f32 $8.000000000e+00, v51;
	v62 =	vadd.f32 v59, v4  }
0x1c9: {  	s5 =	sshll.u32 s5, $0x7;
	[tilespmem:v54+s1+$0x0] =	vst.idx.msk $0xffff, v5;
	v5 =	vadd.f32 v61, v4  }
0x1ca: {  	s5 =	sand.u32 $0xF00, s5;
	v4 =	vadd.f32 v63, v4;
	[tilespmem:v55+s1+$0x0] =	vst.idx.msk $0xffff, v62  }
0x1cb: {  	s16 =	sshll.u32 s8, $0xF;
	s5 =	sadd.s32 s2, s5;
	[tilespmem:v58+s1+$0x0] =	vst.idx.msk $0xffff, v5  }
0x1cc: {  	s8 =	simm.s32 $0x12800;
	s7 =	sadd.s32 s16, s5;
	[tilespmem:v60+s1+$0x0] =	vst.idx.msk $0xffff, v4  }
0x1cd: {  	[hbm4b:s7+s3] =	stream.linear.scatter [tilespmem:s8], [sflag:$0x7], $0x80, $0x38;
	[tilespmem:$0x19E00] =	vst v63  }
0x1ce: {  	s12 =	sadd.s32 $0x10, s7;
	s10 =	simm.s32 $0x12888  }
0x1cf: {  	[hbm4b:s12+s3] =	stream.linear.scatter [tilespmem:s10], [sflag:$0x7], $0x80, $0x38;
	[tilespmem:$0x19E00] =	vst v63  }
0x1d0: {  	s14 =	simm.s32 $0x12910;
	s5 =	simm.s32 $0x440;
	s16 =	sadd.s32 $0x20, s7  }
0x1d1: {  	[hbm4b:s16+s3] =	stream.linear.scatter [tilespmem:s14], [sflag:$0x7], $0x80, $0x38;
	[tilespmem:$0x19E00] =	vst v63  }
0x1d2: {  	s8 =	simm.s32 $0x2200;
	s10 =	simm.s32 $0x12998;
	s12 =	sadd.s32 $0x30, s7  }
0x1d3: {  	[hbm4b:s12+s3] =	stream.linear.scatter [tilespmem:s10], [sflag:$0x7], $0x80, $0x38;
	[tilespmem:$0x19E00] =	vst v63  }
0x1d4: {  	s14 =	simm.s32 $0x12A20;
	s16 =	sadd.s32 $0x40, s7;
	s10 =	simm.s32 $0x12AA8  }
0x1d5: {  	[hbm4b:s16+s3] =	stream.linear.scatter [tilespmem:s14], [sflag:$0x7], $0x80, $0x38;
	[tilespmem:$0x19E00] =	vst v63  }
0x1d6: {  	s12 =	sadd.s32 $0x50, s7;
	s14 =	simm.s32 $0x12B30;
	s16 =	sadd.s32 $0x60, s7  }
0x1d7: {  	[hbm4b:s12+s3] =	stream.linear.scatter [tilespmem:s10], [sflag:$0x7], $0x80, $0x38;
	[tilespmem:$0x19E00] =	vst v63  }
0x1d8: {  	s10 =	simm.s32 $0x12BB8;
	s12 =	sadd.s32 $0x70, s7;
	s7 =	sadd.s32 $0x1000, s7  }
0x1d9: {  	[hbm4b:s16+s3] =	stream.linear.scatter [tilespmem:s14], [sflag:$0x7], $0x80, $0x38;
	[tilespmem:$0x19E00] =	vst v63  }
.LBB2_13:
0x1da: {  	[hbm4b:s12+s3] =	stream.linear.scatter [tilespmem:s10], [sflag:$0x7], $0x80, $0x38;
	[tilespmem:$0x19E00] =	vst v63  }
0x1db: {  	s10 =	smov.u32 s5;
	s5 =	smov.u32 s8  }
0x1dc: {  	s14 =	sadd.s32 $0x1100, s8;
	s5 =	sshra.s32 s5, $0x2;
	s12 =	sadd.s32 $0x12800, s10  }
0x1dd: {  	[hbm4b:s7+s3] =	stream.linear.scatter [tilespmem:s12], [sflag:$0x7], $0x80, $0x38;
	[tilespmem:$0x19E00] =	vst v63  }
0x1de: {  	p1 =	sne.s32 s8, $0x7700;
	s8 =	sadd.s32 $0x12888, s10;
	s12 =	sadd.s32 $0x10, s7  }
0x1df: {  	[hbm4b:s12+s3] =	stream.linear.scatter [tilespmem:s8], [sflag:$0x7], $0x80, $0x38;
	[tilespmem:$0x19E00] =	vst v63  }
0x1e0: {  	s8 =	sadd.s32 $0x12910, s10;
	s12 =	sadd.s32 $0x20, s7  }
0x1e1: {  	[hbm4b:s12+s3] =	stream.linear.scatter [tilespmem:s8], [sflag:$0x7], $0x80, $0x38;
	[tilespmem:$0x19E00] =	vst v63  }
0x1e2: {  	s8 =	sadd.s32 $0x12998, s10;
	s12 =	sadd.s32 $0x30, s7  }
0x1e3: {  	[hbm4b:s12+s3] =	stream.linear.scatter [tilespmem:s8], [sflag:$0x7], $0x80, $0x38;
	[tilespmem:$0x19E00] =	vst v63  }
0x1e4: {  	s8 =	sadd.s32 $0x12A20, s10;
	s12 =	sadd.s32 $0x40, s7  }
0x1e5: {  	[hbm4b:s12+s3] =	stream.linear.scatter [tilespmem:s8], [sflag:$0x7], $0x80, $0x38;
	[tilespmem:$0x19E00] =	vst v63  }
.Ltmp5:
0x1e6: {  	s8 =	sadd.s32 $0x12AA8, s10;
	s12 =	sadd.s32 $0x50, s7;
	(pc) =	sbr.rel @p1 .LBB2_13-.Ltmp5, $4  }
0x1e7: {  	[hbm4b:s12+s3] =	stream.linear.scatter [tilespmem:s8], [sflag:$0x7], $0x80, $0x38;
	[tilespmem:$0x19E00] =	vst v63  }
0x1e8: {  	s8 =	sadd.s32 $0x12B30, s10;
	s12 =	sadd.s32 $0x60, s7;
	s10 =	sadd.s32 $0x12BB8, s10  }
0x1e9: {  	[hbm4b:s12+s3] =	stream.linear.scatter [tilespmem:s8], [sflag:$0x7], $0x80, $0x38;
	[tilespmem:$0x19E00] =	vst v63  }
0x1ea: {  	s12 =	sadd.s32 $0x70, s7;
	s7 =	sadd.s32 $0x1000, s7;
	s8 =	smov.u32 s14  }
0x1eb: {  	[hbm4b:s12+s3] =	stream.linear.scatter [tilespmem:s10], [sflag:$0x7], $0x80, $0x38;
	[tilespmem:$0x19E00] =	vst v63  }
0x1ec: {  	s8 =	sadd.s32 $0x12800, s5  }
0x1ed: {  	[hbm4b:s7+s3] =	stream.linear.scatter [tilespmem:s8], [sflag:$0x7], $0x80, $0x38;
	[tilespmem:$0x19E00] =	vst v63  }
0x1ee: {  	s10 =	sadd.s32 $0x12888, s5;
	s12 =	sadd.s32 $0x10, s7  }
0x1ef: {  	[hbm4b:s12+s3] =	stream.linear.scatter [tilespmem:s10], [sflag:$0x7], $0x80, $0x38;
	[tilespmem:$0x19E00] =	vst v63  }
0x1f0: {  	s14 =	sadd.s32 $0x12910, s5;
	s16 =	sadd.s32 $0x20, s7  }
0x1f1: {  	[hbm4b:s16+s3] =	stream.linear.scatter [tilespmem:s14], [sflag:$0x7], $0x80, $0x38;
	[tilespmem:$0x19E00] =	vst v63  }
0x1f2: {  	s10 =	sadd.s32 $0x12998, s5;
	s12 =	sadd.s32 $0x30, s7  }
0x1f3: {  	[hbm4b:s12+s3] =	stream.linear.scatter [tilespmem:s10], [sflag:$0x7], $0x80, $0x38;
	[tilespmem:$0x19E00] =	vst v63  }
0x1f4: {  	s14 =	sadd.s32 $0x12A20, s5;
	s16 =	sadd.s32 $0x40, s7  }
0x1f5: {  	[hbm4b:s16+s3] =	stream.linear.scatter [tilespmem:s14], [sflag:$0x7], $0x80, $0x38;
	[tilespmem:$0x19E00] =	vst v63  }
0x1f6: {  	s10 =	sadd.s32 $0x12AA8, s5;
	s12 =	sadd.s32 $0x50, s7  }
0x1f7: {  	[hbm4b:s12+s3] =	stream.linear.scatter [tilespmem:s10], [sflag:$0x7], $0x80, $0x38;
	[tilespmem:$0x19E00] =	vst v63  }
0x1f8: {  	s14 =	sadd.s32 $0x12B30, s5;
	s16 =	sadd.s32 $0x60, s7  }
0x1f9: {  	[hbm4b:s16+s3] =	stream.linear.scatter [tilespmem:s14], [sflag:$0x7], $0x80, $0x38;
	[tilespmem:$0x19E00] =	vst v63  }
0x1fa: {  	s10 =	sadd.s32 $0x12BB8, s5;
	s12 =	sadd.s32 $0x70, s7  }
0x1fb: {  	[hbm4b:s12+s3] =	stream.linear.scatter [tilespmem:s10], [sflag:$0x7], $0x80, $0x38;
	[tilespmem:$0x19E00] =	vst v63  }
0x1fc: {  	s14 =	sadd.s32 $0x300, s24  }
0x1fd: {  	[tilespmem:s23], [sflag:$0x3] =	stream.indirect.gather [hbm4b:s6+s19], $0x40, s14, s19, $0xb8;
	[tilespmem:$0x19E00] =	vst v63  }
0x1fe: {  	_ =	swait.ge [sflag:s0], $0x2000  }
0x1ff: {  	[sflag:s0] =	ssyncset.done $0x0  }
0x200: {  	s5 =	simm.s32 @!p0 $0x8;
	[sflag:s0] =	ssyncadd.s32 $0xFFFFE000  }
0x201: {  	_ =	swait.ge @!p0 [sflag:s5], $0x2000  }
0x202: {  	s16 =	sor.u32 $0x3, s22;
	[sflag:s5] =	ssyncset.done @!p0 $0x0  }
0x203: {  	s8 =	simm.s32 $0xC400;
	[sflag:s5] =	ssyncadd.s32 @!p0 $0xFFFFE000;
	s5 =	sadd.s32 s4, s16  }
0x204: {  	s7 =	sshll.u32 s5, $0x1;
	v4 =	vld [tilespmem:s8+$0xC0]  }
0x205: {  	s22 =	simm.s32 $0x3;
	s7 =	sand.u32 $0x3FFFFFC0, s7  }
0x206: {  	v5 =	vmov s22;
	v10 =	vld [tilespmem:s7+$0x16C00]  }
0x207: {  	v15 =	vand.u32 $0x7F, v5  }
0x208: {  	v9 =	vadd.s32 v0, v15;
	v8 =	vld [tilespmem:s8+$0x0]  }
0x209: {  	s12 =	simm.s32 $0x0;
	v11 =	vld [tilespmem:s8+$0x40];
	v4 =	vmul.f32 $8.000000000e+00, v4  }
0x20a: {  	v6 =	vmov s12;
	s14 =	simm.s32 $0x1;
	v12 =	vld [tilespmem:s8+$0x80]  }
0x20b: {  	v14 =	vand.u32 $0x7C, v6;
	v6 =	vmov s14;
	s16 =	simm.s32 $0x2;
	v7 =	vld [tilespmem:s7+$0x16C10];
	v13 =	vadd.f32 v4, v10  }
0x20c: {  	v16 =	vadd.s32 v0, v14;
	v30 =	vand.u32 $0x7D, v6;
	v17 =	vmov s16;
	v5 =	vld [tilespmem:s7+$0x16C20]  }
0x20d: {  	v6 =	vand.u32 $0x7E, v17;
	v17 =	vadd.s32 v0, v30;
	v8 =	vmul.f32 $8.000000000e+00, v8;
	v4 =	vld [tilespmem:s7+$0x16C30];
	[tilespmem:v9+s17+$0x0] =	vst.idx.msk $0xffff, v13  }
0x20e: {  	v9 =	vmul.f32 $8.000000000e+00, v11;
	v11 =	vadd.s32 v0, v6;
	v13 =	vld [tilespmem:s8+$0xD0]  }
0x20f: {  	v12 =	vmul.f32 $8.000000000e+00, v12;
	v8 =	vadd.f32 v8, v10  }
0x210: {  	v9 =	vadd.f32 v9, v10  }
0x211: {  	[tilespmem:v16+s17+$0x0] =	vst.idx.msk $0xffff, v8;
	v8 =	vadd.f32 v12, v10  }
0x212: {  	v12 =	vld [tilespmem:s8+$0x10];
	[tilespmem:v17+s17+$0x0] =	vst.idx.msk $0xffff, v9;
	v9 =	vadd.s32 v1, v15  }
0x213: {  	v16 =	vld [tilespmem:s8+$0x50];
	[tilespmem:v11+s17+$0x0] =	vst.idx.msk $0xffff, v8;
	v8 =	vmul.f32 $8.000000000e+00, v13  }
0x214: {  	s7 =	simm.s32 $0xC500;
	v11 =	vld [tilespmem:s8+$0x90]  }
0x215: {  	v19 =	vld [tilespmem:s7+$0xC0];
	v8 =	vadd.f32 v8, v7  }
0x216: {  	s22 =	simm.s32 $0x4;
	v26 =	vadd.s32 v2, v15;
	v13 =	vadd.s32 v1, v14  }
0x217: {  	v18 =	vadd.s32 v1, v30;
	v17 =	vmov s22;
	v12 =	vmul.f32 $8.000000000e+00, v12;
	[tilespmem:v9+s17+$0x0] =	vst.idx.msk $0xffff, v8  }
0x218: {  	s12 =	simm.s32 $0x7;
	v8 =	vand.u32 $0x7C, v17;
	v9 =	vmul.f32 $8.000000000e+00, v16;
	v16 =	vadd.s32 v1, v6;
	v17 =	vld [tilespmem:s8+$0xE0]  }
0x219: {  	v21 =	vmov s12;
	v20 =	vld [tilespmem:s7+$0x0];
	v12 =	vadd.f32 v12, v7;
	v11 =	vmul.f32 $8.000000000e+00, v11  }
0x21a: {  	v24 =	vld [tilespmem:s7+$0x40];
	v19 =	vmul.f32 $8.000000000e+00, v19;
	v23 =	vadd.f32 v9, v7;
	v9 =	vand.u32 $0x7F, v21  }
0x21b: {  	s14 =	simm.s32 $0x5;
	[tilespmem:v13+s17+$0x0] =	vst.idx.msk $0xffff, v12;
	v12 =	vld [tilespmem:s7+$0x80];
	v11 =	vadd.f32 v11, v7;
	v25 =	vadd.s32 v0, v9  }
0x21c: {  	s16 =	simm.s32 $0x6;
	v19 =	vadd.f32 v19, v10;
	v22 =	vadd.s32 v0, v8;
	v21 =	vmov s14;
	[tilespmem:v18+s17+$0x0] =	vst.idx.msk $0xffff, v23;
	v23 =	vld [tilespmem:s8+$0x20]  }
0x21d: {  	v13 =	vand.u32 $0x7D, v21;
	v18 =	vmov s16;
	[tilespmem:v16+s17+$0x0] =	vst.idx.msk $0xffff, v11;
	v16 =	vld [tilespmem:s8+$0x60];
	v17 =	vmul.f32 $8.000000000e+00, v17  }
0x21e: {  	v11 =	vand.u32 $0x7E, v18;
	v18 =	vmul.f32 $8.000000000e+00, v20;
	v20 =	vadd.s32 v0, v13;
	v21 =	vld [tilespmem:s8+$0xA0]  }
0x21f: {  	v24 =	vmul.f32 $8.000000000e+00, v24;
	v27 =	vadd.s32 v0, v11;
	v17 =	vadd.f32 v17, v5  }
0x220: {  	v12 =	vmul.f32 $8.000000000e+00, v12;
	v18 =	vadd.f32 v18, v10;
	[tilespmem:v25+s17+$0x0] =	vst.idx.msk $0xffff, v19;
	v19 =	vadd.s32 v2, v14  }
0x221: {  	v24 =	vadd.f32 v24, v10;
	v25 =	vld [tilespmem:s7+$0xD0];
	v23 =	vmul.f32 $8.000000000e+00, v23;
	[tilespmem:v26+s17+$0x0] =	vst.idx.msk $0xffff, v17;
	v17 =	vadd.s32 v2, v30  }
0x222: {  	[tilespmem:v22+s17+$0x0] =	vst.idx.msk $0xffff, v18;
	v18 =	vadd.f32 v12, v10;
	v16 =	vmul.f32 $8.000000000e+00, v16;
	v26 =	vadd.s32 v2, v6;
	v22 =	vld [tilespmem:s8+$0xF0]  }
0x223: {  	s12 =	simm.s32 $0x8;
	v28 =	vld [tilespmem:s7+$0x10];
	[tilespmem:v20+s17+$0x0] =	vst.idx.msk $0xffff, v24;
	v21 =	vmul.f32 $8.000000000e+00, v21;
	v23 =	vadd.f32 v23, v5  }
0x224: {  	v31 =	vadd.s32 v1, v9;
	v12 =	vmov s12;
	v24 =	vld [tilespmem:s7+$0x50];
	[tilespmem:v27+s17+$0x0] =	vst.idx.msk $0xffff, v18;
	v16 =	vadd.f32 v16, v5  }
0x225: {  	s22 =	simm.s32 $0x9;
	v14 =	vadd.s32 v3, v14;
	v12 =	vand.u32 $0x7C, v12;
	v27 =	vld [tilespmem:s7+$0x90];
	v29 =	vadd.f32 v21, v5;
	[tilespmem:v19+s17+$0x0] =	vst.idx.msk $0xffff, v23  }
0x226: {  	v20 =	vmov s22;
	v19 =	vadd.s32 v3, v15;
	v32 =	vmul.f32 $8.000000000e+00, v25;
	v21 =	vld [tilespmem:s8+$0x30];
	[tilespmem:v17+s17+$0x0] =	vst.idx.msk $0xffff, v16  }
0x227: {  	v18 =	vadd.s32 v0, v12;
	v25 =	vadd.s32 v1, v8;
	[tilespmem:v26+s17+$0x0] =	vst.idx.msk $0xffff, v29;
	v15 =	vmul.f32 $8.000000000e+00, v22;
	v17 =	vld [tilespmem:s8+$0x70]  }
0x228: {  	v23 =	vadd.s32 v1, v13;
	v28 =	vmul.f32 $8.000000000e+00, v28;
	v32 =	vadd.f32 v32, v7;
	v16 =	vld [tilespmem:s8+$0xB0]  }
0x229: {  	s10 =	simm.s32 $0xC600;
	v26 =	vmul.f32 $8.000000000e+00, v24;
	v22 =	vadd.s32 v1, v11;
	v24 =	vadd.f32 v15, v4  }
0x22a: {  	s14 =	simm.s32 $0xC;
	v29 =	vld [tilespmem:s10+$0xC0];
	s8 =	sshrl.u32 s5, $0x5;
	v28 =	vadd.f32 v28, v7;
	v27 =	vmul.f32 $8.000000000e+00, v27;
	[tilespmem:v31+s17+$0x0] =	vst.idx.msk $0xffff, v32;
	v15 =	vadd.s32 v3, v30  }
.LBB2_15:
0x22b: {  	p0 =	slt.u32 s14, $0x7C;
	s16 =	sadd.s32 $0x3, s12;
	v26 =	vadd.f32 v26, v7;
	v30 =	vld [tilespmem:s7+$0xE0];
	v21 =	vmul.f32 $8.000000000e+00, v21;
	v31 =	vadd.s32 v3, v6;
	[tilespmem:v19+s17+$0x0] =	vst.idx.msk $0xffff, v24  }
0x22c: {  	v32 =	vmovc v13;
	v6 =	vmovc v11;
	v19 =	vld [tilespmem:s10+$0x0];
	v24 =	vmov s16;
	[tilespmem:v25+s17+$0x0] =	vst.idx.msk $0xffff, v28;
	v25 =	vadd.f32 v27, v7;
	v17 =	vmul.f32 $8.000000000e+00, v17  }
0x22d: {  	s16 =	sadd.s32 $0x2, s12;
	s12 =	smov.u32 s14;
	v27 =	vld [tilespmem:s10+$0x40];
	v24 =	vand.u32 $0x7F, v24;
	[tilespmem:v23+s17+$0x0] =	vst.idx.msk $0xffff, v26;
	v11 =	vadd.f32 v21, v4;
	v13 =	vmul.f32 $8.000000000e+00, v16  }
0x22e: {  	v16 =	vmov s16;
	v21 =	vld [tilespmem:s10+$0x80];
	v23 =	vadd.s32 v0, v24;
	[tilespmem:v22+s17+$0x0] =	vst.idx.msk $0xffff, v25;
	v17 =	vadd.f32 v17, v4  }
0x22f: {  	v26 =	vadd.s32 v2, v9;
	v22 =	vmul.f32 $8.000000000e+00, v29;
	v25 =	vld [tilespmem:s7+$0x20];
	[tilespmem:v14+s17+$0x0] =	vst.idx.msk $0xffff, v11;
	v14 =	vadd.f32 v13, v4  }
0x230: {  	v13 =	vand.u32 $0x7D, v20;
	v11 =	vand.u32 $0x7E, v16;
	v16 =	vld [tilespmem:s7+$0x60];
	v20 =	vmul.f32 $8.000000000e+00, v30;
	[tilespmem:v15+s17+$0x0] =	vst.idx.msk $0xffff, v17  }
0x231: {  	v17 =	vadd.s32 v0, v13;
	v15 =	vmul.f32 $8.000000000e+00, v19;
	v19 =	vadd.f32 v22, v10;
	v22 =	vld [tilespmem:s7+$0xA0];
	[tilespmem:v31+s17+$0x0] =	vst.idx.msk $0xffff, v14  }
0x232: {  	v14 =	vmul.f32 $8.000000000e+00, v27;
	v27 =	vadd.s32 v0, v11;
	v20 =	vadd.f32 v20, v5  }
0x233: {  	v15 =	vadd.f32 v15, v10;
	v21 =	vmul.f32 $8.000000000e+00, v21;
	[tilespmem:v23+s17+$0x0] =	vst.idx.msk $0xffff, v19;
	v19 =	vadd.s32 v2, v8  }
0x234: {  	v28 =	vadd.s32 v2, v32;
	v14 =	vadd.f32 v14, v10;
	v23 =	vld [tilespmem:s10+$0xD0];
	v25 =	vmul.f32 $8.000000000e+00, v25;
	[tilespmem:v26+s17+$0x0] =	vst.idx.msk $0xffff, v20  }
0x235: {  	v26 =	vadd.s32 v2, v6;
	[tilespmem:v18+s17+$0x0] =	vst.idx.msk $0xffff, v15;
	v15 =	vadd.f32 v21, v10;
	v16 =	vmul.f32 $8.000000000e+00, v16;
	v29 =	vld [tilespmem:s7+$0xF0]  }
0x236: {  	v18 =	vmov s14;
	v30 =	vld [tilespmem:s10+$0x10];
	[tilespmem:v17+s17+$0x0] =	vst.idx.msk $0xffff, v14;
	v14 =	vadd.f32 v25, v5;
	v17 =	vmul.f32 $8.000000000e+00, v22  }
0x237: {  	s16 =	sadd.s32 $0x1, s14;
	v31 =	vand.u32 $0x7C, v18;
	v22 =	vld [tilespmem:s10+$0x50];
	[tilespmem:v27+s17+$0x0] =	vst.idx.msk $0xffff, v15;
	v15 =	vadd.f32 v16, v5  }
0x238: {  	v33 =	vadd.s32 v1, v24;
	v20 =	vmov s16;
	v27 =	vld [tilespmem:s10+$0x90];
	[tilespmem:v19+s17+$0x0] =	vst.idx.msk $0xffff, v14;
	v16 =	vadd.f32 v17, v5  }
.Ltmp6:
0x239: {  	v14 =	vadd.s32 v3, v8;
	v19 =	vadd.s32 v3, v9;
	v34 =	vmul.f32 $8.000000000e+00, v23;
	v21 =	vld [tilespmem:s7+$0x30];
	[tilespmem:v28+s17+$0x0] =	vst.idx.msk $0xffff, v15;
	(pc) =	sbr.rel @p0 .LBB2_15-.Ltmp6, $4  }
0x23a: {  	v25 =	vadd.s32 v1, v12;
	v18 =	vadd.s32 v0, v31;
	v17 =	vld [tilespmem:s7+$0x70];
	[tilespmem:v26+s17+$0x0] =	vst.idx.msk $0xffff, v16;
	v15 =	vmul.f32 $8.000000000e+00, v29  }
0x23b: {  	v9 =	vmovc v24;
	v8 =	vmovc v12;
	v23 =	vadd.s32 v1, v13;
	v28 =	vmul.f32 $8.000000000e+00, v30;
	v30 =	vadd.f32 v34, v7;
	v16 =	vld [tilespmem:s7+$0xB0];
	s7 =	smov.u32 s10  }
0x23c: {  	v12 =	vmovc v31;
	s10 =	sadd.s32 $0x100, s10;
	v26 =	vmul.f32 $8.000000000e+00, v22;
	v22 =	vadd.s32 v1, v11;
	v24 =	vadd.f32 v15, v4  }
0x23d: {  	s14 =	sadd.s32 $0x4, s14;
	v15 =	vadd.s32 v3, v32;
	v29 =	vld [tilespmem:s10+$0xC0];
	v28 =	vadd.f32 v28, v7;
	v27 =	vmul.f32 $8.000000000e+00, v27;
	[tilespmem:v33+s17+$0x0] =	vst.idx.msk $0xffff, v30  }
0x23e: {  	s14 =	sadd.s32 $0x3, s12;
	v30 =	vld [tilespmem:s10+$0x0]  }
0x23f: {  	v32 =	vld [tilespmem:s10+$0x40];
	v31 =	vmov s14  }
0x240: {  	v33 =	vld [tilespmem:s10+$0x80];
	v31 =	vand.u32 $0x7F, v31  }
0x241: {  	s14 =	sadd.s32 $0x2, s12;
	v34 =	vadd.s32 v0, v31  }
0x242: {  	v20 =	vand.u32 $0x7D, v20;
	v35 =	vmov s14;
	v29 =	vmul.f32 $8.000000000e+00, v29  }
0x243: {  	v36 =	vadd.s32 v0, v20;
	v35 =	vand.u32 $0x7E, v35;
	v30 =	vmul.f32 $8.000000000e+00, v30  }
0x244: {  	v37 =	vadd.s32 v0, v35;
	v32 =	vmul.f32 $8.000000000e+00, v32;
	v29 =	vadd.f32 v29, v10  }
0x245: {  	v33 =	vmul.f32 $8.000000000e+00, v33;
	v30 =	vadd.f32 v30, v10  }
0x246: {  	v58 =	vadd.f32 v32, v10;
	[tilespmem:v34+s17+$0x0] =	vst.idx.msk $0xffff, v29  }
0x247: {  	v60 =	vadd.f32 v33, v10;
	[tilespmem:v18+s17+$0x0] =	vst.idx.msk $0xffff, v30;
	v59 =	vld [tilespmem:s10+$0xD0]  }
0x248: {  	[tilespmem:v36+s17+$0x0] =	vst.idx.msk $0xffff, v58;
	v30 =	vld [tilespmem:s10+$0x10]  }
0x249: {  	[tilespmem:v37+s17+$0x0] =	vst.idx.msk $0xffff, v60;
	v29 =	vld [tilespmem:s10+$0x50]  }
0x24a: {  	v10 =	vld [tilespmem:s10+$0x90]  }
0x24b: {  	v61 =	vadd.s32 v1, v31  }
0x24c: {  	v26 =	vadd.f32 v26, v7;
	v62 =	vadd.s32 v1, v12;
	v18 =	vmul.f32 $8.000000000e+00, v59  }
0x24d: {  	v63 =	vld [tilespmem:s7+$0xE0];
	[tilespmem:v25+s17+$0x0] =	vst.idx.msk $0xffff, v28;
	v27 =	vadd.f32 v27, v7;
	v36 =	vadd.s32 v1, v20;
	v34 =	vmul.f32 $8.000000000e+00, v30  }
0x24e: {  	[tilespmem:v23+s17+$0x0] =	vst.idx.msk $0xffff, v26;
	v39 =	vadd.s32 v1, v35;
	v37 =	vld [tilespmem:s7+$0x20];
	v38 =	vmul.f32 $8.000000000e+00, v29;
	v18 =	vadd.f32 v18, v7  }
0x24f: {  	[tilespmem:v22+s17+$0x0] =	vst.idx.msk $0xffff, v27;
	v40 =	vld [tilespmem:s7+$0x60];
	v10 =	vmul.f32 $8.000000000e+00, v10;
	v41 =	vadd.f32 v34, v7  }
0x250: {  	v42 =	vld [tilespmem:s7+$0xA0];
	v26 =	vadd.f32 v38, v7;
	[tilespmem:v61+s17+$0x0] =	vst.idx.msk $0xffff, v18  }
0x251: {  	v21 =	vmul.f32 $8.000000000e+00, v21;
	v43 =	vadd.s32 v2, v9;
	v44 =	vadd.f32 v10, v7;
	[tilespmem:v62+s17+$0x0] =	vst.idx.msk $0xffff, v41;
	v45 =	vld [tilespmem:s10+$0xE0]  }
0x252: {  	v46 =	vadd.s32 v2, v8;
	v25 =	vmul.f32 $8.000000000e+00, v63;
	[tilespmem:v36+s17+$0x0] =	vst.idx.msk $0xffff, v26;
	v47 =	vld [tilespmem:s10+$0x20]  }
0x253: {  	v48 =	vadd.s32 v2, v13;
	v21 =	vadd.f32 v21, v4;
	v23 =	vmul.f32 $8.000000000e+00, v37;
	[tilespmem:v39+s17+$0x0] =	vst.idx.msk $0xffff, v44;
	v49 =	vld [tilespmem:s10+$0x60]  }
0x254: {  	[tilespmem:v19+s17+$0x0] =	vst.idx.msk $0xffff, v24;
	v51 =	vadd.s32 v2, v11;
	v50 =	vadd.f32 v25, v5;
	v22 =	vmul.f32 $8.000000000e+00, v40;
	v52 =	vld [tilespmem:s10+$0xA0]  }
0x255: {  	v54 =	vadd.s32 v2, v31;
	[tilespmem:v14+s17+$0x0] =	vst.idx.msk $0xffff, v21;
	v53 =	vadd.f32 v23, v5;
	v18 =	vmul.f32 $8.000000000e+00, v42  }
0x256: {  	v56 =	vadd.s32 v2, v12;
	[tilespmem:v43+s17+$0x0] =	vst.idx.msk $0xffff, v50;
	v55 =	vadd.f32 v22, v5;
	v10 =	vmul.f32 $8.000000000e+00, v45  }
0x257: {  	v60 =	vadd.s32 v2, v20;
	v57 =	vld [tilespmem:s7+$0xF0];
	[tilespmem:v46+s17+$0x0] =	vst.idx.msk $0xffff, v53;
	v58 =	vadd.f32 v18, v5;
	v59 =	vmul.f32 $8.000000000e+00, v47  }
0x258: {  	v32 =	vadd.s32 v2, v35;
	[tilespmem:v48+s17+$0x0] =	vst.idx.msk $0xffff, v55;
	v61 =	vld [tilespmem:s7+$0x30];
	v63 =	vmul.f32 $8.000000000e+00, v49;
	v62 =	vadd.f32 v10, v5  }
0x259: {  	v33 =	vld [tilespmem:s7+$0x70];
	[tilespmem:v51+s17+$0x0] =	vst.idx.msk $0xffff, v58;
	v36 =	vmul.f32 $8.000000000e+00, v52;
	v34 =	vadd.f32 v59, v5  }
0x25a: {  	v6 =	vadd.s32 v3, v6;
	v17 =	vmul.f32 $8.000000000e+00, v17;
	v24 =	vld [tilespmem:s7+$0xB0];
	v37 =	vadd.f32 v63, v5;
	[tilespmem:v54+s17+$0x0] =	vst.idx.msk $0xffff, v62  }
0x25b: {  	v38 =	vmul.f32 $8.000000000e+00, v16;
	v39 =	vadd.s32 v3, v9;
	v5 =	vadd.f32 v36, v5;
	v40 =	vld [tilespmem:s10+$0xF0];
	[tilespmem:v56+s17+$0x0] =	vst.idx.msk $0xffff, v34  }
0x25c: {  	v43 =	vmul.f32 $8.000000000e+00, v57;
	v42 =	vadd.s32 v3, v8;
	v41 =	vadd.f32 v17, v4;
	[tilespmem:v60+s17+$0x0] =	vst.idx.msk $0xffff, v37;
	v44 =	vld [tilespmem:s10+$0x30]  }
0x25d: {  	v46 =	vadd.s32 v3, v13;
	v45 =	vadd.f32 v38, v4;
	v47 =	vmul.f32 $8.000000000e+00, v61;
	[tilespmem:v32+s17+$0x0] =	vst.idx.msk $0xffff, v5;
	v48 =	vld [tilespmem:s10+$0x70]  }
0x25e: {  	v50 =	vmul.f32 $8.000000000e+00, v33;
	[tilespmem:v15+s17+$0x0] =	vst.idx.msk $0xffff, v41;
	v49 =	vadd.s32 v3, v11;
	v5 =	vadd.f32 v43, v4;
	v51 =	vld [tilespmem:s10+$0xB0]  }
0x25f: {  	[tilespmem:v6+s17+$0x0] =	vst.idx.msk $0xffff, v45;
	v52 =	vadd.f32 v47, v4;
	v53 =	vmul.f32 $8.000000000e+00, v24;
	v54 =	vadd.s32 v3, v31  }
0x260: {  	v55 =	vadd.s32 v3, v12;
	[tilespmem:v39+s17+$0x0] =	vst.idx.msk $0xffff, v5;
	v5 =	vadd.f32 v50, v4;
	v56 =	vmul.f32 $8.000000000e+00, v40  }
0x261: {  	v58 =	vadd.s32 v3, v20;
	[tilespmem:v42+s17+$0x0] =	vst.idx.msk $0xffff, v52;
	v57 =	vadd.f32 v53, v4;
	v59 =	vmul.f32 $8.000000000e+00, v44  }
0x262: {  	v60 =	vadd.s32 v3, v35;
	[tilespmem:v46+s17+$0x0] =	vst.idx.msk $0xffff, v5;
	v61 =	vmul.f32 $8.000000000e+00, v48;
	v5 =	vadd.f32 v56, v4  }
0x263: {  	[tilespmem:v49+s17+$0x0] =	vst.idx.msk $0xffff, v57;
	v63 =	vmul.f32 $8.000000000e+00, v51;
	v62 =	vadd.f32 v59, v4  }
0x264: {  	s5 =	sshll.u32 s5, $0x7;
	[tilespmem:v54+s17+$0x0] =	vst.idx.msk $0xffff, v5;
	v5 =	vadd.f32 v61, v4  }
0x265: {  	s5 =	sand.u32 $0xF80, s5;
	v4 =	vadd.f32 v63, v4;
	[tilespmem:v55+s17+$0x0] =	vst.idx.msk $0xffff, v62  }
0x266: {  	s16 =	sshll.u32 s8, $0xF;
	s5 =	sadd.s32 s2, s5;
	[tilespmem:v58+s17+$0x0] =	vst.idx.msk $0xffff, v5  }
0x267: {  	s22 =	simm.s32 $0x14A00;
	s7 =	sadd.s32 s16, s5;
	[tilespmem:v60+s17+$0x0] =	vst.idx.msk $0xffff, v4  }
0x268: {  	[hbm4b:s7+s3] =	stream.linear.scatter [tilespmem:s22], [sflag:$0x8], $0x80, $0x38;
	[tilespmem:$0x19E00] =	vst v63  }
0x269: {  	s8 =	simm.s32 $0x14A88;
	s10 =	sadd.s32 $0x10, s7  }
0x26a: {  	[hbm4b:s10+s3] =	stream.linear.scatter [tilespmem:s8], [sflag:$0x8], $0x80, $0x38;
	[tilespmem:$0x19E00] =	vst v63  }
0x26b: {  	s12 =	simm.s32 $0x14B10;
	s16 =	simm.s32 $0x14B98;
	s14 =	sadd.s32 $0x20, s7  }
0x26c: {  	[hbm4b:s14+s3] =	stream.linear.scatter [tilespmem:s12], [sflag:$0x8], $0x80, $0x38;
	[tilespmem:$0x19E00] =	vst v63  }
0x26d: {  	s5 =	simm.s32 $0x440;
	s22 =	sadd.s32 $0x30, s7;
	s8 =	simm.s32 $0x14C20  }
0x26e: {  	[hbm4b:s22+s3] =	stream.linear.scatter [tilespmem:s16], [sflag:$0x8], $0x80, $0x38;
	[tilespmem:$0x19E00] =	vst v63  }
0x26f: {  	s10 =	sadd.s32 $0x40, s7;
	s12 =	simm.s32 $0x14CA8;
	s14 =	sadd.s32 $0x50, s7  }
0x270: {  	[hbm4b:s10+s3] =	stream.linear.scatter [tilespmem:s8], [sflag:$0x8], $0x80, $0x38;
	[tilespmem:$0x19E00] =	vst v63  }
0x271: {  	s16 =	simm.s32 $0x14D30;
	s22 =	sadd.s32 $0x60, s7;
	s8 =	simm.s32 $0x2200  }
0x272: {  	[hbm4b:s14+s3] =	stream.linear.scatter [tilespmem:s12], [sflag:$0x8], $0x80, $0x38;
	[tilespmem:$0x19E00] =	vst v63  }
0x273: {  	s10 =	simm.s32 $0x14DB8;
	s12 =	sadd.s32 $0x70, s7;
	s7 =	sadd.s32 $0x1000, s7  }
0x274: {  	[hbm4b:s22+s3] =	stream.linear.scatter [tilespmem:s16], [sflag:$0x8], $0x80, $0x38;
	[tilespmem:$0x19E00] =	vst v63  }
.LBB2_17:
0x275: {  	[hbm4b:s12+s3] =	stream.linear.scatter [tilespmem:s10], [sflag:$0x8], $0x80, $0x38;
	[tilespmem:$0x19E00] =	vst v63  }
0x276: {  	s10 =	smov.u32 s5;
	s5 =	smov.u32 s8  }
0x277: {  	s14 =	sadd.s32 $0x1100, s8;
	s5 =	sshra.s32 s5, $0x2;
	s12 =	sadd.s32 $0x14A00, s10  }
0x278: {  	[hbm4b:s7+s3] =	stream.linear.scatter [tilespmem:s12], [sflag:$0x8], $0x80, $0x38;
	[tilespmem:$0x19E00] =	vst v63  }
0x279: {  	p0 =	sne.s32 s8, $0x7700;
	s8 =	sadd.s32 $0x14A88, s10;
	s12 =	sadd.s32 $0x10, s7  }
0x27a: {  	[hbm4b:s12+s3] =	stream.linear.scatter [tilespmem:s8], [sflag:$0x8], $0x80, $0x38;
	[tilespmem:$0x19E00] =	vst v63  }
0x27b: {  	s8 =	sadd.s32 $0x14B10, s10;
	s12 =	sadd.s32 $0x20, s7  }
0x27c: {  	[hbm4b:s12+s3] =	stream.linear.scatter [tilespmem:s8], [sflag:$0x8], $0x80, $0x38;
	[tilespmem:$0x19E00] =	vst v63  }
0x27d: {  	s8 =	sadd.s32 $0x14B98, s10;
	s12 =	sadd.s32 $0x30, s7  }
0x27e: {  	[hbm4b:s12+s3] =	stream.linear.scatter [tilespmem:s8], [sflag:$0x8], $0x80, $0x38;
	[tilespmem:$0x19E00] =	vst v63  }
0x27f: {  	s8 =	sadd.s32 $0x14C20, s10;
	s12 =	sadd.s32 $0x40, s7  }
0x280: {  	[hbm4b:s12+s3] =	stream.linear.scatter [tilespmem:s8], [sflag:$0x8], $0x80, $0x38;
	[tilespmem:$0x19E00] =	vst v63  }
.Ltmp7:
0x281: {  	s8 =	sadd.s32 $0x14CA8, s10;
	s12 =	sadd.s32 $0x50, s7;
	(pc) =	sbr.rel @p0 .LBB2_17-.Ltmp7, $4  }
0x282: {  	[hbm4b:s12+s3] =	stream.linear.scatter [tilespmem:s8], [sflag:$0x8], $0x80, $0x38;
	[tilespmem:$0x19E00] =	vst v63  }
0x283: {  	s8 =	sadd.s32 $0x14D30, s10;
	s12 =	sadd.s32 $0x60, s7;
	s10 =	sadd.s32 $0x14DB8, s10  }
0x284: {  	[hbm4b:s12+s3] =	stream.linear.scatter [tilespmem:s8], [sflag:$0x8], $0x80, $0x38;
	[tilespmem:$0x19E00] =	vst v63  }
0x285: {  	s12 =	sadd.s32 $0x70, s7;
	s7 =	sadd.s32 $0x1000, s7;
	s8 =	smov.u32 s14  }
0x286: {  	[hbm4b:s12+s3] =	stream.linear.scatter [tilespmem:s10], [sflag:$0x8], $0x80, $0x38;
	[tilespmem:$0x19E00] =	vst v63  }
0x287: {  	s8 =	sadd.s32 $0x14A00, s5  }
0x288: {  	[hbm4b:s7+s3] =	stream.linear.scatter [tilespmem:s8], [sflag:$0x8], $0x80, $0x38;
	[tilespmem:$0x19E00] =	vst v63  }
0x289: {  	s16 =	sadd.s32 $0x14A88, s5;
	s22 =	sadd.s32 $0x10, s7  }
0x28a: {  	[hbm4b:s22+s3] =	stream.linear.scatter [tilespmem:s16], [sflag:$0x8], $0x80, $0x38;
	[tilespmem:$0x19E00] =	vst v63  }
0x28b: {  	s12 =	sadd.s32 $0x14B10, s5;
	s14 =	sadd.s32 $0x20, s7  }
0x28c: {  	[hbm4b:s14+s3] =	stream.linear.scatter [tilespmem:s12], [sflag:$0x8], $0x80, $0x38;
	[tilespmem:$0x19E00] =	vst v63  }
0x28d: {  	s16 =	sadd.s32 $0x14B98, s5;
	s22 =	sadd.s32 $0x30, s7  }
0x28e: {  	[hbm4b:s22+s3] =	stream.linear.scatter [tilespmem:s16], [sflag:$0x8], $0x80, $0x38;
	[tilespmem:$0x19E00] =	vst v63  }
0x28f: {  	s12 =	sadd.s32 $0x14C20, s5;
	s14 =	sadd.s32 $0x40, s7  }
0x290: {  	[hbm4b:s14+s3] =	stream.linear.scatter [tilespmem:s12], [sflag:$0x8], $0x80, $0x38;
	[tilespmem:$0x19E00] =	vst v63  }
0x291: {  	s18 =	sadd.s32 $0x1, s18;
	s16 =	sadd.s32 $0x14CA8, s5;
	s22 =	sadd.s32 $0x50, s7  }
0x292: {  	[hbm4b:s22+s3] =	stream.linear.scatter [tilespmem:s16], [sflag:$0x8], $0x80, $0x38;
	[tilespmem:$0x19E00] =	vst v63  }
0x293: {  	p0 =	sne.s32 s18, $0x31;
	s12 =	sadd.s32 $0x14D30, s5;
	s14 =	sadd.s32 $0x60, s7  }
0x294: {  	[hbm4b:s14+s3] =	stream.linear.scatter [tilespmem:s12], [sflag:$0x8], $0x80, $0x38;
	[tilespmem:$0x19E00] =	vst v63  }
.Ltmp8:
0x295: {  	_ = 	snop;
	(pc) =	sbr.rel @p0 .LBB2_2-.Ltmp8, $4  }
0x296: {  	s16 =	sadd.s32 $0x14DB8, s5;
	s22 =	sadd.s32 $0x70, s7  }
0x297: {  	[hbm4b:s22+s3] =	stream.linear.scatter [tilespmem:s16], [sflag:$0x8], $0x80, $0x38;
	[tilespmem:$0x19E00] =	vst v63  }
0x298: {  	s24 =	sadd.s32 $0x380, s24  }
0x299: {  	[tilespmem:s25], [sflag:$0x4] =	stream.indirect.gather [hbm4b:s6+s19], $0x40, s24, s19, $0xb8;
	[tilespmem:$0x19E00] =	vst v63  }
0x29a: {  	_ =	swait.ge [sflag:s26], $0x2000  }
0x29b: {  	[sflag:s26] =	ssyncset.done $0x0  }
0x29c: {  	s16 =	simm.s32 $0x5;
	[sflag:s26] =	ssyncadd.s32 $0xFFFFE000  }
0x29d: {  	_ =	swait.ge [sflag:s16], $0x2000  }
0x29e: {  	[sflag:s16] =	ssyncset.done $0x0  }
0x29f: {  	s7 =	simm.s32 $0x6480;
	[sflag:s16] =	ssyncadd.s32 $0xFFFFE000  }
0x2a0: {  	v4 =	vld [tilespmem:s7+$0x40]  }
0x2a1: {  	s5 =	simm.s32 $0x3;
	s8 =	rddreg [dreg:$0x5]  }
0x2a2: {  	v5 =	vmov s5;
	v10 =	vld [tilespmem:s8+$0x16C00]  }
0x2a3: {  	v15 =	vand.u32 $0x7F, v5  }
0x2a4: {  	v9 =	vadd.s32 v0, v15;
	v8 =	vld [tilespmem:s7+$0xFFFFFF80]  }
0x2a5: {  	s24 =	simm.s32 $0x0;
	v11 =	vld [tilespmem:s7+$0xFFFFFFC0];
	v4 =	vmul.f32 $8.000000000e+00, v4  }
0x2a6: {  	s10 =	simm.s32 $0x1;
	v6 =	vmov s24;
	v12 =	vld [tilespmem:s7+$0x0]  }
0x2a7: {  	s12 =	simm.s32 $0x2;
	v14 =	vand.u32 $0x7C, v6;
	v6 =	vmov s10;
	v7 =	vld [tilespmem:s8+$0x16C10];
	v13 =	vadd.f32 v4, v10  }
0x2a8: {  	v17 =	vmov s12;
	v16 =	vadd.s32 v0, v14;
	v30 =	vand.u32 $0x7D, v6;
	v5 =	vld [tilespmem:s8+$0x16C20]  }
0x2a9: {  	v6 =	vand.u32 $0x7E, v17;
	v17 =	vadd.s32 v0, v30;
	v8 =	vmul.f32 $8.000000000e+00, v8;
	v4 =	vld [tilespmem:s8+$0x16C30];
	[tilespmem:v9+s28+$0x0] =	vst.idx.msk $0xffff, v13  }
0x2aa: {  	v9 =	vmul.f32 $8.000000000e+00, v11;
	v11 =	vadd.s32 v0, v6;
	v13 =	vld [tilespmem:s7+$0x50]  }
0x2ab: {  	v12 =	vmul.f32 $8.000000000e+00, v12;
	v8 =	vadd.f32 v8, v10  }
0x2ac: {  	v9 =	vadd.f32 v9, v10  }
0x2ad: {  	[tilespmem:v16+s28+$0x0] =	vst.idx.msk $0xffff, v8;
	v8 =	vadd.f32 v12, v10  }
0x2ae: {  	v12 =	vld [tilespmem:s7+$0xFFFFFF90];
	[tilespmem:v17+s28+$0x0] =	vst.idx.msk $0xffff, v9;
	v9 =	vadd.s32 v1, v15  }
0x2af: {  	v16 =	vld [tilespmem:s7+$0xFFFFFFD0];
	[tilespmem:v11+s28+$0x0] =	vst.idx.msk $0xffff, v8;
	v8 =	vmul.f32 $8.000000000e+00, v13  }
0x2b0: {  	s5 =	simm.s32 $0x6580;
	v11 =	vld [tilespmem:s7+$0x10]  }
0x2b1: {  	s18 =	simm.s32 $0x7;
	v19 =	vld [tilespmem:s5+$0x40];
	v8 =	vadd.f32 v8, v7  }
0x2b2: {  	s14 =	simm.s32 $0x4;
	v21 =	vmov s18;
	v13 =	vadd.s32 v1, v14  }
0x2b3: {  	v18 =	vadd.s32 v1, v30;
	v17 =	vmov s14;
	v12 =	vmul.f32 $8.000000000e+00, v12;
	[tilespmem:v9+s28+$0x0] =	vst.idx.msk $0xffff, v8  }
0x2b4: {  	v8 =	vand.u32 $0x7C, v17;
	v9 =	vmul.f32 $8.000000000e+00, v16;
	v16 =	vadd.s32 v1, v6;
	v17 =	vld [tilespmem:s7+$0x60]  }
0x2b5: {  	v26 =	vadd.s32 v2, v15;
	v20 =	vld [tilespmem:s5+$0xFFFFFF80];
	v12 =	vadd.f32 v12, v7;
	v11 =	vmul.f32 $8.000000000e+00, v11  }
0x2b6: {  	v24 =	vld [tilespmem:s5+$0xFFFFFFC0];
	v19 =	vmul.f32 $8.000000000e+00, v19;
	v23 =	vadd.f32 v9, v7;
	v9 =	vand.u32 $0x7F, v21  }
0x2b7: {  	s22 =	simm.s32 $0x5;
	[tilespmem:v13+s28+$0x0] =	vst.idx.msk $0xffff, v12;
	v12 =	vld [tilespmem:s5+$0x0];
	v11 =	vadd.f32 v11, v7;
	v25 =	vadd.s32 v0, v9  }
0x2b8: {  	s24 =	simm.s32 $0x6;
	v19 =	vadd.f32 v19, v10;
	v22 =	vadd.s32 v0, v8;
	v21 =	vmov s22;
	[tilespmem:v18+s28+$0x0] =	vst.idx.msk $0xffff, v23;
	v23 =	vld [tilespmem:s7+$0xFFFFFFA0]  }
0x2b9: {  	v13 =	vand.u32 $0x7D, v21;
	v18 =	vmov s24;
	[tilespmem:v16+s28+$0x0] =	vst.idx.msk $0xffff, v11;
	v16 =	vld [tilespmem:s7+$0xFFFFFFE0];
	v17 =	vmul.f32 $8.000000000e+00, v17  }
0x2ba: {  	v11 =	vand.u32 $0x7E, v18;
	v18 =	vmul.f32 $8.000000000e+00, v20;
	v20 =	vadd.s32 v0, v13;
	v21 =	vld [tilespmem:s7+$0x20]  }
0x2bb: {  	v24 =	vmul.f32 $8.000000000e+00, v24;
	v27 =	vadd.s32 v0, v11;
	v17 =	vadd.f32 v17, v5  }
0x2bc: {  	v12 =	vmul.f32 $8.000000000e+00, v12;
	v18 =	vadd.f32 v18, v10;
	[tilespmem:v25+s28+$0x0] =	vst.idx.msk $0xffff, v19;
	v19 =	vadd.s32 v2, v14  }
0x2bd: {  	v24 =	vadd.f32 v24, v10;
	v25 =	vld [tilespmem:s5+$0x50];
	v23 =	vmul.f32 $8.000000000e+00, v23;
	[tilespmem:v26+s28+$0x0] =	vst.idx.msk $0xffff, v17;
	v17 =	vadd.s32 v2, v30  }
0x2be: {  	[tilespmem:v22+s28+$0x0] =	vst.idx.msk $0xffff, v18;
	v18 =	vadd.f32 v12, v10;
	v16 =	vmul.f32 $8.000000000e+00, v16;
	v26 =	vadd.s32 v2, v6;
	v22 =	vld [tilespmem:s7+$0x70]  }
0x2bf: {  	s8 =	simm.s32 $0x8;
	v28 =	vld [tilespmem:s5+$0xFFFFFF90];
	[tilespmem:v20+s28+$0x0] =	vst.idx.msk $0xffff, v24;
	v21 =	vmul.f32 $8.000000000e+00, v21;
	v23 =	vadd.f32 v23, v5  }
0x2c0: {  	v31 =	vadd.s32 v1, v9;
	v12 =	vmov s8;
	v24 =	vld [tilespmem:s5+$0xFFFFFFD0];
	[tilespmem:v27+s28+$0x0] =	vst.idx.msk $0xffff, v18;
	v16 =	vadd.f32 v16, v5  }
0x2c1: {  	s10 =	simm.s32 $0x9;
	v14 =	vadd.s32 v3, v14;
	v12 =	vand.u32 $0x7C, v12;
	v27 =	vld [tilespmem:s5+$0x10];
	v29 =	vadd.f32 v21, v5;
	[tilespmem:v19+s28+$0x0] =	vst.idx.msk $0xffff, v23  }
0x2c2: {  	v20 =	vmov s10;
	v19 =	vadd.s32 v3, v15;
	v32 =	vmul.f32 $8.000000000e+00, v25;
	v21 =	vld [tilespmem:s7+$0xFFFFFFB0];
	[tilespmem:v17+s28+$0x0] =	vst.idx.msk $0xffff, v16  }
0x2c3: {  	v18 =	vadd.s32 v0, v12;
	v25 =	vadd.s32 v1, v8;
	[tilespmem:v26+s28+$0x0] =	vst.idx.msk $0xffff, v29;
	v15 =	vmul.f32 $8.000000000e+00, v22;
	v17 =	vld [tilespmem:s7+$0xFFFFFFF0]  }
0x2c4: {  	v23 =	vadd.s32 v1, v13;
	v28 =	vmul.f32 $8.000000000e+00, v28;
	v32 =	vadd.f32 v32, v7;
	v16 =	vld [tilespmem:s7+$0x30]  }
0x2c5: {  	v26 =	vmul.f32 $8.000000000e+00, v24;
	v22 =	vadd.s32 v1, v11;
	s7 =	simm.s32 $0x6680;
	v24 =	vadd.f32 v15, v4  }
0x2c6: {  	s10 =	simm.s32 $0xC;
	v29 =	vld [tilespmem:s7+$0x40];
	v28 =	vadd.f32 v28, v7;
	v27 =	vmul.f32 $8.000000000e+00, v27;
	[tilespmem:v31+s28+$0x0] =	vst.idx.msk $0xffff, v32;
	v15 =	vadd.s32 v3, v30  }
.LBB2_20:
0x2c7: {  	p0 =	slt.u32 s10, $0x7C;
	s12 =	sadd.s32 $0x3, s8;
	v26 =	vadd.f32 v26, v7;
	v30 =	vld [tilespmem:s5+$0x60];
	v21 =	vmul.f32 $8.000000000e+00, v21;
	v31 =	vadd.s32 v3, v6;
	[tilespmem:v19+s28+$0x0] =	vst.idx.msk $0xffff, v24  }
0x2c8: {  	v32 =	vmovc v13;
	v6 =	vmovc v11;
	v19 =	vld [tilespmem:s7+$0xFFFFFF80];
	v24 =	vmov s12;
	[tilespmem:v25+s28+$0x0] =	vst.idx.msk $0xffff, v28;
	v25 =	vadd.f32 v27, v7;
	v17 =	vmul.f32 $8.000000000e+00, v17  }
0x2c9: {  	s12 =	sadd.s32 $0x2, s8;
	s8 =	smov.u32 s10;
	v27 =	vld [tilespmem:s7+$0xFFFFFFC0];
	v24 =	vand.u32 $0x7F, v24;
	[tilespmem:v23+s28+$0x0] =	vst.idx.msk $0xffff, v26;
	v11 =	vadd.f32 v21, v4;
	v13 =	vmul.f32 $8.000000000e+00, v16  }
0x2ca: {  	v16 =	vmov s12;
	v21 =	vld [tilespmem:s7+$0x0];
	v23 =	vadd.s32 v0, v24;
	[tilespmem:v22+s28+$0x0] =	vst.idx.msk $0xffff, v25;
	v17 =	vadd.f32 v17, v4  }
0x2cb: {  	v26 =	vadd.s32 v2, v9;
	v22 =	vmul.f32 $8.000000000e+00, v29;
	v25 =	vld [tilespmem:s5+$0xFFFFFFA0];
	[tilespmem:v14+s28+$0x0] =	vst.idx.msk $0xffff, v11;
	v14 =	vadd.f32 v13, v4  }
0x2cc: {  	v13 =	vand.u32 $0x7D, v20;
	v11 =	vand.u32 $0x7E, v16;
	v16 =	vld [tilespmem:s5+$0xFFFFFFE0];
	v20 =	vmul.f32 $8.000000000e+00, v30;
	[tilespmem:v15+s28+$0x0] =	vst.idx.msk $0xffff, v17  }
0x2cd: {  	v17 =	vadd.s32 v0, v13;
	v15 =	vmul.f32 $8.000000000e+00, v19;
	v19 =	vadd.f32 v22, v10;
	v22 =	vld [tilespmem:s5+$0x20];
	[tilespmem:v31+s28+$0x0] =	vst.idx.msk $0xffff, v14  }
0x2ce: {  	v14 =	vmul.f32 $8.000000000e+00, v27;
	v27 =	vadd.s32 v0, v11;
	v20 =	vadd.f32 v20, v5  }
0x2cf: {  	v15 =	vadd.f32 v15, v10;
	v21 =	vmul.f32 $8.000000000e+00, v21;
	[tilespmem:v23+s28+$0x0] =	vst.idx.msk $0xffff, v19;
	v19 =	vadd.s32 v2, v8  }
0x2d0: {  	v28 =	vadd.s32 v2, v32;
	v14 =	vadd.f32 v14, v10;
	v23 =	vld [tilespmem:s7+$0x50];
	v25 =	vmul.f32 $8.000000000e+00, v25;
	[tilespmem:v26+s28+$0x0] =	vst.idx.msk $0xffff, v20  }
0x2d1: {  	v26 =	vadd.s32 v2, v6;
	[tilespmem:v18+s28+$0x0] =	vst.idx.msk $0xffff, v15;
	v15 =	vadd.f32 v21, v10;
	v16 =	vmul.f32 $8.000000000e+00, v16;
	v29 =	vld [tilespmem:s5+$0x70]  }
0x2d2: {  	v18 =	vmov s10;
	v30 =	vld [tilespmem:s7+$0xFFFFFF90];
	[tilespmem:v17+s28+$0x0] =	vst.idx.msk $0xffff, v14;
	v14 =	vadd.f32 v25, v5;
	v17 =	vmul.f32 $8.000000000e+00, v22  }
0x2d3: {  	s12 =	sadd.s32 $0x1, s10;
	v31 =	vand.u32 $0x7C, v18;
	v22 =	vld [tilespmem:s7+$0xFFFFFFD0];
	[tilespmem:v27+s28+$0x0] =	vst.idx.msk $0xffff, v15;
	v15 =	vadd.f32 v16, v5  }
0x2d4: {  	v33 =	vadd.s32 v1, v24;
	v20 =	vmov s12;
	v27 =	vld [tilespmem:s7+$0x10];
	[tilespmem:v19+s28+$0x0] =	vst.idx.msk $0xffff, v14;
	v16 =	vadd.f32 v17, v5  }
.Ltmp9:
0x2d5: {  	v14 =	vadd.s32 v3, v8;
	v19 =	vadd.s32 v3, v9;
	v34 =	vmul.f32 $8.000000000e+00, v23;
	v21 =	vld [tilespmem:s5+$0xFFFFFFB0];
	[tilespmem:v28+s28+$0x0] =	vst.idx.msk $0xffff, v15;
	(pc) =	sbr.rel @p0 .LBB2_20-.Ltmp9, $4  }
0x2d6: {  	v25 =	vadd.s32 v1, v12;
	v18 =	vadd.s32 v0, v31;
	v17 =	vld [tilespmem:s5+$0xFFFFFFF0];
	[tilespmem:v26+s28+$0x0] =	vst.idx.msk $0xffff, v16;
	v15 =	vmul.f32 $8.000000000e+00, v29  }
0x2d7: {  	v9 =	vmovc v24;
	v8 =	vmovc v12;
	v23 =	vadd.s32 v1, v13;
	v28 =	vmul.f32 $8.000000000e+00, v30;
	v30 =	vadd.f32 v34, v7;
	v16 =	vld [tilespmem:s5+$0x30];
	s5 =	smov.u32 s7  }
0x2d8: {  	v12 =	vmovc v31;
	s7 =	sadd.s32 $0x100, s7;
	v26 =	vmul.f32 $8.000000000e+00, v22;
	v22 =	vadd.s32 v1, v11;
	v24 =	vadd.f32 v15, v4  }
0x2d9: {  	s10 =	sadd.s32 $0x4, s10;
	v15 =	vadd.s32 v3, v32;
	v29 =	vld [tilespmem:s7+$0x40];
	v28 =	vadd.f32 v28, v7;
	v27 =	vmul.f32 $8.000000000e+00, v27;
	[tilespmem:v33+s28+$0x0] =	vst.idx.msk $0xffff, v30  }
0x2da: {  	s10 =	sadd.s32 $0x3, s8;
	v30 =	vld [tilespmem:s7+$0xFFFFFF80]  }
0x2db: {  	v32 =	vld [tilespmem:s7+$0xFFFFFFC0];
	v31 =	vmov s10  }
0x2dc: {  	v33 =	vld [tilespmem:s7+$0x0];
	v31 =	vand.u32 $0x7F, v31  }
0x2dd: {  	s10 =	sadd.s32 $0x2, s8;
	v34 =	vadd.s32 v0, v31  }
0x2de: {  	v20 =	vand.u32 $0x7D, v20;
	v35 =	vmov s10;
	v29 =	vmul.f32 $8.000000000e+00, v29  }
0x2df: {  	v36 =	vadd.s32 v0, v20;
	v35 =	vand.u32 $0x7E, v35;
	v30 =	vmul.f32 $8.000000000e+00, v30  }
0x2e0: {  	v37 =	vadd.s32 v0, v35;
	v32 =	vmul.f32 $8.000000000e+00, v32;
	v29 =	vadd.f32 v29, v10  }
0x2e1: {  	v33 =	vmul.f32 $8.000000000e+00, v33;
	v30 =	vadd.f32 v30, v10  }
0x2e2: {  	v58 =	vadd.f32 v32, v10;
	[tilespmem:v34+s28+$0x0] =	vst.idx.msk $0xffff, v29  }
0x2e3: {  	v60 =	vadd.f32 v33, v10;
	[tilespmem:v18+s28+$0x0] =	vst.idx.msk $0xffff, v30;
	v59 =	vld [tilespmem:s7+$0x50]  }
0x2e4: {  	[tilespmem:v36+s28+$0x0] =	vst.idx.msk $0xffff, v58;
	v30 =	vld [tilespmem:s7+$0xFFFFFF90]  }
0x2e5: {  	[tilespmem:v37+s28+$0x0] =	vst.idx.msk $0xffff, v60;
	v29 =	vld [tilespmem:s7+$0xFFFFFFD0]  }
0x2e6: {  	v10 =	vld [tilespmem:s7+$0x10]  }
0x2e7: {  	v61 =	vadd.s32 v1, v31  }
0x2e8: {  	v26 =	vadd.f32 v26, v7;
	v62 =	vadd.s32 v1, v12;
	v18 =	vmul.f32 $8.000000000e+00, v59  }
0x2e9: {  	v63 =	vld [tilespmem:s5+$0x60];
	[tilespmem:v25+s28+$0x0] =	vst.idx.msk $0xffff, v28;
	v27 =	vadd.f32 v27, v7;
	v36 =	vadd.s32 v1, v20;
	v34 =	vmul.f32 $8.000000000e+00, v30  }
0x2ea: {  	[tilespmem:v23+s28+$0x0] =	vst.idx.msk $0xffff, v26;
	v39 =	vadd.s32 v1, v35;
	v37 =	vld [tilespmem:s5+$0xFFFFFFA0];
	v38 =	vmul.f32 $8.000000000e+00, v29;
	v18 =	vadd.f32 v18, v7  }
0x2eb: {  	[tilespmem:v22+s28+$0x0] =	vst.idx.msk $0xffff, v27;
	v40 =	vld [tilespmem:s5+$0xFFFFFFE0];
	v10 =	vmul.f32 $8.000000000e+00, v10;
	v41 =	vadd.f32 v34, v7  }
0x2ec: {  	v42 =	vld [tilespmem:s5+$0x20];
	v26 =	vadd.f32 v38, v7;
	[tilespmem:v61+s28+$0x0] =	vst.idx.msk $0xffff, v18  }
0x2ed: {  	v21 =	vmul.f32 $8.000000000e+00, v21;
	v43 =	vadd.s32 v2, v9;
	v44 =	vadd.f32 v10, v7;
	[tilespmem:v62+s28+$0x0] =	vst.idx.msk $0xffff, v41;
	v45 =	vld [tilespmem:s7+$0x60]  }
0x2ee: {  	v46 =	vadd.s32 v2, v8;
	v25 =	vmul.f32 $8.000000000e+00, v63;
	[tilespmem:v36+s28+$0x0] =	vst.idx.msk $0xffff, v26;
	v47 =	vld [tilespmem:s7+$0xFFFFFFA0]  }
0x2ef: {  	v48 =	vadd.s32 v2, v13;
	v21 =	vadd.f32 v21, v4;
	v23 =	vmul.f32 $8.000000000e+00, v37;
	[tilespmem:v39+s28+$0x0] =	vst.idx.msk $0xffff, v44;
	v49 =	vld [tilespmem:s7+$0xFFFFFFE0]  }
0x2f0: {  	[tilespmem:v19+s28+$0x0] =	vst.idx.msk $0xffff, v24;
	v51 =	vadd.s32 v2, v11;
	v50 =	vadd.f32 v25, v5;
	v22 =	vmul.f32 $8.000000000e+00, v40;
	v52 =	vld [tilespmem:s7+$0x20]  }
0x2f1: {  	v54 =	vadd.s32 v2, v31;
	[tilespmem:v14+s28+$0x0] =	vst.idx.msk $0xffff, v21;
	v53 =	vadd.f32 v23, v5;
	v18 =	vmul.f32 $8.000000000e+00, v42  }
0x2f2: {  	v56 =	vadd.s32 v2, v12;
	[tilespmem:v43+s28+$0x0] =	vst.idx.msk $0xffff, v50;
	v55 =	vadd.f32 v22, v5;
	v10 =	vmul.f32 $8.000000000e+00, v45  }
0x2f3: {  	v60 =	vadd.s32 v2, v20;
	v57 =	vld [tilespmem:s5+$0x70];
	[tilespmem:v46+s28+$0x0] =	vst.idx.msk $0xffff, v53;
	v58 =	vadd.f32 v18, v5;
	v59 =	vmul.f32 $8.000000000e+00, v47  }
0x2f4: {  	v32 =	vadd.s32 v2, v35;
	[tilespmem:v48+s28+$0x0] =	vst.idx.msk $0xffff, v55;
	v61 =	vld [tilespmem:s5+$0xFFFFFFB0];
	v63 =	vmul.f32 $8.000000000e+00, v49;
	v62 =	vadd.f32 v10, v5  }
0x2f5: {  	v33 =	vld [tilespmem:s5+$0xFFFFFFF0];
	[tilespmem:v51+s28+$0x0] =	vst.idx.msk $0xffff, v58;
	v36 =	vmul.f32 $8.000000000e+00, v52;
	v34 =	vadd.f32 v59, v5  }
0x2f6: {  	v6 =	vadd.s32 v3, v6;
	v17 =	vmul.f32 $8.000000000e+00, v17;
	v24 =	vld [tilespmem:s5+$0x30];
	v37 =	vadd.f32 v63, v5;
	[tilespmem:v54+s28+$0x0] =	vst.idx.msk $0xffff, v62  }
0x2f7: {  	v38 =	vmul.f32 $8.000000000e+00, v16;
	v39 =	vadd.s32 v3, v9;
	v5 =	vadd.f32 v36, v5;
	v40 =	vld [tilespmem:s7+$0x70];
	[tilespmem:v56+s28+$0x0] =	vst.idx.msk $0xffff, v34  }
0x2f8: {  	v43 =	vmul.f32 $8.000000000e+00, v57;
	v42 =	vadd.s32 v3, v8;
	v41 =	vadd.f32 v17, v4;
	[tilespmem:v60+s28+$0x0] =	vst.idx.msk $0xffff, v37;
	v44 =	vld [tilespmem:s7+$0xFFFFFFB0]  }
0x2f9: {  	v46 =	vadd.s32 v3, v13;
	v45 =	vadd.f32 v38, v4;
	v47 =	vmul.f32 $8.000000000e+00, v61;
	[tilespmem:v32+s28+$0x0] =	vst.idx.msk $0xffff, v5;
	v48 =	vld [tilespmem:s7+$0xFFFFFFF0]  }
0x2fa: {  	v50 =	vmul.f32 $8.000000000e+00, v33;
	[tilespmem:v15+s28+$0x0] =	vst.idx.msk $0xffff, v41;
	v49 =	vadd.s32 v3, v11;
	v5 =	vadd.f32 v43, v4;
	v51 =	vld [tilespmem:s7+$0x30]  }
0x2fb: {  	[tilespmem:v6+s28+$0x0] =	vst.idx.msk $0xffff, v45;
	v52 =	vadd.f32 v47, v4;
	v53 =	vmul.f32 $8.000000000e+00, v24;
	v54 =	vadd.s32 v3, v31  }
0x2fc: {  	v55 =	vadd.s32 v3, v12;
	[tilespmem:v39+s28+$0x0] =	vst.idx.msk $0xffff, v5;
	v5 =	vadd.f32 v50, v4;
	v56 =	vmul.f32 $8.000000000e+00, v40  }
0x2fd: {  	v58 =	vadd.s32 v3, v20;
	[tilespmem:v42+s28+$0x0] =	vst.idx.msk $0xffff, v52;
	v57 =	vadd.f32 v53, v4;
	v59 =	vmul.f32 $8.000000000e+00, v44  }
0x2fe: {  	v60 =	vadd.s32 v3, v35;
	[tilespmem:v46+s28+$0x0] =	vst.idx.msk $0xffff, v5;
	v61 =	vmul.f32 $8.000000000e+00, v48;
	v5 =	vadd.f32 v56, v4  }
0x2ff: {  	[tilespmem:v49+s28+$0x0] =	vst.idx.msk $0xffff, v57;
	v63 =	vmul.f32 $8.000000000e+00, v51;
	v62 =	vadd.f32 v59, v4  }
0x300: {  	[tilespmem:v54+s28+$0x0] =	vst.idx.msk $0xffff, v5;
	v5 =	vadd.f32 v61, v4  }
0x301: {  	v4 =	vadd.f32 v63, v4;
	[tilespmem:v55+s28+$0x0] =	vst.idx.msk $0xffff, v62  }
0x302: {  	[tilespmem:v58+s28+$0x0] =	vst.idx.msk $0xffff, v5  }
0x303: {  	s12 =	simm.s32 $0xE400;
	[tilespmem:v60+s28+$0x0] =	vst.idx.msk $0xffff, v4  }
0x304: {  	[hbm4b:s9+s3] =	stream.linear.scatter [tilespmem:s12], [sflag:$0x5], $0x80, $0x38;
	[tilespmem:$0x19E00] =	vst v63  }
0x305: {  	s14 =	simm.s32 $0xE488;
	s18 =	sadd.s32 $0x10, s9;
	s22 =	simm.s32 $0xE510  }
0x306: {  	[hbm4b:s18+s3] =	stream.linear.scatter [tilespmem:s14], [sflag:$0x5], $0x80, $0x38;
	[tilespmem:$0x19E00] =	vst v63  }
0x307: {  	s24 =	sadd.s32 $0x20, s9;
	s8 =	sadd.s32 $0x30, s9;
	s10 =	simm.s32 $0xE620  }
0x308: {  	[hbm4b:s24+s3] =	stream.linear.scatter [tilespmem:s22], [sflag:$0x5], $0x80, $0x38;
	[tilespmem:$0x19E00] =	vst v63  }
0x309: {  	s5 =	simm.s32 $0x440;
	s7 =	simm.s32 $0xE598;
	s12 =	sadd.s32 $0x40, s9  }
0x30a: {  	[hbm4b:s8+s3] =	stream.linear.scatter [tilespmem:s7], [sflag:$0x5], $0x80, $0x38;
	[tilespmem:$0x19E00] =	vst v63  }
0x30b: {  	s14 =	simm.s32 $0xE6A8;
	s18 =	sadd.s32 $0x50, s9;
	s22 =	simm.s32 $0xE730  }
0x30c: {  	[hbm4b:s12+s3] =	stream.linear.scatter [tilespmem:s10], [sflag:$0x5], $0x80, $0x38;
	[tilespmem:$0x19E00] =	vst v63  }
0x30d: {  	s24 =	sadd.s32 $0x60, s9;
	s8 =	simm.s32 $0x2200;
	s7 =	sadd.s32 $0x1000, s9  }
0x30e: {  	[hbm4b:s18+s3] =	stream.linear.scatter [tilespmem:s14], [sflag:$0x5], $0x80, $0x38;
	[tilespmem:$0x19E00] =	vst v63  }
0x30f: {  	s10 =	simm.s32 $0xE7B8;
	s12 =	sadd.s32 $0x70, s9;
	s18 =	simm.s32 $0x6  }
0x310: {  	[hbm4b:s24+s3] =	stream.linear.scatter [tilespmem:s22], [sflag:$0x5], $0x80, $0x38;
	[tilespmem:$0x19E00] =	vst v63  }
.LBB2_22:
0x311: {  	[hbm4b:s12+s3] =	stream.linear.scatter [tilespmem:s10], [sflag:$0x5], $0x80, $0x38;
	[tilespmem:$0x19E00] =	vst v63  }
0x312: {  	s10 =	smov.u32 s5;
	s5 =	smov.u32 s8  }
0x313: {  	s14 =	sadd.s32 $0x1100, s8;
	s5 =	sshra.s32 s5, $0x2;
	s12 =	sadd.s32 $0xE400, s10  }
0x314: {  	[hbm4b:s7+s3] =	stream.linear.scatter [tilespmem:s12], [sflag:$0x5], $0x80, $0x38;
	[tilespmem:$0x19E00] =	vst v63  }
0x315: {  	p0 =	sne.s32 s8, $0x7700;
	s8 =	sadd.s32 $0xE488, s10;
	s12 =	sadd.s32 $0x10, s7  }
0x316: {  	[hbm4b:s12+s3] =	stream.linear.scatter [tilespmem:s8], [sflag:$0x5], $0x80, $0x38;
	[tilespmem:$0x19E00] =	vst v63  }
0x317: {  	s8 =	sadd.s32 $0xE510, s10;
	s12 =	sadd.s32 $0x20, s7  }
0x318: {  	[hbm4b:s12+s3] =	stream.linear.scatter [tilespmem:s8], [sflag:$0x5], $0x80, $0x38;
	[tilespmem:$0x19E00] =	vst v63  }
0x319: {  	s8 =	sadd.s32 $0xE598, s10;
	s12 =	sadd.s32 $0x30, s7  }
0x31a: {  	[hbm4b:s12+s3] =	stream.linear.scatter [tilespmem:s8], [sflag:$0x5], $0x80, $0x38;
	[tilespmem:$0x19E00] =	vst v63  }
0x31b: {  	s8 =	sadd.s32 $0xE620, s10;
	s12 =	sadd.s32 $0x40, s7  }
0x31c: {  	[hbm4b:s12+s3] =	stream.linear.scatter [tilespmem:s8], [sflag:$0x5], $0x80, $0x38;
	[tilespmem:$0x19E00] =	vst v63  }
.Ltmp10:
0x31d: {  	s8 =	sadd.s32 $0xE6A8, s10;
	s12 =	sadd.s32 $0x50, s7;
	(pc) =	sbr.rel @p0 .LBB2_22-.Ltmp10, $4  }
0x31e: {  	[hbm4b:s12+s3] =	stream.linear.scatter [tilespmem:s8], [sflag:$0x5], $0x80, $0x38;
	[tilespmem:$0x19E00] =	vst v63  }
0x31f: {  	s8 =	sadd.s32 $0xE730, s10;
	s12 =	sadd.s32 $0x60, s7;
	s10 =	sadd.s32 $0xE7B8, s10  }
0x320: {  	[hbm4b:s12+s3] =	stream.linear.scatter [tilespmem:s8], [sflag:$0x5], $0x80, $0x38;
	[tilespmem:$0x19E00] =	vst v63  }
0x321: {  	s12 =	sadd.s32 $0x70, s7;
	s7 =	sadd.s32 $0x1000, s7;
	s8 =	smov.u32 s14  }
0x322: {  	[hbm4b:s12+s3] =	stream.linear.scatter [tilespmem:s10], [sflag:$0x5], $0x80, $0x38;
	[tilespmem:$0x19E00] =	vst v63  }
0x323: {  	s8 =	sadd.s32 $0xE400, s5  }
0x324: {  	[hbm4b:s7+s3] =	stream.linear.scatter [tilespmem:s8], [sflag:$0x5], $0x80, $0x38;
	[tilespmem:$0x19E00] =	vst v63  }
0x325: {  	s12 =	sadd.s32 $0xE488, s5;
	s14 =	sadd.s32 $0x10, s7  }
0x326: {  	[hbm4b:s14+s3] =	stream.linear.scatter [tilespmem:s12], [sflag:$0x5], $0x80, $0x38;
	[tilespmem:$0x19E00] =	vst v63  }
0x327: {  	s22 =	sadd.s32 $0xE510, s5;
	s24 =	sadd.s32 $0x20, s7  }
0x328: {  	[hbm4b:s24+s3] =	stream.linear.scatter [tilespmem:s22], [sflag:$0x5], $0x80, $0x38;
	[tilespmem:$0x19E00] =	vst v63  }
0x329: {  	s12 =	sadd.s32 $0xE598, s5;
	s14 =	sadd.s32 $0x30, s7  }
0x32a: {  	[hbm4b:s14+s3] =	stream.linear.scatter [tilespmem:s12], [sflag:$0x5], $0x80, $0x38;
	[tilespmem:$0x19E00] =	vst v63  }
0x32b: {  	s22 =	sadd.s32 $0xE620, s5;
	s24 =	sadd.s32 $0x40, s7  }
0x32c: {  	[hbm4b:s24+s3] =	stream.linear.scatter [tilespmem:s22], [sflag:$0x5], $0x80, $0x38;
	[tilespmem:$0x19E00] =	vst v63  }
0x32d: {  	s10 =	sadd.s32 $0xE6A8, s5;
	s12 =	sadd.s32 $0x50, s7  }
0x32e: {  	[hbm4b:s12+s3] =	stream.linear.scatter [tilespmem:s10], [sflag:$0x5], $0x80, $0x38;
	[tilespmem:$0x19E00] =	vst v63  }
0x32f: {  	s14 =	sadd.s32 $0xE730, s5;
	s22 =	sadd.s32 $0x60, s7  }
0x330: {  	[hbm4b:s22+s3] =	stream.linear.scatter [tilespmem:s14], [sflag:$0x5], $0x80, $0x38;
	[tilespmem:$0x19E00] =	vst v63  }
0x331: {  	s8 =	sadd.s32 $0x70, s7;
	s24 =	sadd.s32 $0xE7B8, s5  }
0x332: {  	[hbm4b:s8+s3] =	stream.linear.scatter [tilespmem:s24], [sflag:$0x5], $0x80, $0x38;
	[tilespmem:$0x19E00] =	vst v63  }
0x333: {  	_ =	swait.ge [sflag:s29], $0x2000  }
0x334: {  	[sflag:s29] =	ssyncset.done $0x0  }
0x335: {  	[sflag:s29] =	ssyncadd.s32 $0xFFFFE000  }
0x336: {  	_ =	swait.ge [sflag:s18], $0x2000  }
0x337: {  	[sflag:s18] =	ssyncset.done $0x0  }
0x338: {  	s7 =	simm.s32 $0x84F0;
	[sflag:s18] =	ssyncadd.s32 $0xFFFFE000  }
0x339: {  	v4 =	vld [tilespmem:s7+$0xFFFFFFD0]  }
0x33a: {  	s10 =	simm.s32 $0x3;
	s12 =	rddreg [dreg:$0x6]  }
0x33b: {  	v5 =	vmov s10;
	v10 =	vld [tilespmem:s12+$0x16C00]  }
0x33c: {  	v15 =	vand.u32 $0x7F, v5  }
0x33d: {  	v9 =	vadd.s32 v0, v15;
	v8 =	vld [tilespmem:s7+$0xFFFFFF10]  }
0x33e: {  	s14 =	simm.s32 $0x0;
	v11 =	vld [tilespmem:s7+$0xFFFFFF50];
	v4 =	vmul.f32 $8.000000000e+00, v4  }
0x33f: {  	s22 =	simm.s32 $0x1;
	v6 =	vmov s14;
	v12 =	vld [tilespmem:s7+$0xFFFFFF90]  }
0x340: {  	v14 =	vand.u32 $0x7C, v6;
	v6 =	vmov s22;
	s24 =	simm.s32 $0x2;
	v7 =	vld [tilespmem:s12+$0x16C10];
	v13 =	vadd.f32 v4, v10  }
0x341: {  	v16 =	vadd.s32 v0, v14;
	v17 =	vmov s24;
	v30 =	vand.u32 $0x7D, v6;
	v5 =	vld [tilespmem:s12+$0x16C20]  }
0x342: {  	v6 =	vand.u32 $0x7E, v17;
	v17 =	vadd.s32 v0, v30;
	v8 =	vmul.f32 $8.000000000e+00, v8;
	v4 =	vld [tilespmem:s12+$0x16C30];
	[tilespmem:v9+s30+$0x0] =	vst.idx.msk $0xffff, v13  }
0x343: {  	v9 =	vmul.f32 $8.000000000e+00, v11;
	v11 =	vadd.s32 v0, v6;
	v13 =	vld [tilespmem:s7+$0xFFFFFFE0]  }
0x344: {  	v12 =	vmul.f32 $8.000000000e+00, v12;
	v8 =	vadd.f32 v8, v10  }
0x345: {  	v9 =	vadd.f32 v9, v10  }
0x346: {  	[tilespmem:v16+s30+$0x0] =	vst.idx.msk $0xffff, v8;
	v8 =	vadd.f32 v12, v10  }
0x347: {  	v12 =	vld [tilespmem:s7+$0xFFFFFF20];
	[tilespmem:v17+s30+$0x0] =	vst.idx.msk $0xffff, v9;
	v9 =	vadd.s32 v1, v15  }
0x348: {  	v16 =	vld [tilespmem:s7+$0xFFFFFF60];
	[tilespmem:v11+s30+$0x0] =	vst.idx.msk $0xffff, v8;
	v8 =	vmul.f32 $8.000000000e+00, v13  }
0x349: {  	s5 =	simm.s32 $0x85F0;
	v11 =	vld [tilespmem:s7+$0xFFFFFFA0]  }
0x34a: {  	v19 =	vld [tilespmem:s5+$0xFFFFFFD0];
	v8 =	vadd.f32 v8, v7  }
0x34b: {  	s10 =	simm.s32 $0x4;
	v26 =	vadd.s32 v2, v15;
	v13 =	vadd.s32 v1, v14  }
0x34c: {  	v18 =	vadd.s32 v1, v30;
	v17 =	vmov s10;
	v12 =	vmul.f32 $8.000000000e+00, v12;
	[tilespmem:v9+s30+$0x0] =	vst.idx.msk $0xffff, v8  }
0x34d: {  	s12 =	simm.s32 $0x7;
	v8 =	vand.u32 $0x7C, v17;
	v9 =	vmul.f32 $8.000000000e+00, v16;
	v16 =	vadd.s32 v1, v6;
	v17 =	vld [tilespmem:s7+$0xFFFFFFF0]  }
0x34e: {  	v20 =	vld [tilespmem:s5+$0xFFFFFF10];
	v21 =	vmov s12;
	v12 =	vadd.f32 v12, v7;
	v11 =	vmul.f32 $8.000000000e+00, v11  }
0x34f: {  	v24 =	vld [tilespmem:s5+$0xFFFFFF50];
	v19 =	vmul.f32 $8.000000000e+00, v19;
	v23 =	vadd.f32 v9, v7;
	v9 =	vand.u32 $0x7F, v21  }
0x350: {  	s14 =	simm.s32 $0x5;
	[tilespmem:v13+s30+$0x0] =	vst.idx.msk $0xffff, v12;
	v12 =	vld [tilespmem:s5+$0xFFFFFF90];
	v11 =	vadd.f32 v11, v7;
	v25 =	vadd.s32 v0, v9  }
0x351: {  	s22 =	simm.s32 $0x6;
	v19 =	vadd.f32 v19, v10;
	v22 =	vadd.s32 v0, v8;
	v21 =	vmov s14;
	[tilespmem:v18+s30+$0x0] =	vst.idx.msk $0xffff, v23;
	v23 =	vld [tilespmem:s7+$0xFFFFFF30]  }
0x352: {  	v13 =	vand.u32 $0x7D, v21;
	v18 =	vmov s22;
	[tilespmem:v16+s30+$0x0] =	vst.idx.msk $0xffff, v11;
	v16 =	vld [tilespmem:s7+$0xFFFFFF70];
	v17 =	vmul.f32 $8.000000000e+00, v17  }
0x353: {  	v11 =	vand.u32 $0x7E, v18;
	v18 =	vmul.f32 $8.000000000e+00, v20;
	v20 =	vadd.s32 v0, v13;
	v21 =	vld [tilespmem:s7+$0xFFFFFFB0]  }
0x354: {  	v24 =	vmul.f32 $8.000000000e+00, v24;
	v27 =	vadd.s32 v0, v11;
	v17 =	vadd.f32 v17, v5  }
0x355: {  	v12 =	vmul.f32 $8.000000000e+00, v12;
	v18 =	vadd.f32 v18, v10;
	[tilespmem:v25+s30+$0x0] =	vst.idx.msk $0xffff, v19;
	v19 =	vadd.s32 v2, v14  }
0x356: {  	v24 =	vadd.f32 v24, v10;
	v25 =	vld [tilespmem:s5+$0xFFFFFFE0];
	v23 =	vmul.f32 $8.000000000e+00, v23;
	[tilespmem:v26+s30+$0x0] =	vst.idx.msk $0xffff, v17;
	v17 =	vadd.s32 v2, v30  }
0x357: {  	[tilespmem:v22+s30+$0x0] =	vst.idx.msk $0xffff, v18;
	v18 =	vadd.f32 v12, v10;
	v16 =	vmul.f32 $8.000000000e+00, v16;
	v26 =	vadd.s32 v2, v6;
	v22 =	vld [tilespmem:s7+$0x0]  }
0x358: {  	s8 =	simm.s32 $0x8;
	v28 =	vld [tilespmem:s5+$0xFFFFFF20];
	[tilespmem:v20+s30+$0x0] =	vst.idx.msk $0xffff, v24;
	v21 =	vmul.f32 $8.000000000e+00, v21;
	v23 =	vadd.f32 v23, v5  }
0x359: {  	v31 =	vadd.s32 v1, v9;
	v12 =	vmov s8;
	v24 =	vld [tilespmem:s5+$0xFFFFFF60];
	[tilespmem:v27+s30+$0x0] =	vst.idx.msk $0xffff, v18;
	v16 =	vadd.f32 v16, v5  }
0x35a: {  	s24 =	simm.s32 $0x9;
	v14 =	vadd.s32 v3, v14;
	v12 =	vand.u32 $0x7C, v12;
	v27 =	vld [tilespmem:s5+$0xFFFFFFA0];
	v29 =	vadd.f32 v21, v5;
	[tilespmem:v19+s30+$0x0] =	vst.idx.msk $0xffff, v23  }
0x35b: {  	v20 =	vmov s24;
	v19 =	vadd.s32 v3, v15;
	v32 =	vmul.f32 $8.000000000e+00, v25;
	v21 =	vld [tilespmem:s7+$0xFFFFFF40];
	[tilespmem:v17+s30+$0x0] =	vst.idx.msk $0xffff, v16  }
0x35c: {  	v18 =	vadd.s32 v0, v12;
	v25 =	vadd.s32 v1, v8;
	[tilespmem:v26+s30+$0x0] =	vst.idx.msk $0xffff, v29;
	v15 =	vmul.f32 $8.000000000e+00, v22;
	v17 =	vld [tilespmem:s7+$0xFFFFFF80]  }
0x35d: {  	v23 =	vadd.s32 v1, v13;
	v28 =	vmul.f32 $8.000000000e+00, v28;
	v32 =	vadd.f32 v32, v7;
	v16 =	vld [tilespmem:s7+$0xFFFFFFC0]  }
0x35e: {  	v26 =	vmul.f32 $8.000000000e+00, v24;
	v22 =	vadd.s32 v1, v11;
	s7 =	simm.s32 $0x86F0;
	v24 =	vadd.f32 v15, v4  }
0x35f: {  	s10 =	simm.s32 $0xC;
	s22 =	simm.s32 $0x7;
	v29 =	vld [tilespmem:s7+$0xFFFFFFD0];
	v28 =	vadd.f32 v28, v7;
	v27 =	vmul.f32 $8.000000000e+00, v27;
	[tilespmem:v31+s30+$0x0] =	vst.idx.msk $0xffff, v32;
	v15 =	vadd.s32 v3, v30  }
.LBB2_24:
0x360: {  	p0 =	slt.u32 s10, $0x7C;
	s12 =	sadd.s32 $0x3, s8;
	v26 =	vadd.f32 v26, v7;
	v30 =	vld [tilespmem:s5+$0xFFFFFFF0];
	v21 =	vmul.f32 $8.000000000e+00, v21;
	v31 =	vadd.s32 v3, v6;
	[tilespmem:v19+s30+$0x0] =	vst.idx.msk $0xffff, v24  }
0x361: {  	v32 =	vmovc v13;
	v6 =	vmovc v11;
	v19 =	vld [tilespmem:s7+$0xFFFFFF10];
	v24 =	vmov s12;
	[tilespmem:v25+s30+$0x0] =	vst.idx.msk $0xffff, v28;
	v25 =	vadd.f32 v27, v7;
	v17 =	vmul.f32 $8.000000000e+00, v17  }
0x362: {  	s12 =	sadd.s32 $0x2, s8;
	s8 =	smov.u32 s10;
	v27 =	vld [tilespmem:s7+$0xFFFFFF50];
	v24 =	vand.u32 $0x7F, v24;
	[tilespmem:v23+s30+$0x0] =	vst.idx.msk $0xffff, v26;
	v11 =	vadd.f32 v21, v4;
	v13 =	vmul.f32 $8.000000000e+00, v16  }
0x363: {  	v16 =	vmov s12;
	v21 =	vld [tilespmem:s7+$0xFFFFFF90];
	v23 =	vadd.s32 v0, v24;
	[tilespmem:v22+s30+$0x0] =	vst.idx.msk $0xffff, v25;
	v17 =	vadd.f32 v17, v4  }
0x364: {  	v26 =	vadd.s32 v2, v9;
	v22 =	vmul.f32 $8.000000000e+00, v29;
	v25 =	vld [tilespmem:s5+$0xFFFFFF30];
	[tilespmem:v14+s30+$0x0] =	vst.idx.msk $0xffff, v11;
	v14 =	vadd.f32 v13, v4  }
0x365: {  	v13 =	vand.u32 $0x7D, v20;
	v11 =	vand.u32 $0x7E, v16;
	v16 =	vld [tilespmem:s5+$0xFFFFFF70];
	v20 =	vmul.f32 $8.000000000e+00, v30;
	[tilespmem:v15+s30+$0x0] =	vst.idx.msk $0xffff, v17  }
0x366: {  	v17 =	vadd.s32 v0, v13;
	v15 =	vmul.f32 $8.000000000e+00, v19;
	v19 =	vadd.f32 v22, v10;
	v22 =	vld [tilespmem:s5+$0xFFFFFFB0];
	[tilespmem:v31+s30+$0x0] =	vst.idx.msk $0xffff, v14  }
0x367: {  	v14 =	vmul.f32 $8.000000000e+00, v27;
	v27 =	vadd.s32 v0, v11;
	v20 =	vadd.f32 v20, v5  }
0x368: {  	v15 =	vadd.f32 v15, v10;
	v21 =	vmul.f32 $8.000000000e+00, v21;
	[tilespmem:v23+s30+$0x0] =	vst.idx.msk $0xffff, v19;
	v19 =	vadd.s32 v2, v8  }
0x369: {  	v28 =	vadd.s32 v2, v32;
	v14 =	vadd.f32 v14, v10;
	v23 =	vld [tilespmem:s7+$0xFFFFFFE0];
	v25 =	vmul.f32 $8.000000000e+00, v25;
	[tilespmem:v26+s30+$0x0] =	vst.idx.msk $0xffff, v20  }
0x36a: {  	v26 =	vadd.s32 v2, v6;
	[tilespmem:v18+s30+$0x0] =	vst.idx.msk $0xffff, v15;
	v15 =	vadd.f32 v21, v10;
	v16 =	vmul.f32 $8.000000000e+00, v16;
	v29 =	vld [tilespmem:s5+$0x0]  }
0x36b: {  	v18 =	vmov s10;
	v30 =	vld [tilespmem:s7+$0xFFFFFF20];
	[tilespmem:v17+s30+$0x0] =	vst.idx.msk $0xffff, v14;
	v14 =	vadd.f32 v25, v5;
	v17 =	vmul.f32 $8.000000000e+00, v22  }
0x36c: {  	s12 =	sadd.s32 $0x1, s10;
	v31 =	vand.u32 $0x7C, v18;
	v22 =	vld [tilespmem:s7+$0xFFFFFF60];
	[tilespmem:v27+s30+$0x0] =	vst.idx.msk $0xffff, v15;
	v15 =	vadd.f32 v16, v5  }
0x36d: {  	v33 =	vadd.s32 v1, v24;
	v20 =	vmov s12;
	v27 =	vld [tilespmem:s7+$0xFFFFFFA0];
	[tilespmem:v19+s30+$0x0] =	vst.idx.msk $0xffff, v14;
	v16 =	vadd.f32 v17, v5  }
.Ltmp11:
0x36e: {  	v14 =	vadd.s32 v3, v8;
	v19 =	vadd.s32 v3, v9;
	v34 =	vmul.f32 $8.000000000e+00, v23;
	v21 =	vld [tilespmem:s5+$0xFFFFFF40];
	[tilespmem:v28+s30+$0x0] =	vst.idx.msk $0xffff, v15;
	(pc) =	sbr.rel @p0 .LBB2_24-.Ltmp11, $4  }
0x36f: {  	v25 =	vadd.s32 v1, v12;
	v18 =	vadd.s32 v0, v31;
	v17 =	vld [tilespmem:s5+$0xFFFFFF80];
	[tilespmem:v26+s30+$0x0] =	vst.idx.msk $0xffff, v16;
	v15 =	vmul.f32 $8.000000000e+00, v29  }
0x370: {  	v9 =	vmovc v24;
	v8 =	vmovc v12;
	v23 =	vadd.s32 v1, v13;
	v28 =	vmul.f32 $8.000000000e+00, v30;
	v30 =	vadd.f32 v34, v7;
	v16 =	vld [tilespmem:s5+$0xFFFFFFC0];
	s5 =	smov.u32 s7  }
0x371: {  	v12 =	vmovc v31;
	s7 =	sadd.s32 $0x100, s7;
	v26 =	vmul.f32 $8.000000000e+00, v22;
	v22 =	vadd.s32 v1, v11;
	v24 =	vadd.f32 v15, v4  }
0x372: {  	s10 =	sadd.s32 $0x4, s10;
	v15 =	vadd.s32 v3, v32;
	v29 =	vld [tilespmem:s7+$0xFFFFFFD0];
	v28 =	vadd.f32 v28, v7;
	v27 =	vmul.f32 $8.000000000e+00, v27;
	[tilespmem:v33+s30+$0x0] =	vst.idx.msk $0xffff, v30  }
0x373: {  	s10 =	sadd.s32 $0x3, s8;
	v30 =	vld [tilespmem:s7+$0xFFFFFF10]  }
0x374: {  	v32 =	vld [tilespmem:s7+$0xFFFFFF50];
	v31 =	vmov s10  }
0x375: {  	v33 =	vld [tilespmem:s7+$0xFFFFFF90];
	v31 =	vand.u32 $0x7F, v31  }
0x376: {  	s14 =	sadd.s32 $0x2, s8;
	v34 =	vadd.s32 v0, v31  }
0x377: {  	v20 =	vand.u32 $0x7D, v20;
	v35 =	vmov s14;
	v29 =	vmul.f32 $8.000000000e+00, v29  }
0x378: {  	v36 =	vadd.s32 v0, v20;
	v35 =	vand.u32 $0x7E, v35;
	v30 =	vmul.f32 $8.000000000e+00, v30  }
0x379: {  	v37 =	vadd.s32 v0, v35;
	v32 =	vmul.f32 $8.000000000e+00, v32;
	v29 =	vadd.f32 v29, v10  }
0x37a: {  	v33 =	vmul.f32 $8.000000000e+00, v33;
	v30 =	vadd.f32 v30, v10  }
0x37b: {  	v58 =	vadd.f32 v32, v10;
	[tilespmem:v34+s30+$0x0] =	vst.idx.msk $0xffff, v29  }
0x37c: {  	v60 =	vadd.f32 v33, v10;
	[tilespmem:v18+s30+$0x0] =	vst.idx.msk $0xffff, v30;
	v59 =	vld [tilespmem:s7+$0xFFFFFFE0]  }
0x37d: {  	[tilespmem:v36+s30+$0x0] =	vst.idx.msk $0xffff, v58;
	v30 =	vld [tilespmem:s7+$0xFFFFFF20]  }
0x37e: {  	[tilespmem:v37+s30+$0x0] =	vst.idx.msk $0xffff, v60;
	v29 =	vld [tilespmem:s7+$0xFFFFFF60]  }
0x37f: {  	v10 =	vld [tilespmem:s7+$0xFFFFFFA0]  }
0x380: {  	v61 =	vadd.s32 v1, v31  }
0x381: {  	v26 =	vadd.f32 v26, v7;
	v62 =	vadd.s32 v1, v12;
	v18 =	vmul.f32 $8.000000000e+00, v59  }
0x382: {  	v63 =	vld [tilespmem:s5+$0xFFFFFFF0];
	[tilespmem:v25+s30+$0x0] =	vst.idx.msk $0xffff, v28;
	v27 =	vadd.f32 v27, v7;
	v36 =	vadd.s32 v1, v20;
	v34 =	vmul.f32 $8.000000000e+00, v30  }
0x383: {  	[tilespmem:v23+s30+$0x0] =	vst.idx.msk $0xffff, v26;
	v39 =	vadd.s32 v1, v35;
	v37 =	vld [tilespmem:s5+$0xFFFFFF30];
	v38 =	vmul.f32 $8.000000000e+00, v29;
	v18 =	vadd.f32 v18, v7  }
0x384: {  	[tilespmem:v22+s30+$0x0] =	vst.idx.msk $0xffff, v27;
	v40 =	vld [tilespmem:s5+$0xFFFFFF70];
	v10 =	vmul.f32 $8.000000000e+00, v10;
	v41 =	vadd.f32 v34, v7  }
0x385: {  	v42 =	vld [tilespmem:s5+$0xFFFFFFB0];
	v26 =	vadd.f32 v38, v7;
	[tilespmem:v61+s30+$0x0] =	vst.idx.msk $0xffff, v18  }
0x386: {  	v21 =	vmul.f32 $8.000000000e+00, v21;
	v43 =	vadd.s32 v2, v9;
	v44 =	vadd.f32 v10, v7;
	[tilespmem:v62+s30+$0x0] =	vst.idx.msk $0xffff, v41;
	v45 =	vld [tilespmem:s7+$0xFFFFFFF0]  }
0x387: {  	v46 =	vadd.s32 v2, v8;
	v25 =	vmul.f32 $8.000000000e+00, v63;
	[tilespmem:v36+s30+$0x0] =	vst.idx.msk $0xffff, v26;
	v47 =	vld [tilespmem:s7+$0xFFFFFF30]  }
0x388: {  	v48 =	vadd.s32 v2, v13;
	v21 =	vadd.f32 v21, v4;
	v23 =	vmul.f32 $8.000000000e+00, v37;
	[tilespmem:v39+s30+$0x0] =	vst.idx.msk $0xffff, v44;
	v49 =	vld [tilespmem:s7+$0xFFFFFF70]  }
0x389: {  	[tilespmem:v19+s30+$0x0] =	vst.idx.msk $0xffff, v24;
	v51 =	vadd.s32 v2, v11;
	v50 =	vadd.f32 v25, v5;
	v22 =	vmul.f32 $8.000000000e+00, v40;
	v52 =	vld [tilespmem:s7+$0xFFFFFFB0]  }
0x38a: {  	v54 =	vadd.s32 v2, v31;
	[tilespmem:v14+s30+$0x0] =	vst.idx.msk $0xffff, v21;
	v53 =	vadd.f32 v23, v5;
	v18 =	vmul.f32 $8.000000000e+00, v42  }
0x38b: {  	v56 =	vadd.s32 v2, v12;
	[tilespmem:v43+s30+$0x0] =	vst.idx.msk $0xffff, v50;
	v55 =	vadd.f32 v22, v5;
	v10 =	vmul.f32 $8.000000000e+00, v45  }
0x38c: {  	v60 =	vadd.s32 v2, v20;
	v57 =	vld [tilespmem:s5+$0x0];
	[tilespmem:v46+s30+$0x0] =	vst.idx.msk $0xffff, v53;
	v58 =	vadd.f32 v18, v5;
	v59 =	vmul.f32 $8.000000000e+00, v47  }
0x38d: {  	v32 =	vadd.s32 v2, v35;
	[tilespmem:v48+s30+$0x0] =	vst.idx.msk $0xffff, v55;
	v61 =	vld [tilespmem:s5+$0xFFFFFF40];
	v63 =	vmul.f32 $8.000000000e+00, v49;
	v62 =	vadd.f32 v10, v5  }
0x38e: {  	v33 =	vld [tilespmem:s5+$0xFFFFFF80];
	[tilespmem:v51+s30+$0x0] =	vst.idx.msk $0xffff, v58;
	v36 =	vmul.f32 $8.000000000e+00, v52;
	v34 =	vadd.f32 v59, v5  }
0x38f: {  	v6 =	vadd.s32 v3, v6;
	v17 =	vmul.f32 $8.000000000e+00, v17;
	v24 =	vld [tilespmem:s5+$0xFFFFFFC0];
	v37 =	vadd.f32 v63, v5;
	[tilespmem:v54+s30+$0x0] =	vst.idx.msk $0xffff, v62  }
0x390: {  	v38 =	vmul.f32 $8.000000000e+00, v16;
	v39 =	vadd.s32 v3, v9;
	v5 =	vadd.f32 v36, v5;
	v40 =	vld [tilespmem:s7+$0x0];
	[tilespmem:v56+s30+$0x0] =	vst.idx.msk $0xffff, v34  }
0x391: {  	v43 =	vmul.f32 $8.000000000e+00, v57;
	v42 =	vadd.s32 v3, v8;
	v41 =	vadd.f32 v17, v4;
	[tilespmem:v60+s30+$0x0] =	vst.idx.msk $0xffff, v37;
	v44 =	vld [tilespmem:s7+$0xFFFFFF40]  }
0x392: {  	v46 =	vadd.s32 v3, v13;
	v45 =	vadd.f32 v38, v4;
	v47 =	vmul.f32 $8.000000000e+00, v61;
	[tilespmem:v32+s30+$0x0] =	vst.idx.msk $0xffff, v5;
	v48 =	vld [tilespmem:s7+$0xFFFFFF80]  }
0x393: {  	v50 =	vmul.f32 $8.000000000e+00, v33;
	[tilespmem:v15+s30+$0x0] =	vst.idx.msk $0xffff, v41;
	v49 =	vadd.s32 v3, v11;
	v5 =	vadd.f32 v43, v4;
	v51 =	vld [tilespmem:s7+$0xFFFFFFC0]  }
0x394: {  	[tilespmem:v6+s30+$0x0] =	vst.idx.msk $0xffff, v45;
	v52 =	vadd.f32 v47, v4;
	v53 =	vmul.f32 $8.000000000e+00, v24;
	v54 =	vadd.s32 v3, v31  }
0x395: {  	v55 =	vadd.s32 v3, v12;
	[tilespmem:v39+s30+$0x0] =	vst.idx.msk $0xffff, v5;
	v5 =	vadd.f32 v50, v4;
	v56 =	vmul.f32 $8.000000000e+00, v40  }
0x396: {  	v58 =	vadd.s32 v3, v20;
	[tilespmem:v42+s30+$0x0] =	vst.idx.msk $0xffff, v52;
	v57 =	vadd.f32 v53, v4;
	v59 =	vmul.f32 $8.000000000e+00, v44  }
0x397: {  	v60 =	vadd.s32 v3, v35;
	[tilespmem:v46+s30+$0x0] =	vst.idx.msk $0xffff, v5;
	v61 =	vmul.f32 $8.000000000e+00, v48;
	v5 =	vadd.f32 v56, v4  }
0x398: {  	[tilespmem:v49+s30+$0x0] =	vst.idx.msk $0xffff, v57;
	v63 =	vmul.f32 $8.000000000e+00, v51;
	v62 =	vadd.f32 v59, v4  }
0x399: {  	[tilespmem:v54+s30+$0x0] =	vst.idx.msk $0xffff, v5;
	v5 =	vadd.f32 v61, v4  }
0x39a: {  	v4 =	vadd.f32 v63, v4;
	[tilespmem:v55+s30+$0x0] =	vst.idx.msk $0xffff, v62  }
0x39b: {  	[tilespmem:v58+s30+$0x0] =	vst.idx.msk $0xffff, v5  }
0x39c: {  	s24 =	simm.s32 $0x10600;
	[tilespmem:v60+s30+$0x0] =	vst.idx.msk $0xffff, v4  }
0x39d: {  	[hbm4b:s11+s3] =	stream.linear.scatter [tilespmem:s24], [sflag:$0x6], $0x80, $0x38;
	[tilespmem:$0x19E00] =	vst v63  }
0x39e: {  	s8 =	sadd.s32 $0x10, s11;
	s7 =	simm.s32 $0x10688  }
0x39f: {  	[hbm4b:s8+s3] =	stream.linear.scatter [tilespmem:s7], [sflag:$0x6], $0x80, $0x38;
	[tilespmem:$0x19E00] =	vst v63  }
0x3a0: {  	s12 =	sadd.s32 $0x20, s11;
	s10 =	simm.s32 $0x10710  }
0x3a1: {  	[hbm4b:s12+s3] =	stream.linear.scatter [tilespmem:s10], [sflag:$0x6], $0x80, $0x38;
	[tilespmem:$0x19E00] =	vst v63  }
0x3a2: {  	s14 =	simm.s32 $0x10798;
	s24 =	sadd.s32 $0x30, s11  }
0x3a3: {  	[hbm4b:s24+s3] =	stream.linear.scatter [tilespmem:s14], [sflag:$0x6], $0x80, $0x38;
	[tilespmem:$0x19E00] =	vst v63  }
0x3a4: {  	s5 =	simm.s32 $0x440;
	s7 =	simm.s32 $0x10820;
	s8 =	sadd.s32 $0x40, s11  }
0x3a5: {  	[hbm4b:s8+s3] =	stream.linear.scatter [tilespmem:s7], [sflag:$0x6], $0x80, $0x38;
	[tilespmem:$0x19E00] =	vst v63  }
0x3a6: {  	s10 =	simm.s32 $0x108A8;
	s12 =	sadd.s32 $0x50, s11;
	s14 =	simm.s32 $0x10930  }
0x3a7: {  	[hbm4b:s12+s3] =	stream.linear.scatter [tilespmem:s10], [sflag:$0x6], $0x80, $0x38;
	[tilespmem:$0x19E00] =	vst v63  }
0x3a8: {  	s24 =	sadd.s32 $0x60, s11;
	s8 =	simm.s32 $0x2200;
	s7 =	sadd.s32 $0x1000, s11  }
0x3a9: {  	[hbm4b:s24+s3] =	stream.linear.scatter [tilespmem:s14], [sflag:$0x6], $0x80, $0x38;
	[tilespmem:$0x19E00] =	vst v63  }
0x3aa: {  	s10 =	simm.s32 $0x109B8;
	s12 =	sadd.s32 $0x70, s11;
	s24 =	simm.s32 $0x8  }
.LBB2_26:
0x3ab: {  	[hbm4b:s12+s3] =	stream.linear.scatter [tilespmem:s10], [sflag:$0x6], $0x80, $0x38;
	[tilespmem:$0x19E00] =	vst v63  }
0x3ac: {  	s10 =	smov.u32 s5;
	s5 =	smov.u32 s8  }
0x3ad: {  	s14 =	sadd.s32 $0x1100, s8;
	s5 =	sshra.s32 s5, $0x2;
	s12 =	sadd.s32 $0x10600, s10  }
0x3ae: {  	[hbm4b:s7+s3] =	stream.linear.scatter [tilespmem:s12], [sflag:$0x6], $0x80, $0x38;
	[tilespmem:$0x19E00] =	vst v63  }
0x3af: {  	p0 =	sne.s32 s8, $0x7700;
	s8 =	sadd.s32 $0x10688, s10;
	s12 =	sadd.s32 $0x10, s7  }
0x3b0: {  	[hbm4b:s12+s3] =	stream.linear.scatter [tilespmem:s8], [sflag:$0x6], $0x80, $0x38;
	[tilespmem:$0x19E00] =	vst v63  }
0x3b1: {  	s8 =	sadd.s32 $0x10710, s10;
	s12 =	sadd.s32 $0x20, s7  }
0x3b2: {  	[hbm4b:s12+s3] =	stream.linear.scatter [tilespmem:s8], [sflag:$0x6], $0x80, $0x38;
	[tilespmem:$0x19E00] =	vst v63  }
0x3b3: {  	s8 =	sadd.s32 $0x10798, s10;
	s12 =	sadd.s32 $0x30, s7  }
0x3b4: {  	[hbm4b:s12+s3] =	stream.linear.scatter [tilespmem:s8], [sflag:$0x6], $0x80, $0x38;
	[tilespmem:$0x19E00] =	vst v63  }
0x3b5: {  	s8 =	sadd.s32 $0x10820, s10;
	s12 =	sadd.s32 $0x40, s7  }
0x3b6: {  	[hbm4b:s12+s3] =	stream.linear.scatter [tilespmem:s8], [sflag:$0x6], $0x80, $0x38;
	[tilespmem:$0x19E00] =	vst v63  }
.Ltmp12:
0x3b7: {  	s8 =	sadd.s32 $0x108A8, s10;
	s12 =	sadd.s32 $0x50, s7;
	(pc) =	sbr.rel @p0 .LBB2_26-.Ltmp12, $4  }
0x3b8: {  	[hbm4b:s12+s3] =	stream.linear.scatter [tilespmem:s8], [sflag:$0x6], $0x80, $0x38;
	[tilespmem:$0x19E00] =	vst v63  }
0x3b9: {  	s8 =	sadd.s32 $0x10930, s10;
	s12 =	sadd.s32 $0x60, s7;
	s10 =	sadd.s32 $0x109B8, s10  }
0x3ba: {  	[hbm4b:s12+s3] =	stream.linear.scatter [tilespmem:s8], [sflag:$0x6], $0x80, $0x38;
	[tilespmem:$0x19E00] =	vst v63  }
0x3bb: {  	s12 =	sadd.s32 $0x70, s7;
	s7 =	sadd.s32 $0x1000, s7;
	s8 =	smov.u32 s14  }
0x3bc: {  	[hbm4b:s12+s3] =	stream.linear.scatter [tilespmem:s10], [sflag:$0x6], $0x80, $0x38;
	[tilespmem:$0x19E00] =	vst v63  }
0x3bd: {  	s8 =	sadd.s32 $0x10600, s5  }
0x3be: {  	[hbm4b:s7+s3] =	stream.linear.scatter [tilespmem:s8], [sflag:$0x6], $0x80, $0x38;
	[tilespmem:$0x19E00] =	vst v63  }
0x3bf: {  	s12 =	sadd.s32 $0x10688, s5;
	s14 =	sadd.s32 $0x10, s7  }
0x3c0: {  	[hbm4b:s14+s3] =	stream.linear.scatter [tilespmem:s12], [sflag:$0x6], $0x80, $0x38;
	[tilespmem:$0x19E00] =	vst v63  }
0x3c1: {  	s12 =	sadd.s32 $0x10710, s5;
	s14 =	sadd.s32 $0x20, s7  }
0x3c2: {  	[hbm4b:s14+s3] =	stream.linear.scatter [tilespmem:s12], [sflag:$0x6], $0x80, $0x38;
	[tilespmem:$0x19E00] =	vst v63  }
0x3c3: {  	s12 =	sadd.s32 $0x10798, s5;
	s14 =	sadd.s32 $0x30, s7  }
0x3c4: {  	[hbm4b:s14+s3] =	stream.linear.scatter [tilespmem:s12], [sflag:$0x6], $0x80, $0x38;
	[tilespmem:$0x19E00] =	vst v63  }
0x3c5: {  	s12 =	sadd.s32 $0x10820, s5;
	s14 =	sadd.s32 $0x40, s7  }
0x3c6: {  	[hbm4b:s14+s3] =	stream.linear.scatter [tilespmem:s12], [sflag:$0x6], $0x80, $0x38;
	[tilespmem:$0x19E00] =	vst v63  }
0x3c7: {  	s12 =	sadd.s32 $0x108A8, s5;
	s14 =	sadd.s32 $0x50, s7  }
0x3c8: {  	[hbm4b:s14+s3] =	stream.linear.scatter [tilespmem:s12], [sflag:$0x6], $0x80, $0x38;
	[tilespmem:$0x19E00] =	vst v63  }
0x3c9: {  	s10 =	sadd.s32 $0x10930, s5;
	s12 =	sadd.s32 $0x60, s7  }
0x3ca: {  	[hbm4b:s12+s3] =	stream.linear.scatter [tilespmem:s10], [sflag:$0x6], $0x80, $0x38;
	[tilespmem:$0x19E00] =	vst v63  }
0x3cb: {  	s8 =	sadd.s32 $0x70, s7;
	s14 =	sadd.s32 $0x109B8, s5  }
0x3cc: {  	[hbm4b:s8+s3] =	stream.linear.scatter [tilespmem:s14], [sflag:$0x6], $0x80, $0x38;
	[tilespmem:$0x19E00] =	vst v63  }
0x3cd: {  	_ =	swait.ge [sflag:s31], $0x2000  }
0x3ce: {  	[sflag:s31] =	ssyncset.done $0x0  }
0x3cf: {  	[sflag:s31] =	ssyncadd.s32 $0xFFFFE000  }
0x3d0: {  	_ =	swait.ge [sflag:s22], $0x2000  }
0x3d1: {  	[sflag:s22] =	ssyncset.done $0x0  }
0x3d2: {  	s7 =	simm.s32 $0xA400;
	[sflag:s22] =	ssyncadd.s32 $0xFFFFE000  }
0x3d3: {  	v4 =	vld [tilespmem:s7+$0xC0]  }
0x3d4: {  	s10 =	simm.s32 $0x3;
	s8 =	rddreg [dreg:$0x7]  }
0x3d5: {  	v5 =	vmov s10;
	v10 =	vld [tilespmem:s8+$0x16C00]  }
0x3d6: {  	v15 =	vand.u32 $0x7F, v5  }
0x3d7: {  	v9 =	vadd.s32 v0, v15;
	v8 =	vld [tilespmem:s7+$0x0]  }
0x3d8: {  	s12 =	simm.s32 $0x0;
	v11 =	vld [tilespmem:s7+$0x40];
	v4 =	vmul.f32 $8.000000000e+00, v4  }
0x3d9: {  	v6 =	vmov s12;
	s14 =	simm.s32 $0x1;
	v12 =	vld [tilespmem:s7+$0x80]  }
0x3da: {  	s10 =	simm.s32 $0x2;
	v14 =	vand.u32 $0x7C, v6;
	v6 =	vmov s14;
	v7 =	vld [tilespmem:s8+$0x16C10];
	v13 =	vadd.f32 v4, v10  }
0x3db: {  	v17 =	vmov s10;
	v16 =	vadd.s32 v0, v14;
	v30 =	vand.u32 $0x7D, v6;
	v5 =	vld [tilespmem:s8+$0x16C20]  }
0x3dc: {  	v6 =	vand.u32 $0x7E, v17;
	v17 =	vadd.s32 v0, v30;
	v8 =	vmul.f32 $8.000000000e+00, v8;
	v4 =	vld [tilespmem:s8+$0x16C30];
	[tilespmem:v9+s1+$0x0] =	vst.idx.msk $0xffff, v13  }
0x3dd: {  	v9 =	vmul.f32 $8.000000000e+00, v11;
	v11 =	vadd.s32 v0, v6;
	v13 =	vld [tilespmem:s7+$0xD0]  }
0x3de: {  	v12 =	vmul.f32 $8.000000000e+00, v12;
	v8 =	vadd.f32 v8, v10  }
0x3df: {  	v9 =	vadd.f32 v9, v10  }
0x3e0: {  	[tilespmem:v16+s1+$0x0] =	vst.idx.msk $0xffff, v8;
	v8 =	vadd.f32 v12, v10  }
0x3e1: {  	v12 =	vld [tilespmem:s7+$0x10];
	[tilespmem:v17+s1+$0x0] =	vst.idx.msk $0xffff, v9;
	v9 =	vadd.s32 v1, v15  }
0x3e2: {  	v16 =	vld [tilespmem:s7+$0x50];
	[tilespmem:v11+s1+$0x0] =	vst.idx.msk $0xffff, v8;
	v8 =	vmul.f32 $8.000000000e+00, v13  }
0x3e3: {  	s5 =	simm.s32 $0xA500;
	v11 =	vld [tilespmem:s7+$0x90]  }
0x3e4: {  	v19 =	vld [tilespmem:s5+$0xC0];
	v8 =	vadd.f32 v8, v7  }
0x3e5: {  	s12 =	simm.s32 $0x4;
	v26 =	vadd.s32 v2, v15;
	v13 =	vadd.s32 v1, v14  }
0x3e6: {  	v18 =	vadd.s32 v1, v30;
	v17 =	vmov s12;
	v12 =	vmul.f32 $8.000000000e+00, v12;
	[tilespmem:v9+s1+$0x0] =	vst.idx.msk $0xffff, v8  }
0x3e7: {  	s14 =	simm.s32 $0x7;
	v8 =	vand.u32 $0x7C, v17;
	v9 =	vmul.f32 $8.000000000e+00, v16;
	v16 =	vadd.s32 v1, v6;
	v17 =	vld [tilespmem:s7+$0xE0]  }
0x3e8: {  	v21 =	vmov s14;
	v20 =	vld [tilespmem:s5+$0x0];
	v12 =	vadd.f32 v12, v7;
	v11 =	vmul.f32 $8.000000000e+00, v11  }
0x3e9: {  	v24 =	vld [tilespmem:s5+$0x40];
	v19 =	vmul.f32 $8.000000000e+00, v19;
	v23 =	vadd.f32 v9, v7;
	v9 =	vand.u32 $0x7F, v21  }
0x3ea: {  	s10 =	simm.s32 $0x5;
	[tilespmem:v13+s1+$0x0] =	vst.idx.msk $0xffff, v12;
	v12 =	vld [tilespmem:s5+$0x80];
	v11 =	vadd.f32 v11, v7;
	v25 =	vadd.s32 v0, v9  }
0x3eb: {  	v19 =	vadd.f32 v19, v10;
	s12 =	simm.s32 $0x6;
	v22 =	vadd.s32 v0, v8;
	v21 =	vmov s10;
	[tilespmem:v18+s1+$0x0] =	vst.idx.msk $0xffff, v23;
	v23 =	vld [tilespmem:s7+$0x20]  }
0x3ec: {  	v13 =	vand.u32 $0x7D, v21;
	v18 =	vmov s12;
	[tilespmem:v16+s1+$0x0] =	vst.idx.msk $0xffff, v11;
	v16 =	vld [tilespmem:s7+$0x60];
	v17 =	vmul.f32 $8.000000000e+00, v17  }
0x3ed: {  	v11 =	vand.u32 $0x7E, v18;
	v18 =	vmul.f32 $8.000000000e+00, v20;
	v20 =	vadd.s32 v0, v13;
	v21 =	vld [tilespmem:s7+$0xA0]  }
0x3ee: {  	v24 =	vmul.f32 $8.000000000e+00, v24;
	v27 =	vadd.s32 v0, v11;
	v17 =	vadd.f32 v17, v5  }
0x3ef: {  	v12 =	vmul.f32 $8.000000000e+00, v12;
	v18 =	vadd.f32 v18, v10;
	[tilespmem:v25+s1+$0x0] =	vst.idx.msk $0xffff, v19;
	v19 =	vadd.s32 v2, v14  }
0x3f0: {  	v24 =	vadd.f32 v24, v10;
	v25 =	vld [tilespmem:s5+$0xD0];
	v23 =	vmul.f32 $8.000000000e+00, v23;
	[tilespmem:v26+s1+$0x0] =	vst.idx.msk $0xffff, v17;
	v17 =	vadd.s32 v2, v30  }
0x3f1: {  	[tilespmem:v22+s1+$0x0] =	vst.idx.msk $0xffff, v18;
	v18 =	vadd.f32 v12, v10;
	v16 =	vmul.f32 $8.000000000e+00, v16;
	v26 =	vadd.s32 v2, v6;
	v22 =	vld [tilespmem:s7+$0xF0]  }
0x3f2: {  	s8 =	simm.s32 $0x8;
	v28 =	vld [tilespmem:s5+$0x10];
	[tilespmem:v20+s1+$0x0] =	vst.idx.msk $0xffff, v24;
	v21 =	vmul.f32 $8.000000000e+00, v21;
	v23 =	vadd.f32 v23, v5  }
0x3f3: {  	v31 =	vadd.s32 v1, v9;
	v12 =	vmov s8;
	v24 =	vld [tilespmem:s5+$0x50];
	[tilespmem:v27+s1+$0x0] =	vst.idx.msk $0xffff, v18;
	v16 =	vadd.f32 v16, v5  }
0x3f4: {  	s14 =	simm.s32 $0x9;
	v14 =	vadd.s32 v3, v14;
	v12 =	vand.u32 $0x7C, v12;
	v27 =	vld [tilespmem:s5+$0x90];
	v29 =	vadd.f32 v21, v5;
	[tilespmem:v19+s1+$0x0] =	vst.idx.msk $0xffff, v23  }
0x3f5: {  	v20 =	vmov s14;
	v19 =	vadd.s32 v3, v15;
	v32 =	vmul.f32 $8.000000000e+00, v25;
	v21 =	vld [tilespmem:s7+$0x30];
	[tilespmem:v17+s1+$0x0] =	vst.idx.msk $0xffff, v16  }
0x3f6: {  	v18 =	vadd.s32 v0, v12;
	v25 =	vadd.s32 v1, v8;
	[tilespmem:v26+s1+$0x0] =	vst.idx.msk $0xffff, v29;
	v15 =	vmul.f32 $8.000000000e+00, v22;
	v17 =	vld [tilespmem:s7+$0x70]  }
0x3f7: {  	v23 =	vadd.s32 v1, v13;
	v28 =	vmul.f32 $8.000000000e+00, v28;
	v32 =	vadd.f32 v32, v7;
	v16 =	vld [tilespmem:s7+$0xB0]  }
0x3f8: {  	v26 =	vmul.f32 $8.000000000e+00, v24;
	v22 =	vadd.s32 v1, v11;
	s7 =	simm.s32 $0xA600;
	v24 =	vadd.f32 v15, v4  }
0x3f9: {  	s10 =	simm.s32 $0xC;
	v29 =	vld [tilespmem:s7+$0xC0];
	v28 =	vadd.f32 v28, v7;
	v27 =	vmul.f32 $8.000000000e+00, v27;
	[tilespmem:v31+s1+$0x0] =	vst.idx.msk $0xffff, v32;
	v15 =	vadd.s32 v3, v30  }
.LBB2_28:
0x3fa: {  	p0 =	slt.u32 s10, $0x7C;
	s12 =	sadd.s32 $0x3, s8;
	v26 =	vadd.f32 v26, v7;
	v30 =	vld [tilespmem:s5+$0xE0];
	v21 =	vmul.f32 $8.000000000e+00, v21;
	v31 =	vadd.s32 v3, v6;
	[tilespmem:v19+s1+$0x0] =	vst.idx.msk $0xffff, v24  }
0x3fb: {  	v32 =	vmovc v13;
	v6 =	vmovc v11;
	v19 =	vld [tilespmem:s7+$0x0];
	v24 =	vmov s12;
	[tilespmem:v25+s1+$0x0] =	vst.idx.msk $0xffff, v28;
	v25 =	vadd.f32 v27, v7;
	v17 =	vmul.f32 $8.000000000e+00, v17  }
0x3fc: {  	s12 =	sadd.s32 $0x2, s8;
	s8 =	smov.u32 s10;
	v27 =	vld [tilespmem:s7+$0x40];
	v24 =	vand.u32 $0x7F, v24;
	[tilespmem:v23+s1+$0x0] =	vst.idx.msk $0xffff, v26;
	v11 =	vadd.f32 v21, v4;
	v13 =	vmul.f32 $8.000000000e+00, v16  }
0x3fd: {  	v16 =	vmov s12;
	v21 =	vld [tilespmem:s7+$0x80];
	v23 =	vadd.s32 v0, v24;
	[tilespmem:v22+s1+$0x0] =	vst.idx.msk $0xffff, v25;
	v17 =	vadd.f32 v17, v4  }
0x3fe: {  	v26 =	vadd.s32 v2, v9;
	v22 =	vmul.f32 $8.000000000e+00, v29;
	v25 =	vld [tilespmem:s5+$0x20];
	[tilespmem:v14+s1+$0x0] =	vst.idx.msk $0xffff, v11;
	v14 =	vadd.f32 v13, v4  }
0x3ff: {  	v13 =	vand.u32 $0x7D, v20;
	v11 =	vand.u32 $0x7E, v16;
	v16 =	vld [tilespmem:s5+$0x60];
	v20 =	vmul.f32 $8.000000000e+00, v30;
	[tilespmem:v15+s1+$0x0] =	vst.idx.msk $0xffff, v17  }
0x400: {  	v17 =	vadd.s32 v0, v13;
	v15 =	vmul.f32 $8.000000000e+00, v19;
	v19 =	vadd.f32 v22, v10;
	v22 =	vld [tilespmem:s5+$0xA0];
	[tilespmem:v31+s1+$0x0] =	vst.idx.msk $0xffff, v14  }
0x401: {  	v14 =	vmul.f32 $8.000000000e+00, v27;
	v27 =	vadd.s32 v0, v11;
	v20 =	vadd.f32 v20, v5  }
0x402: {  	v15 =	vadd.f32 v15, v10;
	v21 =	vmul.f32 $8.000000000e+00, v21;
	[tilespmem:v23+s1+$0x0] =	vst.idx.msk $0xffff, v19;
	v19 =	vadd.s32 v2, v8  }
0x403: {  	v28 =	vadd.s32 v2, v32;
	v14 =	vadd.f32 v14, v10;
	v23 =	vld [tilespmem:s7+$0xD0];
	v25 =	vmul.f32 $8.000000000e+00, v25;
	[tilespmem:v26+s1+$0x0] =	vst.idx.msk $0xffff, v20  }
0x404: {  	v26 =	vadd.s32 v2, v6;
	[tilespmem:v18+s1+$0x0] =	vst.idx.msk $0xffff, v15;
	v15 =	vadd.f32 v21, v10;
	v16 =	vmul.f32 $8.000000000e+00, v16;
	v29 =	vld [tilespmem:s5+$0xF0]  }
0x405: {  	v18 =	vmov s10;
	v30 =	vld [tilespmem:s7+$0x10];
	[tilespmem:v17+s1+$0x0] =	vst.idx.msk $0xffff, v14;
	v14 =	vadd.f32 v25, v5;
	v17 =	vmul.f32 $8.000000000e+00, v22  }
0x406: {  	s12 =	sadd.s32 $0x1, s10;
	v31 =	vand.u32 $0x7C, v18;
	v22 =	vld [tilespmem:s7+$0x50];
	[tilespmem:v27+s1+$0x0] =	vst.idx.msk $0xffff, v15;
	v15 =	vadd.f32 v16, v5  }
0x407: {  	v33 =	vadd.s32 v1, v24;
	v20 =	vmov s12;
	v27 =	vld [tilespmem:s7+$0x90];
	[tilespmem:v19+s1+$0x0] =	vst.idx.msk $0xffff, v14;
	v16 =	vadd.f32 v17, v5  }
.Ltmp13:
0x408: {  	v14 =	vadd.s32 v3, v8;
	v19 =	vadd.s32 v3, v9;
	v34 =	vmul.f32 $8.000000000e+00, v23;
	v21 =	vld [tilespmem:s5+$0x30];
	[tilespmem:v28+s1+$0x0] =	vst.idx.msk $0xffff, v15;
	(pc) =	sbr.rel @p0 .LBB2_28-.Ltmp13, $4  }
0x409: {  	v25 =	vadd.s32 v1, v12;
	v18 =	vadd.s32 v0, v31;
	v17 =	vld [tilespmem:s5+$0x70];
	[tilespmem:v26+s1+$0x0] =	vst.idx.msk $0xffff, v16;
	v15 =	vmul.f32 $8.000000000e+00, v29  }
0x40a: {  	v9 =	vmovc v24;
	v8 =	vmovc v12;
	v23 =	vadd.s32 v1, v13;
	v28 =	vmul.f32 $8.000000000e+00, v30;
	v30 =	vadd.f32 v34, v7;
	v16 =	vld [tilespmem:s5+$0xB0];
	s5 =	smov.u32 s7  }
0x40b: {  	v12 =	vmovc v31;
	s7 =	sadd.s32 $0x100, s7;
	v26 =	vmul.f32 $8.000000000e+00, v22;
	v22 =	vadd.s32 v1, v11;
	v24 =	vadd.f32 v15, v4  }
0x40c: {  	s10 =	sadd.s32 $0x4, s10;
	v15 =	vadd.s32 v3, v32;
	v29 =	vld [tilespmem:s7+$0xC0];
	v28 =	vadd.f32 v28, v7;
	v27 =	vmul.f32 $8.000000000e+00, v27;
	[tilespmem:v33+s1+$0x0] =	vst.idx.msk $0xffff, v30  }
0x40d: {  	s10 =	sadd.s32 $0x3, s8;
	v30 =	vld [tilespmem:s7+$0x0]  }
0x40e: {  	v32 =	vld [tilespmem:s7+$0x40];
	v31 =	vmov s10  }
0x40f: {  	v33 =	vld [tilespmem:s7+$0x80];
	v31 =	vand.u32 $0x7F, v31  }
0x410: {  	s14 =	sadd.s32 $0x2, s8;
	v34 =	vadd.s32 v0, v31  }
0x411: {  	v20 =	vand.u32 $0x7D, v20;
	v35 =	vmov s14;
	v29 =	vmul.f32 $8.000000000e+00, v29  }
0x412: {  	v36 =	vadd.s32 v0, v20;
	v35 =	vand.u32 $0x7E, v35;
	v30 =	vmul.f32 $8.000000000e+00, v30  }
0x413: {  	v37 =	vadd.s32 v0, v35;
	v32 =	vmul.f32 $8.000000000e+00, v32;
	v29 =	vadd.f32 v29, v10  }
0x414: {  	v33 =	vmul.f32 $8.000000000e+00, v33;
	v30 =	vadd.f32 v30, v10  }
0x415: {  	v58 =	vadd.f32 v32, v10;
	[tilespmem:v34+s1+$0x0] =	vst.idx.msk $0xffff, v29  }
0x416: {  	v60 =	vadd.f32 v33, v10;
	[tilespmem:v18+s1+$0x0] =	vst.idx.msk $0xffff, v30;
	v59 =	vld [tilespmem:s7+$0xD0]  }
0x417: {  	[tilespmem:v36+s1+$0x0] =	vst.idx.msk $0xffff, v58;
	v30 =	vld [tilespmem:s7+$0x10]  }
0x418: {  	[tilespmem:v37+s1+$0x0] =	vst.idx.msk $0xffff, v60;
	v29 =	vld [tilespmem:s7+$0x50]  }
0x419: {  	v10 =	vld [tilespmem:s7+$0x90]  }
0x41a: {  	v61 =	vadd.s32 v1, v31  }
0x41b: {  	v26 =	vadd.f32 v26, v7;
	v62 =	vadd.s32 v1, v12;
	v18 =	vmul.f32 $8.000000000e+00, v59  }
0x41c: {  	v63 =	vld [tilespmem:s5+$0xE0];
	[tilespmem:v25+s1+$0x0] =	vst.idx.msk $0xffff, v28;
	v27 =	vadd.f32 v27, v7;
	v36 =	vadd.s32 v1, v20;
	v34 =	vmul.f32 $8.000000000e+00, v30  }
0x41d: {  	[tilespmem:v23+s1+$0x0] =	vst.idx.msk $0xffff, v26;
	v39 =	vadd.s32 v1, v35;
	v37 =	vld [tilespmem:s5+$0x20];
	v38 =	vmul.f32 $8.000000000e+00, v29;
	v18 =	vadd.f32 v18, v7  }
0x41e: {  	[tilespmem:v22+s1+$0x0] =	vst.idx.msk $0xffff, v27;
	v40 =	vld [tilespmem:s5+$0x60];
	v10 =	vmul.f32 $8.000000000e+00, v10;
	v41 =	vadd.f32 v34, v7  }
0x41f: {  	v42 =	vld [tilespmem:s5+$0xA0];
	v26 =	vadd.f32 v38, v7;
	[tilespmem:v61+s1+$0x0] =	vst.idx.msk $0xffff, v18  }
0x420: {  	v21 =	vmul.f32 $8.000000000e+00, v21;
	v43 =	vadd.s32 v2, v9;
	v44 =	vadd.f32 v10, v7;
	[tilespmem:v62+s1+$0x0] =	vst.idx.msk $0xffff, v41;
	v45 =	vld [tilespmem:s7+$0xE0]  }
0x421: {  	v46 =	vadd.s32 v2, v8;
	v25 =	vmul.f32 $8.000000000e+00, v63;
	[tilespmem:v36+s1+$0x0] =	vst.idx.msk $0xffff, v26;
	v47 =	vld [tilespmem:s7+$0x20]  }
0x422: {  	v48 =	vadd.s32 v2, v13;
	v21 =	vadd.f32 v21, v4;
	v23 =	vmul.f32 $8.000000000e+00, v37;
	[tilespmem:v39+s1+$0x0] =	vst.idx.msk $0xffff, v44;
	v49 =	vld [tilespmem:s7+$0x60]  }
0x423: {  	[tilespmem:v19+s1+$0x0] =	vst.idx.msk $0xffff, v24;
	v51 =	vadd.s32 v2, v11;
	v50 =	vadd.f32 v25, v5;
	v22 =	vmul.f32 $8.000000000e+00, v40;
	v52 =	vld [tilespmem:s7+$0xA0]  }
0x424: {  	v54 =	vadd.s32 v2, v31;
	[tilespmem:v14+s1+$0x0] =	vst.idx.msk $0xffff, v21;
	v53 =	vadd.f32 v23, v5;
	v18 =	vmul.f32 $8.000000000e+00, v42  }
0x425: {  	v56 =	vadd.s32 v2, v12;
	[tilespmem:v43+s1+$0x0] =	vst.idx.msk $0xffff, v50;
	v55 =	vadd.f32 v22, v5;
	v10 =	vmul.f32 $8.000000000e+00, v45  }
0x426: {  	v60 =	vadd.s32 v2, v20;
	v57 =	vld [tilespmem:s5+$0xF0];
	[tilespmem:v46+s1+$0x0] =	vst.idx.msk $0xffff, v53;
	v58 =	vadd.f32 v18, v5;
	v59 =	vmul.f32 $8.000000000e+00, v47  }
0x427: {  	v32 =	vadd.s32 v2, v35;
	[tilespmem:v48+s1+$0x0] =	vst.idx.msk $0xffff, v55;
	v61 =	vld [tilespmem:s5+$0x30];
	v63 =	vmul.f32 $8.000000000e+00, v49;
	v62 =	vadd.f32 v10, v5  }
0x428: {  	v33 =	vld [tilespmem:s5+$0x70];
	[tilespmem:v51+s1+$0x0] =	vst.idx.msk $0xffff, v58;
	v36 =	vmul.f32 $8.000000000e+00, v52;
	v34 =	vadd.f32 v59, v5  }
0x429: {  	v6 =	vadd.s32 v3, v6;
	v17 =	vmul.f32 $8.000000000e+00, v17;
	v24 =	vld [tilespmem:s5+$0xB0];
	v37 =	vadd.f32 v63, v5;
	[tilespmem:v54+s1+$0x0] =	vst.idx.msk $0xffff, v62  }
0x42a: {  	v38 =	vmul.f32 $8.000000000e+00, v16;
	v39 =	vadd.s32 v3, v9;
	v5 =	vadd.f32 v36, v5;
	v40 =	vld [tilespmem:s7+$0xF0];
	[tilespmem:v56+s1+$0x0] =	vst.idx.msk $0xffff, v34  }
0x42b: {  	v43 =	vmul.f32 $8.000000000e+00, v57;
	v42 =	vadd.s32 v3, v8;
	v41 =	vadd.f32 v17, v4;
	[tilespmem:v60+s1+$0x0] =	vst.idx.msk $0xffff, v37;
	v44 =	vld [tilespmem:s7+$0x30]  }
0x42c: {  	v46 =	vadd.s32 v3, v13;
	v45 =	vadd.f32 v38, v4;
	v47 =	vmul.f32 $8.000000000e+00, v61;
	[tilespmem:v32+s1+$0x0] =	vst.idx.msk $0xffff, v5;
	v48 =	vld [tilespmem:s7+$0x70]  }
0x42d: {  	v50 =	vmul.f32 $8.000000000e+00, v33;
	[tilespmem:v15+s1+$0x0] =	vst.idx.msk $0xffff, v41;
	v49 =	vadd.s32 v3, v11;
	v5 =	vadd.f32 v43, v4;
	v51 =	vld [tilespmem:s7+$0xB0]  }
0x42e: {  	[tilespmem:v6+s1+$0x0] =	vst.idx.msk $0xffff, v45;
	v52 =	vadd.f32 v47, v4;
	v53 =	vmul.f32 $8.000000000e+00, v24;
	v54 =	vadd.s32 v3, v31  }
0x42f: {  	v55 =	vadd.s32 v3, v12;
	[tilespmem:v39+s1+$0x0] =	vst.idx.msk $0xffff, v5;
	v5 =	vadd.f32 v50, v4;
	v56 =	vmul.f32 $8.000000000e+00, v40  }
0x430: {  	v58 =	vadd.s32 v3, v20;
	[tilespmem:v42+s1+$0x0] =	vst.idx.msk $0xffff, v52;
	v57 =	vadd.f32 v53, v4;
	v59 =	vmul.f32 $8.000000000e+00, v44  }
0x431: {  	v60 =	vadd.s32 v3, v35;
	[tilespmem:v46+s1+$0x0] =	vst.idx.msk $0xffff, v5;
	v61 =	vmul.f32 $8.000000000e+00, v48;
	v5 =	vadd.f32 v56, v4  }
0x432: {  	[tilespmem:v49+s1+$0x0] =	vst.idx.msk $0xffff, v57;
	v63 =	vmul.f32 $8.000000000e+00, v51;
	v62 =	vadd.f32 v59, v4  }
0x433: {  	[tilespmem:v54+s1+$0x0] =	vst.idx.msk $0xffff, v5;
	v5 =	vadd.f32 v61, v4  }
0x434: {  	v4 =	vadd.f32 v63, v4;
	[tilespmem:v55+s1+$0x0] =	vst.idx.msk $0xffff, v62  }
0x435: {  	[tilespmem:v58+s1+$0x0] =	vst.idx.msk $0xffff, v5  }
0x436: {  	s7 =	simm.s32 $0x12800;
	[tilespmem:v60+s1+$0x0] =	vst.idx.msk $0xffff, v4  }
0x437: {  	[hbm4b:s13+s3] =	stream.linear.scatter [tilespmem:s7], [sflag:$0x7], $0x80, $0x38;
	[tilespmem:$0x19E00] =	vst v63  }
0x438: {  	s8 =	simm.s32 $0x12888;
	s10 =	sadd.s32 $0x10, s13  }
0x439: {  	[hbm4b:s10+s3] =	stream.linear.scatter [tilespmem:s8], [sflag:$0x7], $0x80, $0x38;
	[tilespmem:$0x19E00] =	vst v63  }
0x43a: {  	s12 =	simm.s32 $0x12910;
	s14 =	sadd.s32 $0x20, s13  }
0x43b: {  	[hbm4b:s14+s3] =	stream.linear.scatter [tilespmem:s12], [sflag:$0x7], $0x80, $0x38;
	[tilespmem:$0x19E00] =	vst v63  }
0x43c: {  	s8 =	simm.s32 $0x12998;
	s10 =	sadd.s32 $0x30, s13  }
0x43d: {  	[hbm4b:s10+s3] =	stream.linear.scatter [tilespmem:s8], [sflag:$0x7], $0x80, $0x38;
	[tilespmem:$0x19E00] =	vst v63  }
0x43e: {  	s12 =	simm.s32 $0x12A20;
	s14 =	sadd.s32 $0x40, s13  }
0x43f: {  	[hbm4b:s14+s3] =	stream.linear.scatter [tilespmem:s12], [sflag:$0x7], $0x80, $0x38;
	[tilespmem:$0x19E00] =	vst v63  }
0x440: {  	s5 =	simm.s32 $0x440;
	s8 =	simm.s32 $0x12AA8;
	s10 =	sadd.s32 $0x50, s13  }
0x441: {  	[hbm4b:s10+s3] =	stream.linear.scatter [tilespmem:s8], [sflag:$0x7], $0x80, $0x38;
	[tilespmem:$0x19E00] =	vst v63  }
0x442: {  	s7 =	sadd.s32 $0x1000, s13;
	s12 =	simm.s32 $0x12B30;
	s14 =	sadd.s32 $0x60, s13  }
0x443: {  	[hbm4b:s14+s3] =	stream.linear.scatter [tilespmem:s12], [sflag:$0x7], $0x80, $0x38;
	[tilespmem:$0x19E00] =	vst v63  }
0x444: {  	s8 =	simm.s32 $0x2200;
	s10 =	simm.s32 $0x12BB8;
	s12 =	sadd.s32 $0x70, s13  }
.LBB2_30:
0x445: {  	[hbm4b:s12+s3] =	stream.linear.scatter [tilespmem:s10], [sflag:$0x7], $0x80, $0x38;
	[tilespmem:$0x19E00] =	vst v63  }
0x446: {  	s10 =	smov.u32 s5;
	s5 =	smov.u32 s8  }
0x447: {  	s14 =	sadd.s32 $0x1100, s8;
	s5 =	sshra.s32 s5, $0x2;
	s12 =	sadd.s32 $0x12800, s10  }
0x448: {  	[hbm4b:s7+s3] =	stream.linear.scatter [tilespmem:s12], [sflag:$0x7], $0x80, $0x38;
	[tilespmem:$0x19E00] =	vst v63  }
0x449: {  	p0 =	sne.s32 s8, $0x7700;
	s8 =	sadd.s32 $0x12888, s10;
	s12 =	sadd.s32 $0x10, s7  }
0x44a: {  	[hbm4b:s12+s3] =	stream.linear.scatter [tilespmem:s8], [sflag:$0x7], $0x80, $0x38;
	[tilespmem:$0x19E00] =	vst v63  }
0x44b: {  	s8 =	sadd.s32 $0x12910, s10;
	s12 =	sadd.s32 $0x20, s7  }
0x44c: {  	[hbm4b:s12+s3] =	stream.linear.scatter [tilespmem:s8], [sflag:$0x7], $0x80, $0x38;
	[tilespmem:$0x19E00] =	vst v63  }
0x44d: {  	s8 =	sadd.s32 $0x12998, s10;
	s12 =	sadd.s32 $0x30, s7  }
0x44e: {  	[hbm4b:s12+s3] =	stream.linear.scatter [tilespmem:s8], [sflag:$0x7], $0x80, $0x38;
	[tilespmem:$0x19E00] =	vst v63  }
0x44f: {  	s8 =	sadd.s32 $0x12A20, s10;
	s12 =	sadd.s32 $0x40, s7  }
0x450: {  	[hbm4b:s12+s3] =	stream.linear.scatter [tilespmem:s8], [sflag:$0x7], $0x80, $0x38;
	[tilespmem:$0x19E00] =	vst v63  }
.Ltmp14:
0x451: {  	s8 =	sadd.s32 $0x12AA8, s10;
	s12 =	sadd.s32 $0x50, s7;
	(pc) =	sbr.rel @p0 .LBB2_30-.Ltmp14, $4  }
0x452: {  	[hbm4b:s12+s3] =	stream.linear.scatter [tilespmem:s8], [sflag:$0x7], $0x80, $0x38;
	[tilespmem:$0x19E00] =	vst v63  }
0x453: {  	s8 =	sadd.s32 $0x12B30, s10;
	s12 =	sadd.s32 $0x60, s7;
	s10 =	sadd.s32 $0x12BB8, s10  }
0x454: {  	[hbm4b:s12+s3] =	stream.linear.scatter [tilespmem:s8], [sflag:$0x7], $0x80, $0x38;
	[tilespmem:$0x19E00] =	vst v63  }
0x455: {  	s12 =	sadd.s32 $0x70, s7;
	s7 =	sadd.s32 $0x1000, s7;
	s8 =	smov.u32 s14  }
0x456: {  	[hbm4b:s12+s3] =	stream.linear.scatter [tilespmem:s10], [sflag:$0x7], $0x80, $0x38;
	[tilespmem:$0x19E00] =	vst v63  }
0x457: {  	s8 =	sadd.s32 $0x12800, s5  }
0x458: {  	[hbm4b:s7+s3] =	stream.linear.scatter [tilespmem:s8], [sflag:$0x7], $0x80, $0x38;
	[tilespmem:$0x19E00] =	vst v63  }
0x459: {  	s12 =	sadd.s32 $0x12888, s5;
	s14 =	sadd.s32 $0x10, s7  }
0x45a: {  	[hbm4b:s14+s3] =	stream.linear.scatter [tilespmem:s12], [sflag:$0x7], $0x80, $0x38;
	[tilespmem:$0x19E00] =	vst v63  }
0x45b: {  	s12 =	sadd.s32 $0x12910, s5;
	s14 =	sadd.s32 $0x20, s7  }
0x45c: {  	[hbm4b:s14+s3] =	stream.linear.scatter [tilespmem:s12], [sflag:$0x7], $0x80, $0x38;
	[tilespmem:$0x19E00] =	vst v63  }
0x45d: {  	s12 =	sadd.s32 $0x12998, s5;
	s14 =	sadd.s32 $0x30, s7  }
0x45e: {  	[hbm4b:s14+s3] =	stream.linear.scatter [tilespmem:s12], [sflag:$0x7], $0x80, $0x38;
	[tilespmem:$0x19E00] =	vst v63  }
0x45f: {  	s12 =	sadd.s32 $0x12A20, s5;
	s14 =	sadd.s32 $0x40, s7  }
0x460: {  	[hbm4b:s14+s3] =	stream.linear.scatter [tilespmem:s12], [sflag:$0x7], $0x80, $0x38;
	[tilespmem:$0x19E00] =	vst v63  }
0x461: {  	s12 =	sadd.s32 $0x12AA8, s5;
	s14 =	sadd.s32 $0x50, s7  }
0x462: {  	[hbm4b:s14+s3] =	stream.linear.scatter [tilespmem:s12], [sflag:$0x7], $0x80, $0x38;
	[tilespmem:$0x19E00] =	vst v63  }
0x463: {  	s10 =	sadd.s32 $0x12B30, s5;
	s12 =	sadd.s32 $0x60, s7  }
0x464: {  	[hbm4b:s12+s3] =	stream.linear.scatter [tilespmem:s10], [sflag:$0x7], $0x80, $0x38;
	[tilespmem:$0x19E00] =	vst v63  }
0x465: {  	s8 =	sadd.s32 $0x70, s7;
	s14 =	sadd.s32 $0x12BB8, s5  }
0x466: {  	[hbm4b:s8+s3] =	stream.linear.scatter [tilespmem:s14], [sflag:$0x7], $0x80, $0x38;
	[tilespmem:$0x19E00] =	vst v63  }
0x467: {  	_ =	swait.ge [sflag:s0], $0x2000  }
0x468: {  	[sflag:s0] =	ssyncset.done $0x0  }
0x469: {  	[sflag:s0] =	ssyncadd.s32 $0xFFFFE000  }
0x46a: {  	_ =	swait.ge [sflag:s24], $0x2000  }
0x46b: {  	[sflag:s24] =	ssyncset.done $0x0  }
0x46c: {  	s7 =	simm.s32 $0xC400;
	[sflag:s24] =	ssyncadd.s32 $0xFFFFE000  }
0x46d: {  	v4 =	vld [tilespmem:s7+$0xC0]  }
0x46e: {  	s10 =	simm.s32 $0x3;
	s8 =	rddreg [dreg:$0x8]  }
0x46f: {  	v5 =	vmov s10;
	v10 =	vld [tilespmem:s8+$0x16C00]  }
0x470: {  	v15 =	vand.u32 $0x7F, v5  }
0x471: {  	v9 =	vadd.s32 v0, v15;
	v8 =	vld [tilespmem:s7+$0x0]  }
0x472: {  	s12 =	simm.s32 $0x0;
	v11 =	vld [tilespmem:s7+$0x40];
	v4 =	vmul.f32 $8.000000000e+00, v4  }
0x473: {  	v6 =	vmov s12;
	s14 =	simm.s32 $0x1;
	v12 =	vld [tilespmem:s7+$0x80]  }
0x474: {  	s10 =	simm.s32 $0x2;
	v14 =	vand.u32 $0x7C, v6;
	v6 =	vmov s14;
	v7 =	vld [tilespmem:s8+$0x16C10];
	v13 =	vadd.f32 v4, v10  }
0x475: {  	v17 =	vmov s10;
	v16 =	vadd.s32 v0, v14;
	v30 =	vand.u32 $0x7D, v6;
	v5 =	vld [tilespmem:s8+$0x16C20]  }
0x476: {  	v6 =	vand.u32 $0x7E, v17;
	v17 =	vadd.s32 v0, v30;
	v8 =	vmul.f32 $8.000000000e+00, v8;
	v4 =	vld [tilespmem:s8+$0x16C30];
	[tilespmem:v9+s17+$0x0] =	vst.idx.msk $0xffff, v13  }
0x477: {  	v9 =	vmul.f32 $8.000000000e+00, v11;
	v11 =	vadd.s32 v0, v6;
	v13 =	vld [tilespmem:s7+$0xD0]  }
0x478: {  	v12 =	vmul.f32 $8.000000000e+00, v12;
	v8 =	vadd.f32 v8, v10  }
0x479: {  	v9 =	vadd.f32 v9, v10  }
0x47a: {  	[tilespmem:v16+s17+$0x0] =	vst.idx.msk $0xffff, v8;
	v8 =	vadd.f32 v12, v10  }
0x47b: {  	v12 =	vld [tilespmem:s7+$0x10];
	[tilespmem:v17+s17+$0x0] =	vst.idx.msk $0xffff, v9;
	v9 =	vadd.s32 v1, v15  }
0x47c: {  	v16 =	vld [tilespmem:s7+$0x50];
	[tilespmem:v11+s17+$0x0] =	vst.idx.msk $0xffff, v8;
	v8 =	vmul.f32 $8.000000000e+00, v13  }
0x47d: {  	s5 =	simm.s32 $0xC500;
	v11 =	vld [tilespmem:s7+$0x90]  }
0x47e: {  	v19 =	vld [tilespmem:s5+$0xC0];
	v8 =	vadd.f32 v8, v7  }
0x47f: {  	s12 =	simm.s32 $0x4;
	v26 =	vadd.s32 v2, v15;
	v13 =	vadd.s32 v1, v14  }
0x480: {  	v18 =	vadd.s32 v1, v30;
	v17 =	vmov s12;
	v12 =	vmul.f32 $8.000000000e+00, v12;
	[tilespmem:v9+s17+$0x0] =	vst.idx.msk $0xffff, v8  }
0x481: {  	s14 =	simm.s32 $0x7;
	v8 =	vand.u32 $0x7C, v17;
	v9 =	vmul.f32 $8.000000000e+00, v16;
	v16 =	vadd.s32 v1, v6;
	v17 =	vld [tilespmem:s7+$0xE0]  }
0x482: {  	v21 =	vmov s14;
	v20 =	vld [tilespmem:s5+$0x0];
	v12 =	vadd.f32 v12, v7;
	v11 =	vmul.f32 $8.000000000e+00, v11  }
0x483: {  	v24 =	vld [tilespmem:s5+$0x40];
	v19 =	vmul.f32 $8.000000000e+00, v19;
	v23 =	vadd.f32 v9, v7;
	v9 =	vand.u32 $0x7F, v21  }
0x484: {  	s10 =	simm.s32 $0x5;
	[tilespmem:v13+s17+$0x0] =	vst.idx.msk $0xffff, v12;
	v12 =	vld [tilespmem:s5+$0x80];
	v11 =	vadd.f32 v11, v7;
	v25 =	vadd.s32 v0, v9  }
0x485: {  	v19 =	vadd.f32 v19, v10;
	s12 =	simm.s32 $0x6;
	v22 =	vadd.s32 v0, v8;
	v21 =	vmov s10;
	[tilespmem:v18+s17+$0x0] =	vst.idx.msk $0xffff, v23;
	v23 =	vld [tilespmem:s7+$0x20]  }
0x486: {  	v13 =	vand.u32 $0x7D, v21;
	v18 =	vmov s12;
	[tilespmem:v16+s17+$0x0] =	vst.idx.msk $0xffff, v11;
	v16 =	vld [tilespmem:s7+$0x60];
	v17 =	vmul.f32 $8.000000000e+00, v17  }
0x487: {  	v11 =	vand.u32 $0x7E, v18;
	v18 =	vmul.f32 $8.000000000e+00, v20;
	v20 =	vadd.s32 v0, v13;
	v21 =	vld [tilespmem:s7+$0xA0]  }
0x488: {  	v24 =	vmul.f32 $8.000000000e+00, v24;
	v27 =	vadd.s32 v0, v11;
	v17 =	vadd.f32 v17, v5  }
0x489: {  	v12 =	vmul.f32 $8.000000000e+00, v12;
	v18 =	vadd.f32 v18, v10;
	[tilespmem:v25+s17+$0x0] =	vst.idx.msk $0xffff, v19;
	v19 =	vadd.s32 v2, v14  }
0x48a: {  	v24 =	vadd.f32 v24, v10;
	v25 =	vld [tilespmem:s5+$0xD0];
	v23 =	vmul.f32 $8.000000000e+00, v23;
	[tilespmem:v26+s17+$0x0] =	vst.idx.msk $0xffff, v17;
	v17 =	vadd.s32 v2, v30  }
0x48b: {  	[tilespmem:v22+s17+$0x0] =	vst.idx.msk $0xffff, v18;
	v18 =	vadd.f32 v12, v10;
	v16 =	vmul.f32 $8.000000000e+00, v16;
	v26 =	vadd.s32 v2, v6;
	v22 =	vld [tilespmem:s7+$0xF0]  }
0x48c: {  	s8 =	simm.s32 $0x8;
	v28 =	vld [tilespmem:s5+$0x10];
	[tilespmem:v20+s17+$0x0] =	vst.idx.msk $0xffff, v24;
	v21 =	vmul.f32 $8.000000000e+00, v21;
	v23 =	vadd.f32 v23, v5  }
0x48d: {  	v31 =	vadd.s32 v1, v9;
	v12 =	vmov s8;
	v24 =	vld [tilespmem:s5+$0x50];
	[tilespmem:v27+s17+$0x0] =	vst.idx.msk $0xffff, v18;
	v16 =	vadd.f32 v16, v5  }
0x48e: {  	s14 =	simm.s32 $0x9;
	v14 =	vadd.s32 v3, v14;
	v12 =	vand.u32 $0x7C, v12;
	v27 =	vld [tilespmem:s5+$0x90];
	v29 =	vadd.f32 v21, v5;
	[tilespmem:v19+s17+$0x0] =	vst.idx.msk $0xffff, v23  }
0x48f: {  	v20 =	vmov s14;
	v19 =	vadd.s32 v3, v15;
	v32 =	vmul.f32 $8.000000000e+00, v25;
	v21 =	vld [tilespmem:s7+$0x30];
	[tilespmem:v17+s17+$0x0] =	vst.idx.msk $0xffff, v16  }
0x490: {  	v18 =	vadd.s32 v0, v12;
	v25 =	vadd.s32 v1, v8;
	[tilespmem:v26+s17+$0x0] =	vst.idx.msk $0xffff, v29;
	v15 =	vmul.f32 $8.000000000e+00, v22;
	v17 =	vld [tilespmem:s7+$0x70]  }
0x491: {  	v23 =	vadd.s32 v1, v13;
	v28 =	vmul.f32 $8.000000000e+00, v28;
	v32 =	vadd.f32 v32, v7;
	v16 =	vld [tilespmem:s7+$0xB0]  }
0x492: {  	v26 =	vmul.f32 $8.000000000e+00, v24;
	v22 =	vadd.s32 v1, v11;
	s7 =	simm.s32 $0xC600;
	v24 =	vadd.f32 v15, v4  }
0x493: {  	s10 =	simm.s32 $0xC;
	v29 =	vld [tilespmem:s7+$0xC0];
	v28 =	vadd.f32 v28, v7;
	v27 =	vmul.f32 $8.000000000e+00, v27;
	[tilespmem:v31+s17+$0x0] =	vst.idx.msk $0xffff, v32;
	v15 =	vadd.s32 v3, v30  }
.LBB2_32:
0x494: {  	p0 =	slt.u32 s10, $0x7C;
	s12 =	sadd.s32 $0x3, s8;
	v26 =	vadd.f32 v26, v7;
	v30 =	vld [tilespmem:s5+$0xE0];
	v21 =	vmul.f32 $8.000000000e+00, v21;
	v31 =	vadd.s32 v3, v6;
	[tilespmem:v19+s17+$0x0] =	vst.idx.msk $0xffff, v24  }
0x495: {  	v32 =	vmovc v13;
	v6 =	vmovc v11;
	v19 =	vld [tilespmem:s7+$0x0];
	v24 =	vmov s12;
	[tilespmem:v25+s17+$0x0] =	vst.idx.msk $0xffff, v28;
	v25 =	vadd.f32 v27, v7;
	v17 =	vmul.f32 $8.000000000e+00, v17  }
0x496: {  	s12 =	sadd.s32 $0x2, s8;
	s8 =	smov.u32 s10;
	v27 =	vld [tilespmem:s7+$0x40];
	v24 =	vand.u32 $0x7F, v24;
	[tilespmem:v23+s17+$0x0] =	vst.idx.msk $0xffff, v26;
	v11 =	vadd.f32 v21, v4;
	v13 =	vmul.f32 $8.000000000e+00, v16  }
0x497: {  	v16 =	vmov s12;
	v21 =	vld [tilespmem:s7+$0x80];
	v23 =	vadd.s32 v0, v24;
	[tilespmem:v22+s17+$0x0] =	vst.idx.msk $0xffff, v25;
	v17 =	vadd.f32 v17, v4  }
0x498: {  	v26 =	vadd.s32 v2, v9;
	v22 =	vmul.f32 $8.000000000e+00, v29;
	v25 =	vld [tilespmem:s5+$0x20];
	[tilespmem:v14+s17+$0x0] =	vst.idx.msk $0xffff, v11;
	v14 =	vadd.f32 v13, v4  }
0x499: {  	v13 =	vand.u32 $0x7D, v20;
	v11 =	vand.u32 $0x7E, v16;
	v16 =	vld [tilespmem:s5+$0x60];
	v20 =	vmul.f32 $8.000000000e+00, v30;
	[tilespmem:v15+s17+$0x0] =	vst.idx.msk $0xffff, v17  }
0x49a: {  	v17 =	vadd.s32 v0, v13;
	v15 =	vmul.f32 $8.000000000e+00, v19;
	v19 =	vadd.f32 v22, v10;
	v22 =	vld [tilespmem:s5+$0xA0];
	[tilespmem:v31+s17+$0x0] =	vst.idx.msk $0xffff, v14  }
0x49b: {  	v14 =	vmul.f32 $8.000000000e+00, v27;
	v27 =	vadd.s32 v0, v11;
	v20 =	vadd.f32 v20, v5  }
0x49c: {  	v15 =	vadd.f32 v15, v10;
	v21 =	vmul.f32 $8.000000000e+00, v21;
	[tilespmem:v23+s17+$0x0] =	vst.idx.msk $0xffff, v19;
	v19 =	vadd.s32 v2, v8  }
0x49d: {  	v28 =	vadd.s32 v2, v32;
	v14 =	vadd.f32 v14, v10;
	v23 =	vld [tilespmem:s7+$0xD0];
	v25 =	vmul.f32 $8.000000000e+00, v25;
	[tilespmem:v26+s17+$0x0] =	vst.idx.msk $0xffff, v20  }
0x49e: {  	v26 =	vadd.s32 v2, v6;
	[tilespmem:v18+s17+$0x0] =	vst.idx.msk $0xffff, v15;
	v15 =	vadd.f32 v21, v10;
	v16 =	vmul.f32 $8.000000000e+00, v16;
	v29 =	vld [tilespmem:s5+$0xF0]  }
0x49f: {  	v18 =	vmov s10;
	v30 =	vld [tilespmem:s7+$0x10];
	[tilespmem:v17+s17+$0x0] =	vst.idx.msk $0xffff, v14;
	v14 =	vadd.f32 v25, v5;
	v17 =	vmul.f32 $8.000000000e+00, v22  }
0x4a0: {  	s12 =	sadd.s32 $0x1, s10;
	v31 =	vand.u32 $0x7C, v18;
	v22 =	vld [tilespmem:s7+$0x50];
	[tilespmem:v27+s17+$0x0] =	vst.idx.msk $0xffff, v15;
	v15 =	vadd.f32 v16, v5  }
0x4a1: {  	v33 =	vadd.s32 v1, v24;
	v20 =	vmov s12;
	v27 =	vld [tilespmem:s7+$0x90];
	[tilespmem:v19+s17+$0x0] =	vst.idx.msk $0xffff, v14;
	v16 =	vadd.f32 v17, v5  }
.Ltmp15:
0x4a2: {  	v14 =	vadd.s32 v3, v8;
	v19 =	vadd.s32 v3, v9;
	v34 =	vmul.f32 $8.000000000e+00, v23;
	v21 =	vld [tilespmem:s5+$0x30];
	[tilespmem:v28+s17+$0x0] =	vst.idx.msk $0xffff, v15;
	(pc) =	sbr.rel @p0 .LBB2_32-.Ltmp15, $4  }
0x4a3: {  	v25 =	vadd.s32 v1, v12;
	v18 =	vadd.s32 v0, v31;
	v17 =	vld [tilespmem:s5+$0x70];
	[tilespmem:v26+s17+$0x0] =	vst.idx.msk $0xffff, v16;
	v15 =	vmul.f32 $8.000000000e+00, v29  }
0x4a4: {  	v9 =	vmovc v24;
	v8 =	vmovc v12;
	v23 =	vadd.s32 v1, v13;
	v28 =	vmul.f32 $8.000000000e+00, v30;
	v30 =	vadd.f32 v34, v7;
	v16 =	vld [tilespmem:s5+$0xB0];
	s5 =	smov.u32 s7  }
0x4a5: {  	v12 =	vmovc v31;
	s7 =	sadd.s32 $0x100, s7;
	v26 =	vmul.f32 $8.000000000e+00, v22;
	v22 =	vadd.s32 v1, v11;
	v24 =	vadd.f32 v15, v4  }
0x4a6: {  	s10 =	sadd.s32 $0x4, s10;
	v15 =	vadd.s32 v3, v32;
	v29 =	vld [tilespmem:s7+$0xC0];
	v28 =	vadd.f32 v28, v7;
	v27 =	vmul.f32 $8.000000000e+00, v27;
	[tilespmem:v33+s17+$0x0] =	vst.idx.msk $0xffff, v30  }
0x4a7: {  	s10 =	sadd.s32 $0x3, s8;
	v30 =	vld [tilespmem:s7+$0x0]  }
0x4a8: {  	v32 =	vld [tilespmem:s7+$0x40];
	v31 =	vmov s10  }
0x4a9: {  	v33 =	vld [tilespmem:s7+$0x80];
	v31 =	vand.u32 $0x7F, v31  }
0x4aa: {  	s14 =	sadd.s32 $0x2, s8;
	v34 =	vadd.s32 v0, v31  }
0x4ab: {  	v20 =	vand.u32 $0x7D, v20;
	v35 =	vmov s14;
	v29 =	vmul.f32 $8.000000000e+00, v29  }
0x4ac: {  	v36 =	vadd.s32 v0, v20;
	v35 =	vand.u32 $0x7E, v35;
	v30 =	vmul.f32 $8.000000000e+00, v30  }
0x4ad: {  	v37 =	vadd.s32 v0, v35;
	v32 =	vmul.f32 $8.000000000e+00, v32;
	v29 =	vadd.f32 v29, v10  }
0x4ae: {  	v33 =	vmul.f32 $8.000000000e+00, v33;
	v30 =	vadd.f32 v30, v10  }
0x4af: {  	v58 =	vadd.f32 v32, v10;
	[tilespmem:v34+s17+$0x0] =	vst.idx.msk $0xffff, v29  }
0x4b0: {  	v60 =	vadd.f32 v33, v10;
	[tilespmem:v18+s17+$0x0] =	vst.idx.msk $0xffff, v30;
	v59 =	vld [tilespmem:s7+$0xD0]  }
0x4b1: {  	[tilespmem:v36+s17+$0x0] =	vst.idx.msk $0xffff, v58;
	v30 =	vld [tilespmem:s7+$0x10]  }
0x4b2: {  	[tilespmem:v37+s17+$0x0] =	vst.idx.msk $0xffff, v60;
	v29 =	vld [tilespmem:s7+$0x50]  }
0x4b3: {  	v10 =	vld [tilespmem:s7+$0x90]  }
0x4b4: {  	v61 =	vadd.s32 v1, v31  }
0x4b5: {  	v26 =	vadd.f32 v26, v7;
	v62 =	vadd.s32 v1, v12;
	v18 =	vmul.f32 $8.000000000e+00, v59  }
0x4b6: {  	v63 =	vld [tilespmem:s5+$0xE0];
	[tilespmem:v25+s17+$0x0] =	vst.idx.msk $0xffff, v28;
	v27 =	vadd.f32 v27, v7;
	v36 =	vadd.s32 v1, v20;
	v34 =	vmul.f32 $8.000000000e+00, v30  }
0x4b7: {  	[tilespmem:v23+s17+$0x0] =	vst.idx.msk $0xffff, v26;
	v39 =	vadd.s32 v1, v35;
	v37 =	vld [tilespmem:s5+$0x20];
	v38 =	vmul.f32 $8.000000000e+00, v29;
	v18 =	vadd.f32 v18, v7  }
0x4b8: {  	[tilespmem:v22+s17+$0x0] =	vst.idx.msk $0xffff, v27;
	v40 =	vld [tilespmem:s5+$0x60];
	v10 =	vmul.f32 $8.000000000e+00, v10;
	v41 =	vadd.f32 v34, v7  }
0x4b9: {  	v42 =	vld [tilespmem:s5+$0xA0];
	v26 =	vadd.f32 v38, v7;
	[tilespmem:v61+s17+$0x0] =	vst.idx.msk $0xffff, v18  }
0x4ba: {  	v21 =	vmul.f32 $8.000000000e+00, v21;
	v43 =	vadd.s32 v2, v9;
	v44 =	vadd.f32 v10, v7;
	[tilespmem:v62+s17+$0x0] =	vst.idx.msk $0xffff, v41;
	v45 =	vld [tilespmem:s7+$0xE0]  }
0x4bb: {  	v46 =	vadd.s32 v2, v8;
	v25 =	vmul.f32 $8.000000000e+00, v63;
	[tilespmem:v36+s17+$0x0] =	vst.idx.msk $0xffff, v26;
	v47 =	vld [tilespmem:s7+$0x20]  }
0x4bc: {  	v48 =	vadd.s32 v2, v13;
	v21 =	vadd.f32 v21, v4;
	v23 =	vmul.f32 $8.000000000e+00, v37;
	[tilespmem:v39+s17+$0x0] =	vst.idx.msk $0xffff, v44;
	v49 =	vld [tilespmem:s7+$0x60]  }
0x4bd: {  	[tilespmem:v19+s17+$0x0] =	vst.idx.msk $0xffff, v24;
	v51 =	vadd.s32 v2, v11;
	v50 =	vadd.f32 v25, v5;
	v22 =	vmul.f32 $8.000000000e+00, v40;
	v52 =	vld [tilespmem:s7+$0xA0]  }
0x4be: {  	v54 =	vadd.s32 v2, v31;
	[tilespmem:v14+s17+$0x0] =	vst.idx.msk $0xffff, v21;
	v53 =	vadd.f32 v23, v5;
	v18 =	vmul.f32 $8.000000000e+00, v42  }
0x4bf: {  	v56 =	vadd.s32 v2, v12;
	[tilespmem:v43+s17+$0x0] =	vst.idx.msk $0xffff, v50;
	v55 =	vadd.f32 v22, v5;
	v10 =	vmul.f32 $8.000000000e+00, v45  }
0x4c0: {  	v60 =	vadd.s32 v2, v20;
	v57 =	vld [tilespmem:s5+$0xF0];
	[tilespmem:v46+s17+$0x0] =	vst.idx.msk $0xffff, v53;
	v58 =	vadd.f32 v18, v5;
	v59 =	vmul.f32 $8.000000000e+00, v47  }
0x4c1: {  	v32 =	vadd.s32 v2, v35;
	[tilespmem:v48+s17+$0x0] =	vst.idx.msk $0xffff, v55;
	v61 =	vld [tilespmem:s5+$0x30];
	v63 =	vmul.f32 $8.000000000e+00, v49;
	v62 =	vadd.f32 v10, v5  }
0x4c2: {  	v33 =	vld [tilespmem:s5+$0x70];
	[tilespmem:v51+s17+$0x0] =	vst.idx.msk $0xffff, v58;
	v36 =	vmul.f32 $8.000000000e+00, v52;
	v34 =	vadd.f32 v59, v5  }
0x4c3: {  	v6 =	vadd.s32 v3, v6;
	v17 =	vmul.f32 $8.000000000e+00, v17;
	v24 =	vld [tilespmem:s5+$0xB0];
	v37 =	vadd.f32 v63, v5;
	[tilespmem:v54+s17+$0x0] =	vst.idx.msk $0xffff, v62  }
0x4c4: {  	v38 =	vmul.f32 $8.000000000e+00, v16;
	v39 =	vadd.s32 v3, v9;
	v5 =	vadd.f32 v36, v5;
	v40 =	vld [tilespmem:s7+$0xF0];
	[tilespmem:v56+s17+$0x0] =	vst.idx.msk $0xffff, v34  }
0x4c5: {  	v43 =	vmul.f32 $8.000000000e+00, v57;
	v42 =	vadd.s32 v3, v8;
	v41 =	vadd.f32 v17, v4;
	[tilespmem:v60+s17+$0x0] =	vst.idx.msk $0xffff, v37;
	v44 =	vld [tilespmem:s7+$0x30]  }
0x4c6: {  	v46 =	vadd.s32 v3, v13;
	v45 =	vadd.f32 v38, v4;
	v47 =	vmul.f32 $8.000000000e+00, v61;
	[tilespmem:v32+s17+$0x0] =	vst.idx.msk $0xffff, v5;
	v48 =	vld [tilespmem:s7+$0x70]  }
0x4c7: {  	v50 =	vmul.f32 $8.000000000e+00, v33;
	[tilespmem:v15+s17+$0x0] =	vst.idx.msk $0xffff, v41;
	v49 =	vadd.s32 v3, v11;
	v5 =	vadd.f32 v43, v4;
	v51 =	vld [tilespmem:s7+$0xB0]  }
0x4c8: {  	[tilespmem:v6+s17+$0x0] =	vst.idx.msk $0xffff, v45;
	v52 =	vadd.f32 v47, v4;
	v53 =	vmul.f32 $8.000000000e+00, v24;
	v54 =	vadd.s32 v3, v31  }
0x4c9: {  	v55 =	vadd.s32 v3, v12;
	[tilespmem:v39+s17+$0x0] =	vst.idx.msk $0xffff, v5;
	v5 =	vadd.f32 v50, v4;
	v56 =	vmul.f32 $8.000000000e+00, v40  }
0x4ca: {  	v58 =	vadd.s32 v3, v20;
	[tilespmem:v42+s17+$0x0] =	vst.idx.msk $0xffff, v52;
	v57 =	vadd.f32 v53, v4;
	v59 =	vmul.f32 $8.000000000e+00, v44  }
0x4cb: {  	v60 =	vadd.s32 v3, v35;
	[tilespmem:v46+s17+$0x0] =	vst.idx.msk $0xffff, v5;
	v61 =	vmul.f32 $8.000000000e+00, v48;
	v5 =	vadd.f32 v56, v4  }
0x4cc: {  	[tilespmem:v49+s17+$0x0] =	vst.idx.msk $0xffff, v57;
	v63 =	vmul.f32 $8.000000000e+00, v51;
	v62 =	vadd.f32 v59, v4  }
0x4cd: {  	[tilespmem:v54+s17+$0x0] =	vst.idx.msk $0xffff, v5;
	v5 =	vadd.f32 v61, v4  }
0x4ce: {  	v4 =	vadd.f32 v63, v4;
	[tilespmem:v55+s17+$0x0] =	vst.idx.msk $0xffff, v62  }
0x4cf: {  	[tilespmem:v58+s17+$0x0] =	vst.idx.msk $0xffff, v5  }
0x4d0: {  	s7 =	simm.s32 $0x14A00;
	[tilespmem:v60+s17+$0x0] =	vst.idx.msk $0xffff, v4  }
0x4d1: {  	[hbm4b:s15+s3] =	stream.linear.scatter [tilespmem:s7], [sflag:$0x8], $0x80, $0x38;
	[tilespmem:$0x19E00] =	vst v63  }
0x4d2: {  	s8 =	simm.s32 $0x14A88;
	s10 =	sadd.s32 $0x10, s15  }
0x4d3: {  	[hbm4b:s10+s3] =	stream.linear.scatter [tilespmem:s8], [sflag:$0x8], $0x80, $0x38;
	[tilespmem:$0x19E00] =	vst v63  }
0x4d4: {  	s12 =	simm.s32 $0x14B10;
	s14 =	sadd.s32 $0x20, s15  }
0x4d5: {  	[hbm4b:s14+s3] =	stream.linear.scatter [tilespmem:s12], [sflag:$0x8], $0x80, $0x38;
	[tilespmem:$0x19E00] =	vst v63  }
0x4d6: {  	s8 =	simm.s32 $0x14B98;
	s10 =	sadd.s32 $0x30, s15  }
0x4d7: {  	[hbm4b:s10+s3] =	stream.linear.scatter [tilespmem:s8], [sflag:$0x8], $0x80, $0x38;
	[tilespmem:$0x19E00] =	vst v63  }
0x4d8: {  	s12 =	simm.s32 $0x14C20;
	s14 =	sadd.s32 $0x40, s15  }
0x4d9: {  	[hbm4b:s14+s3] =	stream.linear.scatter [tilespmem:s12], [sflag:$0x8], $0x80, $0x38;
	[tilespmem:$0x19E00] =	vst v63  }
0x4da: {  	s5 =	simm.s32 $0x440;
	s8 =	simm.s32 $0x14CA8;
	s10 =	sadd.s32 $0x50, s15  }
0x4db: {  	[hbm4b:s10+s3] =	stream.linear.scatter [tilespmem:s8], [sflag:$0x8], $0x80, $0x38;
	[tilespmem:$0x19E00] =	vst v63  }
0x4dc: {  	s7 =	sadd.s32 $0x1000, s15;
	s12 =	simm.s32 $0x14D30;
	s14 =	sadd.s32 $0x60, s15  }
0x4dd: {  	[hbm4b:s14+s3] =	stream.linear.scatter [tilespmem:s12], [sflag:$0x8], $0x80, $0x38;
	[tilespmem:$0x19E00] =	vst v63  }
0x4de: {  	s8 =	simm.s32 $0x2200;
	s10 =	simm.s32 $0x14DB8;
	s12 =	sadd.s32 $0x70, s15  }
.LBB2_34:
0x4df: {  	[hbm4b:s12+s3] =	stream.linear.scatter [tilespmem:s10], [sflag:$0x8], $0x80, $0x38;
	[tilespmem:$0x19E00] =	vst v63  }
0x4e0: {  	s10 =	smov.u32 s5;
	s5 =	smov.u32 s8  }
0x4e1: {  	s14 =	sadd.s32 $0x1100, s8;
	s5 =	sshra.s32 s5, $0x2;
	s12 =	sadd.s32 $0x14A00, s10  }
0x4e2: {  	[hbm4b:s7+s3] =	stream.linear.scatter [tilespmem:s12], [sflag:$0x8], $0x80, $0x38;
	[tilespmem:$0x19E00] =	vst v63  }
0x4e3: {  	p0 =	sne.s32 s8, $0x7700;
	s8 =	sadd.s32 $0x14A88, s10;
	s12 =	sadd.s32 $0x10, s7  }
0x4e4: {  	[hbm4b:s12+s3] =	stream.linear.scatter [tilespmem:s8], [sflag:$0x8], $0x80, $0x38;
	[tilespmem:$0x19E00] =	vst v63  }
0x4e5: {  	s8 =	sadd.s32 $0x14B10, s10;
	s12 =	sadd.s32 $0x20, s7  }
0x4e6: {  	[hbm4b:s12+s3] =	stream.linear.scatter [tilespmem:s8], [sflag:$0x8], $0x80, $0x38;
	[tilespmem:$0x19E00] =	vst v63  }
0x4e7: {  	s8 =	sadd.s32 $0x14B98, s10;
	s12 =	sadd.s32 $0x30, s7  }
0x4e8: {  	[hbm4b:s12+s3] =	stream.linear.scatter [tilespmem:s8], [sflag:$0x8], $0x80, $0x38;
	[tilespmem:$0x19E00] =	vst v63  }
0x4e9: {  	s8 =	sadd.s32 $0x14C20, s10;
	s12 =	sadd.s32 $0x40, s7  }
0x4ea: {  	[hbm4b:s12+s3] =	stream.linear.scatter [tilespmem:s8], [sflag:$0x8], $0x80, $0x38;
	[tilespmem:$0x19E00] =	vst v63  }
.Ltmp16:
0x4eb: {  	s8 =	sadd.s32 $0x14CA8, s10;
	s12 =	sadd.s32 $0x50, s7;
	(pc) =	sbr.rel @p0 .LBB2_34-.Ltmp16, $4  }
0x4ec: {  	[hbm4b:s12+s3] =	stream.linear.scatter [tilespmem:s8], [sflag:$0x8], $0x80, $0x38;
	[tilespmem:$0x19E00] =	vst v63  }
0x4ed: {  	s8 =	sadd.s32 $0x14D30, s10;
	s12 =	sadd.s32 $0x60, s7;
	s10 =	sadd.s32 $0x14DB8, s10  }
0x4ee: {  	[hbm4b:s12+s3] =	stream.linear.scatter [tilespmem:s8], [sflag:$0x8], $0x80, $0x38;
	[tilespmem:$0x19E00] =	vst v63  }
0x4ef: {  	s12 =	sadd.s32 $0x70, s7;
	s7 =	sadd.s32 $0x1000, s7;
	s8 =	smov.u32 s14  }
0x4f0: {  	[hbm4b:s12+s3] =	stream.linear.scatter [tilespmem:s10], [sflag:$0x8], $0x80, $0x38;
	[tilespmem:$0x19E00] =	vst v63  }
0x4f1: {  	s8 =	sadd.s32 $0x14A00, s5  }
0x4f2: {  	[hbm4b:s7+s3] =	stream.linear.scatter [tilespmem:s8], [sflag:$0x8], $0x80, $0x38;
	[tilespmem:$0x19E00] =	vst v63  }
0x4f3: {  	s12 =	sadd.s32 $0x14A88, s5;
	s14 =	sadd.s32 $0x10, s7  }
0x4f4: {  	[hbm4b:s14+s3] =	stream.linear.scatter [tilespmem:s12], [sflag:$0x8], $0x80, $0x38;
	[tilespmem:$0x19E00] =	vst v63  }
0x4f5: {  	s12 =	sadd.s32 $0x14B10, s5;
	s14 =	sadd.s32 $0x20, s7  }
0x4f6: {  	[hbm4b:s14+s3] =	stream.linear.scatter [tilespmem:s12], [sflag:$0x8], $0x80, $0x38;
	[tilespmem:$0x19E00] =	vst v63  }
0x4f7: {  	s12 =	sadd.s32 $0x14B98, s5;
	s14 =	sadd.s32 $0x30, s7  }
0x4f8: {  	[hbm4b:s14+s3] =	stream.linear.scatter [tilespmem:s12], [sflag:$0x8], $0x80, $0x38;
	[tilespmem:$0x19E00] =	vst v63  }
0x4f9: {  	s12 =	sadd.s32 $0x14C20, s5;
	s14 =	sadd.s32 $0x40, s7  }
0x4fa: {  	[hbm4b:s14+s3] =	stream.linear.scatter [tilespmem:s12], [sflag:$0x8], $0x80, $0x38;
	[tilespmem:$0x19E00] =	vst v63  }
0x4fb: {  	s12 =	sadd.s32 $0x14CA8, s5;
	s14 =	sadd.s32 $0x50, s7  }
0x4fc: {  	[hbm4b:s14+s3] =	stream.linear.scatter [tilespmem:s12], [sflag:$0x8], $0x80, $0x38;
	[tilespmem:$0x19E00] =	vst v63  }
0x4fd: {  	s12 =	sadd.s32 $0x14D30, s5;
	s14 =	sadd.s32 $0x60, s7  }
0x4fe: {  	[hbm4b:s14+s3] =	stream.linear.scatter [tilespmem:s12], [sflag:$0x8], $0x80, $0x38;
	[tilespmem:$0x19E00] =	vst v63  }
0x4ff: {  	s12 =	sadd.s32 $0x14DB8, s5;
	s14 =	sadd.s32 $0x70, s7  }
0x500: {  	[hbm4b:s14+s3] =	stream.linear.scatter [tilespmem:s12], [sflag:$0x8], $0x80, $0x38;
	[tilespmem:$0x19E00] =	vst v63  }
0x501: {  	_ =	swait.ge [sflag:s16], $0x2000  }
0x502: {  	[sflag:s16] =	ssyncset.done $0x0  }
0x503: {  	[sflag:s16] =	ssyncadd.s32 $0xFFFFE000  }
0x504: {  	_ =	swait.ge [sflag:s18], $0x2000  }
0x505: {  	[sflag:s18] =	ssyncset.done $0x0  }
0x506: {  	[sflag:s18] =	ssyncadd.s32 $0xFFFFE000  }
0x507: {  	_ =	swait.ge [sflag:s22], $0x2000  }
0x508: {  	[sflag:s22] =	ssyncset.done $0x0  }
0x509: {  	[sflag:s22] =	ssyncadd.s32 $0xFFFFE000  }
0x50a: {  	_ =	swait.ge [sflag:s24], $0x2000  }
0x50b: {  	s18 =	rddreg [dreg:$0xa]  }
0x50c: {  	s22 =	rddreg [dreg:$0x9];
	s7 =	sadd.s32 $0x1, s18  }
0x50d: {  	p0 =	sne.s32 s7, s22  }
.Ltmp17:
0x50e: {  	_ = 	snop;
	(pc) =	sbr.rel @p0 .LBB2_1-.Ltmp17, $3  }
0x50f: {  	_ =	sdelay $0x1  }
0x510: {  	[sflag:s24] =	ssyncset.done $0x0  }
0x511: {  	[sflag:s24] =	ssyncadd.s32 $0xFFFFE000  }
0x512: {  	_ =	sfence.sel $0x180000  }
0x513: {  	[bflag:$0x0] =	sbarrier.arrive $0xFFFF  }
0x514: {  	_ =	strace $0x9000004A  }
0x515: {  	s0 =	stileid.u32;
	[bflag:$0x2] =	sbarrier.arrive $0xFFFF  }
0x516: {  	p0 =	sne.s32 s0, $0x0;
	s0 =	rddreg [dreg:$0x2]  }
0x517: {  	s0 =	sadd.s32 @!p0 $0x100000, s0  }
0x518: {  	[sflag:s0] =	ssyncadd.tile.s32 @!p0 $0x1;
	_ =	shalt  }
.Lfunc_end2:
_tile_overlayer_lowered:
.L_overlay_start_2:
0x519: {  	(tag) =	ssettag $0x2  }
0x51a: {  	s0 =	rddreg [dreg:$0x0];
	s2 =	stileid.u32  }
0x51b: {  	s1 =	rddreg [dreg:$0x1];
	p0 =	sne.s32 s2, $0x0  }
0x51c: {  	s3 =	rddreg [dreg:$0x2];
	[bflag:$0x3] =	sbarrier.arrive $0xFFFF;
	s2 =	simm.s32 @!p0 $0x1C09  }
0x51d: {  	[timem:s3], [sflag:s2] =	dma.local @!p0 [hbm:s0], s1  }
0x51e: {  	s0 =	simm.s32 @!p0 $0x9  }
0x51f: {  	_ =	swait.ge @!p0 [sflag:s0], s1  }
0x520: {  	s1 =	ssub.s32 @!p0 $0x0, s1;
	[sflag:s0] =	ssyncset.done @!p0 $0x0  }
0x521: {  	[sflag:s0] =	ssyncadd.s32 @!p0 s1  }
0x522: {  	[bflag:$0x3] =	sbarrier.arrive $0xFFFF  }
0x523: {  	_ =	shalt  }

// kernel: sparse-core-data-format-call.cloned.1.call-start
scs
called_computation_lowered:
.L_overlay_start_0:
0x0: {  	s2 =	sld [smem:$0x3FD9]  }
0x1: {  	s3 =	sld [smem:$0x3FFE];
	_ =	sdelay $0x1  }
0x2: {  	s1 =	srdreg.scid  }
0x3: {  	s0 =	sand.u32 $0x1, s1  }
0x4: {  	s18 =	sshll.u32 s0, $0xA;
	s2 =	sadd.s32 s3, s2  }
0x5: {  	s2 =	sadd.s32 s2, s18  }
0x6: {  	[smem:$0x3FC6] =	sst s2  }
0x7: {  	_ = 	snop  }
0x8: {  	s2 =	sld [smem:$0x3FC8];
	(tm) =	ssettm $0x1  }
0x9: {  	s19 =	sld [smem:$0x3FFB];
	_ =	sdelay $0x3  }
0xa: {  	_ =	strace s19  }
0xb: {  	s3 =	sld [smem:$0x3FFC];
	_ =	sdelay $0x3  }
0xc: {  	_ =	strace s3  }
0xd: {  	s3 =	sld [smem:$0x3FFD];
	_ =	sdelay $0x3  }
0xe: {  	_ =	strace s3  }
0xf: {  	_ =	strace $0x8FFFFFFF  }
0x10: {  	s20 =	sld [smem:$0x3FDB];
	_ =	sdelay $0x1  }
0x11: {  	s4 =	simm.s32 $_scs_section_size  }
0x12: {  	s5 =	simm.s32 $_size__tile_overlayer_lowered;
	s6 =	simm.s32 $_tile_overlayer_lowered  }
0x13: {  	s23 =	simm.s32 $0x1BFF;
	s22 =	sshll.u32 s6, $0x1;
	s3 =	sadd.s32 s4, s20  }
0x14: {  	s7 =	simm.s32 $0x0;
	s21 =	sshll.u32 s5, $0x1;
	s5 =	sadd.s32 s22, s3  }
0x15: {  	[timem:s7], [sflag:s23] =	dma.local [hbm:s5], s21  }
0x16: {  	_ =	swait.ge [sflag:s23], s21  }
0x17: {  	s4 =	ssub.s32 $0x0, s21;
	[sflag:s23] =	ssyncset.done $0x0  }
0x18: {  	[sflag:s23] =	ssyncadd.s32 s4;
	_ =	sdelay $0x1  }
0x19: {  	s24 =	simm.s32 $0x1B8B  }
0x1a: {  	_ =	swait.ge [sflag:s24], $0x1  }
0x1b: {  	[sflag:s24] =	ssyncset.done $0x0  }
0x1c: {  	s26 =	simm.s32 $0x1B8E;
	s25 =	sld [smem:$0x3FFE];
	[sflag:s24] =	ssyncadd.s32 $0xFFFFFFFF  }
0x1d: {  	s27 =	simm.s32 $execute0_lowered;
	[smem:$0x3FD2] =	sst s26  }
0x1e: {  	s5 =	sshll.u32 s27, $0x1;
	_ =	strace $0x80000046;
	[dreg:$0x1] =	wrdreg $0xFFFFFFFF  }
0x1f: {  	s28 =	simm.s32 $_size_execute0_lowered;
	s3 =	sadd.s32 s3, s5;
	[dreg:$0x0] =	wrdreg $0x0  }
0x20: {  	s5 =	sshll.u32 s28, $0x1;
	[dreg:$0x2] =	wrdreg s3  }
0x21: {  	[dreg:$0x3] =	wrdreg s5  }
0x22: {  	[dreg:$0x4] =	wrdreg $0xC0  }
0x23: {  	_ =	task [dreg:s7], $0x5FFFF  }
0x24: {  	[dreg:$0x1] =	wrdreg $0xFFFFFFFF  }
0x25: {  	[dreg:$0x0] =	wrdreg $0x60  }
0x26: {  	[dreg:$0x2] =	wrdreg s2  }
0x27: {  	[dreg:$0x3] =	wrdreg s25  }
0x28: {  	[dreg:$0x4] =	wrdreg $0x9  }
0x29: {  	_ =	task.clear_ibuf [dreg:s7], $0x5FFFF;
	_ =	strace $0x90000046  }
0x2a: {  	s29 =	simm.s32 $0x9;
	_ =	strace $0x80000048  }
0x2b: {  	_ =	swait.ge [sflag:s29], $0x1  }
0x2c: {  	[sflag:s29] =	ssyncadd.s32 $0xFFFFFFFF  }
0x2d: {  	_ =	strace $0x90000048  }
0x2e: {  	_ =	sfence  }
0x2f: {  	s30 =	sld [smem:$0x0];
	_ =	sdelay $0x2  }
0x30: {  	s31 =	sshll.u32 s1, $0xD;
	s1 =	sshrl.u32 s1, $0x2  }
0x31: {  	s3 =	sand.u32 $0x4000, s31;
	s1 =	sadd.s32 s1, s30  }
0x32: {  	s0 =	sor.u32 s3, s0;
	s1 =	sshll.u32 s1, $0x11  }
0x33: {  	s0 =	sor.u32 s1, s0  }
0x34: {  	s0 =	sadd.s32 $0x8F2B, s0  }
0x35: {  	[sflag:s0] =	ssyncadd.remote.s32 $0x1  }
0x36: {  	_ =	sfence.sel $0xFFFF  }
0x37: {  	[dreg:$0x0] =	wrdreg $0xFFFFFFFF;
	(pc) =	sbr.abs _section_cstart, $3  }
0x38: {  	[dreg:$0x1] =	wrdreg $0xFFFFFFFF  }
0x39: {  	_ =	task.clear_ibuf [dreg:s7], $0x2FFFF;
	_ =	strace $0x9FFFFFFF  }
0x3a: {  	(tm) =	ssettm $0x7FFFFFFF  }
0x3b: {  	_ =	shalt  }
tec
execute0_lowered:
.L_overlay_start_1:
0x0: {  	(tag) =	ssettag $0x1  }
0x1: {  	s0 =	srdreg.scid;
	s2 =	rddreg [dreg:$0x0]  }
0x2: {  	s5 =	rddreg [dreg:$0x1];
	s1 =	stileid.u32  }
0x3: {  	s4 =	simm.s32 $0x1;
	s6 =	simm.s32 $0x2;
	s15 =	simm.s32 $0x0  }
0x4: {  	p0 =	por $0x0, $0x0;
	s8 =	simm.s32 $0x80;
	s0 =	sshll.u32 s0, $0x4  }
0x5: {  	s14 =	simm.s32 $0x0;
	s9 =	simm.s32 $0x0;
	s3 =	sand.u32 $0x10, s0  }
.Ltmp0:
0x6: {  	s10 =	simm.s32 $0x0;
	s3 =	sor.u32 s1, s3;
	(pc) =	sbr.rel .LBB1_1-.Ltmp0, $4  }
0x7: {  	s0 =	rddreg [dreg:$0x2];
	_ =	strace $0x80000047;
	s3 =	sshll.u32 s3, $0x7  }
0x8: {  	s12 =	simm.s32 $0x0;
	[sflag:s4] =	ssyncpa.u1 $0x0;
	s7 =	ssub.s32 $0xF4200, s3  }
0x9: {  	s13 =	simm.s32 $0x0;
	[sflag:s6] =	ssyncpa.u1 $0x0;
	s6 =	sshrl.u32 s7, $0xC  }
0xa: {  	s5 =	sadd.s32 $0xC00, s5;
	s11 =	smov.u32 s3;
	s7 =	sadd.s32 $0x2, s6  }
.LBB1_5:
0xb: {  	p1 =	slt.u32 s13, $0x2  }
0xc: {  	s17 =	smov.u32 s15;
	p2 =	sgt.s32 @!p1 s15, $0xF41C0;
	s16 =	sshra.s32 @!p1 s15, $0x1F  }
0xd: {  	p3 =	sgt.s32 @!p1 s14, $0x40;
	s18 =	sshra.s32 @!p1 s14, $0x1F;
	p2 =	por !p2, p1  }
0xe: {  	s15 =	sand.u32 @!p1 s16, s15;
	p3 =	por !p3, p1;
	s16 =	smov.u32 s14  }
0xf: {  	s14 =	sand.u32 @!p1 s18, s14;
	s17 =	simm.s32 @p2 $0xF41C0;
	s16 =	simm.s32 @p3 $0x40  }
0x10: {  	s15 =	ssub.s32 @!p1 s17, s15;
	s14 =	ssub.s32 @!p1 s16, s14  }
0x11: {  	s18 =	smov.u32 s12;
	s16 =	sadd.s32 @!p1 $0xFFF0BE40, s15;
	s17 =	sadd.s32 @!p1 $0xFFFFFFC0, s14  }
0x12: {  	s15 =	ssub.s32 @!p1 $0xF4240, s15;
	p2 =	sgt.s32 @!p1 s16, $0x7F;
	p3 =	sgt.s32 @!p1 s17, $0x3F  }
0x13: {  	s14 =	ssub.s32 @!p1 $0x80, s14;
	p2 =	por !p2, p1;
	p3 =	por !p3, p1  }
0x14: {  	s16 =	sadd.s32 $0x1000, s11;
	s15 =	simm.s32 @!p2 $0x0;
	s14 =	simm.s32 @!p3 $0x0  }
0x15: {  	p2 =	sgt.s32 s16, $0xF423F;
	s14 =	smul.u32 @!p1 s14, s15;
	s15 =	sadd.s32 $0x40, s12  }
0x16: {  	s18 =	smov.u32 @p2 s15  }
0x17: {  	s16 =	smov.u32 @p2 s3;
	p2 =	sgt.s32 s18, $0x3F  }
0x18: {  	s18 =	simm.s32 @p2 $0x0;
	p2 =	sne.s32 s13, s7  }
.Ltmp1:
0x19: {  	p0 =	por !p0, !p0;
	s17 =	simm.s32 @!p1 $0x2;
	(pc) =	sbr.rel @!p2 .LBB1_6-.Ltmp1, $4  }
0x1a: {  	s15 =	smov.u32 s9;
	s9 =	smov.u32 s11;
	s14 =	sand.u32 @!p1 $0x3FFFFFFF, s14  }
0x1b: {  	s11 =	smov.u32 s16;
	_ =	swait.ge @!p1 [sflag:s17], s14;
	s19 =	ssub.s32 @!p1 $0x0, s14  }
0x1c: {  	s14 =	smov.u32 s10;
	s13 =	sadd.s32 $0x1, s13;
	[sflag:s17] =	ssyncset.done @!p1 $0x0  }
0x1d: {  	s10 =	smov.u32 s12;
	s12 =	smov.u32 s18;
	[sflag:s17] =	ssyncadd.s32 @!p1 s19  }
.LBB1_1:
0x1e: {  	p1 =	sgt.u32 s13, s6  }
0x1f: {  	s16 =	sshrl.u32 @!p1 s12, $0x3  }
0x20: {  	s17 =	sshll.u32 @!p1 s11, $0x3;
	s16 =	smul.u32 @!p1 $0x7A1400, s16  }
0x21: {  	s18 =	sshll.u32 @!p1 s12, $0x7;
	s17 =	sand.u32 @!p1 $0xFFFFFC00, s17  }
0x22: {  	s16 =	sadd.s32 @!p1 s16, s17;
	s17 =	sand.u32 @!p1 $0x380, s18  }
0x23: {  	s18 =	sand.u32 @!p1 $0x7F, s11;
	s16 =	sor.u32 @!p1 s17, s16  }
0x24: {  	s17 =	sor.u32 @!p1 s18, s16  }
0x25: {  	s18 =	smulhi.u32 @!p1 $0x218D6287, s17;
	_ =	sdelay $0x1  }
0x26: {  	s16 =	smulhi.u32 @!p1 $0x218D6287, s16;
	s18 =	sshrl.u32 @!p1 s18, $0x11  }
0x27: {  	s18 =	smul.u32 @!p1 $0xF4280, s18  }
0x28: {  	s19 =	sxor.u32 @!p1 $0xFFFFFFFF, s13;
	s16 =	sshrl.u32 @!p1 s16, $0x11  }
0x29: {  	s19 =	sshll.u32 @!p1 s19, $0xD;
	s16 =	sand.u32 @!p1 $0x3F, s16;
	s17 =	ssub.s32 @!p1 s17, s18  }
0x2a: {  	s16 =	smul.u32 @!p1 $0x1E850, s16;
	s18 =	sshrl.u32 @!p1 s17, $0x3;
	s17 =	sand.u32 @!p1 $0x7, s17  }
0x2b: {  	s19 =	sand.u32 @!p1 $0x2000, s19;
	s18 =	sadd.s32 @!p1 s2, s18;
	s17 =	sshll.u32 @!p1 s17, $0x12  }
0x2c: {  	s16 =	sadd.s32 @!p1 s16, s18;
	s17 =	sor.u32 @!p1 $0x400, s17;
	s18 =	simm.s32 @!p1 $0x7A1400  }
0x2d: {  	[tilespmem:s19], [sflag:$0x1] =	stream.strided.gather @!p1 [hbm4b:s16+s17], $0x2000, s18, s17, $0x38;
	[tilespmem:$0x8100] =	vst v63  }
0x2e: {  	p1 =	seq.s32 s13, $0x0  }
0x2f: {  	p2 =	sge.u32 @!p1 s13, s7  }
0x30: {  	p1 =	por p1, p2  }
.Ltmp2:
0x31: {  	_ = 	snop;
	(pc) =	sbr.rel @p1 .LBB1_5-.Ltmp2, $1  }
0x32: {  	_ =	sdelay $0x3  }
0x33: {  	s16 =	simm.s32 $0x1  }
0x34: {  	_ =	swait.ge [sflag:s4], $0x2000;
	s16 =	simm.s32 @!p0 $0x0  }
0x35: {  	[sflag:s4] =	ssyncset.done $0x0;
	s17 =	sshll.u32 s16, $0xD  }
0x36: {  	[sflag:s4] =	ssyncadd.s32 $0xFFFFE000;
	s17 =	sor.u32 $0x40, s17  }
0x37: {  	s16 =	smul.u32 $0x8200, s16;
	v0 =	vld [tilespmem:s17+$0x30]  }
0x38: {  	v1 =	vld [tilespmem:s17+$0xFFFFFFD0]  }
0x39: {  	s16 =	sshrl.u32 s16, $0x2;
	v5 =	vld [tilespmem:s17+$0xFFFFFFE0]  }
0x3a: {  	v6 =	vld [tilespmem:s17+$0xFFFFFFF0];
	s19 =	sor.u32 $0x4000, s16  }
0x3b: {  	s31 =	sand.u32 $0x1, s13;
	v4 =	vld [tilespmem:s17+$0x0];
	s18 =	sadd.s32 $0x0, s19  }
0x3c: {  	v3 =	vld [tilespmem:s17+$0x10];
	s16 =	smul.u32 $0x8200, s31;
	[tilespmem:s18+$0x1C70 ss:$0x41] =	vst.msk $0xffff, v0  }
0x3d: {  	v2 =	vld [tilespmem:s17+$0x20];
	[tilespmem:s18+$0x410 ss:$0x41] =	vst.msk $0xffff, v1  }
0x3e: {  	s16 =	sshrl.u32 s16, $0x2;
	v1 =	vld [tilespmem:s17+$0xFFFFFFC0];
	[tilespmem:s18+$0x820 ss:$0x41] =	vst.msk $0xffff, v5;
	s17 =	sadd.s32 $0x80, s17  }
0x3f: {  	s20 =	simm.s32 $0x4;
	s21 =	simm.s32 $0x8;
	s16 =	sor.u32 $0x4000, s16;
	[tilespmem:s18+$0xC30 ss:$0x41] =	vst.msk $0xffff, v6;
	v0 =	vld [tilespmem:s17+$0x30]  }
.LBB1_3:
0x40: {  	p1 =	sne.s32 s21, $0xFC;
	v5 =	vld [tilespmem:s17+$0xFFFFFFD0];
	[tilespmem:s18+$0x1040 ss:$0x41] =	vst.msk $0xffff, v4  }
0x41: {  	v6 =	vld [tilespmem:s17+$0xFFFFFFE0];
	[tilespmem:s18+$0x1450 ss:$0x41] =	vst.msk $0xffff, v3  }
0x42: {  	s22 =	sshra.s32 s20, $0x2;
	s20 =	smov.u32 s21;
	v7 =	vld [tilespmem:s17+$0xFFFFFFF0];
	[tilespmem:s18+$0x1860 ss:$0x41] =	vst.msk $0xffff, v2  }
.Ltmp3:
0x43: {  	v4 =	vld [tilespmem:s17+$0x0];
	[tilespmem:s18+$0x0 ss:$0x41] =	vst.msk $0xffff, v1;
	s18 =	sadd.s32 s22, s19;
	(pc) =	sbr.rel @p1 .LBB1_3-.Ltmp3, $4  }
0x44: {  	v3 =	vld [tilespmem:s17+$0x10];
	[tilespmem:s18+$0x1C70 ss:$0x41] =	vst.msk $0xffff, v0  }
0x45: {  	[tilespmem:s18+$0x410 ss:$0x41] =	vst.msk $0xffff, v5;
	v2 =	vld [tilespmem:s17+$0x20]  }
0x46: {  	v1 =	vld [tilespmem:s17+$0xFFFFFFC0];
	[tilespmem:s18+$0x820 ss:$0x41] =	vst.msk $0xffff, v6;
	s17 =	sadd.s32 $0x80, s17  }
0x47: {  	s21 =	sadd.s32 $0x4, s21;
	v0 =	vld [tilespmem:s17+$0x30];
	[tilespmem:s18+$0xC30 ss:$0x41] =	vst.msk $0xffff, v7  }
0x48: {  	s21 =	sshll.u32 s9, $0x7;
	s22 =	sshll.u32 s10, $0x3;
	s20 =	sshra.s32 s20, $0x2  }
0x49: {  	p1 =	sgt.s32 s9, $0xF41C0;
	s30 =	sshra.s32 s9, $0x1F;
	s25 =	sshra.s32 s10, $0x1F  }
0x4a: {  	v5 =	vld [tilespmem:s17+$0xFFFFFFD0];
	s28 =	sshrl.u32 s10, $0x3;
	s23 =	sand.u32 $0xFFFFFC00, s21;
	s22 =	sand.u32 $0xFFFFFC00, s22  }
0x4b: {  	[tilespmem:s18+$0x1040 ss:$0x41] =	vst.msk $0xffff, v4;
	v58 =	vld [tilespmem:s17+$0xFFFFFFE0];
	s21 =	sand.u32 $0x380, s21;
	s19 =	sadd.s32 s20, s19;
	s22 =	sadd.s32 s22, s23  }
0x4c: {  	v59 =	vld [tilespmem:s17+$0xFFFFFFF0];
	[tilespmem:s18+$0x1450 ss:$0x41] =	vst.msk $0xffff, v3;
	s29 =	sor.u32 s21, s22;
	s21 =	smov.u32 s9;
	s22 =	sand.u32 s30, s9  }
0x4d: {  	v60 =	vld [tilespmem:s17+$0x0];
	[tilespmem:s18+$0x1860 ss:$0x41] =	vst.msk $0xffff, v2;
	s30 =	sand.u32 $0x7, s10;
	s20 =	sshrl.u32 s29, $0x7;
	s21 =	simm.s32 @!p1 $0xF41C0  }
0x4e: {  	v61 =	vld [tilespmem:s17+$0x10];
	[tilespmem:s18+$0x0 ss:$0x41] =	vst.msk $0xffff, v1;
	p1 =	sgt.s32 s10, $0x40;
	s24 =	ssub.s32 s21, s22;
	s21 =	smov.u32 s10  }
0x4f: {  	v62 =	vld [tilespmem:s17+$0x20];
	[tilespmem:s19+$0x1C70 ss:$0x41] =	vst.msk $0xffff, v0;
	s31 =	smulhi.u32 $0x218DEF5, s20;
	s22 =	sand.u32 s25, s10;
	s21 =	simm.s32 @!p1 $0x40  }
0x50: {  	v63 =	vld [tilespmem:s17+$0xFFFFFFC0];
	[tilespmem:s19+$0x410 ss:$0x41] =	vst.msk $0xffff, v5;
	s26 =	sadd.s32 $0xFFF0BE40, s24;
	s17 =	ssub.s32 $0xF4240, s24;
	s21 =	ssub.s32 s21, s22  }
0x51: {  	[tilespmem:s19+$0x820 ss:$0x41] =	vst.msk $0xffff, v58;
	s23 =	sshrl.u32 s31, $0xD;
	p1 =	sgt.s32 s26, $0x7F;
	s27 =	sadd.s32 $0xFFFFFFC0, s21  }
0x52: {  	[tilespmem:s19+$0xC30 ss:$0x41] =	vst.msk $0xffff, v59;
	s23 =	smul.u32 $0xF4240, s23;
	s18 =	ssub.s32 $0x80, s21;
	p2 =	sgt.s32 s27, $0x3F  }
.Ltmp4:
0x53: {  	[tilespmem:s19+$0x1040 ss:$0x41] =	vst.msk $0xffff, v60;
	s17 =	simm.s32 @p1 $0x0;
	s18 =	simm.s32 @p2 $0x0;
	(pc) =	sbr.rel .LBB1_5-.Ltmp4, $4  }
0x54: {  	s29 =	sand.u32 $0xF, s28;
	[tilespmem:s19+$0x1450 ss:$0x41] =	vst.msk $0xffff, v61;
	s20 =	ssub.s32 s20, s23;
	s17 =	smul.u32 s18, s17  }
0x55: {  	[tilespmem:s19+$0x1860 ss:$0x41] =	vst.msk $0xffff, v62;
	s21 =	sshll.u32 s30, $0x12;
	s20 =	sshll.u32 s20, $0x4;
	s18 =	sadd.s32 s5, s29  }
0x56: {  	[tilespmem:s19+$0x0 ss:$0x41] =	vst.msk $0xffff, v63;
	s31 =	sor.u32 $0x40, s21;
	s18 =	sadd.s32 s20, s18;
	s17 =	sand.u32 $0x3FFFFFFF, s17  }
0x57: {  	[hbm4b:s18+s31] =	stream.strided.scatter [tilespmem:s16], [sflag:$0x2], s17, s8, s31, $0x18;
	[tilespmem:$0x8100] =	vst v63  }
.LBB1_6:
0x58: {  	_ =	sfence.sel $0x180000  }
0x59: {  	s2 =	simm.s32 $0x1;
	[bflag:$0x0] =	sbarrier.arrive $0xFFFF  }
0x5a: {  	s31 =	simm.s32 $0x2;
	[sflag:s2] =	ssyncpa.u1 $0x1  }
0x5b: {  	[sflag:s31] =	ssyncpa.u1 $0x1  }
0x5c: {  	p0 =	sne.s32 s1, $0x0;
	_ =	strace $0x90000047  }
0x5d: {  	s0 =	sadd.s32 @!p0 $0x100000, s0;
	[bflag:$0x2] =	sbarrier.arrive $0xFFFF  }
0x5e: {  	[sflag:s0] =	ssyncadd.tile.s32 @!p0 $0x1;
	_ =	shalt  }
.Lfunc_end1:
_tile_overlayer_lowered:
.L_overlay_start_2:
0x5f: {  	(tag) =	ssettag $0x2  }
0x60: {  	s0 =	rddreg [dreg:$0x0];
	s2 =	stileid.u32  }
0x61: {  	s1 =	rddreg [dreg:$0x1];
	p0 =	sne.s32 s2, $0x0  }
0x62: {  	s3 =	rddreg [dreg:$0x2];
	[bflag:$0x3] =	sbarrier.arrive $0xFFFF;
	s2 =	simm.s32 @!p0 $0x1C01  }
0x63: {  	[timem:s3], [sflag:s2] =	dma.local @!p0 [hbm:s0], s1  }
0x64: {  	s0 =	simm.s32 @!p0 $0x1  }
0x65: {  	_ =	swait.ge @!p0 [sflag:s0], s1  }
0x66: {  	s1 =	ssub.s32 @!p0 $0x0, s1;
	[sflag:s0] =	ssyncset.done @!p0 $0x0  }
0x67: {  	[sflag:s0] =	ssyncadd.s32 @!p0 s1  }
0x68: {  	[bflag:$0x3] =	sbarrier.arrive $0xFFFF  }
0x69: {  	_ =	shalt  }

</sc_bundles>
